<compile_context>
chip_gen: v7x
topology: tpu7x:2x2x1
jax: 0.10.2.dev20260603
libtpu: 0.0.44.dev20260713+nightly
codegen_flags: <defaults>
</compile_context>

<pallas_src>
import functools

import jax
import jax.numpy as jnp
from jax import lax
from jax.experimental import pallas as pl
from jax.experimental.pallas import tpu as pltpu
from jax.experimental.pallas import tpu_sc as plsc

B, N1, N2 = 16, 1024, 4096
C1, C2 = 512, 256
O1, O2 = 512, 256
NQ = B * N2
EPS = 1e-3

BH = B // 2
NQH = BH * N2
QT = 512
RT = 512
NT2 = 256
NW = 32
QPW = NQH // NW
QCH = 16
NCH = QPW // QCH


def _nn3_body(p2_ref, p1_ref, f1_ref, w_ref,
              i0_ref, i1_ref, i2_ref, wexp_ref, g_ref, *, boff):
    b = pl.program_id(0)

    @pl.when(pl.program_id(1) == 0)
    def _():
        g_ref[...] = lax.dot_general(
            f1_ref[0].astype(jnp.bfloat16), w_ref[...].astype(jnp.bfloat16),
            (((0,), (0,)), ((), ())), preferred_element_type=jnp.float32)

    q = p2_ref[0]
    kpts = p1_ref[0]
    d2 = jnp.zeros((QT, N1), jnp.float32)
    for j in range(3):
        diff = q[:, j:j + 1] - kpts[j:j + 1, :]
        d2 = d2 + diff * diff
    lanef = lax.broadcasted_iota(jnp.int32, (QT, N1), 1).astype(jnp.float32)
    cur = d2
    mins, args = [], []
    for t in range(3):
        m = jnp.min(cur, axis=1, keepdims=True)
        amf = jnp.min(jnp.where(cur == m, lanef, jnp.float32(2.0 ** 30)),
                      axis=1, keepdims=True)
        if t < 2:
            cur = jnp.where(lanef == amf, jnp.float32(jnp.inf), cur)
        mins.append(m)
        args.append(amf.astype(jnp.int32))
    invs = []
    for m in mins:
        d = jnp.sqrt(jnp.maximum(m, 0.0))
        dd = d * d
        dd = jnp.where(dd < 1e-10, jnp.float32(1e-10), dd)
        invs.append(1.0 / dd)
    norm = (invs[0] + invs[1]) + invs[2]
    base = (b + boff) * N1
    i0_ref[0] = args[0] + base
    i1_ref[0] = args[1] + base
    i2_ref[0] = args[2] + base
    wexp_ref[0] = jnp.concatenate(
        [jnp.broadcast_to(iv / norm, (QT, 16)) for iv in invs], axis=1)


def _interp_body(g_hbm, i0_hbm, i1_hbm, i2_hbm, wexp_hbm, out_hbm,
                 i0v, i1v, i2v,
                 ra0, ra1, ra2, wva, ova,
                 rb0, rb1, rb2, wvb, ovb,
                 gsa, gsb, osa, osb):
    cid = lax.axis_index("c")
    sid = lax.axis_index("s")
    wid = sid * 2 + cid
    base = wid * QPW
    pltpu.sync_copy(i0_hbm.at[pl.ds(base, QPW)], i0v)
    pltpu.sync_copy(i1_hbm.at[pl.ds(base, QPW)], i1v)
    pltpu.sync_copy(i2_hbm.at[pl.ds(base, QPW)], i2v)

    def fire(ci, rr0, rr1, rr2, wv, gs):
        cb = ci * QCH
        pltpu.async_copy(g_hbm.at[i0v.at[pl.ds(cb, QCH)]], rr0, gs)
        pltpu.async_copy(g_hbm.at[i1v.at[pl.ds(cb, QCH)]], rr1, gs)
        pltpu.async_copy(g_hbm.at[i2v.at[pl.ds(cb, QCH)]], rr2, gs)
        pltpu.async_copy(wexp_hbm.at[pl.ds((base + cb) * 48, QCH * 48)],
                         wv, gs)

    def drain_gather(rr0, rr1, rr2, wv, gs):
        pltpu.make_async_copy(g_hbm.at[pl.ds(0, QCH)], rr0, gs).wait()
        pltpu.make_async_copy(g_hbm.at[pl.ds(0, QCH)], rr1, gs).wait()
        pltpu.make_async_copy(g_hbm.at[pl.ds(0, QCH)], rr2, gs).wait()
        pltpu.make_async_copy(wexp_hbm.at[pl.ds(0, QCH * 48)], wv, gs).wait()

    def process(ci, rr0, rr1, rr2, wv, ov, gs, os,
                nr0, nr1, nr2, nwv, ngs):
        @pl.when(ci + 1 < NCH)
        def _():
            fire(ci + 1, nr0, nr1, nr2, nwv, ngs)

        drain_gather(rr0, rr1, rr2, wv, gs)

        @pl.when(ci >= 2)
        def _():
            pltpu.make_async_copy(ov, out_hbm.at[pl.ds(0, QCH)], os).wait()

        def qloop(qi, carry2):
            s0 = wv[pl.ds(qi * 48, 16)]
            s1 = wv[pl.ds(qi * 48 + 16, 16)]
            s2 = wv[pl.ds(qi * 48 + 32, 16)]
            for ch in range(O1 // 16):
                sl = pl.ds(ch * 16, 16)
                ov[qi, sl] = (s0 * rr0[qi, sl] + s1 * rr1[qi, sl]) \
                    + s2 * rr2[qi, sl]
            return carry2

        lax.fori_loop(0, QCH, qloop, 0)
        pltpu.async_copy(ov, out_hbm.at[pl.ds(base + ci * QCH, QCH)], os)

    fire(0, ra0, ra1, ra2, wva, gsa)

    def chunk(ci, carry):
        even = lax.rem(ci, 2) == 0

        @pl.when(even)
        def _():
            process(ci, ra0, ra1, ra2, wva, ova, gsa, osa,
                    rb0, rb1, rb2, wvb, gsb)

        @pl.when(jnp.logical_not(even))
        def _():
            process(ci, rb0, rb1, rb2, wvb, ovb, gsb, osb,
                    ra0, ra1, ra2, wva, gsa)

        return carry

    lax.fori_loop(0, NCH, chunk, 0)
    pltpu.make_async_copy(ova, out_hbm.at[pl.ds(0, QCH)], osa).wait()
    pltpu.make_async_copy(ovb, out_hbm.at[pl.ds(0, QCH)], osb).wait()


def _mlp1_body(y1a_ref, f2_ref, w1b_ref, b1_ref, y_ref, s_ref, q_ref):
    y = y1a_ref[...] + lax.dot_general(
        f2_ref[0].astype(jnp.bfloat16), w1b_ref[...].astype(jnp.bfloat16),
        (((0,), (0,)), ((), ())), preferred_element_type=jnp.float32)
    y = y + b1_ref[...]
    y_ref[...] = y.astype(jnp.bfloat16)

    @pl.when((pl.program_id(0) == 0) & (pl.program_id(1) == 0))
    def _():
        s_ref[...] = jnp.zeros_like(s_ref)
        q_ref[...] = jnp.zeros_like(q_ref)

    s_ref[...] += jnp.sum(y, axis=0, keepdims=True)
    q_ref[...] += jnp.sum(y * y, axis=0, keepdims=True)


def _mlp2_body(y1_ref, s1a_ref, q1a_ref, s1b_ref, q1b_ref, g1_ref, bt1_ref,
               w2_ref, b2_ref, y2_ref, s_ref, q_ref):
    mean1 = (s1a_ref[...] + s1b_ref[...]) * (1.0 / NQ)
    var1 = (q1a_ref[...] + q1b_ref[...]) * (1.0 / NQ) - mean1 * mean1
    a1 = g1_ref[...] / jnp.sqrt(var1 + EPS)
    c1 = bt1_ref[...] - mean1 * a1
    y1 = y1_ref[...].astype(jnp.float32)
    h = jnp.maximum(y1 * a1 + c1, 0.0)
    y = jnp.dot(h.astype(jnp.bfloat16), w2_ref[...].astype(jnp.bfloat16),
                preferred_element_type=jnp.float32)
    y = y + b2_ref[...]
    y2_ref[...] = y.astype(jnp.bfloat16)

    @pl.when(pl.program_id(0) == 0)
    def _():
        s_ref[...] = jnp.zeros_like(s_ref)
        q_ref[...] = jnp.zeros_like(q_ref)

    s_ref[...] += jnp.sum(y, axis=0, keepdims=True)
    q_ref[...] += jnp.sum(y * y, axis=0, keepdims=True)


def _fin_body(y2_ref, s2a_ref, q2a_ref, s2b_ref, q2b_ref, g2_ref, bt2_ref,
              o_ref):
    mean2 = (s2a_ref[...] + s2b_ref[...]) * (1.0 / NQ)
    var2 = (q2a_ref[...] + q2b_ref[...]) * (1.0 / NQ) - mean2 * mean2
    a2 = g2_ref[...] / jnp.sqrt(var2 + EPS)
    c2 = bt2_ref[...] - mean2 * a2
    y2 = y2_ref[...].astype(jnp.float32)
    h = jnp.maximum(y2 * a2 + c2, 0.0)
    o_ref[0] = h.T


def _fin_body_b(prev_ref, y2_ref, s2a_ref, q2a_ref, s2b_ref, q2b_ref,
                g2_ref, bt2_ref, o_ref):
    del prev_ref
    _fin_body(y2_ref, s2a_ref, q2a_ref, s2b_ref, q2b_ref, g2_ref, bt2_ref,
              o_ref)


def _nn3_half(p2t, points1, features1, w1aT, boff):
    return pl.pallas_call(
        functools.partial(_nn3_body, boff=boff),
        grid=(BH, N2 // QT),
        in_specs=[
            pl.BlockSpec((1, QT, 3), lambda bb, t, bo=boff: (bb + bo, t, 0)),
            pl.BlockSpec((1, 3, N1), lambda bb, t, bo=boff: (bb + bo, 0, 0)),
            pl.BlockSpec((1, C1, N1), lambda bb, t, bo=boff: (bb + bo, 0, 0)),
            pl.BlockSpec((C1, O1), lambda bb, t: (0, 0)),
        ],
        out_specs=(
            [pl.BlockSpec((1, QT, 1), lambda bb, t: (bb, t, 0))] * 3
            + [pl.BlockSpec((1, QT, 48), lambda bb, t: (bb, t, 0))]
            + [pl.BlockSpec((N1, O1), lambda bb, t, bo=boff: (bb + bo, 0))]),
        out_shape=(
            [jax.ShapeDtypeStruct((BH, N2, 1), jnp.int32)] * 3
            + [jax.ShapeDtypeStruct((BH, N2, 48), jnp.float32)]
            + [jax.ShapeDtypeStruct((B * N1, O1), jnp.float32)]),
    )(p2t, points1, features1, w1aT)


def _interp_half(nn):
    i0, i1, i2 = (x.reshape(NQH) for x in nn[:3])
    wexp = nn[3].reshape(NQH * 48)
    g = nn[4]
    mesh = plsc.VectorSubcoreMesh(core_axis_name="c", subcore_axis_name="s")
    interp = functools.partial(
        pl.kernel,
        mesh=mesh,
        out_type=jax.ShapeDtypeStruct((NQH, O1), jnp.float32),
        scratch_types=(
            [pltpu.VMEM((QPW,), jnp.int32)] * 3
            + ([pltpu.VMEM((QCH, O1), jnp.float32)] * 3
               + [pltpu.VMEM((QCH * 48,), jnp.float32)]
               + [pltpu.VMEM((QCH, O1), jnp.float32)]) * 2
            + [pltpu.SemaphoreType.DMA] * 4
        ),
    )(_interp_body)
    return interp(g, i0, i1, i2, wexp)


def _mlp1_half(y1a, features2, w1bT, b1r, boff):
    return pl.pallas_call(
        _mlp1_body,
        grid=(BH, N2 // RT),
        in_specs=[
            pl.BlockSpec((RT, O1), lambda bb, t: (bb * (N2 // RT) + t, 0)),
            pl.BlockSpec((1, C2, RT), lambda bb, t, bo=boff: (bb + bo, 0, t)),
            pl.BlockSpec((C2, O1), lambda bb, t: (0, 0)),
            pl.BlockSpec((1, O1), lambda bb, t: (0, 0)),
        ],
        out_specs=[
            pl.BlockSpec((RT, O1), lambda bb, t: (bb * (N2 // RT) + t, 0)),
            pl.BlockSpec((1, O1), lambda bb, t: (0, 0)),
            pl.BlockSpec((1, O1), lambda bb, t: (0, 0)),
        ],
        out_shape=[
            jax.ShapeDtypeStruct((NQH, O1), jnp.bfloat16),
            jax.ShapeDtypeStruct((1, O1), jnp.float32),
            jax.ShapeDtypeStruct((1, O1), jnp.float32),
        ],
    )(y1a, features2, w1bT, b1r)


def _mlp2_half(y1raw, stats1, g1r, bt1r, w2T, b2r):
    return pl.pallas_call(
        _mlp2_body,
        grid=(NQH // RT,),
        in_specs=[
            pl.BlockSpec((RT, O1), lambda i: (i, 0)),
            pl.BlockSpec((1, O1), lambda i: (0, 0)),
            pl.BlockSpec((1, O1), lambda i: (0, 0)),
            pl.BlockSpec((1, O1), lambda i: (0, 0)),
            pl.BlockSpec((1, O1), lambda i: (0, 0)),
            pl.BlockSpec((1, O1), lambda i: (0, 0)),
            pl.BlockSpec((1, O1), lambda i: (0, 0)),
            pl.BlockSpec((O1, O2), lambda i: (0, 0)),
            pl.BlockSpec((1, O2), lambda i: (0, 0)),
        ],
        out_specs=[
            pl.BlockSpec((RT, O2), lambda i: (i, 0)),
            pl.BlockSpec((1, O2), lambda i: (0, 0)),
            pl.BlockSpec((1, O2), lambda i: (0, 0)),
        ],
        out_shape=[
            jax.ShapeDtypeStruct((NQH, O2), jnp.bfloat16),
            jax.ShapeDtypeStruct((1, O2), jnp.float32),
            jax.ShapeDtypeStruct((1, O2), jnp.float32),
        ],
    )(y1raw, *stats1, g1r, bt1r, w2T, b2r)


_FIN_STATS_SPECS = [pl.BlockSpec((1, O2), lambda bb, t: (0, 0))] * 6


def _fin_half_a(y2raw, stats2, g2r, bt2r):
    return pl.pallas_call(
        _fin_body,
        grid=(BH, N2 // NT2),
        in_specs=[
            pl.BlockSpec((NT2, O2), lambda bb, t: (bb * (N2 // NT2) + t, 0)),
        ] + _FIN_STATS_SPECS,
        out_specs=pl.BlockSpec((1, O2, NT2), lambda bb, t: (bb, 0, t)),
        out_shape=jax.ShapeDtypeStruct((B, O2, N2), jnp.float32),
    )(y2raw, *stats2, g2r, bt2r)


def _fin_half_b(out_a, y2raw, stats2, g2r, bt2r):
    return pl.pallas_call(
        _fin_body_b,
        grid=(BH, N2 // NT2),
        in_specs=[
            pl.BlockSpec((1, O2, NT2), lambda bb, t: (0, 0, 0)),
            pl.BlockSpec((NT2, O2), lambda bb, t: (bb * (N2 // NT2) + t, 0)),
        ] + _FIN_STATS_SPECS,
        out_specs=pl.BlockSpec((1, O2, NT2), lambda bb, t: (bb + BH, 0, t)),
        out_shape=jax.ShapeDtypeStruct((B, O2, N2), jnp.float32),
        input_output_aliases={0: 0},
    )(out_a, y2raw, *stats2, g2r, bt2r)


def kernel(points1, points2, features1, features2, W1, b1, gamma1, beta1,
           W2, b2, gamma2, beta2):
    p2t = jnp.transpose(points2, (0, 2, 1))
    w1aT = jnp.transpose(W1[:, :C1])
    w1bT = jnp.transpose(W1[:, C1:])
    w2T = jnp.transpose(W2)
    b1r = b1.reshape(1, O1)
    b2r = b2.reshape(1, O2)
    g1r = gamma1.reshape(1, O1)
    bt1r = beta1.reshape(1, O1)
    g2r = gamma2.reshape(1, O2)
    bt2r = beta2.reshape(1, O2)

    nn_a = _nn3_half(p2t, points1, features1, w1aT, 0)
    y1a_a = _interp_half(nn_a)
    nn_b = _nn3_half(p2t, points1, features1, w1aT, BH)
    y1a_b = _interp_half(nn_b)

    y1raw_a, s1a, q1a = _mlp1_half(y1a_a, features2, w1bT, b1r, 0)
    y1raw_b, s1b, q1b = _mlp1_half(y1a_b, features2, w1bT, b1r, BH)

    stats1 = (s1a, q1a, s1b, q1b)
    y2raw_a, s2a, q2a = _mlp2_half(y1raw_a, stats1, g1r, bt1r, w2T, b2r)
    y2raw_b, s2b, q2b = _mlp2_half(y1raw_b, stats1, g1r, bt1r, w2T, b2r)

    stats2 = (s2a, q2a, s2b, q2b)
    out_a = _fin_half_a(y2raw_a, stats2, g2r, bt2r)
    return _fin_half_b(out_a, y2raw_b, stats2, g2r, bt2r)

# --- scband reference (transcript-rebuilt; emitter-appended) ---
"""Pipeline reference for scband-feature-propagation-11802570130414 (READ-ONLY COPY).

The authoritative reference and input builder live on the scoring server;
editing this copy changes nothing except your own understanding.
"""

import jax, jax.numpy as jnp
import numpy as np


def setup_inputs(seed: int = 0) -> dict:
    key = jax.random.key(seed)
    ks = jax.random.split(key, 6)
    B, N1, N2, C1, C2 = 16, 1024, 4096, 512, 256
    out1, out2 = 512, 256
    return {
        "points1": jax.random.normal(ks[0], (B, 3, N1), jnp.float32),
        "points2": jax.random.normal(ks[1], (B, 3, N2), jnp.float32),
        "features1": jax.random.normal(ks[2], (B, C1, N1), jnp.float32),
        "features2": jax.random.normal(ks[3], (B, C2, N2), jnp.float32),
        "W1": jax.random.normal(ks[4], (out1, C1 + C2), jnp.float32) * 0.02,
        "b1": jnp.zeros((out1,), jnp.float32),
        "gamma1": jnp.ones((out1,), jnp.float32),
        "beta1": jnp.zeros((out1,), jnp.float32),
        "W2": jax.random.normal(ks[5], (out2, out1), jnp.float32) * 0.02,
        "b2": jnp.zeros((out2,), jnp.float32),
        "gamma2": jnp.ones((out2,), jnp.float32),
        "beta2": jnp.zeros((out2,), jnp.float32),
    }


def _three_nn(unknown, known):
    # unknown: [B, N2, 3], known: [B, N1, 3] -> dist [B, N2, 3], idx [B, N2, 3]
    d2 = jnp.sum((unknown[:, :, None, :] - known[:, None, :, :]) ** 2, axis=-1)
    neg_vals, idx = jax.lax.top_k(-d2, 3)
    dist = jnp.sqrt(jnp.maximum(-neg_vals, 0.0))
    return dist, idx


def _group_gather(features, idx):
    # features: [B, C, N1], idx: [B, N2, 3] -> [B, C, N2, 3]
    return jax.vmap(lambda f, i: f[:, i])(features, idx)


def _conv_bn_relu(x, W, b, gamma, beta, eps=0.001):
    # 1x1 Conv2d on [B, C, N, 1] == channel matmul on [B, C, N]
    y = jnp.einsum('oc,bcn->bon', W, x) + b[None, :, None]
    mean = jnp.mean(y, axis=(0, 2), keepdims=True)
    var = jnp.var(y, axis=(0, 2), keepdims=True)
    yhat = (y - mean) / jnp.sqrt(var + eps)
    y = gamma[None, :, None] * yhat + beta[None, :, None]
    return jax.nn.relu(y)


def reference(points1, points2, features1, features2, W1, b1, gamma1, beta1, W2, b2, gamma2, beta2):
    dist, ind = _three_nn(jnp.transpose(points2, (0, 2, 1)), jnp.transpose(points1, (0, 2, 1)))
    dist = dist * dist
    dist = jnp.where(dist < 1e-10, 1e-10, dist)
    inverse_dist = 1.0 / dist
    norm = jnp.sum(inverse_dist, axis=2, keepdims=True)
    weights = inverse_dist / norm
    gathered = _group_gather(features1, ind)
    new_features = jnp.sum(gathered * weights[:, None, :, :], axis=3)
    new_features = jnp.concatenate([new_features, features2], axis=1)
    x = _conv_bn_relu(new_features, W1, b1, gamma1, beta1)
    x = _conv_bn_relu(x, W2, b2, gamma2, beta2)
    return x

if __name__ == "__main__":
    import jax
    _d = setup_inputs()
    print(jax.jit(kernel)(*tuple(_d.values())))

</pallas_src>

<mosaic_0001>
#map = affine_map<(d0, d1) -> (0, 0)>
#map1 = affine_map<(d0, d1) -> (0)>
module attributes {stable_mosaic.version = 14 : i64} {
  func.func @_interp_body(%arg0: i32, %arg1: i32, %arg2: memref<16384x512xf32, #tpu.memory_space<hbm>>, %arg3: memref<32768xi32, #tpu.memory_space<hbm>>, %arg4: memref<32768xi32, #tpu.memory_space<hbm>>, %arg5: memref<32768xi32, #tpu.memory_space<hbm>>, %arg6: memref<1572864xf32, #tpu.memory_space<hbm>>, %arg7: memref<32768x512xf32, #tpu.memory_space<hbm>>, %arg8: memref<1024xi32, #tpu.memory_space<vmem>>, %arg9: memref<1024xi32, #tpu.memory_space<vmem>>, %arg10: memref<1024xi32, #tpu.memory_space<vmem>>, %arg11: memref<16x512xf32, #tpu.memory_space<vmem>>, %arg12: memref<16x512xf32, #tpu.memory_space<vmem>>, %arg13: memref<16x512xf32, #tpu.memory_space<vmem>>, %arg14: memref<768xf32, #tpu.memory_space<vmem>>, %arg15: memref<16x512xf32, #tpu.memory_space<vmem>>, %arg16: memref<16x512xf32, #tpu.memory_space<vmem>>, %arg17: memref<16x512xf32, #tpu.memory_space<vmem>>, %arg18: memref<16x512xf32, #tpu.memory_space<vmem>>, %arg19: memref<768xf32, #tpu.memory_space<vmem>>, %arg20: memref<16x512xf32, #tpu.memory_space<vmem>>, %arg21: memref<!tpu.dma_semaphore, #tpu.memory_space<semaphore_mem>>, %arg22: memref<!tpu.dma_semaphore, #tpu.memory_space<semaphore_mem>>, %arg23: memref<!tpu.dma_semaphore, #tpu.memory_space<semaphore_mem>>, %arg24: memref<!tpu.dma_semaphore, #tpu.memory_space<semaphore_mem>>) attributes {dimension_semantics = [#tpu.dimension_semantics<core_parallel>, #tpu.dimension_semantics<subcore_parallel>], iteration_bounds = array<i64: 2, 16>, scalar_prefetch = 0 : i64, scratch_operands = 17 : i64, tpu.core_type = #tpu.core_type<sc_vector_subcore>, window_params = [{transform_indices = #map}, {transform_indices = #map1}, {transform_indices = #map1}, {transform_indices = #map1}, {transform_indices = #map1}, {transform_indices = #map}]} {
    %mul3A = arith.constant 2 : i32
    %mul3A_0 = arith.muli %arg1, %mul3A : i32
    %add3A = arith.addi %mul3A_0, %arg0 : i32
    %mul3A_1 = arith.constant 1024 : i32
    %mul3A_2 = arith.muli %add3A, %mul3A_1 : i32
    "tpu.region"() ({
      %run_scoped3A = tpu.sem_alloc : memref<!tpu.dma_semaphore, #tpu.memory_space<semaphore_mem>>
      %dma_start3A_39 = tpu.memref_slice %arg3[%mul3A_2] : memref<32768xi32, #tpu.memory_space<hbm>> -> memref<1024xi32, #tpu.memory_space<hbm>>
      %dma_start3A_40 = tpu.memref_slice %arg3[%mul3A_2] : memref<32768xi32, #tpu.memory_space<hbm>> -> memref<1024xi32, #tpu.memory_space<hbm>>
      tpu.enqueue_dma source(%dma_start3A_40 : memref<1024xi32, #tpu.memory_space<hbm>>) target(%arg8 : memref<1024xi32, #tpu.memory_space<vmem>>) target_semaphore(%run_scoped3A : memref<!tpu.dma_semaphore, #tpu.memory_space<semaphore_mem>>)
      %dma_wait3A_41 = tpu.memref_slice %arg3[%mul3A_2] : memref<32768xi32, #tpu.memory_space<hbm>> -> memref<1024xi32, #tpu.memory_space<hbm>>
      %dma_wait3A_42 = tpu.memref_slice %arg3[%mul3A_2] : memref<32768xi32, #tpu.memory_space<hbm>> -> memref<1024xi32, #tpu.memory_space<hbm>>
      tpu.wait_dma2 semaphore(%run_scoped3A : memref<!tpu.dma_semaphore, #tpu.memory_space<semaphore_mem>>) src(%dma_wait3A_42 : memref<1024xi32, #tpu.memory_space<hbm>>) dst(%arg8 : memref<1024xi32, #tpu.memory_space<vmem>>)
      tpu.yield
    }) : () -> ()
    "tpu.region"() ({
      %run_scoped3A = tpu.sem_alloc : memref<!tpu.dma_semaphore, #tpu.memory_space<semaphore_mem>>
      %dma_start3A_39 = tpu.memref_slice %arg4[%mul3A_2] : memref<32768xi32, #tpu.memory_space<hbm>> -> memref<1024xi32, #tpu.memory_space<hbm>>
      %dma_start3A_40 = tpu.memref_slice %arg4[%mul3A_2] : memref<32768xi32, #tpu.memory_space<hbm>> -> memref<1024xi32, #tpu.memory_space<hbm>>
      tpu.enqueue_dma source(%dma_start3A_40 : memref<1024xi32, #tpu.memory_space<hbm>>) target(%arg9 : memref<1024xi32, #tpu.memory_space<vmem>>) target_semaphore(%run_scoped3A : memref<!tpu.dma_semaphore, #tpu.memory_space<semaphore_mem>>)
      %dma_wait3A_41 = tpu.memref_slice %arg4[%mul3A_2] : memref<32768xi32, #tpu.memory_space<hbm>> -> memref<1024xi32, #tpu.memory_space<hbm>>
      %dma_wait3A_42 = tpu.memref_slice %arg4[%mul3A_2] : memref<32768xi32, #tpu.memory_space<hbm>> -> memref<1024xi32, #tpu.memory_space<hbm>>
      tpu.wait_dma2 semaphore(%run_scoped3A : memref<!tpu.dma_semaphore, #tpu.memory_space<semaphore_mem>>) src(%dma_wait3A_42 : memref<1024xi32, #tpu.memory_space<hbm>>) dst(%arg9 : memref<1024xi32, #tpu.memory_space<vmem>>)
      tpu.yield
    }) : () -> ()
    "tpu.region"() ({
      %run_scoped3A = tpu.sem_alloc : memref<!tpu.dma_semaphore, #tpu.memory_space<semaphore_mem>>
      %dma_start3A_39 = tpu.memref_slice %arg5[%mul3A_2] : memref<32768xi32, #tpu.memory_space<hbm>> -> memref<1024xi32, #tpu.memory_space<hbm>>
      %dma_start3A_40 = tpu.memref_slice %arg5[%mul3A_2] : memref<32768xi32, #tpu.memory_space<hbm>> -> memref<1024xi32, #tpu.memory_space<hbm>>
      tpu.enqueue_dma source(%dma_start3A_40 : memref<1024xi32, #tpu.memory_space<hbm>>) target(%arg10 : memref<1024xi32, #tpu.memory_space<vmem>>) target_semaphore(%run_scoped3A : memref<!tpu.dma_semaphore, #tpu.memory_space<semaphore_mem>>)
      %dma_wait3A_41 = tpu.memref_slice %arg5[%mul3A_2] : memref<32768xi32, #tpu.memory_space<hbm>> -> memref<1024xi32, #tpu.memory_space<hbm>>
      %dma_wait3A_42 = tpu.memref_slice %arg5[%mul3A_2] : memref<32768xi32, #tpu.memory_space<hbm>> -> memref<1024xi32, #tpu.memory_space<hbm>>
      tpu.wait_dma2 semaphore(%run_scoped3A : memref<!tpu.dma_semaphore, #tpu.memory_space<semaphore_mem>>) src(%dma_wait3A_42 : memref<1024xi32, #tpu.memory_space<hbm>>) dst(%arg10 : memref<1024xi32, #tpu.memory_space<vmem>>)
      tpu.yield
    }) : () -> ()
    %dma_start3A = arith.constant 0 : i32
    %dma_start3A_3 = tpu.memref_slice %arg8[%dma_start3A] : memref<1024xi32, #tpu.memory_space<vmem>> -> memref<16xi32, #tpu.memory_space<vmem>>
    %dma_start3A_4 = arith.constant 0 : i32
    %dma_start3A_5 = arith.constant 0 : i32
    %dma_start3A_6 = tpu.memref_slice %arg2[%dma_start3A_4, %dma_start3A_5] : memref<16384x512xf32, #tpu.memory_space<hbm>> -> memref<16384x512xf32, #tpu.memory_space<hbm>>
    tpu.enqueue_indirect_dma source(%dma_start3A_6 : memref<16384x512xf32, #tpu.memory_space<hbm>>) target(%arg11 : memref<16x512xf32, #tpu.memory_space<vmem>>) offsets(%dma_start3A_3 : memref<16xi32, #tpu.memory_space<vmem>>) semaphore(%arg21 : memref<!tpu.dma_semaphore, #tpu.memory_space<semaphore_mem>>)
    %dma_start3A_7 = arith.constant 0 : i32
    %dma_start3A_8 = tpu.memref_slice %arg9[%dma_start3A_7] : memref<1024xi32, #tpu.memory_space<vmem>> -> memref<16xi32, #tpu.memory_space<vmem>>
    %dma_start3A_9 = arith.constant 0 : i32
    %dma_start3A_10 = arith.constant 0 : i32
    %dma_start3A_11 = tpu.memref_slice %arg2[%dma_start3A_9, %dma_start3A_10] : memref<16384x512xf32, #tpu.memory_space<hbm>> -> memref<16384x512xf32, #tpu.memory_space<hbm>>
    tpu.enqueue_indirect_dma source(%dma_start3A_11 : memref<16384x512xf32, #tpu.memory_space<hbm>>) target(%arg12 : memref<16x512xf32, #tpu.memory_space<vmem>>) offsets(%dma_start3A_8 : memref<16xi32, #tpu.memory_space<vmem>>) semaphore(%arg21 : memref<!tpu.dma_semaphore, #tpu.memory_space<semaphore_mem>>)
    %dma_start3A_12 = arith.constant 0 : i32
    %dma_start3A_13 = tpu.memref_slice %arg10[%dma_start3A_12] : memref<1024xi32, #tpu.memory_space<vmem>> -> memref<16xi32, #tpu.memory_space<vmem>>
    %dma_start3A_14 = arith.constant 0 : i32
    %dma_start3A_15 = arith.constant 0 : i32
    %dma_start3A_16 = tpu.memref_slice %arg2[%dma_start3A_14, %dma_start3A_15] : memref<16384x512xf32, #tpu.memory_space<hbm>> -> memref<16384x512xf32, #tpu.memory_space<hbm>>
    tpu.enqueue_indirect_dma source(%dma_start3A_16 : memref<16384x512xf32, #tpu.memory_space<hbm>>) target(%arg13 : memref<16x512xf32, #tpu.memory_space<vmem>>) offsets(%dma_start3A_13 : memref<16xi32, #tpu.memory_space<vmem>>) semaphore(%arg21 : memref<!tpu.dma_semaphore, #tpu.memory_space<semaphore_mem>>)
    %add3A_17 = arith.constant 0 : i32
    %add3A_18 = arith.addi %mul3A_2, %add3A_17 : i32
    %mul3A_19 = arith.constant 48 : i32
    %mul3A_20 = arith.muli %add3A_18, %mul3A_19 : i32
    %dma_start3A_21 = tpu.memref_slice %arg6[%mul3A_20] : memref<1572864xf32, #tpu.memory_space<hbm>> -> memref<768xf32, #tpu.memory_space<hbm>>
    %dma_start3A_22 = tpu.memref_slice %arg6[%mul3A_20] : memref<1572864xf32, #tpu.memory_space<hbm>> -> memref<768xf32, #tpu.memory_space<hbm>>
    tpu.enqueue_dma source(%dma_start3A_22 : memref<768xf32, #tpu.memory_space<hbm>>) target(%arg14 : memref<768xf32, #tpu.memory_space<vmem>>) target_semaphore(%arg21 : memref<!tpu.dma_semaphore, #tpu.memory_space<semaphore_mem>>)
    %scan3A = arith.constant 0 : i32
    %scan3A_23 = arith.constant 0 : i32
    %scan3A_24 = arith.constant 64 : i32
    %scan3A_25 = arith.addi %scan3A_23, %scan3A_24 : i32
    %scan3A_26 = arith.constant 1 : i32
    scf.for %scan3A_39 = %scan3A_23 to %scan3A_25 step %scan3A_26  : i32 {
      %rem3A = arith.constant 2 : i32
      %rem3A_40 = arith.remsi %scan3A_39, %rem3A : i32
      %eq3A = arith.constant 0 : i32
      %eq3A_41 = arith.cmpi eq, %rem3A_40, %eq3A : i32
      %convert_element_type3A = arith.extui %eq3A_41 : i1 to i32
      %cond3A = arith.constant 0 : i32
      %cond3A_42 = arith.cmpi ne, %convert_element_type3A, %cond3A : i32
      scf.if %cond3A_42 {
        %add3A_47 = arith.constant 1 : i32
        %add3A_48 = arith.addi %scan3A_39, %add3A_47 : i32
        %lt3A = arith.constant 64 : i32
        %lt3A_49 = arith.cmpi slt, %add3A_48, %lt3A : i32
        %convert_element_type3A_50 = arith.extui %lt3A_49 : i1 to i32
        %cond3A_51 = arith.constant 0 : i32
        %cond3A_52 = arith.cmpi ne, %convert_element_type3A_50, %cond3A_51 : i32
        scf.if %cond3A_52 {
          %add3A_92 = arith.constant 1 : i32
          %add3A_93 = arith.addi %scan3A_39, %add3A_92 : i32
          %mul3A_94 = arith.constant 16 : i32
          %mul3A_95 = arith.muli %add3A_93, %mul3A_94 : i32
          %dma_start3A_96 = tpu.memref_slice %arg8[%mul3A_95] : memref<1024xi32, #tpu.memory_space<vmem>> -> memref<16xi32, #tpu.memory_space<vmem>>
          %dma_start3A_97 = arith.constant 0 : i32
          %dma_start3A_98 = arith.constant 0 : i32
          %dma_start3A_99 = tpu.memref_slice %arg2[%dma_start3A_97, %dma_start3A_98] : memref<16384x512xf32, #tpu.memory_space<hbm>> -> memref<16384x512xf32, #tpu.memory_space<hbm>>
          tpu.enqueue_indirect_dma source(%dma_start3A_99 : memref<16384x512xf32, #tpu.memory_space<hbm>>) target(%arg16 : memref<16x512xf32, #tpu.memory_space<vmem>>) offsets(%dma_start3A_96 : memref<16xi32, #tpu.memory_space<vmem>>) semaphore(%arg22 : memref<!tpu.dma_semaphore, #tpu.memory_space<semaphore_mem>>)
          %dma_start3A_100 = tpu.memref_slice %arg9[%mul3A_95] : memref<1024xi32, #tpu.memory_space<vmem>> -> memref<16xi32, #tpu.memory_space<vmem>>
          %dma_start3A_101 = arith.constant 0 : i32
          %dma_start3A_102 = arith.constant 0 : i32
          %dma_start3A_103 = tpu.memref_slice %arg2[%dma_start3A_101, %dma_start3A_102] : memref<16384x512xf32, #tpu.memory_space<hbm>> -> memref<16384x512xf32, #tpu.memory_space<hbm>>
          tpu.enqueue_indirect_dma source(%dma_start3A_103 : memref<16384x512xf32, #tpu.memory_space<hbm>>) target(%arg17 : memref<16x512xf32, #tpu.memory_space<vmem>>) offsets(%dma_start3A_100 : memref<16xi32, #tpu.memory_space<vmem>>) semaphore(%arg22 : memref<!tpu.dma_semaphore, #tpu.memory_space<semaphore_mem>>)
          %dma_start3A_104 = tpu.memref_slice %arg10[%mul3A_95] : memref<1024xi32, #tpu.memory_space<vmem>> -> memref<16xi32, #tpu.memory_space<vmem>>
          %dma_start3A_105 = arith.constant 0 : i32
          %dma_start3A_106 = arith.constant 0 : i32
          %dma_start3A_107 = tpu.memref_slice %arg2[%dma_start3A_105, %dma_start3A_106] : memref<16384x512xf32, #tpu.memory_space<hbm>> -> memref<16384x512xf32, #tpu.memory_space<hbm>>
          tpu.enqueue_indirect_dma source(%dma_start3A_107 : memref<16384x512xf32, #tpu.memory_space<hbm>>) target(%arg18 : memref<16x512xf32, #tpu.memory_space<vmem>>) offsets(%dma_start3A_104 : memref<16xi32, #tpu.memory_space<vmem>>) semaphore(%arg22 : memref<!tpu.dma_semaphore, #tpu.memory_space<semaphore_mem>>)
          %add3A_108 = arith.addi %mul3A_2, %mul3A_95 : i32
          %mul3A_109 = arith.constant 48 : i32
          %mul3A_110 = arith.muli %add3A_108, %mul3A_109 : i32
          %dma_start3A_111 = tpu.memref_slice %arg6[%mul3A_110] : memref<1572864xf32, #tpu.memory_space<hbm>> -> memref<768xf32, #tpu.memory_space<hbm>>
          %dma_start3A_112 = tpu.memref_slice %arg6[%mul3A_110] : memref<1572864xf32, #tpu.memory_space<hbm>> -> memref<768xf32, #tpu.memory_space<hbm>>
          tpu.enqueue_dma source(%dma_start3A_112 : memref<768xf32, #tpu.memory_space<hbm>>) target(%arg19 : memref<768xf32, #tpu.memory_space<vmem>>) target_semaphore(%arg22 : memref<!tpu.dma_semaphore, #tpu.memory_space<semaphore_mem>>)
        } else {
        }
        %dma_wait3A_53 = arith.constant 0 : i32
        %dma_wait3A_54 = arith.constant 0 : i32
        %dma_wait3A_55 = tpu.memref_slice %arg2[%dma_wait3A_53, %dma_wait3A_54] : memref<16384x512xf32, #tpu.memory_space<hbm>> -> memref<16x512xf32, #tpu.memory_space<hbm>>
        %dma_wait3A_56 = arith.constant 0 : i32
        %dma_wait3A_57 = arith.constant 0 : i32
        %dma_wait3A_58 = tpu.memref_slice %arg2[%dma_wait3A_56, %dma_wait3A_57] : memref<16384x512xf32, #tpu.memory_space<hbm>> -> memref<16x512xf32, #tpu.memory_space<hbm>>
        tpu.wait_dma2 semaphore(%arg21 : memref<!tpu.dma_semaphore, #tpu.memory_space<semaphore_mem>>) src(%dma_wait3A_58 : memref<16x512xf32, #tpu.memory_space<hbm>>) dst(%arg11 : memref<16x512xf32, #tpu.memory_space<vmem>>)
        %dma_wait3A_59 = arith.constant 0 : i32
        %dma_wait3A_60 = arith.constant 0 : i32
        %dma_wait3A_61 = tpu.memref_slice %arg2[%dma_wait3A_59, %dma_wait3A_60] : memref<16384x512xf32, #tpu.memory_space<hbm>> -> memref<16x512xf32, #tpu.memory_space<hbm>>
        %dma_wait3A_62 = arith.constant 0 : i32
        %dma_wait3A_63 = arith.constant 0 : i32
        %dma_wait3A_64 = tpu.memref_slice %arg2[%dma_wait3A_62, %dma_wait3A_63] : memref<16384x512xf32, #tpu.memory_space<hbm>> -> memref<16x512xf32, #tpu.memory_space<hbm>>
        tpu.wait_dma2 semaphore(%arg21 : memref<!tpu.dma_semaphore, #tpu.memory_space<semaphore_mem>>) src(%dma_wait3A_64 : memref<16x512xf32, #tpu.memory_space<hbm>>) dst(%arg12 : memref<16x512xf32, #tpu.memory_space<vmem>>)
        %dma_wait3A_65 = arith.constant 0 : i32
        %dma_wait3A_66 = arith.constant 0 : i32
        %dma_wait3A_67 = tpu.memref_slice %arg2[%dma_wait3A_65, %dma_wait3A_66] : memref<16384x512xf32, #tpu.memory_space<hbm>> -> memref<16x512xf32, #tpu.memory_space<hbm>>
        %dma_wait3A_68 = arith.constant 0 : i32
        %dma_wait3A_69 = arith.constant 0 : i32
        %dma_wait3A_70 = tpu.memref_slice %arg2[%dma_wait3A_68, %dma_wait3A_69] : memref<16384x512xf32, #tpu.memory_space<hbm>> -> memref<16x512xf32, #tpu.memory_space<hbm>>
        tpu.wait_dma2 semaphore(%arg21 : memref<!tpu.dma_semaphore, #tpu.memory_space<semaphore_mem>>) src(%dma_wait3A_70 : memref<16x512xf32, #tpu.memory_space<hbm>>) dst(%arg13 : memref<16x512xf32, #tpu.memory_space<vmem>>)
        %dma_wait3A_71 = arith.constant 0 : i32
        %dma_wait3A_72 = tpu.memref_slice %arg6[%dma_wait3A_71] : memref<1572864xf32, #tpu.memory_space<hbm>> -> memref<768xf32, #tpu.memory_space<hbm>>
        %dma_wait3A_73 = arith.constant 0 : i32
        %dma_wait3A_74 = tpu.memref_slice %arg6[%dma_wait3A_73] : memref<1572864xf32, #tpu.memory_space<hbm>> -> memref<768xf32, #tpu.memory_space<hbm>>
        tpu.wait_dma2 semaphore(%arg21 : memref<!tpu.dma_semaphore, #tpu.memory_space<semaphore_mem>>) src(%dma_wait3A_74 : memref<768xf32, #tpu.memory_space<hbm>>) dst(%arg14 : memref<768xf32, #tpu.memory_space<vmem>>)
        %ge3A = arith.constant 2 : i32
        %ge3A_75 = arith.cmpi sge, %scan3A_39, %ge3A : i32
        %convert_element_type3A_76 = arith.extui %ge3A_75 : i1 to i32
        %cond3A_77 = arith.constant 0 : i32
        %cond3A_78 = arith.cmpi ne, %convert_element_type3A_76, %cond3A_77 : i32
        scf.if %cond3A_78 {
          %dma_wait3A_92 = arith.constant 0 : i32
          %dma_wait3A_93 = arith.constant 0 : i32
          %dma_wait3A_94 = tpu.memref_slice %arg7[%dma_wait3A_92, %dma_wait3A_93] : memref<32768x512xf32, #tpu.memory_space<hbm>> -> memref<16x512xf32, #tpu.memory_space<hbm>>
          %dma_wait3A_95 = arith.constant 0 : i32
          %dma_wait3A_96 = arith.constant 0 : i32
          %dma_wait3A_97 = tpu.memref_slice %arg7[%dma_wait3A_95, %dma_wait3A_96] : memref<32768x512xf32, #tpu.memory_space<hbm>> -> memref<16x512xf32, #tpu.memory_space<hbm>>
          tpu.wait_dma2 semaphore(%arg23 : memref<!tpu.dma_semaphore, #tpu.memory_space<semaphore_mem>>) src(%arg15 : memref<16x512xf32, #tpu.memory_space<vmem>>) dst(%dma_wait3A_97 : memref<16x512xf32, #tpu.memory_space<hbm>>)
        } else {
        }
        %scan3A_79 = arith.constant 0 : i32
        %scan3A_80 = arith.constant 0 : i32
        %scan3A_81 = arith.constant 16 : i32
        %scan3A_82 = arith.addi %scan3A_80, %scan3A_81 : i32
        %scan3A_83 = arith.constant 1 : i32
        scf.for %scan3A_92 = %scan3A_80 to %scan3A_82 step %scan3A_83  : i32 {
          %mul3A_93 = arith.constant 48 : i32
          %mul3A_94 = arith.muli %scan3A_92, %mul3A_93 : i32
          %get3A = arith.index_cast %mul3A_94 : i32 to index
          %get3A_95 = tpu.vector_load %arg14[%get3A] {strides = array<i32>} : memref<768xf32, #tpu.memory_space<vmem>>, vector<16xf32>,
          %get3A_96 = vector.shape_cast %get3A_95 : vector<16xf32> to vector<16xf32>
          %mul3A_97 = arith.constant 48 : i32
          %mul3A_98 = arith.muli %scan3A_92, %mul3A_97 : i32
          %add3A_99 = arith.constant 16 : i32
          %add3A_100 = arith.addi %mul3A_98, %add3A_99 : i32
          %get3A_101 = arith.index_cast %add3A_100 : i32 to index
          %get3A_102 = tpu.vector_load %arg14[%get3A_101] {strides = array<i32>} : memref<768xf32, #tpu.memory_space<vmem>>, vector<16xf32>,
          %get3A_103 = vector.shape_cast %get3A_102 : vector<16xf32> to vector<16xf32>
          %mul3A_104 = arith.constant 48 : i32
          %mul3A_105 = arith.muli %scan3A_92, %mul3A_104 : i32
          %add3A_106 = arith.constant 32 : i32
          %add3A_107 = arith.addi %mul3A_105, %add3A_106 : i32
          %get3A_108 = arith.index_cast %add3A_107 : i32 to index
          %get3A_109 = tpu.vector_load %arg14[%get3A_108] {strides = array<i32>} : memref<768xf32, #tpu.memory_space<vmem>>, vector<16xf32>,
          %get3A_110 = vector.shape_cast %get3A_109 : vector<16xf32> to vector<16xf32>
          %get3A_111 = arith.index_cast %scan3A_92 : i32 to index
          %get3A_112 = arith.constant 0 : index
          %get3A_113 = tpu.vector_load %arg11[%get3A_111, %get3A_112] {strides = array<i32>} : memref<16x512xf32, #tpu.memory_space<vmem>>, vector<1x16xf32>,
          %get3A_114 = vector.shape_cast %get3A_113 : vector<1x16xf32> to vector<16xf32>
          %mul3A_115 = arith.mulf %get3A_96, %get3A_114 : vector<16xf32>
          %get3A_116 = arith.index_cast %scan3A_92 : i32 to index
          %get3A_117 = arith.constant 0 : index
          %get3A_118 = tpu.vector_load %arg12[%get3A_116, %get3A_117] {strides = array<i32>} : memref<16x512xf32, #tpu.memory_space<vmem>>, vector<1x16xf32>,
          %get3A_119 = vector.shape_cast %get3A_118 : vector<1x16xf32> to vector<16xf32>
          %mul3A_120 = arith.mulf %get3A_103, %get3A_119 : vector<16xf32>
          %add3A_121 = arith.addf %mul3A_115, %mul3A_120 : vector<16xf32>
          %get3A_122 = arith.index_cast %scan3A_92 : i32 to index
          %get3A_123 = arith.constant 0 : index
          %get3A_124 = tpu.vector_load %arg13[%get3A_122, %get3A_123] {strides = array<i32>} : memref<16x512xf32, #tpu.memory_space<vmem>>, vector<1x16xf32>,
          %get3A_125 = vector.shape_cast %get3A_124 : vector<1x16xf32> to vector<16xf32>
          %mul3A_126 = arith.mulf %get3A_110, %get3A_125 : vector<16xf32>
          %add3A_127 = arith.addf %add3A_121, %mul3A_126 : vector<16xf32>
          %swap3A = arith.index_cast %scan3A_92 : i32 to index
          %swap3A_128 = arith.constant 0 : index
          %swap3A_129 = tpu.vector_load %arg15[%swap3A, %swap3A_128] {strides = array<i32>} : memref<16x512xf32, #tpu.memory_space<vmem>>, vector<1x16xf32>,
          %swap3A_130 = vector.shape_cast %swap3A_129 : vector<1x16xf32> to vector<16xf32>
          %swap3A_131 = vector.shape_cast %add3A_127 : vector<16xf32> to vector<1x16xf32>
          tpu.vector_store %arg15[%swap3A, %swap3A_128], %swap3A_131 {strides = array<i32>} : memref<16x512xf32, #tpu.memory_space<vmem>>, vector<1x16xf32>,
          %get3A_132 = arith.index_cast %scan3A_92 : i32 to index
          %get3A_133 = arith.constant 16 : index
          %get3A_134 = tpu.vector_load %arg11[%get3A_132, %get3A_133] {strides = array<i32>} : memref<16x512xf32, #tpu.memory_space<vmem>>, vector<1x16xf32>,
          %get3A_135 = vector.shape_cast %get3A_134 : vector<1x16xf32> to vector<16xf32>
          %mul3A_136 = arith.mulf %get3A_96, %get3A_135 : vector<16xf32>
          %get3A_137 = arith.index_cast %scan3A_92 : i32 to index
          %get3A_138 = arith.constant 16 : index
          %get3A_139 = tpu.vector_load %arg12[%get3A_137, %get3A_138] {strides = array<i32>} : memref<16x512xf32, #tpu.memory_space<vmem>>, vector<1x16xf32>,
          %get3A_140 = vector.shape_cast %get3A_139 : vector<1x16xf32> to vector<16xf32>
          %mul3A_141 = arith.mulf %get3A_103, %get3A_140 : vector<16xf32>
          %add3A_142 = arith.addf %mul3A_136, %mul3A_141 : vector<16xf32>
          %get3A_143 = arith.index_cast %scan3A_92 : i32 to index
          %get3A_144 = arith.constant 16 : index
          %get3A_145 = tpu.vector_load %arg13[%get3A_143, %get3A_144] {strides = array<i32>} : memref<16x512xf32, #tpu.memory_space<vmem>>, vector<1x16xf32>,
          %get3A_146 = vector.shape_cast %get3A_145 : vector<1x16xf32> to vector<16xf32>
          %mul3A_147 = arith.mulf %get3A_110, %get3A_146 : vector<16xf32>
          %add3A_148 = arith.addf %add3A_142, %mul3A_147 : vector<16xf32>
          %swap3A_149 = arith.index_cast %scan3A_92 : i32 to index
          %swap3A_150 = arith.constant 16 : index
          %swap3A_151 = tpu.vector_load %arg15[%swap3A_149, %swap3A_150] {strides = array<i32>} : memref<16x512xf32, #tpu.memory_space<vmem>>, vector<1x16xf32>,
          %swap3A_152 = vector.shape_cast %swap3A_151 : vector<1x16xf32> to vector<16xf32>
          %swap3A_153 = vector.shape_cast %add3A_148 : vector<16xf32> to vector<1x16xf32>
          tpu.vector_store %arg15[%swap3A_149, %swap3A_150], %swap3A_153 {strides = array<i32>} : memref<16x512xf32, #tpu.memory_space<vmem>>, vector<1x16xf32>,
          %get3A_154 = arith.index_cast %scan3A_92 : i32 to index
          %get3A_155 = arith.constant 32 : index
          %get3A_156 = tpu.vector_load %arg11[%get3A_154, %get3A_155] {strides = array<i32>} : memref<16x512xf32, #tpu.memory_space<vmem>>, vector<1x16xf32>,
          %get3A_157 = vector.shape_cast %get3A_156 : vector<1x16xf32> to vector<16xf32>
          %mul3A_158 = arith.mulf %get3A_96, %get3A_157 : vector<16xf32>
          %get3A_159 = arith.index_cast %scan3A_92 : i32 to index
          %get3A_160 = arith.constant 32 : index
          %get3A_161 = tpu.vector_load %arg12[%get3A_159, %get3A_160] {strides = array<i32>} : memref<16x512xf32, #tpu.memory_space<vmem>>, vector<1x16xf32>,
          %get3A_162 = vector.shape_cast %get3A_161 : vector<1x16xf32> to vector<16xf32>
          %mul3A_163 = arith.mulf %get3A_103, %get3A_162 : vector<16xf32>
          %add3A_164 = arith.addf %mul3A_158, %mul3A_163 : vector<16xf32>
          %get3A_165 = arith.index_cast %scan3A_92 : i32 to index
          %get3A_166 = arith.constant 32 : index
          %get3A_167 = tpu.vector_load %arg13[%get3A_165, %get3A_166] {strides = array<i32>} : memref<16x512xf32, #tpu.memory_space<vmem>>, vector<1x16xf32>,
          %get3A_168 = vector.shape_cast %get3A_167 : vector<1x16xf32> to vector<16xf32>
          %mul3A_169 = arith.mulf %get3A_110, %get3A_168 : vector<16xf32>
          %add3A_170 = arith.addf %add3A_164, %mul3A_169 : vector<16xf32>
          %swap3A_171 = arith.index_cast %scan3A_92 : i32 to index
          %swap3A_172 = arith.constant 32 : index
          %swap3A_173 = tpu.vector_load %arg15[%swap3A_171, %swap3A_172] {strides = array<i32>} : memref<16x512xf32, #tpu.memory_space<vmem>>, vector<1x16xf32>,
          %swap3A_174 = vector.shape_cast %swap3A_173 : vector<1x16xf32> to vector<16xf32>
          %swap3A_175 = vector.shape_cast %add3A_170 : vector<16xf32> to vector<1x16xf32>
          tpu.vector_store %arg15[%swap3A_171, %swap3A_172], %swap3A_175 {strides = array<i32>} : memref<16x512xf32, #tpu.memory_space<vmem>>, vector<1x16xf32>,
          %get3A_176 = arith.index_cast %scan3A_92 : i32 to index
          %get3A_177 = arith.constant 48 : index
          %get3A_178 = tpu.vector_load %arg11[%get3A_176, %get3A_177] {strides = array<i32>} : memref<16x512xf32, #tpu.memory_space<vmem>>, vector<1x16xf32>,
          %get3A_179 = vector.shape_cast %get3A_178 : vector<1x16xf32> to vector<16xf32>
          %mul3A_180 = arith.mulf %get3A_96, %get3A_179 : vector<16xf32>
          %get3A_181 = arith.index_cast %scan3A_92 : i32 to index
          %get3A_182 = arith.constant 48 : index
          %get3A_183 = tpu.vector_load %arg12[%get3A_181, %get3A_182] {strides = array<i32>} : memref<16x512xf32, #tpu.memory_space<vmem>>, vector<1x16xf32>,
          %get3A_184 = vector.shape_cast %get3A_183 : vector<1x16xf32> to vector<16xf32>
          %mul3A_185 = arith.mulf %get3A_103, %get3A_184 : vector<16xf32>
          %add3A_186 = arith.addf %mul3A_180, %mul3A_185 : vector<16xf32>
          %get3A_187 = arith.index_cast %scan3A_92 : i32 to index
          %get3A_188 = arith.constant 48 : index
          %get3A_189 = tpu.vector_load %arg13[%get3A_187, %get3A_188] {strides = array<i32>} : memref<16x512xf32, #tpu.memory_space<vmem>>, vector<1x16xf32>,
          %get3A_190 = vector.shape_cast %get3A_189 : vector<1x16xf32> to vector<16xf32>
          %mul3A_191 = arith.mulf %get3A_110, %get3A_190 : vector<16xf32>
          %add3A_192 = arith.addf %add3A_186, %mul3A_191 : vector<16xf32>
          %swap3A_193 = arith.index_cast %scan3A_92 : i32 to index
          %swap3A_194 = arith.constant 48 : index
          %swap3A_195 = tpu.vector_load %arg15[%swap3A_193, %swap3A_194] {strides = array<i32>} : memref<16x512xf32, #tpu.memory_space<vmem>>, vector<1x16xf32>,
          %swap3A_196 = vector.shape_cast %swap3A_195 : vector<1x16xf32> to vector<16xf32>
          %swap3A_197 = vector.shape_cast %add3A_192 : vector<16xf32> to vector<1x16xf32>
          tpu.vector_store %arg15[%swap3A_193, %swap3A_194], %swap3A_197 {strides = array<i32>} : memref<16x512xf32, #tpu.memory_space<vmem>>, vector<1x16xf32>,
          %get3A_198 = arith.index_cast %scan3A_92 : i32 to index
          %get3A_199 = arith.constant 64 : index
          %get3A_200 = tpu.vector_load %arg11[%get3A_198, %get3A_199] {strides = array<i32>} : memref<16x512xf32, #tpu.memory_space<vmem>>, vector<1x16xf32>,
          %get3A_201 = vector.shape_cast %get3A_200 : vector<1x16xf32> to vector<16xf32>
          %mul3A_202 = arith.mulf %get3A_96, %get3A_201 : vector<16xf32>
          %get3A_203 = arith.index_cast %scan3A_92 : i32 to index
          %get3A_204 = arith.constant 64 : index
          %get3A_205 = tpu.vector_load %arg12[%get3A_203, %get3A_204] {strides = array<i32>} : memref<16x512xf32, #tpu.memory_space<vmem>>, vector<1x16xf32>,
          %get3A_206 = vector.shape_cast %get3A_205 : vector<1x16xf32> to vector<16xf32>
          %mul3A_207 = arith.mulf %get3A_103, %get3A_206 : vector<16xf32>
          %add3A_208 = arith.addf %mul3A_202, %mul3A_207 : vector<16xf32>
          %get3A_209 = arith.index_cast %scan3A_92 : i32 to index
          %get3A_210 = arith.constant 64 : index
          %get3A_211 = tpu.vector_load %arg13[%get3A_209, %get3A_210] {strides = array<i32>} : memref<16x512xf32, #tpu.memory_space<vmem>>, vector<1x16xf32>,
          %get3A_212 = vector.shape_cast %get3A_211 : vector<1x16xf32> to vector<16xf32>
          %mul3A_213 = arith.mulf %get3A_110, %get3A_212 : vector<16xf32>
          %add3A_214 = arith.addf %add3A_208, %mul3A_213 : vector<16xf32>
          %swap3A_215 = arith.index_cast %scan3A_92 : i32 to index
          %swap3A_216 = arith.constant 64 : index
          %swap3A_217 = tpu.vector_load %arg15[%swap3A_215, %swap3A_216] {strides = array<i32>} : memref<16x512xf32, #tpu.memory_space<vmem>>, vector<1x16xf32>,
          %swap3A_218 = vector.shape_cast %swap3A_217 : vector<1x16xf32> to vector<16xf32>
          %swap3A_219 = vector.shape_cast %add3A_214 : vector<16xf32> to vector<1x16xf32>
          tpu.vector_store %arg15[%swap3A_215, %swap3A_216], %swap3A_219 {strides = array<i32>} : memref<16x512xf32, #tpu.memory_space<vmem>>, vector<1x16xf32>,
          %get3A_220 = arith.index_cast %scan3A_92 : i32 to index
          %get3A_221 = arith.constant 80 : index
          %get3A_222 = tpu.vector_load %arg11[%get3A_220, %get3A_221] {strides = array<i32>} : memref<16x512xf32, #tpu.memory_space<vmem>>, vector<1x16xf32>,
          %get3A_223 = vector.shape_cast %get3A_222 : vector<1x16xf32> to vector<16xf32>
          %mul3A_224 = arith.mulf %get3A_96, %get3A_223 : vector<16xf32>
          %get3A_225 = arith.index_cast %scan3A_92 : i32 to index
          %get3A_226 = arith.constant 80 : index
          %get3A_227 = tpu.vector_load %arg12[%get3A_225, %get3A_226] {strides = array<i32>} : memref<16x512xf32, #tpu.memory_space<vmem>>, vector<1x16xf32>,
          %get3A_228 = vector.shape_cast %get3A_227 : vector<1x16xf32> to vector<16xf32>
          %mul3A_229 = arith.mulf %get3A_103, %get3A_228 : vector<16xf32>
          %add3A_230 = arith.addf %mul3A_224, %mul3A_229 : vector<16xf32>
          %get3A_231 = arith.index_cast %scan3A_92 : i32 to index
          %get3A_232 = arith.constant 80 : index
          %get3A_233 = tpu.vector_load %arg13[%get3A_231, %get3A_232] {strides = array<i32>} : memref<16x512xf32, #tpu.memory_space<vmem>>, vector<1x16xf32>,
          %get3A_234 = vector.shape_cast %get3A_233 : vector<1x16xf32> to vector<16xf32>
          %mul3A_235 = arith.mulf %get3A_110, %get3A_234 : vector<16xf32>
          %add3A_236 = arith.addf %add3A_230, %mul3A_235 : vector<16xf32>
          %swap3A_237 = arith.index_cast %scan3A_92 : i32 to index
          %swap3A_238 = arith.constant 80 : index
          %swap3A_239 = tpu.vector_load %arg15[%swap3A_237, %swap3A_238] {strides = array<i32>} : memref<16x512xf32, #tpu.memory_space<vmem>>, vector<1x16xf32>,
          %swap3A_240 = vector.shape_cast %swap3A_239 : vector<1x16xf32> to vector<16xf32>
          %swap3A_241 = vector.shape_cast %add3A_236 : vector<16xf32> to vector<1x16xf32>
          tpu.vector_store %arg15[%swap3A_237, %swap3A_238], %swap3A_241 {strides = array<i32>} : memref<16x512xf32, #tpu.memory_space<vmem>>, vector<1x16xf32>,
          %get3A_242 = arith.index_cast %scan3A_92 : i32 to index
          %get3A_243 = arith.constant 96 : index
          %get3A_244 = tpu.vector_load %arg11[%get3A_242, %get3A_243] {strides = array<i32>} : memref<16x512xf32, #tpu.memory_space<vmem>>, vector<1x16xf32>,
          %get3A_245 = vector.shape_cast %get3A_244 : vector<1x16xf32> to vector<16xf32>
          %mul3A_246 = arith.mulf %get3A_96, %get3A_245 : vector<16xf32>
          %get3A_247 = arith.index_cast %scan3A_92 : i32 to index
          %get3A_248 = arith.constant 96 : index
          %get3A_249 = tpu.vector_load %arg12[%get3A_247, %get3A_248] {strides = array<i32>} : memref<16x512xf32, #tpu.memory_space<vmem>>, vector<1x16xf32>,
          %get3A_250 = vector.shape_cast %get3A_249 : vector<1x16xf32> to vector<16xf32>
          %mul3A_251 = arith.mulf %get3A_103, %get3A_250 : vector<16xf32>
          %add3A_252 = arith.addf %mul3A_246, %mul3A_251 : vector<16xf32>
          %get3A_253 = arith.index_cast %scan3A_92 : i32 to index
          %get3A_254 = arith.constant 96 : index
          %get3A_255 = tpu.vector_load %arg13[%get3A_253, %get3A_254] {strides = array<i32>} : memref<16x512xf32, #tpu.memory_space<vmem>>, vector<1x16xf32>,
          %get3A_256 = vector.shape_cast %get3A_255 : vector<1x16xf32> to vector<16xf32>
          %mul3A_257 = arith.mulf %get3A_110, %get3A_256 : vector<16xf32>
          %add3A_258 = arith.addf %add3A_252, %mul3A_257 : vector<16xf32>
          %swap3A_259 = arith.index_cast %scan3A_92 : i32 to index
          %swap3A_260 = arith.constant 96 : index
          %swap3A_261 = tpu.vector_load %arg15[%swap3A_259, %swap3A_260] {strides = array<i32>} : memref<16x512xf32, #tpu.memory_space<vmem>>, vector<1x16xf32>,
          %swap3A_262 = vector.shape_cast %swap3A_261 : vector<1x16xf32> to vector<16xf32>
          %swap3A_263 = vector.shape_cast %add3A_258 : vector<16xf32> to vector<1x16xf32>
          tpu.vector_store %arg15[%swap3A_259, %swap3A_260], %swap3A_263 {strides = array<i32>} : memref<16x512xf32, #tpu.memory_space<vmem>>, vector<1x16xf32>,
          %get3A_264 = arith.index_cast %scan3A_92 : i32 to index
          %get3A_265 = arith.constant 112 : index
          %get3A_266 = tpu.vector_load %arg11[%get3A_264, %get3A_265] {strides = array<i32>} : memref<16x512xf32, #tpu.memory_space<vmem>>, vector<1x16xf32>,
          %get3A_267 = vector.shape_cast %get3A_266 : vector<1x16xf32> to vector<16xf32>
          %mul3A_268 = arith.mulf %get3A_96, %get3A_267 : vector<16xf32>
          %get3A_269 = arith.index_cast %scan3A_92 : i32 to index
          %get3A_270 = arith.constant 112 : index
          %get3A_271 = tpu.vector_load %arg12[%get3A_269, %get3A_270] {strides = array<i32>} : memref<16x512xf32, #tpu.memory_space<vmem>>, vector<1x16xf32>,
          %get3A_272 = vector.shape_cast %get3A_271 : vector<1x16xf32> to vector<16xf32>
          %mul3A_273 = arith.mulf %get3A_103, %get3A_272 : vector<16xf32>
          %add3A_274 = arith.addf %mul3A_268, %mul3A_273 : vector<16xf32>
          %get3A_275 = arith.index_cast %scan3A_92 : i32 to index
          %get3A_276 = arith.constant 112 : index
          %get3A_277 = tpu.vector_load %arg13[%get3A_275, %get3A_276] {strides = array<i32>} : memref<16x512xf32, #tpu.memory_space<vmem>>, vector<1x16xf32>,
          %get3A_278 = vector.shape_cast %get3A_277 : vector<1x16xf32> to vector<16xf32>
          %mul3A_279 = arith.mulf %get3A_110, %get3A_278 : vector<16xf32>
          %add3A_280 = arith.addf %add3A_274, %mul3A_279 : vector<16xf32>
          %swap3A_281 = arith.index_cast %scan3A_92 : i32 to index
          %swap3A_282 = arith.constant 112 : index
          %swap3A_283 = tpu.vector_load %arg15[%swap3A_281, %swap3A_282] {strides = array<i32>} : memref<16x512xf32, #tpu.memory_space<vmem>>, vector<1x16xf32>,
          %swap3A_284 = vector.shape_cast %swap3A_283 : vector<1x16xf32> to vector<16xf32>
          %swap3A_285 = vector.shape_cast %add3A_280 : vector<16xf32> to vector<1x16xf32>
          tpu.vector_store %arg15[%swap3A_281, %swap3A_282], %swap3A_285 {strides = array<i32>} : memref<16x512xf32, #tpu.memory_space<vmem>>, vector<1x16xf32>,
          %get3A_286 = arith.index_cast %scan3A_92 : i32 to index
          %get3A_287 = arith.constant 128 : index
          %get3A_288 = tpu.vector_load %arg11[%get3A_286, %get3A_287] {strides = array<i32>} : memref<16x512xf32, #tpu.memory_space<vmem>>, vector<1x16xf32>,
          %get3A_289 = vector.shape_cast %get3A_288 : vector<1x16xf32> to vector<16xf32>
          %mul3A_290 = arith.mulf %get3A_96, %get3A_289 : vector<16xf32>
          %get3A_291 = arith.index_cast %scan3A_92 : i32 to index
          %get3A_292 = arith.constant 128 : index
          %get3A_293 = tpu.vector_load %arg12[%get3A_291, %get3A_292] {strides = array<i32>} : memref<16x512xf32, #tpu.memory_space<vmem>>, vector<1x16xf32>,
          %get3A_294 = vector.shape_cast %get3A_293 : vector<1x16xf32> to vector<16xf32>
          %mul3A_295 = arith.mulf %get3A_103, %get3A_294 : vector<16xf32>
          %add3A_296 = arith.addf %mul3A_290, %mul3A_295 : vector<16xf32>
          %get3A_297 = arith.index_cast %scan3A_92 : i32 to index
          %get3A_298 = arith.constant 128 : index
          %get3A_299 = tpu.vector_load %arg13[%get3A_297, %get3A_298] {strides = array<i32>} : memref<16x512xf32, #tpu.memory_space<vmem>>, vector<1x16xf32>,
          %get3A_300 = vector.shape_cast %get3A_299 : vector<1x16xf32> to vector<16xf32>
          %mul3A_301 = arith.mulf %get3A_110, %get3A_300 : vector<16xf32>
          %add3A_302 = arith.addf %add3A_296, %mul3A_301 : vector<16xf32>
          %swap3A_303 = arith.index_cast %scan3A_92 : i32 to index
          %swap3A_304 = arith.constant 128 : index
          %swap3A_305 = tpu.vector_load %arg15[%swap3A_303, %swap3A_304] {strides = array<i32>} : memref<16x512xf32, #tpu.memory_space<vmem>>, vector<1x16xf32>,
          %swap3A_306 = vector.shape_cast %swap3A_305 : vector<1x16xf32> to vector<16xf32>
          %swap3A_307 = vector.shape_cast %add3A_302 : vector<16xf32> to vector<1x16xf32>
          tpu.vector_store %arg15[%swap3A_303, %swap3A_304], %swap3A_307 {strides = array<i32>} : memref<16x512xf32, #tpu.memory_space<vmem>>, vector<1x16xf32>,
          %get3A_308 = arith.index_cast %scan3A_92 : i32 to index
          %get3A_309 = arith.constant 144 : index
          %get3A_310 = tpu.vector_load %arg11[%get3A_308, %get3A_309] {strides = array<i32>} : memref<16x512xf32, #tpu.memory_space<vmem>>, vector<1x16xf32>,
          %get3A_311 = vector.shape_cast %get3A_310 : vector<1x16xf32> to vector<16xf32>
          %mul3A_312 = arith.mulf %get3A_96, %get3A_311 : vector<16xf32>
          %get3A_313 = arith.index_cast %scan3A_92 : i32 to index
          %get3A_314 = arith.constant 144 : index
          %get3A_315 = tpu.vector_load %arg12[%get3A_313, %get3A_314] {strides = array<i32>} : memref<16x512xf32, #tpu.memory_space<vmem>>, vector<1x16xf32>,
          %get3A_316 = vector.shape_cast %get3A_315 : vector<1x16xf32> to vector<16xf32>
          %mul3A_317 = arith.mulf %get3A_103, %get3A_316 : vector<16xf32>
          %add3A_318 = arith.addf %mul3A_312, %mul3A_317 : vector<16xf32>
          %get3A_319 = arith.index_cast %scan3A_92 : i32 to index
          %get3A_320 = arith.constant 144 : index
          %get3A_321 = tpu.vector_load %arg13[%get3A_319, %get3A_320] {strides = array<i32>} : memref<16x512xf32, #tpu.memory_space<vmem>>, vector<1x16xf32>,
          %get3A_322 = vector.shape_cast %get3A_321 : vector<1x16xf32> to vector<16xf32>
          %mul3A_323 = arith.mulf %get3A_110, %get3A_322 : vector<16xf32>
          %add3A_324 = arith.addf %add3A_318, %mul3A_323 : vector<16xf32>
          %swap3A_325 = arith.index_cast %scan3A_92 : i32 to index
          %swap3A_326 = arith.constant 144 : index
          %swap3A_327 = tpu.vector_load %arg15[%swap3A_325, %swap3A_326] {strides = array<i32>} : memref<16x512xf32, #tpu.memory_space<vmem>>, vector<1x16xf32>,
          %swap3A_328 = vector.shape_cast %swap3A_327 : vector<1x16xf32> to vector<16xf32>
          %swap3A_329 = vector.shape_cast %add3A_324 : vector<16xf32> to vector<1x16xf32>
          tpu.vector_store %arg15[%swap3A_325, %swap3A_326], %swap3A_329 {strides = array<i32>} : memref<16x512xf32, #tpu.memory_space<vmem>>, vector<1x16xf32>,
          %get3A_330 = arith.index_cast %scan3A_92 : i32 to index
          %get3A_331 = arith.constant 160 : index
          %get3A_332 = tpu.vector_load %arg11[%get3A_330, %get3A_331] {strides = array<i32>} : memref<16x512xf32, #tpu.memory_space<vmem>>, vector<1x16xf32>,
          %get3A_333 = vector.shape_cast %get3A_332 : vector<1x16xf32> to vector<16xf32>
          %mul3A_334 = arith.mulf %get3A_96, %get3A_333 : vector<16xf32>
          %get3A_335 = arith.index_cast %scan3A_92 : i32 to index
          %get3A_336 = arith.constant 160 : index
          %get3A_337 = tpu.vector_load %arg12[%get3A_335, %get3A_336] {strides = array<i32>} : memref<16x512xf32, #tpu.memory_space<vmem>>, vector<1x16xf32>,
          %get3A_338 = vector.shape_cast %get3A_337 : vector<1x16xf32> to vector<16xf32>
          %mul3A_339 = arith.mulf %get3A_103, %get3A_338 : vector<16xf32>
          %add3A_340 = arith.addf %mul3A_334, %mul3A_339 : vector<16xf32>
          %get3A_341 = arith.index_cast %scan3A_92 : i32 to index
          %get3A_342 = arith.constant 160 : index
          %get3A_343 = tpu.vector_load %arg13[%get3A_341, %get3A_342] {strides = array<i32>} : memref<16x512xf32, #tpu.memory_space<vmem>>, vector<1x16xf32>,
          %get3A_344 = vector.shape_cast %get3A_343 : vector<1x16xf32> to vector<16xf32>
          %mul3A_345 = arith.mulf %get3A_110, %get3A_344 : vector<16xf32>
          %add3A_346 = arith.addf %add3A_340, %mul3A_345 : vector<16xf32>
          %swap3A_347 = arith.index_cast %scan3A_92 : i32 to index
          %swap3A_348 = arith.constant 160 : index
          %swap3A_349 = tpu.vector_load %arg15[%swap3A_347, %swap3A_348] {strides = array<i32>} : memref<16x512xf32, #tpu.memory_space<vmem>>, vector<1x16xf32>,
          %swap3A_350 = vector.shape_cast %swap3A_349 : vector<1x16xf32> to vector<16xf32>
          %swap3A_351 = vector.shape_cast %add3A_346 : vector<16xf32> to vector<1x16xf32>
          tpu.vector_store %arg15[%swap3A_347, %swap3A_348], %swap3A_351 {strides = array<i32>} : memref<16x512xf32, #tpu.memory_space<vmem>>, vector<1x16xf32>,
          %get3A_352 = arith.index_cast %scan3A_92 : i32 to index
          %get3A_353 = arith.constant 176 : index
          %get3A_354 = tpu.vector_load %arg11[%get3A_352, %get3A_353] {strides = array<i32>} : memref<16x512xf32, #tpu.memory_space<vmem>>, vector<1x16xf32>,
          %get3A_355 = vector.shape_cast %get3A_354 : vector<1x16xf32> to vector<16xf32>
          %mul3A_356 = arith.mulf %get3A_96, %get3A_355 : vector<16xf32>
          %get3A_357 = arith.index_cast %scan3A_92 : i32 to index
          %get3A_358 = arith.constant 176 : index
          %get3A_359 = tpu.vector_load %arg12[%get3A_357, %get3A_358] {strides = array<i32>} : memref<16x512xf32, #tpu.memory_space<vmem>>, vector<1x16xf32>,
          %get3A_360 = vector.shape_cast %get3A_359 : vector<1x16xf32> to vector<16xf32>
          %mul3A_361 = arith.mulf %get3A_103, %get3A_360 : vector<16xf32>
          %add3A_362 = arith.addf %mul3A_356, %mul3A_361 : vector<16xf32>
          %get3A_363 = arith.index_cast %scan3A_92 : i32 to index
          %get3A_364 = arith.constant 176 : index
          %get3A_365 = tpu.vector_load %arg13[%get3A_363, %get3A_364] {strides = array<i32>} : memref<16x512xf32, #tpu.memory_space<vmem>>, vector<1x16xf32>,
          %get3A_366 = vector.shape_cast %get3A_365 : vector<1x16xf32> to vector<16xf32>
          %mul3A_367 = arith.mulf %get3A_110, %get3A_366 : vector<16xf32>
          %add3A_368 = arith.addf %add3A_362, %mul3A_367 : vector<16xf32>
          %swap3A_369 = arith.index_cast %scan3A_92 : i32 to index
          %swap3A_370 = arith.constant 176 : index
          %swap3A_371 = tpu.vector_load %arg15[%swap3A_369, %swap3A_370] {strides = array<i32>} : memref<16x512xf32, #tpu.memory_space<vmem>>, vector<1x16xf32>,
          %swap3A_372 = vector.shape_cast %swap3A_371 : vector<1x16xf32> to vector<16xf32>
          %swap3A_373 = vector.shape_cast %add3A_368 : vector<16xf32> to vector<1x16xf32>
          tpu.vector_store %arg15[%swap3A_369, %swap3A_370], %swap3A_373 {strides = array<i32>} : memref<16x512xf32, #tpu.memory_space<vmem>>, vector<1x16xf32>,
          %get3A_374 = arith.index_cast %scan3A_92 : i32 to index
          %get3A_375 = arith.constant 192 : index
          %get3A_376 = tpu.vector_load %arg11[%get3A_374, %get3A_375] {strides = array<i32>} : memref<16x512xf32, #tpu.memory_space<vmem>>, vector<1x16xf32>,
          %get3A_377 = vector.shape_cast %get3A_376 : vector<1x16xf32> to vector<16xf32>
          %mul3A_378 = arith.mulf %get3A_96, %get3A_377 : vector<16xf32>
          %get3A_379 = arith.index_cast %scan3A_92 : i32 to index
          %get3A_380 = arith.constant 192 : index
          %get3A_381 = tpu.vector_load %arg12[%get3A_379, %get3A_380] {strides = array<i32>} : memref<16x512xf32, #tpu.memory_space<vmem>>, vector<1x16xf32>,
          %get3A_382 = vector.shape_cast %get3A_381 : vector<1x16xf32> to vector<16xf32>
          %mul3A_383 = arith.mulf %get3A_103, %get3A_382 : vector<16xf32>
          %add3A_384 = arith.addf %mul3A_378, %mul3A_383 : vector<16xf32>
          %get3A_385 = arith.index_cast %scan3A_92 : i32 to index
          %get3A_386 = arith.constant 192 : index
          %get3A_387 = tpu.vector_load %arg13[%get3A_385, %get3A_386] {strides = array<i32>} : memref<16x512xf32, #tpu.memory_space<vmem>>, vector<1x16xf32>,
          %get3A_388 = vector.shape_cast %get3A_387 : vector<1x16xf32> to vector<16xf32>
          %mul3A_389 = arith.mulf %get3A_110, %get3A_388 : vector<16xf32>
          %add3A_390 = arith.addf %add3A_384, %mul3A_389 : vector<16xf32>
          %swap3A_391 = arith.index_cast %scan3A_92 : i32 to index
          %swap3A_392 = arith.constant 192 : index
          %swap3A_393 = tpu.vector_load %arg15[%swap3A_391, %swap3A_392] {strides = array<i32>} : memref<16x512xf32, #tpu.memory_space<vmem>>, vector<1x16xf32>,
          %swap3A_394 = vector.shape_cast %swap3A_393 : vector<1x16xf32> to vector<16xf32>
          %swap3A_395 = vector.shape_cast %add3A_390 : vector<16xf32> to vector<1x16xf32>
          tpu.vector_store %arg15[%swap3A_391, %swap3A_392], %swap3A_395 {strides = array<i32>} : memref<16x512xf32, #tpu.memory_space<vmem>>, vector<1x16xf32>,
          %get3A_396 = arith.index_cast %scan3A_92 : i32 to index
          %get3A_397 = arith.constant 208 : index
          %get3A_398 = tpu.vector_load %arg11[%get3A_396, %get3A_397] {strides = array<i32>} : memref<16x512xf32, #tpu.memory_space<vmem>>, vector<1x16xf32>,
          %get3A_399 = vector.shape_cast %get3A_398 : vector<1x16xf32> to vector<16xf32>
          %mul3A_400 = arith.mulf %get3A_96, %get3A_399 : vector<16xf32>
          %get3A_401 = arith.index_cast %scan3A_92 : i32 to index
          %get3A_402 = arith.constant 208 : index
          %get3A_403 = tpu.vector_load %arg12[%get3A_401, %get3A_402] {strides = array<i32>} : memref<16x512xf32, #tpu.memory_space<vmem>>, vector<1x16xf32>,
          %get3A_404 = vector.shape_cast %get3A_403 : vector<1x16xf32> to vector<16xf32>
          %mul3A_405 = arith.mulf %get3A_103, %get3A_404 : vector<16xf32>
          %add3A_406 = arith.addf %mul3A_400, %mul3A_405 : vector<16xf32>
          %get3A_407 = arith.index_cast %scan3A_92 : i32 to index
          %get3A_408 = arith.constant 208 : index
          %get3A_409 = tpu.vector_load %arg13[%get3A_407, %get3A_408] {strides = array<i32>} : memref<16x512xf32, #tpu.memory_space<vmem>>, vector<1x16xf32>,
          %get3A_410 = vector.shape_cast %get3A_409 : vector<1x16xf32> to vector<16xf32>
          %mul3A_411 = arith.mulf %get3A_110, %get3A_410 : vector<16xf32>
          %add3A_412 = arith.addf %add3A_406, %mul3A_411 : vector<16xf32>
          %swap3A_413 = arith.index_cast %scan3A_92 : i32 to index
          %swap3A_414 = arith.constant 208 : index
          %swap3A_415 = tpu.vector_load %arg15[%swap3A_413, %swap3A_414] {strides = array<i32>} : memref<16x512xf32, #tpu.memory_space<vmem>>, vector<1x16xf32>,
          %swap3A_416 = vector.shape_cast %swap3A_415 : vector<1x16xf32> to vector<16xf32>
          %swap3A_417 = vector.shape_cast %add3A_412 : vector<16xf32> to vector<1x16xf32>
          tpu.vector_store %arg15[%swap3A_413, %swap3A_414], %swap3A_417 {strides = array<i32>} : memref<16x512xf32, #tpu.memory_space<vmem>>, vector<1x16xf32>,
          %get3A_418 = arith.index_cast %scan3A_92 : i32 to index
          %get3A_419 = arith.constant 224 : index
          %get3A_420 = tpu.vector_load %arg11[%get3A_418, %get3A_419] {strides = array<i32>} : memref<16x512xf32, #tpu.memory_space<vmem>>, vector<1x16xf32>,
          %get3A_421 = vector.shape_cast %get3A_420 : vector<1x16xf32> to vector<16xf32>
          %mul3A_422 = arith.mulf %get3A_96, %get3A_421 : vector<16xf32>
          %get3A_423 = arith.index_cast %scan3A_92 : i32 to index
          %get3A_424 = arith.constant 224 : index
          %get3A_425 = tpu.vector_load %arg12[%get3A_423, %get3A_424] {strides = array<i32>} : memref<16x512xf32, #tpu.memory_space<vmem>>, vector<1x16xf32>,
          %get3A_426 = vector.shape_cast %get3A_425 : vector<1x16xf32> to vector<16xf32>
          %mul3A_427 = arith.mulf %get3A_103, %get3A_426 : vector<16xf32>
          %add3A_428 = arith.addf %mul3A_422, %mul3A_427 : vector<16xf32>
          %get3A_429 = arith.index_cast %scan3A_92 : i32 to index
          %get3A_430 = arith.constant 224 : index
          %get3A_431 = tpu.vector_load %arg13[%get3A_429, %get3A_430] {strides = array<i32>} : memref<16x512xf32, #tpu.memory_space<vmem>>, vector<1x16xf32>,
          %get3A_432 = vector.shape_cast %get3A_431 : vector<1x16xf32> to vector<16xf32>
          %mul3A_433 = arith.mulf %get3A_110, %get3A_432 : vector<16xf32>
          %add3A_434 = arith.addf %add3A_428, %mul3A_433 : vector<16xf32>
          %swap3A_435 = arith.index_cast %scan3A_92 : i32 to index
          %swap3A_436 = arith.constant 224 : index
          %swap3A_437 = tpu.vector_load %arg15[%swap3A_435, %swap3A_436] {strides = array<i32>} : memref<16x512xf32, #tpu.memory_space<vmem>>, vector<1x16xf32>,
          %swap3A_438 = vector.shape_cast %swap3A_437 : vector<1x16xf32> to vector<16xf32>
          %swap3A_439 = vector.shape_cast %add3A_434 : vector<16xf32> to vector<1x16xf32>
          tpu.vector_store %arg15[%swap3A_435, %swap3A_436], %swap3A_439 {strides = array<i32>} : memref<16x512xf32, #tpu.memory_space<vmem>>, vector<1x16xf32>,
          %get3A_440 = arith.index_cast %scan3A_92 : i32 to index
          %get3A_441 = arith.constant 240 : index
          %get3A_442 = tpu.vector_load %arg11[%get3A_440, %get3A_441] {strides = array<i32>} : memref<16x512xf32, #tpu.memory_space<vmem>>, vector<1x16xf32>,
          %get3A_443 = vector.shape_cast %get3A_442 : vector<1x16xf32> to vector<16xf32>
          %mul3A_444 = arith.mulf %get3A_96, %get3A_443 : vector<16xf32>
          %get3A_445 = arith.index_cast %scan3A_92 : i32 to index
          %get3A_446 = arith.constant 240 : index
          %get3A_447 = tpu.vector_load %arg12[%get3A_445, %get3A_446] {strides = array<i32>} : memref<16x512xf32, #tpu.memory_space<vmem>>, vector<1x16xf32>,
          %get3A_448 = vector.shape_cast %get3A_447 : vector<1x16xf32> to vector<16xf32>
          %mul3A_449 = arith.mulf %get3A_103, %get3A_448 : vector<16xf32>
          %add3A_450 = arith.addf %mul3A_444, %mul3A_449 : vector<16xf32>
          %get3A_451 = arith.index_cast %scan3A_92 : i32 to index
          %get3A_452 = arith.constant 240 : index
          %get3A_453 = tpu.vector_load %arg13[%get3A_451, %get3A_452] {strides = array<i32>} : memref<16x512xf32, #tpu.memory_space<vmem>>, vector<1x16xf32>,
          %get3A_454 = vector.shape_cast %get3A_453 : vector<1x16xf32> to vector<16xf32>
          %mul3A_455 = arith.mulf %get3A_110, %get3A_454 : vector<16xf32>
          %add3A_456 = arith.addf %add3A_450, %mul3A_455 : vector<16xf32>
          %swap3A_457 = arith.index_cast %scan3A_92 : i32 to index
          %swap3A_458 = arith.constant 240 : index
          %swap3A_459 = tpu.vector_load %arg15[%swap3A_457, %swap3A_458] {strides = array<i32>} : memref<16x512xf32, #tpu.memory_space<vmem>>, vector<1x16xf32>,
          %swap3A_460 = vector.shape_cast %swap3A_459 : vector<1x16xf32> to vector<16xf32>
          %swap3A_461 = vector.shape_cast %add3A_456 : vector<16xf32> to vector<1x16xf32>
          tpu.vector_store %arg15[%swap3A_457, %swap3A_458], %swap3A_461 {strides = array<i32>} : memref<16x512xf32, #tpu.memory_space<vmem>>, vector<1x16xf32>,
          %get3A_462 = arith.index_cast %scan3A_92 : i32 to index
          %get3A_463 = arith.constant 256 : index
          %get3A_464 = tpu.vector_load %arg11[%get3A_462, %get3A_463] {strides = array<i32>} : memref<16x512xf32, #tpu.memory_space<vmem>>, vector<1x16xf32>,
          %get3A_465 = vector.shape_cast %get3A_464 : vector<1x16xf32> to vector<16xf32>
          %mul3A_466 = arith.mulf %get3A_96, %get3A_465 : vector<16xf32>
          %get3A_467 = arith.index_cast %scan3A_92 : i32 to index
          %get3A_468 = arith.constant 256 : index
          %get3A_469 = tpu.vector_load %arg12[%get3A_467, %get3A_468] {strides = array<i32>} : memref<16x512xf32, #tpu.memory_space<vmem>>, vector<1x16xf32>,
          %get3A_470 = vector.shape_cast %get3A_469 : vector<1x16xf32> to vector<16xf32>
          %mul3A_471 = arith.mulf %get3A_103, %get3A_470 : vector<16xf32>
          %add3A_472 = arith.addf %mul3A_466, %mul3A_471 : vector<16xf32>
          %get3A_473 = arith.index_cast %scan3A_92 : i32 to index
          %get3A_474 = arith.constant 256 : index
          %get3A_475 = tpu.vector_load %arg13[%get3A_473, %get3A_474] {strides = array<i32>} : memref<16x512xf32, #tpu.memory_space<vmem>>, vector<1x16xf32>,
          %get3A_476 = vector.shape_cast %get3A_475 : vector<1x16xf32> to vector<16xf32>
          %mul3A_477 = arith.mulf %get3A_110, %get3A_476 : vector<16xf32>
          %add3A_478 = arith.addf %add3A_472, %mul3A_477 : vector<16xf32>
          %swap3A_479 = arith.index_cast %scan3A_92 : i32 to index
          %swap3A_480 = arith.constant 256 : index
          %swap3A_481 = tpu.vector_load %arg15[%swap3A_479, %swap3A_480] {strides = array<i32>} : memref<16x512xf32, #tpu.memory_space<vmem>>, vector<1x16xf32>,
          %swap3A_482 = vector.shape_cast %swap3A_481 : vector<1x16xf32> to vector<16xf32>
          %swap3A_483 = vector.shape_cast %add3A_478 : vector<16xf32> to vector<1x16xf32>
          tpu.vector_store %arg15[%swap3A_479, %swap3A_480], %swap3A_483 {strides = array<i32>} : memref<16x512xf32, #tpu.memory_space<vmem>>, vector<1x16xf32>,
          %get3A_484 = arith.index_cast %scan3A_92 : i32 to index
          %get3A_485 = arith.constant 272 : index
          %get3A_486 = tpu.vector_load %arg11[%get3A_484, %get3A_485] {strides = array<i32>} : memref<16x512xf32, #tpu.memory_space<vmem>>, vector<1x16xf32>,
          %get3A_487 = vector.shape_cast %get3A_486 : vector<1x16xf32> to vector<16xf32>
          %mul3A_488 = arith.mulf %get3A_96, %get3A_487 : vector<16xf32>
          %get3A_489 = arith.index_cast %scan3A_92 : i32 to index
          %get3A_490 = arith.constant 272 : index
          %get3A_491 = tpu.vector_load %arg12[%get3A_489, %get3A_490] {strides = array<i32>} : memref<16x512xf32, #tpu.memory_space<vmem>>, vector<1x16xf32>,
          %get3A_492 = vector.shape_cast %get3A_491 : vector<1x16xf32> to vector<16xf32>
          %mul3A_493 = arith.mulf %get3A_103, %get3A_492 : vector<16xf32>
          %add3A_494 = arith.addf %mul3A_488, %mul3A_493 : vector<16xf32>
          %get3A_495 = arith.index_cast %scan3A_92 : i32 to index
          %get3A_496 = arith.constant 272 : index
          %get3A_497 = tpu.vector_load %arg13[%get3A_495, %get3A_496] {strides = array<i32>} : memref<16x512xf32, #tpu.memory_space<vmem>>, vector<1x16xf32>,
          %get3A_498 = vector.shape_cast %get3A_497 : vector<1x16xf32> to vector<16xf32>
          %mul3A_499 = arith.mulf %get3A_110, %get3A_498 : vector<16xf32>
          %add3A_500 = arith.addf %add3A_494, %mul3A_499 : vector<16xf32>
          %swap3A_501 = arith.index_cast %scan3A_92 : i32 to index
          %swap3A_502 = arith.constant 272 : index
          %swap3A_503 = tpu.vector_load %arg15[%swap3A_501, %swap3A_502] {strides = array<i32>} : memref<16x512xf32, #tpu.memory_space<vmem>>, vector<1x16xf32>,
          %swap3A_504 = vector.shape_cast %swap3A_503 : vector<1x16xf32> to vector<16xf32>
          %swap3A_505 = vector.shape_cast %add3A_500 : vector<16xf32> to vector<1x16xf32>
          tpu.vector_store %arg15[%swap3A_501, %swap3A_502], %swap3A_505 {strides = array<i32>} : memref<16x512xf32, #tpu.memory_space<vmem>>, vector<1x16xf32>,
          %get3A_506 = arith.index_cast %scan3A_92 : i32 to index
          %get3A_507 = arith.constant 288 : index
          %get3A_508 = tpu.vector_load %arg11[%get3A_506, %get3A_507] {strides = array<i32>} : memref<16x512xf32, #tpu.memory_space<vmem>>, vector<1x16xf32>,
          %get3A_509 = vector.shape_cast %get3A_508 : vector<1x16xf32> to vector<16xf32>
          %mul3A_510 = arith.mulf %get3A_96, %get3A_509 : vector<16xf32>
          %get3A_511 = arith.index_cast %scan3A_92 : i32 to index
          %get3A_512 = arith.constant 288 : index
          %get3A_513 = tpu.vector_load %arg12[%get3A_511, %get3A_512] {strides = array<i32>} : memref<16x512xf32, #tpu.memory_space<vmem>>, vector<1x16xf32>,
          %get3A_514 = vector.shape_cast %get3A_513 : vector<1x16xf32> to vector<16xf32>
          %mul3A_515 = arith.mulf %get3A_103, %get3A_514 : vector<16xf32>
          %add3A_516 = arith.addf %mul3A_510, %mul3A_515 : vector<16xf32>
          %get3A_517 = arith.index_cast %scan3A_92 : i32 to index
          %get3A_518 = arith.constant 288 : index
          %get3A_519 = tpu.vector_load %arg13[%get3A_517, %get3A_518] {strides = array<i32>} : memref<16x512xf32, #tpu.memory_space<vmem>>, vector<1x16xf32>,
          %get3A_520 = vector.shape_cast %get3A_519 : vector<1x16xf32> to vector<16xf32>
          %mul3A_521 = arith.mulf %get3A_110, %get3A_520 : vector<16xf32>
          %add3A_522 = arith.addf %add3A_516, %mul3A_521 : vector<16xf32>
          %swap3A_523 = arith.index_cast %scan3A_92 : i32 to index
          %swap3A_524 = arith.constant 288 : index
          %swap3A_525 = tpu.vector_load %arg15[%swap3A_523, %swap3A_524] {strides = array<i32>} : memref<16x512xf32, #tpu.memory_space<vmem>>, vector<1x16xf32>,
          %swap3A_526 = vector.shape_cast %swap3A_525 : vector<1x16xf32> to vector<16xf32>
          %swap3A_527 = vector.shape_cast %add3A_522 : vector<16xf32> to vector<1x16xf32>
          tpu.vector_store %arg15[%swap3A_523, %swap3A_524], %swap3A_527 {strides = array<i32>} : memref<16x512xf32, #tpu.memory_space<vmem>>, vector<1x16xf32>,
          %get3A_528 = arith.index_cast %scan3A_92 : i32 to index
          %get3A_529 = arith.constant 304 : index
          %get3A_530 = tpu.vector_load %arg11[%get3A_528, %get3A_529] {strides = array<i32>} : memref<16x512xf32, #tpu.memory_space<vmem>>, vector<1x16xf32>,
          %get3A_531 = vector.shape_cast %get3A_530 : vector<1x16xf32> to vector<16xf32>
          %mul3A_532 = arith.mulf %get3A_96, %get3A_531 : vector<16xf32>
          %get3A_533 = arith.index_cast %scan3A_92 : i32 to index
          %get3A_534 = arith.constant 304 : index
          %get3A_535 = tpu.vector_load %arg12[%get3A_533, %get3A_534] {strides = array<i32>} : memref<16x512xf32, #tpu.memory_space<vmem>>, vector<1x16xf32>,
          %get3A_536 = vector.shape_cast %get3A_535 : vector<1x16xf32> to vector<16xf32>
          %mul3A_537 = arith.mulf %get3A_103, %get3A_536 : vector<16xf32>
          %add3A_538 = arith.addf %mul3A_532, %mul3A_537 : vector<16xf32>
          %get3A_539 = arith.index_cast %scan3A_92 : i32 to index
          %get3A_540 = arith.constant 304 : index
          %get3A_541 = tpu.vector_load %arg13[%get3A_539, %get3A_540] {strides = array<i32>} : memref<16x512xf32, #tpu.memory_space<vmem>>, vector<1x16xf32>,
          %get3A_542 = vector.shape_cast %get3A_541 : vector<1x16xf32> to vector<16xf32>
          %mul3A_543 = arith.mulf %get3A_110, %get3A_542 : vector<16xf32>
          %add3A_544 = arith.addf %add3A_538, %mul3A_543 : vector<16xf32>
          %swap3A_545 = arith.index_cast %scan3A_92 : i32 to index
          %swap3A_546 = arith.constant 304 : index
          %swap3A_547 = tpu.vector_load %arg15[%swap3A_545, %swap3A_546] {strides = array<i32>} : memref<16x512xf32, #tpu.memory_space<vmem>>, vector<1x16xf32>,
          %swap3A_548 = vector.shape_cast %swap3A_547 : vector<1x16xf32> to vector<16xf32>
          %swap3A_549 = vector.shape_cast %add3A_544 : vector<16xf32> to vector<1x16xf32>
          tpu.vector_store %arg15[%swap3A_545, %swap3A_546], %swap3A_549 {strides = array<i32>} : memref<16x512xf32, #tpu.memory_space<vmem>>, vector<1x16xf32>,
          %get3A_550 = arith.index_cast %scan3A_92 : i32 to index
          %get3A_551 = arith.constant 320 : index
          %get3A_552 = tpu.vector_load %arg11[%get3A_550, %get3A_551] {strides = array<i32>} : memref<16x512xf32, #tpu.memory_space<vmem>>, vector<1x16xf32>,
          %get3A_553 = vector.shape_cast %get3A_552 : vector<1x16xf32> to vector<16xf32>
          %mul3A_554 = arith.mulf %get3A_96, %get3A_553 : vector<16xf32>
          %get3A_555 = arith.index_cast %scan3A_92 : i32 to index
          %get3A_556 = arith.constant 320 : index
          %get3A_557 = tpu.vector_load %arg12[%get3A_555, %get3A_556] {strides = array<i32>} : memref<16x512xf32, #tpu.memory_space<vmem>>, vector<1x16xf32>,
          %get3A_558 = vector.shape_cast %get3A_557 : vector<1x16xf32> to vector<16xf32>
          %mul3A_559 = arith.mulf %get3A_103, %get3A_558 : vector<16xf32>
          %add3A_560 = arith.addf %mul3A_554, %mul3A_559 : vector<16xf32>
          %get3A_561 = arith.index_cast %scan3A_92 : i32 to index
          %get3A_562 = arith.constant 320 : index
          %get3A_563 = tpu.vector_load %arg13[%get3A_561, %get3A_562] {strides = array<i32>} : memref<16x512xf32, #tpu.memory_space<vmem>>, vector<1x16xf32>,
          %get3A_564 = vector.shape_cast %get3A_563 : vector<1x16xf32> to vector<16xf32>
          %mul3A_565 = arith.mulf %get3A_110, %get3A_564 : vector<16xf32>
          %add3A_566 = arith.addf %add3A_560, %mul3A_565 : vector<16xf32>
          %swap3A_567 = arith.index_cast %scan3A_92 : i32 to index
          %swap3A_568 = arith.constant 320 : index
          %swap3A_569 = tpu.vector_load %arg15[%swap3A_567, %swap3A_568] {strides = array<i32>} : memref<16x512xf32, #tpu.memory_space<vmem>>, vector<1x16xf32>,
          %swap3A_570 = vector.shape_cast %swap3A_569 : vector<1x16xf32> to vector<16xf32>
          %swap3A_571 = vector.shape_cast %add3A_566 : vector<16xf32> to vector<1x16xf32>
          tpu.vector_store %arg15[%swap3A_567, %swap3A_568], %swap3A_571 {strides = array<i32>} : memref<16x512xf32, #tpu.memory_space<vmem>>, vector<1x16xf32>,
          %get3A_572 = arith.index_cast %scan3A_92 : i32 to index
          %get3A_573 = arith.constant 336 : index
          %get3A_574 = tpu.vector_load %arg11[%get3A_572, %get3A_573] {strides = array<i32>} : memref<16x512xf32, #tpu.memory_space<vmem>>, vector<1x16xf32>,
          %get3A_575 = vector.shape_cast %get3A_574 : vector<1x16xf32> to vector<16xf32>
          %mul3A_576 = arith.mulf %get3A_96, %get3A_575 : vector<16xf32>
          %get3A_577 = arith.index_cast %scan3A_92 : i32 to index
          %get3A_578 = arith.constant 336 : index
          %get3A_579 = tpu.vector_load %arg12[%get3A_577, %get3A_578] {strides = array<i32>} : memref<16x512xf32, #tpu.memory_space<vmem>>, vector<1x16xf32>,
          %get3A_580 = vector.shape_cast %get3A_579 : vector<1x16xf32> to vector<16xf32>
          %mul3A_581 = arith.mulf %get3A_103, %get3A_580 : vector<16xf32>
          %add3A_582 = arith.addf %mul3A_576, %mul3A_581 : vector<16xf32>
          %get3A_583 = arith.index_cast %scan3A_92 : i32 to index
          %get3A_584 = arith.constant 336 : index
          %get3A_585 = tpu.vector_load %arg13[%get3A_583, %get3A_584] {strides = array<i32>} : memref<16x512xf32, #tpu.memory_space<vmem>>, vector<1x16xf32>,
          %get3A_586 = vector.shape_cast %get3A_585 : vector<1x16xf32> to vector<16xf32>
          %mul3A_587 = arith.mulf %get3A_110, %get3A_586 : vector<16xf32>
          %add3A_588 = arith.addf %add3A_582, %mul3A_587 : vector<16xf32>
          %swap3A_589 = arith.index_cast %scan3A_92 : i32 to index
          %swap3A_590 = arith.constant 336 : index
          %swap3A_591 = tpu.vector_load %arg15[%swap3A_589, %swap3A_590] {strides = array<i32>} : memref<16x512xf32, #tpu.memory_space<vmem>>, vector<1x16xf32>,
          %swap3A_592 = vector.shape_cast %swap3A_591 : vector<1x16xf32> to vector<16xf32>
          %swap3A_593 = vector.shape_cast %add3A_588 : vector<16xf32> to vector<1x16xf32>
          tpu.vector_store %arg15[%swap3A_589, %swap3A_590], %swap3A_593 {strides = array<i32>} : memref<16x512xf32, #tpu.memory_space<vmem>>, vector<1x16xf32>,
          %get3A_594 = arith.index_cast %scan3A_92 : i32 to index
          %get3A_595 = arith.constant 352 : index
          %get3A_596 = tpu.vector_load %arg11[%get3A_594, %get3A_595] {strides = array<i32>} : memref<16x512xf32, #tpu.memory_space<vmem>>, vector<1x16xf32>,
          %get3A_597 = vector.shape_cast %get3A_596 : vector<1x16xf32> to vector<16xf32>
          %mul3A_598 = arith.mulf %get3A_96, %get3A_597 : vector<16xf32>
          %get3A_599 = arith.index_cast %scan3A_92 : i32 to index
          %get3A_600 = arith.constant 352 : index
          %get3A_601 = tpu.vector_load %arg12[%get3A_599, %get3A_600] {strides = array<i32>} : memref<16x512xf32, #tpu.memory_space<vmem>>, vector<1x16xf32>,
          %get3A_602 = vector.shape_cast %get3A_601 : vector<1x16xf32> to vector<16xf32>
          %mul3A_603 = arith.mulf %get3A_103, %get3A_602 : vector<16xf32>
          %add3A_604 = arith.addf %mul3A_598, %mul3A_603 : vector<16xf32>
          %get3A_605 = arith.index_cast %scan3A_92 : i32 to index
          %get3A_606 = arith.constant 352 : index
          %get3A_607 = tpu.vector_load %arg13[%get3A_605, %get3A_606] {strides = array<i32>} : memref<16x512xf32, #tpu.memory_space<vmem>>, vector<1x16xf32>,
          %get3A_608 = vector.shape_cast %get3A_607 : vector<1x16xf32> to vector<16xf32>
          %mul3A_609 = arith.mulf %get3A_110, %get3A_608 : vector<16xf32>
          %add3A_610 = arith.addf %add3A_604, %mul3A_609 : vector<16xf32>
          %swap3A_611 = arith.index_cast %scan3A_92 : i32 to index
          %swap3A_612 = arith.constant 352 : index
          %swap3A_613 = tpu.vector_load %arg15[%swap3A_611, %swap3A_612] {strides = array<i32>} : memref<16x512xf32, #tpu.memory_space<vmem>>, vector<1x16xf32>,
          %swap3A_614 = vector.shape_cast %swap3A_613 : vector<1x16xf32> to vector<16xf32>
          %swap3A_615 = vector.shape_cast %add3A_610 : vector<16xf32> to vector<1x16xf32>
          tpu.vector_store %arg15[%swap3A_611, %swap3A_612], %swap3A_615 {strides = array<i32>} : memref<16x512xf32, #tpu.memory_space<vmem>>, vector<1x16xf32>,
          %get3A_616 = arith.index_cast %scan3A_92 : i32 to index
          %get3A_617 = arith.constant 368 : index
          %get3A_618 = tpu.vector_load %arg11[%get3A_616, %get3A_617] {strides = array<i32>} : memref<16x512xf32, #tpu.memory_space<vmem>>, vector<1x16xf32>,
          %get3A_619 = vector.shape_cast %get3A_618 : vector<1x16xf32> to vector<16xf32>
          %mul3A_620 = arith.mulf %get3A_96, %get3A_619 : vector<16xf32>
          %get3A_621 = arith.index_cast %scan3A_92 : i32 to index
          %get3A_622 = arith.constant 368 : index
          %get3A_623 = tpu.vector_load %arg12[%get3A_621, %get3A_622] {strides = array<i32>} : memref<16x512xf32, #tpu.memory_space<vmem>>, vector<1x16xf32>,
          %get3A_624 = vector.shape_cast %get3A_623 : vector<1x16xf32> to vector<16xf32>
          %mul3A_625 = arith.mulf %get3A_103, %get3A_624 : vector<16xf32>
          %add3A_626 = arith.addf %mul3A_620, %mul3A_625 : vector<16xf32>
          %get3A_627 = arith.index_cast %scan3A_92 : i32 to index
          %get3A_628 = arith.constant 368 : index
          %get3A_629 = tpu.vector_load %arg13[%get3A_627, %get3A_628] {strides = array<i32>} : memref<16x512xf32, #tpu.memory_space<vmem>>, vector<1x16xf32>,
          %get3A_630 = vector.shape_cast %get3A_629 : vector<1x16xf32> to vector<16xf32>
          %mul3A_631 = arith.mulf %get3A_110, %get3A_630 : vector<16xf32>
          %add3A_632 = arith.addf %add3A_626, %mul3A_631 : vector<16xf32>
          %swap3A_633 = arith.index_cast %scan3A_92 : i32 to index
          %swap3A_634 = arith.constant 368 : index
          %swap3A_635 = tpu.vector_load %arg15[%swap3A_633, %swap3A_634] {strides = array<i32>} : memref<16x512xf32, #tpu.memory_space<vmem>>, vector<1x16xf32>,
          %swap3A_636 = vector.shape_cast %swap3A_635 : vector<1x16xf32> to vector<16xf32>
          %swap3A_637 = vector.shape_cast %add3A_632 : vector<16xf32> to vector<1x16xf32>
          tpu.vector_store %arg15[%swap3A_633, %swap3A_634], %swap3A_637 {strides = array<i32>} : memref<16x512xf32, #tpu.memory_space<vmem>>, vector<1x16xf32>,
          %get3A_638 = arith.index_cast %scan3A_92 : i32 to index
          %get3A_639 = arith.constant 384 : index
          %get3A_640 = tpu.vector_load %arg11[%get3A_638, %get3A_639] {strides = array<i32>} : memref<16x512xf32, #tpu.memory_space<vmem>>, vector<1x16xf32>,
          %get3A_641 = vector.shape_cast %get3A_640 : vector<1x16xf32> to vector<16xf32>
          %mul3A_642 = arith.mulf %get3A_96, %get3A_641 : vector<16xf32>
          %get3A_643 = arith.index_cast %scan3A_92 : i32 to index
          %get3A_644 = arith.constant 384 : index
          %get3A_645 = tpu.vector_load %arg12[%get3A_643, %get3A_644] {strides = array<i32>} : memref<16x512xf32, #tpu.memory_space<vmem>>, vector<1x16xf32>,
          %get3A_646 = vector.shape_cast %get3A_645 : vector<1x16xf32> to vector<16xf32>
          %mul3A_647 = arith.mulf %get3A_103, %get3A_646 : vector<16xf32>
          %add3A_648 = arith.addf %mul3A_642, %mul3A_647 : vector<16xf32>
          %get3A_649 = arith.index_cast %scan3A_92 : i32 to index
          %get3A_650 = arith.constant 384 : index
          %get3A_651 = tpu.vector_load %arg13[%get3A_649, %get3A_650] {strides = array<i32>} : memref<16x512xf32, #tpu.memory_space<vmem>>, vector<1x16xf32>,
          %get3A_652 = vector.shape_cast %get3A_651 : vector<1x16xf32> to vector<16xf32>
          %mul3A_653 = arith.mulf %get3A_110, %get3A_652 : vector<16xf32>
          %add3A_654 = arith.addf %add3A_648, %mul3A_653 : vector<16xf32>
          %swap3A_655 = arith.index_cast %scan3A_92 : i32 to index
          %swap3A_656 = arith.constant 384 : index
          %swap3A_657 = tpu.vector_load %arg15[%swap3A_655, %swap3A_656] {strides = array<i32>} : memref<16x512xf32, #tpu.memory_space<vmem>>, vector<1x16xf32>,
          %swap3A_658 = vector.shape_cast %swap3A_657 : vector<1x16xf32> to vector<16xf32>
          %swap3A_659 = vector.shape_cast %add3A_654 : vector<16xf32> to vector<1x16xf32>
          tpu.vector_store %arg15[%swap3A_655, %swap3A_656], %swap3A_659 {strides = array<i32>} : memref<16x512xf32, #tpu.memory_space<vmem>>, vector<1x16xf32>,
          %get3A_660 = arith.index_cast %scan3A_92 : i32 to index
          %get3A_661 = arith.constant 400 : index
          %get3A_662 = tpu.vector_load %arg11[%get3A_660, %get3A_661] {strides = array<i32>} : memref<16x512xf32, #tpu.memory_space<vmem>>, vector<1x16xf32>,
          %get3A_663 = vector.shape_cast %get3A_662 : vector<1x16xf32> to vector<16xf32>
          %mul3A_664 = arith.mulf %get3A_96, %get3A_663 : vector<16xf32>
          %get3A_665 = arith.index_cast %scan3A_92 : i32 to index
          %get3A_666 = arith.constant 400 : index
          %get3A_667 = tpu.vector_load %arg12[%get3A_665, %get3A_666] {strides = array<i32>} : memref<16x512xf32, #tpu.memory_space<vmem>>, vector<1x16xf32>,
          %get3A_668 = vector.shape_cast %get3A_667 : vector<1x16xf32> to vector<16xf32>
          %mul3A_669 = arith.mulf %get3A_103, %get3A_668 : vector<16xf32>
          %add3A_670 = arith.addf %mul3A_664, %mul3A_669 : vector<16xf32>
          %get3A_671 = arith.index_cast %scan3A_92 : i32 to index
          %get3A_672 = arith.constant 400 : index
          %get3A_673 = tpu.vector_load %arg13[%get3A_671, %get3A_672] {strides = array<i32>} : memref<16x512xf32, #tpu.memory_space<vmem>>, vector<1x16xf32>,
          %get3A_674 = vector.shape_cast %get3A_673 : vector<1x16xf32> to vector<16xf32>
          %mul3A_675 = arith.mulf %get3A_110, %get3A_674 : vector<16xf32>
          %add3A_676 = arith.addf %add3A_670, %mul3A_675 : vector<16xf32>
          %swap3A_677 = arith.index_cast %scan3A_92 : i32 to index
          %swap3A_678 = arith.constant 400 : index
          %swap3A_679 = tpu.vector_load %arg15[%swap3A_677, %swap3A_678] {strides = array<i32>} : memref<16x512xf32, #tpu.memory_space<vmem>>, vector<1x16xf32>,
          %swap3A_680 = vector.shape_cast %swap3A_679 : vector<1x16xf32> to vector<16xf32>
          %swap3A_681 = vector.shape_cast %add3A_676 : vector<16xf32> to vector<1x16xf32>
          tpu.vector_store %arg15[%swap3A_677, %swap3A_678], %swap3A_681 {strides = array<i32>} : memref<16x512xf32, #tpu.memory_space<vmem>>, vector<1x16xf32>,
          %get3A_682 = arith.index_cast %scan3A_92 : i32 to index
          %get3A_683 = arith.constant 416 : index
          %get3A_684 = tpu.vector_load %arg11[%get3A_682, %get3A_683] {strides = array<i32>} : memref<16x512xf32, #tpu.memory_space<vmem>>, vector<1x16xf32>,
          %get3A_685 = vector.shape_cast %get3A_684 : vector<1x16xf32> to vector<16xf32>
          %mul3A_686 = arith.mulf %get3A_96, %get3A_685 : vector<16xf32>
          %get3A_687 = arith.index_cast %scan3A_92 : i32 to index
          %get3A_688 = arith.constant 416 : index
          %get3A_689 = tpu.vector_load %arg12[%get3A_687, %get3A_688] {strides = array<i32>} : memref<16x512xf32, #tpu.memory_space<vmem>>, vector<1x16xf32>,
          %get3A_690 = vector.shape_cast %get3A_689 : vector<1x16xf32> to vector<16xf32>
          %mul3A_691 = arith.mulf %get3A_103, %get3A_690 : vector<16xf32>
          %add3A_692 = arith.addf %mul3A_686, %mul3A_691 : vector<16xf32>
          %get3A_693 = arith.index_cast %scan3A_92 : i32 to index
          %get3A_694 = arith.constant 416 : index
          %get3A_695 = tpu.vector_load %arg13[%get3A_693, %get3A_694] {strides = array<i32>} : memref<16x512xf32, #tpu.memory_space<vmem>>, vector<1x16xf32>,
          %get3A_696 = vector.shape_cast %get3A_695 : vector<1x16xf32> to vector<16xf32>
          %mul3A_697 = arith.mulf %get3A_110, %get3A_696 : vector<16xf32>
          %add3A_698 = arith.addf %add3A_692, %mul3A_697 : vector<16xf32>
          %swap3A_699 = arith.index_cast %scan3A_92 : i32 to index
          %swap3A_700 = arith.constant 416 : index
          %swap3A_701 = tpu.vector_load %arg15[%swap3A_699, %swap3A_700] {strides = array<i32>} : memref<16x512xf32, #tpu.memory_space<vmem>>, vector<1x16xf32>,
          %swap3A_702 = vector.shape_cast %swap3A_701 : vector<1x16xf32> to vector<16xf32>
          %swap3A_703 = vector.shape_cast %add3A_698 : vector<16xf32> to vector<1x16xf32>
          tpu.vector_store %arg15[%swap3A_699, %swap3A_700], %swap3A_703 {strides = array<i32>} : memref<16x512xf32, #tpu.memory_space<vmem>>, vector<1x16xf32>,
          %get3A_704 = arith.index_cast %scan3A_92 : i32 to index
          %get3A_705 = arith.constant 432 : index
          %get3A_706 = tpu.vector_load %arg11[%get3A_704, %get3A_705] {strides = array<i32>} : memref<16x512xf32, #tpu.memory_space<vmem>>, vector<1x16xf32>,
          %get3A_707 = vector.shape_cast %get3A_706 : vector<1x16xf32> to vector<16xf32>
          %mul3A_708 = arith.mulf %get3A_96, %get3A_707 : vector<16xf32>
          %get3A_709 = arith.index_cast %scan3A_92 : i32 to index
          %get3A_710 = arith.constant 432 : index
          %get3A_711 = tpu.vector_load %arg12[%get3A_709, %get3A_710] {strides = array<i32>} : memref<16x512xf32, #tpu.memory_space<vmem>>, vector<1x16xf32>,
          %get3A_712 = vector.shape_cast %get3A_711 : vector<1x16xf32> to vector<16xf32>
          %mul3A_713 = arith.mulf %get3A_103, %get3A_712 : vector<16xf32>
          %add3A_714 = arith.addf %mul3A_708, %mul3A_713 : vector<16xf32>
          %get3A_715 = arith.index_cast %scan3A_92 : i32 to index
          %get3A_716 = arith.constant 432 : index
          %get3A_717 = tpu.vector_load %arg13[%get3A_715, %get3A_716] {strides = array<i32>} : memref<16x512xf32, #tpu.memory_space<vmem>>, vector<1x16xf32>,
          %get3A_718 = vector.shape_cast %get3A_717 : vector<1x16xf32> to vector<16xf32>
          %mul3A_719 = arith.mulf %get3A_110, %get3A_718 : vector<16xf32>
          %add3A_720 = arith.addf %add3A_714, %mul3A_719 : vector<16xf32>
          %swap3A_721 = arith.index_cast %scan3A_92 : i32 to index
          %swap3A_722 = arith.constant 432 : index
          %swap3A_723 = tpu.vector_load %arg15[%swap3A_721, %swap3A_722] {strides = array<i32>} : memref<16x512xf32, #tpu.memory_space<vmem>>, vector<1x16xf32>,
          %swap3A_724 = vector.shape_cast %swap3A_723 : vector<1x16xf32> to vector<16xf32>
          %swap3A_725 = vector.shape_cast %add3A_720 : vector<16xf32> to vector<1x16xf32>
          tpu.vector_store %arg15[%swap3A_721, %swap3A_722], %swap3A_725 {strides = array<i32>} : memref<16x512xf32, #tpu.memory_space<vmem>>, vector<1x16xf32>,
          %get3A_726 = arith.index_cast %scan3A_92 : i32 to index
          %get3A_727 = arith.constant 448 : index
          %get3A_728 = tpu.vector_load %arg11[%get3A_726, %get3A_727] {strides = array<i32>} : memref<16x512xf32, #tpu.memory_space<vmem>>, vector<1x16xf32>,
          %get3A_729 = vector.shape_cast %get3A_728 : vector<1x16xf32> to vector<16xf32>
          %mul3A_730 = arith.mulf %get3A_96, %get3A_729 : vector<16xf32>
          %get3A_731 = arith.index_cast %scan3A_92 : i32 to index
          %get3A_732 = arith.constant 448 : index
          %get3A_733 = tpu.vector_load %arg12[%get3A_731, %get3A_732] {strides = array<i32>} : memref<16x512xf32, #tpu.memory_space<vmem>>, vector<1x16xf32>,
          %get3A_734 = vector.shape_cast %get3A_733 : vector<1x16xf32> to vector<16xf32>
          %mul3A_735 = arith.mulf %get3A_103, %get3A_734 : vector<16xf32>
          %add3A_736 = arith.addf %mul3A_730, %mul3A_735 : vector<16xf32>
          %get3A_737 = arith.index_cast %scan3A_92 : i32 to index
          %get3A_738 = arith.constant 448 : index
          %get3A_739 = tpu.vector_load %arg13[%get3A_737, %get3A_738] {strides = array<i32>} : memref<16x512xf32, #tpu.memory_space<vmem>>, vector<1x16xf32>,
          %get3A_740 = vector.shape_cast %get3A_739 : vector<1x16xf32> to vector<16xf32>
          %mul3A_741 = arith.mulf %get3A_110, %get3A_740 : vector<16xf32>
          %add3A_742 = arith.addf %add3A_736, %mul3A_741 : vector<16xf32>
          %swap3A_743 = arith.index_cast %scan3A_92 : i32 to index
          %swap3A_744 = arith.constant 448 : index
          %swap3A_745 = tpu.vector_load %arg15[%swap3A_743, %swap3A_744] {strides = array<i32>} : memref<16x512xf32, #tpu.memory_space<vmem>>, vector<1x16xf32>,
          %swap3A_746 = vector.shape_cast %swap3A_745 : vector<1x16xf32> to vector<16xf32>
          %swap3A_747 = vector.shape_cast %add3A_742 : vector<16xf32> to vector<1x16xf32>
          tpu.vector_store %arg15[%swap3A_743, %swap3A_744], %swap3A_747 {strides = array<i32>} : memref<16x512xf32, #tpu.memory_space<vmem>>, vector<1x16xf32>,
          %get3A_748 = arith.index_cast %scan3A_92 : i32 to index
          %get3A_749 = arith.constant 464 : index
          %get3A_750 = tpu.vector_load %arg11[%get3A_748, %get3A_749] {strides = array<i32>} : memref<16x512xf32, #tpu.memory_space<vmem>>, vector<1x16xf32>,
          %get3A_751 = vector.shape_cast %get3A_750 : vector<1x16xf32> to vector<16xf32>
          %mul3A_752 = arith.mulf %get3A_96, %get3A_751 : vector<16xf32>
          %get3A_753 = arith.index_cast %scan3A_92 : i32 to index
          %get3A_754 = arith.constant 464 : index
          %get3A_755 = tpu.vector_load %arg12[%get3A_753, %get3A_754] {strides = array<i32>} : memref<16x512xf32, #tpu.memory_space<vmem>>, vector<1x16xf32>,
          %get3A_756 = vector.shape_cast %get3A_755 : vector<1x16xf32> to vector<16xf32>
          %mul3A_757 = arith.mulf %get3A_103, %get3A_756 : vector<16xf32>
          %add3A_758 = arith.addf %mul3A_752, %mul3A_757 : vector<16xf32>
          %get3A_759 = arith.index_cast %scan3A_92 : i32 to index
          %get3A_760 = arith.constant 464 : index
          %get3A_761 = tpu.vector_load %arg13[%get3A_759, %get3A_760] {strides = array<i32>} : memref<16x512xf32, #tpu.memory_space<vmem>>, vector<1x16xf32>,
          %get3A_762 = vector.shape_cast %get3A_761 : vector<1x16xf32> to vector<16xf32>
          %mul3A_763 = arith.mulf %get3A_110, %get3A_762 : vector<16xf32>
          %add3A_764 = arith.addf %add3A_758, %mul3A_763 : vector<16xf32>
          %swap3A_765 = arith.index_cast %scan3A_92 : i32 to index
          %swap3A_766 = arith.constant 464 : index
          %swap3A_767 = tpu.vector_load %arg15[%swap3A_765, %swap3A_766] {strides = array<i32>} : memref<16x512xf32, #tpu.memory_space<vmem>>, vector<1x16xf32>,
          %swap3A_768 = vector.shape_cast %swap3A_767 : vector<1x16xf32> to vector<16xf32>
          %swap3A_769 = vector.shape_cast %add3A_764 : vector<16xf32> to vector<1x16xf32>
          tpu.vector_store %arg15[%swap3A_765, %swap3A_766], %swap3A_769 {strides = array<i32>} : memref<16x512xf32, #tpu.memory_space<vmem>>, vector<1x16xf32>,
          %get3A_770 = arith.index_cast %scan3A_92 : i32 to index
          %get3A_771 = arith.constant 480 : index
          %get3A_772 = tpu.vector_load %arg11[%get3A_770, %get3A_771] {strides = array<i32>} : memref<16x512xf32, #tpu.memory_space<vmem>>, vector<1x16xf32>,
          %get3A_773 = vector.shape_cast %get3A_772 : vector<1x16xf32> to vector<16xf32>
          %mul3A_774 = arith.mulf %get3A_96, %get3A_773 : vector<16xf32>
          %get3A_775 = arith.index_cast %scan3A_92 : i32 to index
          %get3A_776 = arith.constant 480 : index
          %get3A_777 = tpu.vector_load %arg12[%get3A_775, %get3A_776] {strides = array<i32>} : memref<16x512xf32, #tpu.memory_space<vmem>>, vector<1x16xf32>,
          %get3A_778 = vector.shape_cast %get3A_777 : vector<1x16xf32> to vector<16xf32>
          %mul3A_779 = arith.mulf %get3A_103, %get3A_778 : vector<16xf32>
          %add3A_780 = arith.addf %mul3A_774, %mul3A_779 : vector<16xf32>
          %get3A_781 = arith.index_cast %scan3A_92 : i32 to index
          %get3A_782 = arith.constant 480 : index
          %get3A_783 = tpu.vector_load %arg13[%get3A_781, %get3A_782] {strides = array<i32>} : memref<16x512xf32, #tpu.memory_space<vmem>>, vector<1x16xf32>,
          %get3A_784 = vector.shape_cast %get3A_783 : vector<1x16xf32> to vector<16xf32>
          %mul3A_785 = arith.mulf %get3A_110, %get3A_784 : vector<16xf32>
          %add3A_786 = arith.addf %add3A_780, %mul3A_785 : vector<16xf32>
          %swap3A_787 = arith.index_cast %scan3A_92 : i32 to index
          %swap3A_788 = arith.constant 480 : index
          %swap3A_789 = tpu.vector_load %arg15[%swap3A_787, %swap3A_788] {strides = array<i32>} : memref<16x512xf32, #tpu.memory_space<vmem>>, vector<1x16xf32>,
          %swap3A_790 = vector.shape_cast %swap3A_789 : vector<1x16xf32> to vector<16xf32>
          %swap3A_791 = vector.shape_cast %add3A_786 : vector<16xf32> to vector<1x16xf32>
          tpu.vector_store %arg15[%swap3A_787, %swap3A_788], %swap3A_791 {strides = array<i32>} : memref<16x512xf32, #tpu.memory_space<vmem>>, vector<1x16xf32>,
          %get3A_792 = arith.index_cast %scan3A_92 : i32 to index
          %get3A_793 = arith.constant 496 : index
          %get3A_794 = tpu.vector_load %arg11[%get3A_792, %get3A_793] {strides = array<i32>} : memref<16x512xf32, #tpu.memory_space<vmem>>, vector<1x16xf32>,
          %get3A_795 = vector.shape_cast %get3A_794 : vector<1x16xf32> to vector<16xf32>
          %mul3A_796 = arith.mulf %get3A_96, %get3A_795 : vector<16xf32>
          %get3A_797 = arith.index_cast %scan3A_92 : i32 to index
          %get3A_798 = arith.constant 496 : index
          %get3A_799 = tpu.vector_load %arg12[%get3A_797, %get3A_798] {strides = array<i32>} : memref<16x512xf32, #tpu.memory_space<vmem>>, vector<1x16xf32>,
          %get3A_800 = vector.shape_cast %get3A_799 : vector<1x16xf32> to vector<16xf32>
          %mul3A_801 = arith.mulf %get3A_103, %get3A_800 : vector<16xf32>
          %add3A_802 = arith.addf %mul3A_796, %mul3A_801 : vector<16xf32>
          %get3A_803 = arith.index_cast %scan3A_92 : i32 to index
          %get3A_804 = arith.constant 496 : index
          %get3A_805 = tpu.vector_load %arg13[%get3A_803, %get3A_804] {strides = array<i32>} : memref<16x512xf32, #tpu.memory_space<vmem>>, vector<1x16xf32>,
          %get3A_806 = vector.shape_cast %get3A_805 : vector<1x16xf32> to vector<16xf32>
          %mul3A_807 = arith.mulf %get3A_110, %get3A_806 : vector<16xf32>
          %add3A_808 = arith.addf %add3A_802, %mul3A_807 : vector<16xf32>
          %swap3A_809 = arith.index_cast %scan3A_92 : i32 to index
          %swap3A_810 = arith.constant 496 : index
          %swap3A_811 = tpu.vector_load %arg15[%swap3A_809, %swap3A_810] {strides = array<i32>} : memref<16x512xf32, #tpu.memory_space<vmem>>, vector<1x16xf32>,
          %swap3A_812 = vector.shape_cast %swap3A_811 : vector<1x16xf32> to vector<16xf32>
          %swap3A_813 = vector.shape_cast %add3A_808 : vector<16xf32> to vector<1x16xf32>
          tpu.vector_store %arg15[%swap3A_809, %swap3A_810], %swap3A_813 {strides = array<i32>} : memref<16x512xf32, #tpu.memory_space<vmem>>, vector<1x16xf32>,
        }
        %scan3A_84 = arith.constant 16 : i32
        %mul3A_85 = arith.constant 16 : i32
        %mul3A_86 = arith.muli %scan3A_39, %mul3A_85 : i32
        %add3A_87 = arith.addi %mul3A_2, %mul3A_86 : i32
        %dma_start3A_88 = arith.constant 0 : i32
        %dma_start3A_89 = tpu.memref_slice %arg7[%add3A_87, %dma_start3A_88] : memref<32768x512xf32, #tpu.memory_space<hbm>> -> memref<16x512xf32, #tpu.memory_space<hbm>>
        %dma_start3A_90 = arith.constant 0 : i32
        %dma_start3A_91 = tpu.memref_slice %arg7[%add3A_87, %dma_start3A_90] : memref<32768x512xf32, #tpu.memory_space<hbm>> -> memref<16x512xf32, #tpu.memory_space<hbm>>
        tpu.enqueue_dma source(%arg15 : memref<16x512xf32, #tpu.memory_space<vmem>>) target(%dma_start3A_91 : memref<16x512xf32, #tpu.memory_space<hbm>>) target_semaphore(%arg23 : memref<!tpu.dma_semaphore, #tpu.memory_space<semaphore_mem>>)
      } else {
      }
      %not3A = arith.constant true
      %not3A_43 = arith.xori %eq3A_41, %not3A : i1
      %convert_element_type3A_44 = arith.extui %not3A_43 : i1 to i32
      %cond3A_45 = arith.constant 0 : i32
      %cond3A_46 = arith.cmpi ne, %convert_element_type3A_44, %cond3A_45 : i32
      scf.if %cond3A_46 {
        %add3A_47 = arith.constant 1 : i32
        %add3A_48 = arith.addi %scan3A_39, %add3A_47 : i32
        %lt3A = arith.constant 64 : i32
        %lt3A_49 = arith.cmpi slt, %add3A_48, %lt3A : i32
        %convert_element_type3A_50 = arith.extui %lt3A_49 : i1 to i32
        %cond3A_51 = arith.constant 0 : i32
        %cond3A_52 = arith.cmpi ne, %convert_element_type3A_50, %cond3A_51 : i32
        scf.if %cond3A_52 {
          %add3A_92 = arith.constant 1 : i32
          %add3A_93 = arith.addi %scan3A_39, %add3A_92 : i32
          %mul3A_94 = arith.constant 16 : i32
          %mul3A_95 = arith.muli %add3A_93, %mul3A_94 : i32
          %dma_start3A_96 = tpu.memref_slice %arg8[%mul3A_95] : memref<1024xi32, #tpu.memory_space<vmem>> -> memref<16xi32, #tpu.memory_space<vmem>>
          %dma_start3A_97 = arith.constant 0 : i32
          %dma_start3A_98 = arith.constant 0 : i32
          %dma_start3A_99 = tpu.memref_slice %arg2[%dma_start3A_97, %dma_start3A_98] : memref<16384x512xf32, #tpu.memory_space<hbm>> -> memref<16384x512xf32, #tpu.memory_space<hbm>>
          tpu.enqueue_indirect_dma source(%dma_start3A_99 : memref<16384x512xf32, #tpu.memory_space<hbm>>) target(%arg11 : memref<16x512xf32, #tpu.memory_space<vmem>>) offsets(%dma_start3A_96 : memref<16xi32, #tpu.memory_space<vmem>>) semaphore(%arg21 : memref<!tpu.dma_semaphore, #tpu.memory_space<semaphore_mem>>)
          %dma_start3A_100 = tpu.memref_slice %arg9[%mul3A_95] : memref<1024xi32, #tpu.memory_space<vmem>> -> memref<16xi32, #tpu.memory_space<vmem>>
          %dma_start3A_101 = arith.constant 0 : i32
          %dma_start3A_102 = arith.constant 0 : i32
          %dma_start3A_103 = tpu.memref_slice %arg2[%dma_start3A_101, %dma_start3A_102] : memref<16384x512xf32, #tpu.memory_space<hbm>> -> memref<16384x512xf32, #tpu.memory_space<hbm>>
          tpu.enqueue_indirect_dma source(%dma_start3A_103 : memref<16384x512xf32, #tpu.memory_space<hbm>>) target(%arg12 : memref<16x512xf32, #tpu.memory_space<vmem>>) offsets(%dma_start3A_100 : memref<16xi32, #tpu.memory_space<vmem>>) semaphore(%arg21 : memref<!tpu.dma_semaphore, #tpu.memory_space<semaphore_mem>>)
          %dma_start3A_104 = tpu.memref_slice %arg10[%mul3A_95] : memref<1024xi32, #tpu.memory_space<vmem>> -> memref<16xi32, #tpu.memory_space<vmem>>
          %dma_start3A_105 = arith.constant 0 : i32
          %dma_start3A_106 = arith.constant 0 : i32
          %dma_start3A_107 = tpu.memref_slice %arg2[%dma_start3A_105, %dma_start3A_106] : memref<16384x512xf32, #tpu.memory_space<hbm>> -> memref<16384x512xf32, #tpu.memory_space<hbm>>
          tpu.enqueue_indirect_dma source(%dma_start3A_107 : memref<16384x512xf32, #tpu.memory_space<hbm>>) target(%arg13 : memref<16x512xf32, #tpu.memory_space<vmem>>) offsets(%dma_start3A_104 : memref<16xi32, #tpu.memory_space<vmem>>) semaphore(%arg21 : memref<!tpu.dma_semaphore, #tpu.memory_space<semaphore_mem>>)
          %add3A_108 = arith.addi %mul3A_2, %mul3A_95 : i32
          %mul3A_109 = arith.constant 48 : i32
          %mul3A_110 = arith.muli %add3A_108, %mul3A_109 : i32
          %dma_start3A_111 = tpu.memref_slice %arg6[%mul3A_110] : memref<1572864xf32, #tpu.memory_space<hbm>> -> memref<768xf32, #tpu.memory_space<hbm>>
          %dma_start3A_112 = tpu.memref_slice %arg6[%mul3A_110] : memref<1572864xf32, #tpu.memory_space<hbm>> -> memref<768xf32, #tpu.memory_space<hbm>>
          tpu.enqueue_dma source(%dma_start3A_112 : memref<768xf32, #tpu.memory_space<hbm>>) target(%arg14 : memref<768xf32, #tpu.memory_space<vmem>>) target_semaphore(%arg21 : memref<!tpu.dma_semaphore, #tpu.memory_space<semaphore_mem>>)
        } else {
        }
        %dma_wait3A_53 = arith.constant 0 : i32
        %dma_wait3A_54 = arith.constant 0 : i32
        %dma_wait3A_55 = tpu.memref_slice %arg2[%dma_wait3A_53, %dma_wait3A_54] : memref<16384x512xf32, #tpu.memory_space<hbm>> -> memref<16x512xf32, #tpu.memory_space<hbm>>
        %dma_wait3A_56 = arith.constant 0 : i32
        %dma_wait3A_57 = arith.constant 0 : i32
        %dma_wait3A_58 = tpu.memref_slice %arg2[%dma_wait3A_56, %dma_wait3A_57] : memref<16384x512xf32, #tpu.memory_space<hbm>> -> memref<16x512xf32, #tpu.memory_space<hbm>>
        tpu.wait_dma2 semaphore(%arg22 : memref<!tpu.dma_semaphore, #tpu.memory_space<semaphore_mem>>) src(%dma_wait3A_58 : memref<16x512xf32, #tpu.memory_space<hbm>>) dst(%arg16 : memref<16x512xf32, #tpu.memory_space<vmem>>)
        %dma_wait3A_59 = arith.constant 0 : i32
        %dma_wait3A_60 = arith.constant 0 : i32
        %dma_wait3A_61 = tpu.memref_slice %arg2[%dma_wait3A_59, %dma_wait3A_60] : memref<16384x512xf32, #tpu.memory_space<hbm>> -> memref<16x512xf32, #tpu.memory_space<hbm>>
        %dma_wait3A_62 = arith.constant 0 : i32
        %dma_wait3A_63 = arith.constant 0 : i32
        %dma_wait3A_64 = tpu.memref_slice %arg2[%dma_wait3A_62, %dma_wait3A_63] : memref<16384x512xf32, #tpu.memory_space<hbm>> -> memref<16x512xf32, #tpu.memory_space<hbm>>
        tpu.wait_dma2 semaphore(%arg22 : memref<!tpu.dma_semaphore, #tpu.memory_space<semaphore_mem>>) src(%dma_wait3A_64 : memref<16x512xf32, #tpu.memory_space<hbm>>) dst(%arg17 : memref<16x512xf32, #tpu.memory_space<vmem>>)
        %dma_wait3A_65 = arith.constant 0 : i32
        %dma_wait3A_66 = arith.constant 0 : i32
        %dma_wait3A_67 = tpu.memref_slice %arg2[%dma_wait3A_65, %dma_wait3A_66] : memref<16384x512xf32, #tpu.memory_space<hbm>> -> memref<16x512xf32, #tpu.memory_space<hbm>>
        %dma_wait3A_68 = arith.constant 0 : i32
        %dma_wait3A_69 = arith.constant 0 : i32
        %dma_wait3A_70 = tpu.memref_slice %arg2[%dma_wait3A_68, %dma_wait3A_69] : memref<16384x512xf32, #tpu.memory_space<hbm>> -> memref<16x512xf32, #tpu.memory_space<hbm>>
        tpu.wait_dma2 semaphore(%arg22 : memref<!tpu.dma_semaphore, #tpu.memory_space<semaphore_mem>>) src(%dma_wait3A_70 : memref<16x512xf32, #tpu.memory_space<hbm>>) dst(%arg18 : memref<16x512xf32, #tpu.memory_space<vmem>>)
        %dma_wait3A_71 = arith.constant 0 : i32
        %dma_wait3A_72 = tpu.memref_slice %arg6[%dma_wait3A_71] : memref<1572864xf32, #tpu.memory_space<hbm>> -> memref<768xf32, #tpu.memory_space<hbm>>
        %dma_wait3A_73 = arith.constant 0 : i32
        %dma_wait3A_74 = tpu.memref_slice %arg6[%dma_wait3A_73] : memref<1572864xf32, #tpu.memory_space<hbm>> -> memref<768xf32, #tpu.memory_space<hbm>>
        tpu.wait_dma2 semaphore(%arg22 : memref<!tpu.dma_semaphore, #tpu.memory_space<semaphore_mem>>) src(%dma_wait3A_74 : memref<768xf32, #tpu.memory_space<hbm>>) dst(%arg19 : memref<768xf32, #tpu.memory_space<vmem>>)
        %ge3A = arith.constant 2 : i32
        %ge3A_75 = arith.cmpi sge, %scan3A_39, %ge3A : i32
        %convert_element_type3A_76 = arith.extui %ge3A_75 : i1 to i32
        %cond3A_77 = arith.constant 0 : i32
        %cond3A_78 = arith.cmpi ne, %convert_element_type3A_76, %cond3A_77 : i32
        scf.if %cond3A_78 {
          %dma_wait3A_92 = arith.constant 0 : i32
          %dma_wait3A_93 = arith.constant 0 : i32
          %dma_wait3A_94 = tpu.memref_slice %arg7[%dma_wait3A_92, %dma_wait3A_93] : memref<32768x512xf32, #tpu.memory_space<hbm>> -> memref<16x512xf32, #tpu.memory_space<hbm>>
          %dma_wait3A_95 = arith.constant 0 : i32
          %dma_wait3A_96 = arith.constant 0 : i32
          %dma_wait3A_97 = tpu.memref_slice %arg7[%dma_wait3A_95, %dma_wait3A_96] : memref<32768x512xf32, #tpu.memory_space<hbm>> -> memref<16x512xf32, #tpu.memory_space<hbm>>
          tpu.wait_dma2 semaphore(%arg24 : memref<!tpu.dma_semaphore, #tpu.memory_space<semaphore_mem>>) src(%arg20 : memref<16x512xf32, #tpu.memory_space<vmem>>) dst(%dma_wait3A_97 : memref<16x512xf32, #tpu.memory_space<hbm>>)
        } else {
        }
        %scan3A_79 = arith.constant 0 : i32
        %scan3A_80 = arith.constant 0 : i32
        %scan3A_81 = arith.constant 16 : i32
        %scan3A_82 = arith.addi %scan3A_80, %scan3A_81 : i32
        %scan3A_83 = arith.constant 1 : i32
        scf.for %scan3A_92 = %scan3A_80 to %scan3A_82 step %scan3A_83  : i32 {
          %mul3A_93 = arith.constant 48 : i32
          %mul3A_94 = arith.muli %scan3A_92, %mul3A_93 : i32
          %get3A = arith.index_cast %mul3A_94 : i32 to index
          %get3A_95 = tpu.vector_load %arg19[%get3A] {strides = array<i32>} : memref<768xf32, #tpu.memory_space<vmem>>, vector<16xf32>,
          %get3A_96 = vector.shape_cast %get3A_95 : vector<16xf32> to vector<16xf32>
          %mul3A_97 = arith.constant 48 : i32
          %mul3A_98 = arith.muli %scan3A_92, %mul3A_97 : i32
          %add3A_99 = arith.constant 16 : i32
          %add3A_100 = arith.addi %mul3A_98, %add3A_99 : i32
          %get3A_101 = arith.index_cast %add3A_100 : i32 to index
          %get3A_102 = tpu.vector_load %arg19[%get3A_101] {strides = array<i32>} : memref<768xf32, #tpu.memory_space<vmem>>, vector<16xf32>,
          %get3A_103 = vector.shape_cast %get3A_102 : vector<16xf32> to vector<16xf32>
          %mul3A_104 = arith.constant 48 : i32
          %mul3A_105 = arith.muli %scan3A_92, %mul3A_104 : i32
          %add3A_106 = arith.constant 32 : i32
          %add3A_107 = arith.addi %mul3A_105, %add3A_106 : i32
          %get3A_108 = arith.index_cast %add3A_107 : i32 to index
          %get3A_109 = tpu.vector_load %arg19[%get3A_108] {strides = array<i32>} : memref<768xf32, #tpu.memory_space<vmem>>, vector<16xf32>,
          %get3A_110 = vector.shape_cast %get3A_109 : vector<16xf32> to vector<16xf32>
          %get3A_111 = arith.index_cast %scan3A_92 : i32 to index
          %get3A_112 = arith.constant 0 : index
          %get3A_113 = tpu.vector_load %arg16[%get3A_111, %get3A_112] {strides = array<i32>} : memref<16x512xf32, #tpu.memory_space<vmem>>, vector<1x16xf32>,
          %get3A_114 = vector.shape_cast %get3A_113 : vector<1x16xf32> to vector<16xf32>
          %mul3A_115 = arith.mulf %get3A_96, %get3A_114 : vector<16xf32>
          %get3A_116 = arith.index_cast %scan3A_92 : i32 to index
          %get3A_117 = arith.constant 0 : index
          %get3A_118 = tpu.vector_load %arg17[%get3A_116, %get3A_117] {strides = array<i32>} : memref<16x512xf32, #tpu.memory_space<vmem>>, vector<1x16xf32>,
          %get3A_119 = vector.shape_cast %get3A_118 : vector<1x16xf32> to vector<16xf32>
          %mul3A_120 = arith.mulf %get3A_103, %get3A_119 : vector<16xf32>
          %add3A_121 = arith.addf %mul3A_115, %mul3A_120 : vector<16xf32>
          %get3A_122 = arith.index_cast %scan3A_92 : i32 to index
          %get3A_123 = arith.constant 0 : index
          %get3A_124 = tpu.vector_load %arg18[%get3A_122, %get3A_123] {strides = array<i32>} : memref<16x512xf32, #tpu.memory_space<vmem>>, vector<1x16xf32>,
          %get3A_125 = vector.shape_cast %get3A_124 : vector<1x16xf32> to vector<16xf32>
          %mul3A_126 = arith.mulf %get3A_110, %get3A_125 : vector<16xf32>
          %add3A_127 = arith.addf %add3A_121, %mul3A_126 : vector<16xf32>
          %swap3A = arith.index_cast %scan3A_92 : i32 to index
          %swap3A_128 = arith.constant 0 : index
          %swap3A_129 = tpu.vector_load %arg20[%swap3A, %swap3A_128] {strides = array<i32>} : memref<16x512xf32, #tpu.memory_space<vmem>>, vector<1x16xf32>,
          %swap3A_130 = vector.shape_cast %swap3A_129 : vector<1x16xf32> to vector<16xf32>
          %swap3A_131 = vector.shape_cast %add3A_127 : vector<16xf32> to vector<1x16xf32>
          tpu.vector_store %arg20[%swap3A, %swap3A_128], %swap3A_131 {strides = array<i32>} : memref<16x512xf32, #tpu.memory_space<vmem>>, vector<1x16xf32>,
          %get3A_132 = arith.index_cast %scan3A_92 : i32 to index
          %get3A_133 = arith.constant 16 : index
          %get3A_134 = tpu.vector_load %arg16[%get3A_132, %get3A_133] {strides = array<i32>} : memref<16x512xf32, #tpu.memory_space<vmem>>, vector<1x16xf32>,
          %get3A_135 = vector.shape_cast %get3A_134 : vector<1x16xf32> to vector<16xf32>
          %mul3A_136 = arith.mulf %get3A_96, %get3A_135 : vector<16xf32>
          %get3A_137 = arith.index_cast %scan3A_92 : i32 to index
          %get3A_138 = arith.constant 16 : index
          %get3A_139 = tpu.vector_load %arg17[%get3A_137, %get3A_138] {strides = array<i32>} : memref<16x512xf32, #tpu.memory_space<vmem>>, vector<1x16xf32>,
          %get3A_140 = vector.shape_cast %get3A_139 : vector<1x16xf32> to vector<16xf32>
          %mul3A_141 = arith.mulf %get3A_103, %get3A_140 : vector<16xf32>
          %add3A_142 = arith.addf %mul3A_136, %mul3A_141 : vector<16xf32>
          %get3A_143 = arith.index_cast %scan3A_92 : i32 to index
          %get3A_144 = arith.constant 16 : index
          %get3A_145 = tpu.vector_load %arg18[%get3A_143, %get3A_144] {strides = array<i32>} : memref<16x512xf32, #tpu.memory_space<vmem>>, vector<1x16xf32>,
          %get3A_146 = vector.shape_cast %get3A_145 : vector<1x16xf32> to vector<16xf32>
          %mul3A_147 = arith.mulf %get3A_110, %get3A_146 : vector<16xf32>
          %add3A_148 = arith.addf %add3A_142, %mul3A_147 : vector<16xf32>
          %swap3A_149 = arith.index_cast %scan3A_92 : i32 to index
          %swap3A_150 = arith.constant 16 : index
          %swap3A_151 = tpu.vector_load %arg20[%swap3A_149, %swap3A_150] {strides = array<i32>} : memref<16x512xf32, #tpu.memory_space<vmem>>, vector<1x16xf32>,
          %swap3A_152 = vector.shape_cast %swap3A_151 : vector<1x16xf32> to vector<16xf32>
          %swap3A_153 = vector.shape_cast %add3A_148 : vector<16xf32> to vector<1x16xf32>
          tpu.vector_store %arg20[%swap3A_149, %swap3A_150], %swap3A_153 {strides = array<i32>} : memref<16x512xf32, #tpu.memory_space<vmem>>, vector<1x16xf32>,
          %get3A_154 = arith.index_cast %scan3A_92 : i32 to index
          %get3A_155 = arith.constant 32 : index
          %get3A_156 = tpu.vector_load %arg16[%get3A_154, %get3A_155] {strides = array<i32>} : memref<16x512xf32, #tpu.memory_space<vmem>>, vector<1x16xf32>,
          %get3A_157 = vector.shape_cast %get3A_156 : vector<1x16xf32> to vector<16xf32>
          %mul3A_158 = arith.mulf %get3A_96, %get3A_157 : vector<16xf32>
          %get3A_159 = arith.index_cast %scan3A_92 : i32 to index
          %get3A_160 = arith.constant 32 : index
          %get3A_161 = tpu.vector_load %arg17[%get3A_159, %get3A_160] {strides = array<i32>} : memref<16x512xf32, #tpu.memory_space<vmem>>, vector<1x16xf32>,
          %get3A_162 = vector.shape_cast %get3A_161 : vector<1x16xf32> to vector<16xf32>
          %mul3A_163 = arith.mulf %get3A_103, %get3A_162 : vector<16xf32>
          %add3A_164 = arith.addf %mul3A_158, %mul3A_163 : vector<16xf32>
          %get3A_165 = arith.index_cast %scan3A_92 : i32 to index
          %get3A_166 = arith.constant 32 : index
          %get3A_167 = tpu.vector_load %arg18[%get3A_165, %get3A_166] {strides = array<i32>} : memref<16x512xf32, #tpu.memory_space<vmem>>, vector<1x16xf32>,
          %get3A_168 = vector.shape_cast %get3A_167 : vector<1x16xf32> to vector<16xf32>
          %mul3A_169 = arith.mulf %get3A_110, %get3A_168 : vector<16xf32>
          %add3A_170 = arith.addf %add3A_164, %mul3A_169 : vector<16xf32>
          %swap3A_171 = arith.index_cast %scan3A_92 : i32 to index
          %swap3A_172 = arith.constant 32 : index
          %swap3A_173 = tpu.vector_load %arg20[%swap3A_171, %swap3A_172] {strides = array<i32>} : memref<16x512xf32, #tpu.memory_space<vmem>>, vector<1x16xf32>,
          %swap3A_174 = vector.shape_cast %swap3A_173 : vector<1x16xf32> to vector<16xf32>
          %swap3A_175 = vector.shape_cast %add3A_170 : vector<16xf32> to vector<1x16xf32>
          tpu.vector_store %arg20[%swap3A_171, %swap3A_172], %swap3A_175 {strides = array<i32>} : memref<16x512xf32, #tpu.memory_space<vmem>>, vector<1x16xf32>,
          %get3A_176 = arith.index_cast %scan3A_92 : i32 to index
          %get3A_177 = arith.constant 48 : index
          %get3A_178 = tpu.vector_load %arg16[%get3A_176, %get3A_177] {strides = array<i32>} : memref<16x512xf32, #tpu.memory_space<vmem>>, vector<1x16xf32>,
          %get3A_179 = vector.shape_cast %get3A_178 : vector<1x16xf32> to vector<16xf32>
          %mul3A_180 = arith.mulf %get3A_96, %get3A_179 : vector<16xf32>
          %get3A_181 = arith.index_cast %scan3A_92 : i32 to index
          %get3A_182 = arith.constant 48 : index
          %get3A_183 = tpu.vector_load %arg17[%get3A_181, %get3A_182] {strides = array<i32>} : memref<16x512xf32, #tpu.memory_space<vmem>>, vector<1x16xf32>,
          %get3A_184 = vector.shape_cast %get3A_183 : vector<1x16xf32> to vector<16xf32>
          %mul3A_185 = arith.mulf %get3A_103, %get3A_184 : vector<16xf32>
          %add3A_186 = arith.addf %mul3A_180, %mul3A_185 : vector<16xf32>
          %get3A_187 = arith.index_cast %scan3A_92 : i32 to index
          %get3A_188 = arith.constant 48 : index
          %get3A_189 = tpu.vector_load %arg18[%get3A_187, %get3A_188] {strides = array<i32>} : memref<16x512xf32, #tpu.memory_space<vmem>>, vector<1x16xf32>,
          %get3A_190 = vector.shape_cast %get3A_189 : vector<1x16xf32> to vector<16xf32>
          %mul3A_191 = arith.mulf %get3A_110, %get3A_190 : vector<16xf32>
          %add3A_192 = arith.addf %add3A_186, %mul3A_191 : vector<16xf32>
          %swap3A_193 = arith.index_cast %scan3A_92 : i32 to index
          %swap3A_194 = arith.constant 48 : index
          %swap3A_195 = tpu.vector_load %arg20[%swap3A_193, %swap3A_194] {strides = array<i32>} : memref<16x512xf32, #tpu.memory_space<vmem>>, vector<1x16xf32>,
          %swap3A_196 = vector.shape_cast %swap3A_195 : vector<1x16xf32> to vector<16xf32>
          %swap3A_197 = vector.shape_cast %add3A_192 : vector<16xf32> to vector<1x16xf32>
          tpu.vector_store %arg20[%swap3A_193, %swap3A_194], %swap3A_197 {strides = array<i32>} : memref<16x512xf32, #tpu.memory_space<vmem>>, vector<1x16xf32>,
          %get3A_198 = arith.index_cast %scan3A_92 : i32 to index
          %get3A_199 = arith.constant 64 : index
          %get3A_200 = tpu.vector_load %arg16[%get3A_198, %get3A_199] {strides = array<i32>} : memref<16x512xf32, #tpu.memory_space<vmem>>, vector<1x16xf32>,
          %get3A_201 = vector.shape_cast %get3A_200 : vector<1x16xf32> to vector<16xf32>
          %mul3A_202 = arith.mulf %get3A_96, %get3A_201 : vector<16xf32>
          %get3A_203 = arith.index_cast %scan3A_92 : i32 to index
          %get3A_204 = arith.constant 64 : index
          %get3A_205 = tpu.vector_load %arg17[%get3A_203, %get3A_204] {strides = array<i32>} : memref<16x512xf32, #tpu.memory_space<vmem>>, vector<1x16xf32>,
          %get3A_206 = vector.shape_cast %get3A_205 : vector<1x16xf32> to vector<16xf32>
          %mul3A_207 = arith.mulf %get3A_103, %get3A_206 : vector<16xf32>
          %add3A_208 = arith.addf %mul3A_202, %mul3A_207 : vector<16xf32>
          %get3A_209 = arith.index_cast %scan3A_92 : i32 to index
          %get3A_210 = arith.constant 64 : index
          %get3A_211 = tpu.vector_load %arg18[%get3A_209, %get3A_210] {strides = array<i32>} : memref<16x512xf32, #tpu.memory_space<vmem>>, vector<1x16xf32>,
          %get3A_212 = vector.shape_cast %get3A_211 : vector<1x16xf32> to vector<16xf32>
          %mul3A_213 = arith.mulf %get3A_110, %get3A_212 : vector<16xf32>
          %add3A_214 = arith.addf %add3A_208, %mul3A_213 : vector<16xf32>
          %swap3A_215 = arith.index_cast %scan3A_92 : i32 to index
          %swap3A_216 = arith.constant 64 : index
          %swap3A_217 = tpu.vector_load %arg20[%swap3A_215, %swap3A_216] {strides = array<i32>} : memref<16x512xf32, #tpu.memory_space<vmem>>, vector<1x16xf32>,
          %swap3A_218 = vector.shape_cast %swap3A_217 : vector<1x16xf32> to vector<16xf32>
          %swap3A_219 = vector.shape_cast %add3A_214 : vector<16xf32> to vector<1x16xf32>
          tpu.vector_store %arg20[%swap3A_215, %swap3A_216], %swap3A_219 {strides = array<i32>} : memref<16x512xf32, #tpu.memory_space<vmem>>, vector<1x16xf32>,
          %get3A_220 = arith.index_cast %scan3A_92 : i32 to index
          %get3A_221 = arith.constant 80 : index
          %get3A_222 = tpu.vector_load %arg16[%get3A_220, %get3A_221] {strides = array<i32>} : memref<16x512xf32, #tpu.memory_space<vmem>>, vector<1x16xf32>,
          %get3A_223 = vector.shape_cast %get3A_222 : vector<1x16xf32> to vector<16xf32>
          %mul3A_224 = arith.mulf %get3A_96, %get3A_223 : vector<16xf32>
          %get3A_225 = arith.index_cast %scan3A_92 : i32 to index
          %get3A_226 = arith.constant 80 : index
          %get3A_227 = tpu.vector_load %arg17[%get3A_225, %get3A_226] {strides = array<i32>} : memref<16x512xf32, #tpu.memory_space<vmem>>, vector<1x16xf32>,
          %get3A_228 = vector.shape_cast %get3A_227 : vector<1x16xf32> to vector<16xf32>
          %mul3A_229 = arith.mulf %get3A_103, %get3A_228 : vector<16xf32>
          %add3A_230 = arith.addf %mul3A_224, %mul3A_229 : vector<16xf32>
          %get3A_231 = arith.index_cast %scan3A_92 : i32 to index
          %get3A_232 = arith.constant 80 : index
          %get3A_233 = tpu.vector_load %arg18[%get3A_231, %get3A_232] {strides = array<i32>} : memref<16x512xf32, #tpu.memory_space<vmem>>, vector<1x16xf32>,
          %get3A_234 = vector.shape_cast %get3A_233 : vector<1x16xf32> to vector<16xf32>
          %mul3A_235 = arith.mulf %get3A_110, %get3A_234 : vector<16xf32>
          %add3A_236 = arith.addf %add3A_230, %mul3A_235 : vector<16xf32>
          %swap3A_237 = arith.index_cast %scan3A_92 : i32 to index
          %swap3A_238 = arith.constant 80 : index
          %swap3A_239 = tpu.vector_load %arg20[%swap3A_237, %swap3A_238] {strides = array<i32>} : memref<16x512xf32, #tpu.memory_space<vmem>>, vector<1x16xf32>,
          %swap3A_240 = vector.shape_cast %swap3A_239 : vector<1x16xf32> to vector<16xf32>
          %swap3A_241 = vector.shape_cast %add3A_236 : vector<16xf32> to vector<1x16xf32>
          tpu.vector_store %arg20[%swap3A_237, %swap3A_238], %swap3A_241 {strides = array<i32>} : memref<16x512xf32, #tpu.memory_space<vmem>>, vector<1x16xf32>,
          %get3A_242 = arith.index_cast %scan3A_92 : i32 to index
          %get3A_243 = arith.constant 96 : index
          %get3A_244 = tpu.vector_load %arg16[%get3A_242, %get3A_243] {strides = array<i32>} : memref<16x512xf32, #tpu.memory_space<vmem>>, vector<1x16xf32>,
          %get3A_245 = vector.shape_cast %get3A_244 : vector<1x16xf32> to vector<16xf32>
          %mul3A_246 = arith.mulf %get3A_96, %get3A_245 : vector<16xf32>
          %get3A_247 = arith.index_cast %scan3A_92 : i32 to index
          %get3A_248 = arith.constant 96 : index
          %get3A_249 = tpu.vector_load %arg17[%get3A_247, %get3A_248] {strides = array<i32>} : memref<16x512xf32, #tpu.memory_space<vmem>>, vector<1x16xf32>,
          %get3A_250 = vector.shape_cast %get3A_249 : vector<1x16xf32> to vector<16xf32>
          %mul3A_251 = arith.mulf %get3A_103, %get3A_250 : vector<16xf32>
          %add3A_252 = arith.addf %mul3A_246, %mul3A_251 : vector<16xf32>
          %get3A_253 = arith.index_cast %scan3A_92 : i32 to index
          %get3A_254 = arith.constant 96 : index
          %get3A_255 = tpu.vector_load %arg18[%get3A_253, %get3A_254] {strides = array<i32>} : memref<16x512xf32, #tpu.memory_space<vmem>>, vector<1x16xf32>,
          %get3A_256 = vector.shape_cast %get3A_255 : vector<1x16xf32> to vector<16xf32>
          %mul3A_257 = arith.mulf %get3A_110, %get3A_256 : vector<16xf32>
          %add3A_258 = arith.addf %add3A_252, %mul3A_257 : vector<16xf32>
          %swap3A_259 = arith.index_cast %scan3A_92 : i32 to index
          %swap3A_260 = arith.constant 96 : index
          %swap3A_261 = tpu.vector_load %arg20[%swap3A_259, %swap3A_260] {strides = array<i32>} : memref<16x512xf32, #tpu.memory_space<vmem>>, vector<1x16xf32>,
          %swap3A_262 = vector.shape_cast %swap3A_261 : vector<1x16xf32> to vector<16xf32>
          %swap3A_263 = vector.shape_cast %add3A_258 : vector<16xf32> to vector<1x16xf32>
          tpu.vector_store %arg20[%swap3A_259, %swap3A_260], %swap3A_263 {strides = array<i32>} : memref<16x512xf32, #tpu.memory_space<vmem>>, vector<1x16xf32>,
          %get3A_264 = arith.index_cast %scan3A_92 : i32 to index
          %get3A_265 = arith.constant 112 : index
          %get3A_266 = tpu.vector_load %arg16[%get3A_264, %get3A_265] {strides = array<i32>} : memref<16x512xf32, #tpu.memory_space<vmem>>, vector<1x16xf32>,
          %get3A_267 = vector.shape_cast %get3A_266 : vector<1x16xf32> to vector<16xf32>
          %mul3A_268 = arith.mulf %get3A_96, %get3A_267 : vector<16xf32>
          %get3A_269 = arith.index_cast %scan3A_92 : i32 to index
          %get3A_270 = arith.constant 112 : index
          %get3A_271 = tpu.vector_load %arg17[%get3A_269, %get3A_270] {strides = array<i32>} : memref<16x512xf32, #tpu.memory_space<vmem>>, vector<1x16xf32>,
          %get3A_272 = vector.shape_cast %get3A_271 : vector<1x16xf32> to vector<16xf32>
          %mul3A_273 = arith.mulf %get3A_103, %get3A_272 : vector<16xf32>
          %add3A_274 = arith.addf %mul3A_268, %mul3A_273 : vector<16xf32>
          %get3A_275 = arith.index_cast %scan3A_92 : i32 to index
          %get3A_276 = arith.constant 112 : index
          %get3A_277 = tpu.vector_load %arg18[%get3A_275, %get3A_276] {strides = array<i32>} : memref<16x512xf32, #tpu.memory_space<vmem>>, vector<1x16xf32>,
          %get3A_278 = vector.shape_cast %get3A_277 : vector<1x16xf32> to vector<16xf32>
          %mul3A_279 = arith.mulf %get3A_110, %get3A_278 : vector<16xf32>
          %add3A_280 = arith.addf %add3A_274, %mul3A_279 : vector<16xf32>
          %swap3A_281 = arith.index_cast %scan3A_92 : i32 to index
          %swap3A_282 = arith.constant 112 : index
          %swap3A_283 = tpu.vector_load %arg20[%swap3A_281, %swap3A_282] {strides = array<i32>} : memref<16x512xf32, #tpu.memory_space<vmem>>, vector<1x16xf32>,
          %swap3A_284 = vector.shape_cast %swap3A_283 : vector<1x16xf32> to vector<16xf32>
          %swap3A_285 = vector.shape_cast %add3A_280 : vector<16xf32> to vector<1x16xf32>
          tpu.vector_store %arg20[%swap3A_281, %swap3A_282], %swap3A_285 {strides = array<i32>} : memref<16x512xf32, #tpu.memory_space<vmem>>, vector<1x16xf32>,
          %get3A_286 = arith.index_cast %scan3A_92 : i32 to index
          %get3A_287 = arith.constant 128 : index
          %get3A_288 = tpu.vector_load %arg16[%get3A_286, %get3A_287] {strides = array<i32>} : memref<16x512xf32, #tpu.memory_space<vmem>>, vector<1x16xf32>,
          %get3A_289 = vector.shape_cast %get3A_288 : vector<1x16xf32> to vector<16xf32>
          %mul3A_290 = arith.mulf %get3A_96, %get3A_289 : vector<16xf32>
          %get3A_291 = arith.index_cast %scan3A_92 : i32 to index
          %get3A_292 = arith.constant 128 : index
          %get3A_293 = tpu.vector_load %arg17[%get3A_291, %get3A_292] {strides = array<i32>} : memref<16x512xf32, #tpu.memory_space<vmem>>, vector<1x16xf32>,
          %get3A_294 = vector.shape_cast %get3A_293 : vector<1x16xf32> to vector<16xf32>
          %mul3A_295 = arith.mulf %get3A_103, %get3A_294 : vector<16xf32>
          %add3A_296 = arith.addf %mul3A_290, %mul3A_295 : vector<16xf32>
          %get3A_297 = arith.index_cast %scan3A_92 : i32 to index
          %get3A_298 = arith.constant 128 : index
          %get3A_299 = tpu.vector_load %arg18[%get3A_297, %get3A_298] {strides = array<i32>} : memref<16x512xf32, #tpu.memory_space<vmem>>, vector<1x16xf32>,
          %get3A_300 = vector.shape_cast %get3A_299 : vector<1x16xf32> to vector<16xf32>
          %mul3A_301 = arith.mulf %get3A_110, %get3A_300 : vector<16xf32>
          %add3A_302 = arith.addf %add3A_296, %mul3A_301 : vector<16xf32>
          %swap3A_303 = arith.index_cast %scan3A_92 : i32 to index
          %swap3A_304 = arith.constant 128 : index
          %swap3A_305 = tpu.vector_load %arg20[%swap3A_303, %swap3A_304] {strides = array<i32>} : memref<16x512xf32, #tpu.memory_space<vmem>>, vector<1x16xf32>,
          %swap3A_306 = vector.shape_cast %swap3A_305 : vector<1x16xf32> to vector<16xf32>
          %swap3A_307 = vector.shape_cast %add3A_302 : vector<16xf32> to vector<1x16xf32>
          tpu.vector_store %arg20[%swap3A_303, %swap3A_304], %swap3A_307 {strides = array<i32>} : memref<16x512xf32, #tpu.memory_space<vmem>>, vector<1x16xf32>,
          %get3A_308 = arith.index_cast %scan3A_92 : i32 to index
          %get3A_309 = arith.constant 144 : index
          %get3A_310 = tpu.vector_load %arg16[%get3A_308, %get3A_309] {strides = array<i32>} : memref<16x512xf32, #tpu.memory_space<vmem>>, vector<1x16xf32>,
          %get3A_311 = vector.shape_cast %get3A_310 : vector<1x16xf32> to vector<16xf32>
          %mul3A_312 = arith.mulf %get3A_96, %get3A_311 : vector<16xf32>
          %get3A_313 = arith.index_cast %scan3A_92 : i32 to index
          %get3A_314 = arith.constant 144 : index
          %get3A_315 = tpu.vector_load %arg17[%get3A_313, %get3A_314] {strides = array<i32>} : memref<16x512xf32, #tpu.memory_space<vmem>>, vector<1x16xf32>,
          %get3A_316 = vector.shape_cast %get3A_315 : vector<1x16xf32> to vector<16xf32>
          %mul3A_317 = arith.mulf %get3A_103, %get3A_316 : vector<16xf32>
          %add3A_318 = arith.addf %mul3A_312, %mul3A_317 : vector<16xf32>
          %get3A_319 = arith.index_cast %scan3A_92 : i32 to index
          %get3A_320 = arith.constant 144 : index
          %get3A_321 = tpu.vector_load %arg18[%get3A_319, %get3A_320] {strides = array<i32>} : memref<16x512xf32, #tpu.memory_space<vmem>>, vector<1x16xf32>,
          %get3A_322 = vector.shape_cast %get3A_321 : vector<1x16xf32> to vector<16xf32>
          %mul3A_323 = arith.mulf %get3A_110, %get3A_322 : vector<16xf32>
          %add3A_324 = arith.addf %add3A_318, %mul3A_323 : vector<16xf32>
          %swap3A_325 = arith.index_cast %scan3A_92 : i32 to index
          %swap3A_326 = arith.constant 144 : index
          %swap3A_327 = tpu.vector_load %arg20[%swap3A_325, %swap3A_326] {strides = array<i32>} : memref<16x512xf32, #tpu.memory_space<vmem>>, vector<1x16xf32>,
          %swap3A_328 = vector.shape_cast %swap3A_327 : vector<1x16xf32> to vector<16xf32>
          %swap3A_329 = vector.shape_cast %add3A_324 : vector<16xf32> to vector<1x16xf32>
          tpu.vector_store %arg20[%swap3A_325, %swap3A_326], %swap3A_329 {strides = array<i32>} : memref<16x512xf32, #tpu.memory_space<vmem>>, vector<1x16xf32>,
          %get3A_330 = arith.index_cast %scan3A_92 : i32 to index
          %get3A_331 = arith.constant 160 : index
          %get3A_332 = tpu.vector_load %arg16[%get3A_330, %get3A_331] {strides = array<i32>} : memref<16x512xf32, #tpu.memory_space<vmem>>, vector<1x16xf32>,
          %get3A_333 = vector.shape_cast %get3A_332 : vector<1x16xf32> to vector<16xf32>
          %mul3A_334 = arith.mulf %get3A_96, %get3A_333 : vector<16xf32>
          %get3A_335 = arith.index_cast %scan3A_92 : i32 to index
          %get3A_336 = arith.constant 160 : index
          %get3A_337 = tpu.vector_load %arg17[%get3A_335, %get3A_336] {strides = array<i32>} : memref<16x512xf32, #tpu.memory_space<vmem>>, vector<1x16xf32>,
          %get3A_338 = vector.shape_cast %get3A_337 : vector<1x16xf32> to vector<16xf32>
          %mul3A_339 = arith.mulf %get3A_103, %get3A_338 : vector<16xf32>
          %add3A_340 = arith.addf %mul3A_334, %mul3A_339 : vector<16xf32>
          %get3A_341 = arith.index_cast %scan3A_92 : i32 to index
          %get3A_342 = arith.constant 160 : index
          %get3A_343 = tpu.vector_load %arg18[%get3A_341, %get3A_342] {strides = array<i32>} : memref<16x512xf32, #tpu.memory_space<vmem>>, vector<1x16xf32>,
          %get3A_344 = vector.shape_cast %get3A_343 : vector<1x16xf32> to vector<16xf32>
          %mul3A_345 = arith.mulf %get3A_110, %get3A_344 : vector<16xf32>
          %add3A_346 = arith.addf %add3A_340, %mul3A_345 : vector<16xf32>
          %swap3A_347 = arith.index_cast %scan3A_92 : i32 to index
          %swap3A_348 = arith.constant 160 : index
          %swap3A_349 = tpu.vector_load %arg20[%swap3A_347, %swap3A_348] {strides = array<i32>} : memref<16x512xf32, #tpu.memory_space<vmem>>, vector<1x16xf32>,
          %swap3A_350 = vector.shape_cast %swap3A_349 : vector<1x16xf32> to vector<16xf32>
          %swap3A_351 = vector.shape_cast %add3A_346 : vector<16xf32> to vector<1x16xf32>
          tpu.vector_store %arg20[%swap3A_347, %swap3A_348], %swap3A_351 {strides = array<i32>} : memref<16x512xf32, #tpu.memory_space<vmem>>, vector<1x16xf32>,
          %get3A_352 = arith.index_cast %scan3A_92 : i32 to index
          %get3A_353 = arith.constant 176 : index
          %get3A_354 = tpu.vector_load %arg16[%get3A_352, %get3A_353] {strides = array<i32>} : memref<16x512xf32, #tpu.memory_space<vmem>>, vector<1x16xf32>,
          %get3A_355 = vector.shape_cast %get3A_354 : vector<1x16xf32> to vector<16xf32>
          %mul3A_356 = arith.mulf %get3A_96, %get3A_355 : vector<16xf32>
          %get3A_357 = arith.index_cast %scan3A_92 : i32 to index
          %get3A_358 = arith.constant 176 : index
          %get3A_359 = tpu.vector_load %arg17[%get3A_357, %get3A_358] {strides = array<i32>} : memref<16x512xf32, #tpu.memory_space<vmem>>, vector<1x16xf32>,
          %get3A_360 = vector.shape_cast %get3A_359 : vector<1x16xf32> to vector<16xf32>
          %mul3A_361 = arith.mulf %get3A_103, %get3A_360 : vector<16xf32>
          %add3A_362 = arith.addf %mul3A_356, %mul3A_361 : vector<16xf32>
          %get3A_363 = arith.index_cast %scan3A_92 : i32 to index
          %get3A_364 = arith.constant 176 : index
          %get3A_365 = tpu.vector_load %arg18[%get3A_363, %get3A_364] {strides = array<i32>} : memref<16x512xf32, #tpu.memory_space<vmem>>, vector<1x16xf32>,
          %get3A_366 = vector.shape_cast %get3A_365 : vector<1x16xf32> to vector<16xf32>
          %mul3A_367 = arith.mulf %get3A_110, %get3A_366 : vector<16xf32>
          %add3A_368 = arith.addf %add3A_362, %mul3A_367 : vector<16xf32>
          %swap3A_369 = arith.index_cast %scan3A_92 : i32 to index
          %swap3A_370 = arith.constant 176 : index
          %swap3A_371 = tpu.vector_load %arg20[%swap3A_369, %swap3A_370] {strides = array<i32>} : memref<16x512xf32, #tpu.memory_space<vmem>>, vector<1x16xf32>,
          %swap3A_372 = vector.shape_cast %swap3A_371 : vector<1x16xf32> to vector<16xf32>
          %swap3A_373 = vector.shape_cast %add3A_368 : vector<16xf32> to vector<1x16xf32>
          tpu.vector_store %arg20[%swap3A_369, %swap3A_370], %swap3A_373 {strides = array<i32>} : memref<16x512xf32, #tpu.memory_space<vmem>>, vector<1x16xf32>,
          %get3A_374 = arith.index_cast %scan3A_92 : i32 to index
          %get3A_375 = arith.constant 192 : index
          %get3A_376 = tpu.vector_load %arg16[%get3A_374, %get3A_375] {strides = array<i32>} : memref<16x512xf32, #tpu.memory_space<vmem>>, vector<1x16xf32>,
          %get3A_377 = vector.shape_cast %get3A_376 : vector<1x16xf32> to vector<16xf32>
          %mul3A_378 = arith.mulf %get3A_96, %get3A_377 : vector<16xf32>
          %get3A_379 = arith.index_cast %scan3A_92 : i32 to index
          %get3A_380 = arith.constant 192 : index
          %get3A_381 = tpu.vector_load %arg17[%get3A_379, %get3A_380] {strides = array<i32>} : memref<16x512xf32, #tpu.memory_space<vmem>>, vector<1x16xf32>,
          %get3A_382 = vector.shape_cast %get3A_381 : vector<1x16xf32> to vector<16xf32>
          %mul3A_383 = arith.mulf %get3A_103, %get3A_382 : vector<16xf32>
          %add3A_384 = arith.addf %mul3A_378, %mul3A_383 : vector<16xf32>
          %get3A_385 = arith.index_cast %scan3A_92 : i32 to index
          %get3A_386 = arith.constant 192 : index
          %get3A_387 = tpu.vector_load %arg18[%get3A_385, %get3A_386] {strides = array<i32>} : memref<16x512xf32, #tpu.memory_space<vmem>>, vector<1x16xf32>,
          %get3A_388 = vector.shape_cast %get3A_387 : vector<1x16xf32> to vector<16xf32>
          %mul3A_389 = arith.mulf %get3A_110, %get3A_388 : vector<16xf32>
          %add3A_390 = arith.addf %add3A_384, %mul3A_389 : vector<16xf32>
          %swap3A_391 = arith.index_cast %scan3A_92 : i32 to index
          %swap3A_392 = arith.constant 192 : index
          %swap3A_393 = tpu.vector_load %arg20[%swap3A_391, %swap3A_392] {strides = array<i32>} : memref<16x512xf32, #tpu.memory_space<vmem>>, vector<1x16xf32>,
          %swap3A_394 = vector.shape_cast %swap3A_393 : vector<1x16xf32> to vector<16xf32>
          %swap3A_395 = vector.shape_cast %add3A_390 : vector<16xf32> to vector<1x16xf32>
          tpu.vector_store %arg20[%swap3A_391, %swap3A_392], %swap3A_395 {strides = array<i32>} : memref<16x512xf32, #tpu.memory_space<vmem>>, vector<1x16xf32>,
          %get3A_396 = arith.index_cast %scan3A_92 : i32 to index
          %get3A_397 = arith.constant 208 : index
          %get3A_398 = tpu.vector_load %arg16[%get3A_396, %get3A_397] {strides = array<i32>} : memref<16x512xf32, #tpu.memory_space<vmem>>, vector<1x16xf32>,
          %get3A_399 = vector.shape_cast %get3A_398 : vector<1x16xf32> to vector<16xf32>
          %mul3A_400 = arith.mulf %get3A_96, %get3A_399 : vector<16xf32>
          %get3A_401 = arith.index_cast %scan3A_92 : i32 to index
          %get3A_402 = arith.constant 208 : index
          %get3A_403 = tpu.vector_load %arg17[%get3A_401, %get3A_402] {strides = array<i32>} : memref<16x512xf32, #tpu.memory_space<vmem>>, vector<1x16xf32>,
          %get3A_404 = vector.shape_cast %get3A_403 : vector<1x16xf32> to vector<16xf32>
          %mul3A_405 = arith.mulf %get3A_103, %get3A_404 : vector<16xf32>
          %add3A_406 = arith.addf %mul3A_400, %mul3A_405 : vector<16xf32>
          %get3A_407 = arith.index_cast %scan3A_92 : i32 to index
          %get3A_408 = arith.constant 208 : index
          %get3A_409 = tpu.vector_load %arg18[%get3A_407, %get3A_408] {strides = array<i32>} : memref<16x512xf32, #tpu.memory_space<vmem>>, vector<1x16xf32>,
          %get3A_410 = vector.shape_cast %get3A_409 : vector<1x16xf32> to vector<16xf32>
          %mul3A_411 = arith.mulf %get3A_110, %get3A_410 : vector<16xf32>
          %add3A_412 = arith.addf %add3A_406, %mul3A_411 : vector<16xf32>
          %swap3A_413 = arith.index_cast %scan3A_92 : i32 to index
          %swap3A_414 = arith.constant 208 : index
          %swap3A_415 = tpu.vector_load %arg20[%swap3A_413, %swap3A_414] {strides = array<i32>} : memref<16x512xf32, #tpu.memory_space<vmem>>, vector<1x16xf32>,
          %swap3A_416 = vector.shape_cast %swap3A_415 : vector<1x16xf32> to vector<16xf32>
          %swap3A_417 = vector.shape_cast %add3A_412 : vector<16xf32> to vector<1x16xf32>
          tpu.vector_store %arg20[%swap3A_413, %swap3A_414], %swap3A_417 {strides = array<i32>} : memref<16x512xf32, #tpu.memory_space<vmem>>, vector<1x16xf32>,
          %get3A_418 = arith.index_cast %scan3A_92 : i32 to index
          %get3A_419 = arith.constant 224 : index
          %get3A_420 = tpu.vector_load %arg16[%get3A_418, %get3A_419] {strides = array<i32>} : memref<16x512xf32, #tpu.memory_space<vmem>>, vector<1x16xf32>,
          %get3A_421 = vector.shape_cast %get3A_420 : vector<1x16xf32> to vector<16xf32>
          %mul3A_422 = arith.mulf %get3A_96, %get3A_421 : vector<16xf32>
          %get3A_423 = arith.index_cast %scan3A_92 : i32 to index
          %get3A_424 = arith.constant 224 : index
          %get3A_425 = tpu.vector_load %arg17[%get3A_423, %get3A_424] {strides = array<i32>} : memref<16x512xf32, #tpu.memory_space<vmem>>, vector<1x16xf32>,
          %get3A_426 = vector.shape_cast %get3A_425 : vector<1x16xf32> to vector<16xf32>
          %mul3A_427 = arith.mulf %get3A_103, %get3A_426 : vector<16xf32>
          %add3A_428 = arith.addf %mul3A_422, %mul3A_427 : vector<16xf32>
          %get3A_429 = arith.index_cast %scan3A_92 : i32 to index
          %get3A_430 = arith.constant 224 : index
          %get3A_431 = tpu.vector_load %arg18[%get3A_429, %get3A_430] {strides = array<i32>} : memref<16x512xf32, #tpu.memory_space<vmem>>, vector<1x16xf32>,
          %get3A_432 = vector.shape_cast %get3A_431 : vector<1x16xf32> to vector<16xf32>
          %mul3A_433 = arith.mulf %get3A_110, %get3A_432 : vector<16xf32>
          %add3A_434 = arith.addf %add3A_428, %mul3A_433 : vector<16xf32>
          %swap3A_435 = arith.index_cast %scan3A_92 : i32 to index
          %swap3A_436 = arith.constant 224 : index
          %swap3A_437 = tpu.vector_load %arg20[%swap3A_435, %swap3A_436] {strides = array<i32>} : memref<16x512xf32, #tpu.memory_space<vmem>>, vector<1x16xf32>,
          %swap3A_438 = vector.shape_cast %swap3A_437 : vector<1x16xf32> to vector<16xf32>
          %swap3A_439 = vector.shape_cast %add3A_434 : vector<16xf32> to vector<1x16xf32>
          tpu.vector_store %arg20[%swap3A_435, %swap3A_436], %swap3A_439 {strides = array<i32>} : memref<16x512xf32, #tpu.memory_space<vmem>>, vector<1x16xf32>,
          %get3A_440 = arith.index_cast %scan3A_92 : i32 to index
          %get3A_441 = arith.constant 240 : index
          %get3A_442 = tpu.vector_load %arg16[%get3A_440, %get3A_441] {strides = array<i32>} : memref<16x512xf32, #tpu.memory_space<vmem>>, vector<1x16xf32>,
          %get3A_443 = vector.shape_cast %get3A_442 : vector<1x16xf32> to vector<16xf32>
          %mul3A_444 = arith.mulf %get3A_96, %get3A_443 : vector<16xf32>
          %get3A_445 = arith.index_cast %scan3A_92 : i32 to index
          %get3A_446 = arith.constant 240 : index
          %get3A_447 = tpu.vector_load %arg17[%get3A_445, %get3A_446] {strides = array<i32>} : memref<16x512xf32, #tpu.memory_space<vmem>>, vector<1x16xf32>,
          %get3A_448 = vector.shape_cast %get3A_447 : vector<1x16xf32> to vector<16xf32>
          %mul3A_449 = arith.mulf %get3A_103, %get3A_448 : vector<16xf32>
          %add3A_450 = arith.addf %mul3A_444, %mul3A_449 : vector<16xf32>
          %get3A_451 = arith.index_cast %scan3A_92 : i32 to index
          %get3A_452 = arith.constant 240 : index
          %get3A_453 = tpu.vector_load %arg18[%get3A_451, %get3A_452] {strides = array<i32>} : memref<16x512xf32, #tpu.memory_space<vmem>>, vector<1x16xf32>,
          %get3A_454 = vector.shape_cast %get3A_453 : vector<1x16xf32> to vector<16xf32>
          %mul3A_455 = arith.mulf %get3A_110, %get3A_454 : vector<16xf32>
          %add3A_456 = arith.addf %add3A_450, %mul3A_455 : vector<16xf32>
          %swap3A_457 = arith.index_cast %scan3A_92 : i32 to index
          %swap3A_458 = arith.constant 240 : index
          %swap3A_459 = tpu.vector_load %arg20[%swap3A_457, %swap3A_458] {strides = array<i32>} : memref<16x512xf32, #tpu.memory_space<vmem>>, vector<1x16xf32>,
          %swap3A_460 = vector.shape_cast %swap3A_459 : vector<1x16xf32> to vector<16xf32>
          %swap3A_461 = vector.shape_cast %add3A_456 : vector<16xf32> to vector<1x16xf32>
          tpu.vector_store %arg20[%swap3A_457, %swap3A_458], %swap3A_461 {strides = array<i32>} : memref<16x512xf32, #tpu.memory_space<vmem>>, vector<1x16xf32>,
          %get3A_462 = arith.index_cast %scan3A_92 : i32 to index
          %get3A_463 = arith.constant 256 : index
          %get3A_464 = tpu.vector_load %arg16[%get3A_462, %get3A_463] {strides = array<i32>} : memref<16x512xf32, #tpu.memory_space<vmem>>, vector<1x16xf32>,
          %get3A_465 = vector.shape_cast %get3A_464 : vector<1x16xf32> to vector<16xf32>
          %mul3A_466 = arith.mulf %get3A_96, %get3A_465 : vector<16xf32>
          %get3A_467 = arith.index_cast %scan3A_92 : i32 to index
          %get3A_468 = arith.constant 256 : index
          %get3A_469 = tpu.vector_load %arg17[%get3A_467, %get3A_468] {strides = array<i32>} : memref<16x512xf32, #tpu.memory_space<vmem>>, vector<1x16xf32>,
          %get3A_470 = vector.shape_cast %get3A_469 : vector<1x16xf32> to vector<16xf32>
          %mul3A_471 = arith.mulf %get3A_103, %get3A_470 : vector<16xf32>
          %add3A_472 = arith.addf %mul3A_466, %mul3A_471 : vector<16xf32>
          %get3A_473 = arith.index_cast %scan3A_92 : i32 to index
          %get3A_474 = arith.constant 256 : index
          %get3A_475 = tpu.vector_load %arg18[%get3A_473, %get3A_474] {strides = array<i32>} : memref<16x512xf32, #tpu.memory_space<vmem>>, vector<1x16xf32>,
          %get3A_476 = vector.shape_cast %get3A_475 : vector<1x16xf32> to vector<16xf32>
          %mul3A_477 = arith.mulf %get3A_110, %get3A_476 : vector<16xf32>
          %add3A_478 = arith.addf %add3A_472, %mul3A_477 : vector<16xf32>
          %swap3A_479 = arith.index_cast %scan3A_92 : i32 to index
          %swap3A_480 = arith.constant 256 : index
          %swap3A_481 = tpu.vector_load %arg20[%swap3A_479, %swap3A_480] {strides = array<i32>} : memref<16x512xf32, #tpu.memory_space<vmem>>, vector<1x16xf32>,
          %swap3A_482 = vector.shape_cast %swap3A_481 : vector<1x16xf32> to vector<16xf32>
          %swap3A_483 = vector.shape_cast %add3A_478 : vector<16xf32> to vector<1x16xf32>
          tpu.vector_store %arg20[%swap3A_479, %swap3A_480], %swap3A_483 {strides = array<i32>} : memref<16x512xf32, #tpu.memory_space<vmem>>, vector<1x16xf32>,
          %get3A_484 = arith.index_cast %scan3A_92 : i32 to index
          %get3A_485 = arith.constant 272 : index
          %get3A_486 = tpu.vector_load %arg16[%get3A_484, %get3A_485] {strides = array<i32>} : memref<16x512xf32, #tpu.memory_space<vmem>>, vector<1x16xf32>,
          %get3A_487 = vector.shape_cast %get3A_486 : vector<1x16xf32> to vector<16xf32>
          %mul3A_488 = arith.mulf %get3A_96, %get3A_487 : vector<16xf32>
          %get3A_489 = arith.index_cast %scan3A_92 : i32 to index
          %get3A_490 = arith.constant 272 : index
          %get3A_491 = tpu.vector_load %arg17[%get3A_489, %get3A_490] {strides = array<i32>} : memref<16x512xf32, #tpu.memory_space<vmem>>, vector<1x16xf32>,
          %get3A_492 = vector.shape_cast %get3A_491 : vector<1x16xf32> to vector<16xf32>
          %mul3A_493 = arith.mulf %get3A_103, %get3A_492 : vector<16xf32>
          %add3A_494 = arith.addf %mul3A_488, %mul3A_493 : vector<16xf32>
          %get3A_495 = arith.index_cast %scan3A_92 : i32 to index
          %get3A_496 = arith.constant 272 : index
          %get3A_497 = tpu.vector_load %arg18[%get3A_495, %get3A_496] {strides = array<i32>} : memref<16x512xf32, #tpu.memory_space<vmem>>, vector<1x16xf32>,
          %get3A_498 = vector.shape_cast %get3A_497 : vector<1x16xf32> to vector<16xf32>
          %mul3A_499 = arith.mulf %get3A_110, %get3A_498 : vector<16xf32>
          %add3A_500 = arith.addf %add3A_494, %mul3A_499 : vector<16xf32>
          %swap3A_501 = arith.index_cast %scan3A_92 : i32 to index
          %swap3A_502 = arith.constant 272 : index
          %swap3A_503 = tpu.vector_load %arg20[%swap3A_501, %swap3A_502] {strides = array<i32>} : memref<16x512xf32, #tpu.memory_space<vmem>>, vector<1x16xf32>,
          %swap3A_504 = vector.shape_cast %swap3A_503 : vector<1x16xf32> to vector<16xf32>
          %swap3A_505 = vector.shape_cast %add3A_500 : vector<16xf32> to vector<1x16xf32>
          tpu.vector_store %arg20[%swap3A_501, %swap3A_502], %swap3A_505 {strides = array<i32>} : memref<16x512xf32, #tpu.memory_space<vmem>>, vector<1x16xf32>,
          %get3A_506 = arith.index_cast %scan3A_92 : i32 to index
          %get3A_507 = arith.constant 288 : index
          %get3A_508 = tpu.vector_load %arg16[%get3A_506, %get3A_507] {strides = array<i32>} : memref<16x512xf32, #tpu.memory_space<vmem>>, vector<1x16xf32>,
          %get3A_509 = vector.shape_cast %get3A_508 : vector<1x16xf32> to vector<16xf32>
          %mul3A_510 = arith.mulf %get3A_96, %get3A_509 : vector<16xf32>
          %get3A_511 = arith.index_cast %scan3A_92 : i32 to index
          %get3A_512 = arith.constant 288 : index
          %get3A_513 = tpu.vector_load %arg17[%get3A_511, %get3A_512] {strides = array<i32>} : memref<16x512xf32, #tpu.memory_space<vmem>>, vector<1x16xf32>,
          %get3A_514 = vector.shape_cast %get3A_513 : vector<1x16xf32> to vector<16xf32>
          %mul3A_515 = arith.mulf %get3A_103, %get3A_514 : vector<16xf32>
          %add3A_516 = arith.addf %mul3A_510, %mul3A_515 : vector<16xf32>
          %get3A_517 = arith.index_cast %scan3A_92 : i32 to index
          %get3A_518 = arith.constant 288 : index
          %get3A_519 = tpu.vector_load %arg18[%get3A_517, %get3A_518] {strides = array<i32>} : memref<16x512xf32, #tpu.memory_space<vmem>>, vector<1x16xf32>,
          %get3A_520 = vector.shape_cast %get3A_519 : vector<1x16xf32> to vector<16xf32>
          %mul3A_521 = arith.mulf %get3A_110, %get3A_520 : vector<16xf32>
          %add3A_522 = arith.addf %add3A_516, %mul3A_521 : vector<16xf32>
          %swap3A_523 = arith.index_cast %scan3A_92 : i32 to index
          %swap3A_524 = arith.constant 288 : index
          %swap3A_525 = tpu.vector_load %arg20[%swap3A_523, %swap3A_524] {strides = array<i32>} : memref<16x512xf32, #tpu.memory_space<vmem>>, vector<1x16xf32>,
          %swap3A_526 = vector.shape_cast %swap3A_525 : vector<1x16xf32> to vector<16xf32>
          %swap3A_527 = vector.shape_cast %add3A_522 : vector<16xf32> to vector<1x16xf32>
          tpu.vector_store %arg20[%swap3A_523, %swap3A_524], %swap3A_527 {strides = array<i32>} : memref<16x512xf32, #tpu.memory_space<vmem>>, vector<1x16xf32>,
          %get3A_528 = arith.index_cast %scan3A_92 : i32 to index
          %get3A_529 = arith.constant 304 : index
          %get3A_530 = tpu.vector_load %arg16[%get3A_528, %get3A_529] {strides = array<i32>} : memref<16x512xf32, #tpu.memory_space<vmem>>, vector<1x16xf32>,
          %get3A_531 = vector.shape_cast %get3A_530 : vector<1x16xf32> to vector<16xf32>
          %mul3A_532 = arith.mulf %get3A_96, %get3A_531 : vector<16xf32>
          %get3A_533 = arith.index_cast %scan3A_92 : i32 to index
          %get3A_534 = arith.constant 304 : index
          %get3A_535 = tpu.vector_load %arg17[%get3A_533, %get3A_534] {strides = array<i32>} : memref<16x512xf32, #tpu.memory_space<vmem>>, vector<1x16xf32>,
          %get3A_536 = vector.shape_cast %get3A_535 : vector<1x16xf32> to vector<16xf32>
          %mul3A_537 = arith.mulf %get3A_103, %get3A_536 : vector<16xf32>
          %add3A_538 = arith.addf %mul3A_532, %mul3A_537 : vector<16xf32>
          %get3A_539 = arith.index_cast %scan3A_92 : i32 to index
          %get3A_540 = arith.constant 304 : index
          %get3A_541 = tpu.vector_load %arg18[%get3A_539, %get3A_540] {strides = array<i32>} : memref<16x512xf32, #tpu.memory_space<vmem>>, vector<1x16xf32>,
          %get3A_542 = vector.shape_cast %get3A_541 : vector<1x16xf32> to vector<16xf32>
          %mul3A_543 = arith.mulf %get3A_110, %get3A_542 : vector<16xf32>
          %add3A_544 = arith.addf %add3A_538, %mul3A_543 : vector<16xf32>
          %swap3A_545 = arith.index_cast %scan3A_92 : i32 to index
          %swap3A_546 = arith.constant 304 : index
          %swap3A_547 = tpu.vector_load %arg20[%swap3A_545, %swap3A_546] {strides = array<i32>} : memref<16x512xf32, #tpu.memory_space<vmem>>, vector<1x16xf32>,
          %swap3A_548 = vector.shape_cast %swap3A_547 : vector<1x16xf32> to vector<16xf32>
          %swap3A_549 = vector.shape_cast %add3A_544 : vector<16xf32> to vector<1x16xf32>
          tpu.vector_store %arg20[%swap3A_545, %swap3A_546], %swap3A_549 {strides = array<i32>} : memref<16x512xf32, #tpu.memory_space<vmem>>, vector<1x16xf32>,
          %get3A_550 = arith.index_cast %scan3A_92 : i32 to index
          %get3A_551 = arith.constant 320 : index
          %get3A_552 = tpu.vector_load %arg16[%get3A_550, %get3A_551] {strides = array<i32>} : memref<16x512xf32, #tpu.memory_space<vmem>>, vector<1x16xf32>,
          %get3A_553 = vector.shape_cast %get3A_552 : vector<1x16xf32> to vector<16xf32>
          %mul3A_554 = arith.mulf %get3A_96, %get3A_553 : vector<16xf32>
          %get3A_555 = arith.index_cast %scan3A_92 : i32 to index
          %get3A_556 = arith.constant 320 : index
          %get3A_557 = tpu.vector_load %arg17[%get3A_555, %get3A_556] {strides = array<i32>} : memref<16x512xf32, #tpu.memory_space<vmem>>, vector<1x16xf32>,
          %get3A_558 = vector.shape_cast %get3A_557 : vector<1x16xf32> to vector<16xf32>
          %mul3A_559 = arith.mulf %get3A_103, %get3A_558 : vector<16xf32>
          %add3A_560 = arith.addf %mul3A_554, %mul3A_559 : vector<16xf32>
          %get3A_561 = arith.index_cast %scan3A_92 : i32 to index
          %get3A_562 = arith.constant 320 : index
          %get3A_563 = tpu.vector_load %arg18[%get3A_561, %get3A_562] {strides = array<i32>} : memref<16x512xf32, #tpu.memory_space<vmem>>, vector<1x16xf32>,
          %get3A_564 = vector.shape_cast %get3A_563 : vector<1x16xf32> to vector<16xf32>
          %mul3A_565 = arith.mulf %get3A_110, %get3A_564 : vector<16xf32>
          %add3A_566 = arith.addf %add3A_560, %mul3A_565 : vector<16xf32>
          %swap3A_567 = arith.index_cast %scan3A_92 : i32 to index
          %swap3A_568 = arith.constant 320 : index
          %swap3A_569 = tpu.vector_load %arg20[%swap3A_567, %swap3A_568] {strides = array<i32>} : memref<16x512xf32, #tpu.memory_space<vmem>>, vector<1x16xf32>,
          %swap3A_570 = vector.shape_cast %swap3A_569 : vector<1x16xf32> to vector<16xf32>
          %swap3A_571 = vector.shape_cast %add3A_566 : vector<16xf32> to vector<1x16xf32>
          tpu.vector_store %arg20[%swap3A_567, %swap3A_568], %swap3A_571 {strides = array<i32>} : memref<16x512xf32, #tpu.memory_space<vmem>>, vector<1x16xf32>,
          %get3A_572 = arith.index_cast %scan3A_92 : i32 to index
          %get3A_573 = arith.constant 336 : index
          %get3A_574 = tpu.vector_load %arg16[%get3A_572, %get3A_573] {strides = array<i32>} : memref<16x512xf32, #tpu.memory_space<vmem>>, vector<1x16xf32>,
          %get3A_575 = vector.shape_cast %get3A_574 : vector<1x16xf32> to vector<16xf32>
          %mul3A_576 = arith.mulf %get3A_96, %get3A_575 : vector<16xf32>
          %get3A_577 = arith.index_cast %scan3A_92 : i32 to index
          %get3A_578 = arith.constant 336 : index
          %get3A_579 = tpu.vector_load %arg17[%get3A_577, %get3A_578] {strides = array<i32>} : memref<16x512xf32, #tpu.memory_space<vmem>>, vector<1x16xf32>,
          %get3A_580 = vector.shape_cast %get3A_579 : vector<1x16xf32> to vector<16xf32>
          %mul3A_581 = arith.mulf %get3A_103, %get3A_580 : vector<16xf32>
          %add3A_582 = arith.addf %mul3A_576, %mul3A_581 : vector<16xf32>
          %get3A_583 = arith.index_cast %scan3A_92 : i32 to index
          %get3A_584 = arith.constant 336 : index
          %get3A_585 = tpu.vector_load %arg18[%get3A_583, %get3A_584] {strides = array<i32>} : memref<16x512xf32, #tpu.memory_space<vmem>>, vector<1x16xf32>,
          %get3A_586 = vector.shape_cast %get3A_585 : vector<1x16xf32> to vector<16xf32>
          %mul3A_587 = arith.mulf %get3A_110, %get3A_586 : vector<16xf32>
          %add3A_588 = arith.addf %add3A_582, %mul3A_587 : vector<16xf32>
          %swap3A_589 = arith.index_cast %scan3A_92 : i32 to index
          %swap3A_590 = arith.constant 336 : index
          %swap3A_591 = tpu.vector_load %arg20[%swap3A_589, %swap3A_590] {strides = array<i32>} : memref<16x512xf32, #tpu.memory_space<vmem>>, vector<1x16xf32>,
          %swap3A_592 = vector.shape_cast %swap3A_591 : vector<1x16xf32> to vector<16xf32>
          %swap3A_593 = vector.shape_cast %add3A_588 : vector<16xf32> to vector<1x16xf32>
          tpu.vector_store %arg20[%swap3A_589, %swap3A_590], %swap3A_593 {strides = array<i32>} : memref<16x512xf32, #tpu.memory_space<vmem>>, vector<1x16xf32>,
          %get3A_594 = arith.index_cast %scan3A_92 : i32 to index
          %get3A_595 = arith.constant 352 : index
          %get3A_596 = tpu.vector_load %arg16[%get3A_594, %get3A_595] {strides = array<i32>} : memref<16x512xf32, #tpu.memory_space<vmem>>, vector<1x16xf32>,
          %get3A_597 = vector.shape_cast %get3A_596 : vector<1x16xf32> to vector<16xf32>
          %mul3A_598 = arith.mulf %get3A_96, %get3A_597 : vector<16xf32>
          %get3A_599 = arith.index_cast %scan3A_92 : i32 to index
          %get3A_600 = arith.constant 352 : index
          %get3A_601 = tpu.vector_load %arg17[%get3A_599, %get3A_600] {strides = array<i32>} : memref<16x512xf32, #tpu.memory_space<vmem>>, vector<1x16xf32>,
          %get3A_602 = vector.shape_cast %get3A_601 : vector<1x16xf32> to vector<16xf32>
          %mul3A_603 = arith.mulf %get3A_103, %get3A_602 : vector<16xf32>
          %add3A_604 = arith.addf %mul3A_598, %mul3A_603 : vector<16xf32>
          %get3A_605 = arith.index_cast %scan3A_92 : i32 to index
          %get3A_606 = arith.constant 352 : index
          %get3A_607 = tpu.vector_load %arg18[%get3A_605, %get3A_606] {strides = array<i32>} : memref<16x512xf32, #tpu.memory_space<vmem>>, vector<1x16xf32>,
          %get3A_608 = vector.shape_cast %get3A_607 : vector<1x16xf32> to vector<16xf32>
          %mul3A_609 = arith.mulf %get3A_110, %get3A_608 : vector<16xf32>
          %add3A_610 = arith.addf %add3A_604, %mul3A_609 : vector<16xf32>
          %swap3A_611 = arith.index_cast %scan3A_92 : i32 to index
          %swap3A_612 = arith.constant 352 : index
          %swap3A_613 = tpu.vector_load %arg20[%swap3A_611, %swap3A_612] {strides = array<i32>} : memref<16x512xf32, #tpu.memory_space<vmem>>, vector<1x16xf32>,
          %swap3A_614 = vector.shape_cast %swap3A_613 : vector<1x16xf32> to vector<16xf32>
          %swap3A_615 = vector.shape_cast %add3A_610 : vector<16xf32> to vector<1x16xf32>
          tpu.vector_store %arg20[%swap3A_611, %swap3A_612], %swap3A_615 {strides = array<i32>} : memref<16x512xf32, #tpu.memory_space<vmem>>, vector<1x16xf32>,
          %get3A_616 = arith.index_cast %scan3A_92 : i32 to index
          %get3A_617 = arith.constant 368 : index
          %get3A_618 = tpu.vector_load %arg16[%get3A_616, %get3A_617] {strides = array<i32>} : memref<16x512xf32, #tpu.memory_space<vmem>>, vector<1x16xf32>,
          %get3A_619 = vector.shape_cast %get3A_618 : vector<1x16xf32> to vector<16xf32>
          %mul3A_620 = arith.mulf %get3A_96, %get3A_619 : vector<16xf32>
          %get3A_621 = arith.index_cast %scan3A_92 : i32 to index
          %get3A_622 = arith.constant 368 : index
          %get3A_623 = tpu.vector_load %arg17[%get3A_621, %get3A_622] {strides = array<i32>} : memref<16x512xf32, #tpu.memory_space<vmem>>, vector<1x16xf32>,
          %get3A_624 = vector.shape_cast %get3A_623 : vector<1x16xf32> to vector<16xf32>
          %mul3A_625 = arith.mulf %get3A_103, %get3A_624 : vector<16xf32>
          %add3A_626 = arith.addf %mul3A_620, %mul3A_625 : vector<16xf32>
          %get3A_627 = arith.index_cast %scan3A_92 : i32 to index
          %get3A_628 = arith.constant 368 : index
          %get3A_629 = tpu.vector_load %arg18[%get3A_627, %get3A_628] {strides = array<i32>} : memref<16x512xf32, #tpu.memory_space<vmem>>, vector<1x16xf32>,
          %get3A_630 = vector.shape_cast %get3A_629 : vector<1x16xf32> to vector<16xf32>
          %mul3A_631 = arith.mulf %get3A_110, %get3A_630 : vector<16xf32>
          %add3A_632 = arith.addf %add3A_626, %mul3A_631 : vector<16xf32>
          %swap3A_633 = arith.index_cast %scan3A_92 : i32 to index
          %swap3A_634 = arith.constant 368 : index
          %swap3A_635 = tpu.vector_load %arg20[%swap3A_633, %swap3A_634] {strides = array<i32>} : memref<16x512xf32, #tpu.memory_space<vmem>>, vector<1x16xf32>,
          %swap3A_636 = vector.shape_cast %swap3A_635 : vector<1x16xf32> to vector<16xf32>
          %swap3A_637 = vector.shape_cast %add3A_632 : vector<16xf32> to vector<1x16xf32>
          tpu.vector_store %arg20[%swap3A_633, %swap3A_634], %swap3A_637 {strides = array<i32>} : memref<16x512xf32, #tpu.memory_space<vmem>>, vector<1x16xf32>,
          %get3A_638 = arith.index_cast %scan3A_92 : i32 to index
          %get3A_639 = arith.constant 384 : index
          %get3A_640 = tpu.vector_load %arg16[%get3A_638, %get3A_639] {strides = array<i32>} : memref<16x512xf32, #tpu.memory_space<vmem>>, vector<1x16xf32>,
          %get3A_641 = vector.shape_cast %get3A_640 : vector<1x16xf32> to vector<16xf32>
          %mul3A_642 = arith.mulf %get3A_96, %get3A_641 : vector<16xf32>
          %get3A_643 = arith.index_cast %scan3A_92 : i32 to index
          %get3A_644 = arith.constant 384 : index
          %get3A_645 = tpu.vector_load %arg17[%get3A_643, %get3A_644] {strides = array<i32>} : memref<16x512xf32, #tpu.memory_space<vmem>>, vector<1x16xf32>,
          %get3A_646 = vector.shape_cast %get3A_645 : vector<1x16xf32> to vector<16xf32>
          %mul3A_647 = arith.mulf %get3A_103, %get3A_646 : vector<16xf32>
          %add3A_648 = arith.addf %mul3A_642, %mul3A_647 : vector<16xf32>
          %get3A_649 = arith.index_cast %scan3A_92 : i32 to index
          %get3A_650 = arith.constant 384 : index
          %get3A_651 = tpu.vector_load %arg18[%get3A_649, %get3A_650] {strides = array<i32>} : memref<16x512xf32, #tpu.memory_space<vmem>>, vector<1x16xf32>,
          %get3A_652 = vector.shape_cast %get3A_651 : vector<1x16xf32> to vector<16xf32>
          %mul3A_653 = arith.mulf %get3A_110, %get3A_652 : vector<16xf32>
          %add3A_654 = arith.addf %add3A_648, %mul3A_653 : vector<16xf32>
          %swap3A_655 = arith.index_cast %scan3A_92 : i32 to index
          %swap3A_656 = arith.constant 384 : index
          %swap3A_657 = tpu.vector_load %arg20[%swap3A_655, %swap3A_656] {strides = array<i32>} : memref<16x512xf32, #tpu.memory_space<vmem>>, vector<1x16xf32>,
          %swap3A_658 = vector.shape_cast %swap3A_657 : vector<1x16xf32> to vector<16xf32>
          %swap3A_659 = vector.shape_cast %add3A_654 : vector<16xf32> to vector<1x16xf32>
          tpu.vector_store %arg20[%swap3A_655, %swap3A_656], %swap3A_659 {strides = array<i32>} : memref<16x512xf32, #tpu.memory_space<vmem>>, vector<1x16xf32>,
          %get3A_660 = arith.index_cast %scan3A_92 : i32 to index
          %get3A_661 = arith.constant 400 : index
          %get3A_662 = tpu.vector_load %arg16[%get3A_660, %get3A_661] {strides = array<i32>} : memref<16x512xf32, #tpu.memory_space<vmem>>, vector<1x16xf32>,
          %get3A_663 = vector.shape_cast %get3A_662 : vector<1x16xf32> to vector<16xf32>
          %mul3A_664 = arith.mulf %get3A_96, %get3A_663 : vector<16xf32>
          %get3A_665 = arith.index_cast %scan3A_92 : i32 to index
          %get3A_666 = arith.constant 400 : index
          %get3A_667 = tpu.vector_load %arg17[%get3A_665, %get3A_666] {strides = array<i32>} : memref<16x512xf32, #tpu.memory_space<vmem>>, vector<1x16xf32>,
          %get3A_668 = vector.shape_cast %get3A_667 : vector<1x16xf32> to vector<16xf32>
          %mul3A_669 = arith.mulf %get3A_103, %get3A_668 : vector<16xf32>
          %add3A_670 = arith.addf %mul3A_664, %mul3A_669 : vector<16xf32>
          %get3A_671 = arith.index_cast %scan3A_92 : i32 to index
          %get3A_672 = arith.constant 400 : index
          %get3A_673 = tpu.vector_load %arg18[%get3A_671, %get3A_672] {strides = array<i32>} : memref<16x512xf32, #tpu.memory_space<vmem>>, vector<1x16xf32>,
          %get3A_674 = vector.shape_cast %get3A_673 : vector<1x16xf32> to vector<16xf32>
          %mul3A_675 = arith.mulf %get3A_110, %get3A_674 : vector<16xf32>
          %add3A_676 = arith.addf %add3A_670, %mul3A_675 : vector<16xf32>
          %swap3A_677 = arith.index_cast %scan3A_92 : i32 to index
          %swap3A_678 = arith.constant 400 : index
          %swap3A_679 = tpu.vector_load %arg20[%swap3A_677, %swap3A_678] {strides = array<i32>} : memref<16x512xf32, #tpu.memory_space<vmem>>, vector<1x16xf32>,
          %swap3A_680 = vector.shape_cast %swap3A_679 : vector<1x16xf32> to vector<16xf32>
          %swap3A_681 = vector.shape_cast %add3A_676 : vector<16xf32> to vector<1x16xf32>
          tpu.vector_store %arg20[%swap3A_677, %swap3A_678], %swap3A_681 {strides = array<i32>} : memref<16x512xf32, #tpu.memory_space<vmem>>, vector<1x16xf32>,
          %get3A_682 = arith.index_cast %scan3A_92 : i32 to index
          %get3A_683 = arith.constant 416 : index
          %get3A_684 = tpu.vector_load %arg16[%get3A_682, %get3A_683] {strides = array<i32>} : memref<16x512xf32, #tpu.memory_space<vmem>>, vector<1x16xf32>,
          %get3A_685 = vector.shape_cast %get3A_684 : vector<1x16xf32> to vector<16xf32>
          %mul3A_686 = arith.mulf %get3A_96, %get3A_685 : vector<16xf32>
          %get3A_687 = arith.index_cast %scan3A_92 : i32 to index
          %get3A_688 = arith.constant 416 : index
          %get3A_689 = tpu.vector_load %arg17[%get3A_687, %get3A_688] {strides = array<i32>} : memref<16x512xf32, #tpu.memory_space<vmem>>, vector<1x16xf32>,
          %get3A_690 = vector.shape_cast %get3A_689 : vector<1x16xf32> to vector<16xf32>
          %mul3A_691 = arith.mulf %get3A_103, %get3A_690 : vector<16xf32>
          %add3A_692 = arith.addf %mul3A_686, %mul3A_691 : vector<16xf32>
          %get3A_693 = arith.index_cast %scan3A_92 : i32 to index
          %get3A_694 = arith.constant 416 : index
          %get3A_695 = tpu.vector_load %arg18[%get3A_693, %get3A_694] {strides = array<i32>} : memref<16x512xf32, #tpu.memory_space<vmem>>, vector<1x16xf32>,
          %get3A_696 = vector.shape_cast %get3A_695 : vector<1x16xf32> to vector<16xf32>
          %mul3A_697 = arith.mulf %get3A_110, %get3A_696 : vector<16xf32>
          %add3A_698 = arith.addf %add3A_692, %mul3A_697 : vector<16xf32>
          %swap3A_699 = arith.index_cast %scan3A_92 : i32 to index
          %swap3A_700 = arith.constant 416 : index
          %swap3A_701 = tpu.vector_load %arg20[%swap3A_699, %swap3A_700] {strides = array<i32>} : memref<16x512xf32, #tpu.memory_space<vmem>>, vector<1x16xf32>,
          %swap3A_702 = vector.shape_cast %swap3A_701 : vector<1x16xf32> to vector<16xf32>
          %swap3A_703 = vector.shape_cast %add3A_698 : vector<16xf32> to vector<1x16xf32>
          tpu.vector_store %arg20[%swap3A_699, %swap3A_700], %swap3A_703 {strides = array<i32>} : memref<16x512xf32, #tpu.memory_space<vmem>>, vector<1x16xf32>,
          %get3A_704 = arith.index_cast %scan3A_92 : i32 to index
          %get3A_705 = arith.constant 432 : index
          %get3A_706 = tpu.vector_load %arg16[%get3A_704, %get3A_705] {strides = array<i32>} : memref<16x512xf32, #tpu.memory_space<vmem>>, vector<1x16xf32>,
          %get3A_707 = vector.shape_cast %get3A_706 : vector<1x16xf32> to vector<16xf32>
          %mul3A_708 = arith.mulf %get3A_96, %get3A_707 : vector<16xf32>
          %get3A_709 = arith.index_cast %scan3A_92 : i32 to index
          %get3A_710 = arith.constant 432 : index
          %get3A_711 = tpu.vector_load %arg17[%get3A_709, %get3A_710] {strides = array<i32>} : memref<16x512xf32, #tpu.memory_space<vmem>>, vector<1x16xf32>,
          %get3A_712 = vector.shape_cast %get3A_711 : vector<1x16xf32> to vector<16xf32>
          %mul3A_713 = arith.mulf %get3A_103, %get3A_712 : vector<16xf32>
          %add3A_714 = arith.addf %mul3A_708, %mul3A_713 : vector<16xf32>
          %get3A_715 = arith.index_cast %scan3A_92 : i32 to index
          %get3A_716 = arith.constant 432 : index
          %get3A_717 = tpu.vector_load %arg18[%get3A_715, %get3A_716] {strides = array<i32>} : memref<16x512xf32, #tpu.memory_space<vmem>>, vector<1x16xf32>,
          %get3A_718 = vector.shape_cast %get3A_717 : vector<1x16xf32> to vector<16xf32>
          %mul3A_719 = arith.mulf %get3A_110, %get3A_718 : vector<16xf32>
          %add3A_720 = arith.addf %add3A_714, %mul3A_719 : vector<16xf32>
          %swap3A_721 = arith.index_cast %scan3A_92 : i32 to index
          %swap3A_722 = arith.constant 432 : index
          %swap3A_723 = tpu.vector_load %arg20[%swap3A_721, %swap3A_722] {strides = array<i32>} : memref<16x512xf32, #tpu.memory_space<vmem>>, vector<1x16xf32>,
          %swap3A_724 = vector.shape_cast %swap3A_723 : vector<1x16xf32> to vector<16xf32>
          %swap3A_725 = vector.shape_cast %add3A_720 : vector<16xf32> to vector<1x16xf32>
          tpu.vector_store %arg20[%swap3A_721, %swap3A_722], %swap3A_725 {strides = array<i32>} : memref<16x512xf32, #tpu.memory_space<vmem>>, vector<1x16xf32>,
          %get3A_726 = arith.index_cast %scan3A_92 : i32 to index
          %get3A_727 = arith.constant 448 : index
          %get3A_728 = tpu.vector_load %arg16[%get3A_726, %get3A_727] {strides = array<i32>} : memref<16x512xf32, #tpu.memory_space<vmem>>, vector<1x16xf32>,
          %get3A_729 = vector.shape_cast %get3A_728 : vector<1x16xf32> to vector<16xf32>
          %mul3A_730 = arith.mulf %get3A_96, %get3A_729 : vector<16xf32>
          %get3A_731 = arith.index_cast %scan3A_92 : i32 to index
          %get3A_732 = arith.constant 448 : index
          %get3A_733 = tpu.vector_load %arg17[%get3A_731, %get3A_732] {strides = array<i32>} : memref<16x512xf32, #tpu.memory_space<vmem>>, vector<1x16xf32>,
          %get3A_734 = vector.shape_cast %get3A_733 : vector<1x16xf32> to vector<16xf32>
          %mul3A_735 = arith.mulf %get3A_103, %get3A_734 : vector<16xf32>
          %add3A_736 = arith.addf %mul3A_730, %mul3A_735 : vector<16xf32>
          %get3A_737 = arith.index_cast %scan3A_92 : i32 to index
          %get3A_738 = arith.constant 448 : index
          %get3A_739 = tpu.vector_load %arg18[%get3A_737, %get3A_738] {strides = array<i32>} : memref<16x512xf32, #tpu.memory_space<vmem>>, vector<1x16xf32>,
          %get3A_740 = vector.shape_cast %get3A_739 : vector<1x16xf32> to vector<16xf32>
          %mul3A_741 = arith.mulf %get3A_110, %get3A_740 : vector<16xf32>
          %add3A_742 = arith.addf %add3A_736, %mul3A_741 : vector<16xf32>
          %swap3A_743 = arith.index_cast %scan3A_92 : i32 to index
          %swap3A_744 = arith.constant 448 : index
          %swap3A_745 = tpu.vector_load %arg20[%swap3A_743, %swap3A_744] {strides = array<i32>} : memref<16x512xf32, #tpu.memory_space<vmem>>, vector<1x16xf32>,
          %swap3A_746 = vector.shape_cast %swap3A_745 : vector<1x16xf32> to vector<16xf32>
          %swap3A_747 = vector.shape_cast %add3A_742 : vector<16xf32> to vector<1x16xf32>
          tpu.vector_store %arg20[%swap3A_743, %swap3A_744], %swap3A_747 {strides = array<i32>} : memref<16x512xf32, #tpu.memory_space<vmem>>, vector<1x16xf32>,
          %get3A_748 = arith.index_cast %scan3A_92 : i32 to index
          %get3A_749 = arith.constant 464 : index
          %get3A_750 = tpu.vector_load %arg16[%get3A_748, %get3A_749] {strides = array<i32>} : memref<16x512xf32, #tpu.memory_space<vmem>>, vector<1x16xf32>,
          %get3A_751 = vector.shape_cast %get3A_750 : vector<1x16xf32> to vector<16xf32>
          %mul3A_752 = arith.mulf %get3A_96, %get3A_751 : vector<16xf32>
          %get3A_753 = arith.index_cast %scan3A_92 : i32 to index
          %get3A_754 = arith.constant 464 : index
          %get3A_755 = tpu.vector_load %arg17[%get3A_753, %get3A_754] {strides = array<i32>} : memref<16x512xf32, #tpu.memory_space<vmem>>, vector<1x16xf32>,
          %get3A_756 = vector.shape_cast %get3A_755 : vector<1x16xf32> to vector<16xf32>
          %mul3A_757 = arith.mulf %get3A_103, %get3A_756 : vector<16xf32>
          %add3A_758 = arith.addf %mul3A_752, %mul3A_757 : vector<16xf32>
          %get3A_759 = arith.index_cast %scan3A_92 : i32 to index
          %get3A_760 = arith.constant 464 : index
          %get3A_761 = tpu.vector_load %arg18[%get3A_759, %get3A_760] {strides = array<i32>} : memref<16x512xf32, #tpu.memory_space<vmem>>, vector<1x16xf32>,
          %get3A_762 = vector.shape_cast %get3A_761 : vector<1x16xf32> to vector<16xf32>
          %mul3A_763 = arith.mulf %get3A_110, %get3A_762 : vector<16xf32>
          %add3A_764 = arith.addf %add3A_758, %mul3A_763 : vector<16xf32>
          %swap3A_765 = arith.index_cast %scan3A_92 : i32 to index
          %swap3A_766 = arith.constant 464 : index
          %swap3A_767 = tpu.vector_load %arg20[%swap3A_765, %swap3A_766] {strides = array<i32>} : memref<16x512xf32, #tpu.memory_space<vmem>>, vector<1x16xf32>,
          %swap3A_768 = vector.shape_cast %swap3A_767 : vector<1x16xf32> to vector<16xf32>
          %swap3A_769 = vector.shape_cast %add3A_764 : vector<16xf32> to vector<1x16xf32>
          tpu.vector_store %arg20[%swap3A_765, %swap3A_766], %swap3A_769 {strides = array<i32>} : memref<16x512xf32, #tpu.memory_space<vmem>>, vector<1x16xf32>,
          %get3A_770 = arith.index_cast %scan3A_92 : i32 to index
          %get3A_771 = arith.constant 480 : index
          %get3A_772 = tpu.vector_load %arg16[%get3A_770, %get3A_771] {strides = array<i32>} : memref<16x512xf32, #tpu.memory_space<vmem>>, vector<1x16xf32>,
          %get3A_773 = vector.shape_cast %get3A_772 : vector<1x16xf32> to vector<16xf32>
          %mul3A_774 = arith.mulf %get3A_96, %get3A_773 : vector<16xf32>
          %get3A_775 = arith.index_cast %scan3A_92 : i32 to index
          %get3A_776 = arith.constant 480 : index
          %get3A_777 = tpu.vector_load %arg17[%get3A_775, %get3A_776] {strides = array<i32>} : memref<16x512xf32, #tpu.memory_space<vmem>>, vector<1x16xf32>,
          %get3A_778 = vector.shape_cast %get3A_777 : vector<1x16xf32> to vector<16xf32>
          %mul3A_779 = arith.mulf %get3A_103, %get3A_778 : vector<16xf32>
          %add3A_780 = arith.addf %mul3A_774, %mul3A_779 : vector<16xf32>
          %get3A_781 = arith.index_cast %scan3A_92 : i32 to index
          %get3A_782 = arith.constant 480 : index
          %get3A_783 = tpu.vector_load %arg18[%get3A_781, %get3A_782] {strides = array<i32>} : memref<16x512xf32, #tpu.memory_space<vmem>>, vector<1x16xf32>,
          %get3A_784 = vector.shape_cast %get3A_783 : vector<1x16xf32> to vector<16xf32>
          %mul3A_785 = arith.mulf %get3A_110, %get3A_784 : vector<16xf32>
          %add3A_786 = arith.addf %add3A_780, %mul3A_785 : vector<16xf32>
          %swap3A_787 = arith.index_cast %scan3A_92 : i32 to index
          %swap3A_788 = arith.constant 480 : index
          %swap3A_789 = tpu.vector_load %arg20[%swap3A_787, %swap3A_788] {strides = array<i32>} : memref<16x512xf32, #tpu.memory_space<vmem>>, vector<1x16xf32>,
          %swap3A_790 = vector.shape_cast %swap3A_789 : vector<1x16xf32> to vector<16xf32>
          %swap3A_791 = vector.shape_cast %add3A_786 : vector<16xf32> to vector<1x16xf32>
          tpu.vector_store %arg20[%swap3A_787, %swap3A_788], %swap3A_791 {strides = array<i32>} : memref<16x512xf32, #tpu.memory_space<vmem>>, vector<1x16xf32>,
          %get3A_792 = arith.index_cast %scan3A_92 : i32 to index
          %get3A_793 = arith.constant 496 : index
          %get3A_794 = tpu.vector_load %arg16[%get3A_792, %get3A_793] {strides = array<i32>} : memref<16x512xf32, #tpu.memory_space<vmem>>, vector<1x16xf32>,
          %get3A_795 = vector.shape_cast %get3A_794 : vector<1x16xf32> to vector<16xf32>
          %mul3A_796 = arith.mulf %get3A_96, %get3A_795 : vector<16xf32>
          %get3A_797 = arith.index_cast %scan3A_92 : i32 to index
          %get3A_798 = arith.constant 496 : index
          %get3A_799 = tpu.vector_load %arg17[%get3A_797, %get3A_798] {strides = array<i32>} : memref<16x512xf32, #tpu.memory_space<vmem>>, vector<1x16xf32>,
          %get3A_800 = vector.shape_cast %get3A_799 : vector<1x16xf32> to vector<16xf32>
          %mul3A_801 = arith.mulf %get3A_103, %get3A_800 : vector<16xf32>
          %add3A_802 = arith.addf %mul3A_796, %mul3A_801 : vector<16xf32>
          %get3A_803 = arith.index_cast %scan3A_92 : i32 to index
          %get3A_804 = arith.constant 496 : index
          %get3A_805 = tpu.vector_load %arg18[%get3A_803, %get3A_804] {strides = array<i32>} : memref<16x512xf32, #tpu.memory_space<vmem>>, vector<1x16xf32>,
          %get3A_806 = vector.shape_cast %get3A_805 : vector<1x16xf32> to vector<16xf32>
          %mul3A_807 = arith.mulf %get3A_110, %get3A_806 : vector<16xf32>
          %add3A_808 = arith.addf %add3A_802, %mul3A_807 : vector<16xf32>
          %swap3A_809 = arith.index_cast %scan3A_92 : i32 to index
          %swap3A_810 = arith.constant 496 : index
          %swap3A_811 = tpu.vector_load %arg20[%swap3A_809, %swap3A_810] {strides = array<i32>} : memref<16x512xf32, #tpu.memory_space<vmem>>, vector<1x16xf32>,
          %swap3A_812 = vector.shape_cast %swap3A_811 : vector<1x16xf32> to vector<16xf32>
          %swap3A_813 = vector.shape_cast %add3A_808 : vector<16xf32> to vector<1x16xf32>
          tpu.vector_store %arg20[%swap3A_809, %swap3A_810], %swap3A_813 {strides = array<i32>} : memref<16x512xf32, #tpu.memory_space<vmem>>, vector<1x16xf32>,
        }
        %scan3A_84 = arith.constant 16 : i32
        %mul3A_85 = arith.constant 16 : i32
        %mul3A_86 = arith.muli %scan3A_39, %mul3A_85 : i32
        %add3A_87 = arith.addi %mul3A_2, %mul3A_86 : i32
        %dma_start3A_88 = arith.constant 0 : i32
        %dma_start3A_89 = tpu.memref_slice %arg7[%add3A_87, %dma_start3A_88] : memref<32768x512xf32, #tpu.memory_space<hbm>> -> memref<16x512xf32, #tpu.memory_space<hbm>>
        %dma_start3A_90 = arith.constant 0 : i32
        %dma_start3A_91 = tpu.memref_slice %arg7[%add3A_87, %dma_start3A_90] : memref<32768x512xf32, #tpu.memory_space<hbm>> -> memref<16x512xf32, #tpu.memory_space<hbm>>
        tpu.enqueue_dma source(%arg20 : memref<16x512xf32, #tpu.memory_space<vmem>>) target(%dma_start3A_91 : memref<16x512xf32, #tpu.memory_space<hbm>>) target_semaphore(%arg24 : memref<!tpu.dma_semaphore, #tpu.memory_space<semaphore_mem>>)
      } else {
      }
    }
    %scan3A_27 = arith.constant 64 : i32
    %dma_wait3A = arith.constant 0 : i32
    %dma_wait3A_28 = arith.constant 0 : i32
    %dma_wait3A_29 = tpu.memref_slice %arg7[%dma_wait3A, %dma_wait3A_28] : memref<32768x512xf32, #tpu.memory_space<hbm>> -> memref<16x512xf32, #tpu.memory_space<hbm>>
    %dma_wait3A_30 = arith.constant 0 : i32
    %dma_wait3A_31 = arith.constant 0 : i32
    %dma_wait3A_32 = tpu.memref_slice %arg7[%dma_wait3A_30, %dma_wait3A_31] : memref<32768x512xf32, #tpu.memory_space<hbm>> -> memref<16x512xf32, #tpu.memory_space<hbm>>
    tpu.wait_dma2 semaphore(%arg23 : memref<!tpu.dma_semaphore, #tpu.memory_space<semaphore_mem>>) src(%arg15 : memref<16x512xf32, #tpu.memory_space<vmem>>) dst(%dma_wait3A_32 : memref<16x512xf32, #tpu.memory_space<hbm>>)
    %dma_wait3A_33 = arith.constant 0 : i32
    %dma_wait3A_34 = arith.constant 0 : i32
    %dma_wait3A_35 = tpu.memref_slice %arg7[%dma_wait3A_33, %dma_wait3A_34] : memref<32768x512xf32, #tpu.memory_space<hbm>> -> memref<16x512xf32, #tpu.memory_space<hbm>>
    %dma_wait3A_36 = arith.constant 0 : i32
    %dma_wait3A_37 = arith.constant 0 : i32
    %dma_wait3A_38 = tpu.memref_slice %arg7[%dma_wait3A_36, %dma_wait3A_37] : memref<32768x512xf32, #tpu.memory_space<hbm>> -> memref<16x512xf32, #tpu.memory_space<hbm>>
    tpu.wait_dma2 semaphore(%arg24 : memref<!tpu.dma_semaphore, #tpu.memory_space<semaphore_mem>>) src(%arg20 : memref<16x512xf32, #tpu.memory_space<vmem>>) dst(%dma_wait3A_38 : memref<16x512xf32, #tpu.memory_space<hbm>>)
    return
  }
}

#map = affine_map<(d0, d1) -> (0, 0)>
#map1 = affine_map<(d0, d1) -> (0)>
module attributes {stable_mosaic.version = 14 : i64} {
  func.func @_interp_body(%arg0: i32, %arg1: i32, %arg2: memref<16384x512xf32, #tpu.memory_space<hbm>>, %arg3: memref<32768xi32, #tpu.memory_space<hbm>>, %arg4: memref<32768xi32, #tpu.memory_space<hbm>>, %arg5: memref<32768xi32, #tpu.memory_space<hbm>>, %arg6: memref<1572864xf32, #tpu.memory_space<hbm>>, %arg7: memref<32768x512xf32, #tpu.memory_space<hbm>>, %arg8: memref<1024xi32, #tpu.memory_space<vmem>>, %arg9: memref<1024xi32, #tpu.memory_space<vmem>>, %arg10: memref<1024xi32, #tpu.memory_space<vmem>>, %arg11: memref<16x512xf32, #tpu.memory_space<vmem>>, %arg12: memref<16x512xf32, #tpu.memory_space<vmem>>, %arg13: memref<16x512xf32, #tpu.memory_space<vmem>>, %arg14: memref<768xf32, #tpu.memory_space<vmem>>, %arg15: memref<16x512xf32, #tpu.memory_space<vmem>>, %arg16: memref<16x512xf32, #tpu.memory_space<vmem>>, %arg17: memref<16x512xf32, #tpu.memory_space<vmem>>, %arg18: memref<16x512xf32, #tpu.memory_space<vmem>>, %arg19: memref<768xf32, #tpu.memory_space<vmem>>, %arg20: memref<16x512xf32, #tpu.memory_space<vmem>>, %arg21: memref<!tpu.dma_semaphore, #tpu.memory_space<semaphore_mem>>, %arg22: memref<!tpu.dma_semaphore, #tpu.memory_space<semaphore_mem>>, %arg23: memref<!tpu.dma_semaphore, #tpu.memory_space<semaphore_mem>>, %arg24: memref<!tpu.dma_semaphore, #tpu.memory_space<semaphore_mem>>) attributes {dimension_semantics = [#tpu.dimension_semantics<core_parallel>, #tpu.dimension_semantics<subcore_parallel>], iteration_bounds = array<i64: 2, 16>, scalar_prefetch = 0 : i64, scratch_operands = 17 : i64, tpu.core_type = #tpu.core_type<sc_vector_subcore>, window_params = [{transform_indices = #map}, {transform_indices = #map1}, {transform_indices = #map1}, {transform_indices = #map1}, {transform_indices = #map1}, {transform_indices = #map}]} {
    %mul3A = arith.constant 2 : i32
    %mul3A_0 = arith.muli %arg1, %mul3A : i32
    %add3A = arith.addi %mul3A_0, %arg0 : i32
    %mul3A_1 = arith.constant 1024 : i32
    %mul3A_2 = arith.muli %add3A, %mul3A_1 : i32
    "tpu.region"() ({
      %run_scoped3A = tpu.sem_alloc : memref<!tpu.dma_semaphore, #tpu.memory_space<semaphore_mem>>
      %dma_start3A_39 = tpu.memref_slice %arg3[%mul3A_2] : memref<32768xi32, #tpu.memory_space<hbm>> -> memref<1024xi32, #tpu.memory_space<hbm>>
      %dma_start3A_40 = tpu.memref_slice %arg3[%mul3A_2] : memref<32768xi32, #tpu.memory_space<hbm>> -> memref<1024xi32, #tpu.memory_space<hbm>>
      tpu.enqueue_dma source(%dma_start3A_40 : memref<1024xi32, #tpu.memory_space<hbm>>) target(%arg8 : memref<1024xi32, #tpu.memory_space<vmem>>) target_semaphore(%run_scoped3A : memref<!tpu.dma_semaphore, #tpu.memory_space<semaphore_mem>>)
      %dma_wait3A_41 = tpu.memref_slice %arg3[%mul3A_2] : memref<32768xi32, #tpu.memory_space<hbm>> -> memref<1024xi32, #tpu.memory_space<hbm>>
      %dma_wait3A_42 = tpu.memref_slice %arg3[%mul3A_2] : memref<32768xi32, #tpu.memory_space<hbm>> -> memref<1024xi32, #tpu.memory_space<hbm>>
      tpu.wait_dma2 semaphore(%run_scoped3A : memref<!tpu.dma_semaphore, #tpu.memory_space<semaphore_mem>>) src(%dma_wait3A_42 : memref<1024xi32, #tpu.memory_space<hbm>>) dst(%arg8 : memref<1024xi32, #tpu.memory_space<vmem>>)
      tpu.yield
    }) : () -> ()
    "tpu.region"() ({
      %run_scoped3A = tpu.sem_alloc : memref<!tpu.dma_semaphore, #tpu.memory_space<semaphore_mem>>
      %dma_start3A_39 = tpu.memref_slice %arg4[%mul3A_2] : memref<32768xi32, #tpu.memory_space<hbm>> -> memref<1024xi32, #tpu.memory_space<hbm>>
      %dma_start3A_40 = tpu.memref_slice %arg4[%mul3A_2] : memref<32768xi32, #tpu.memory_space<hbm>> -> memref<1024xi32, #tpu.memory_space<hbm>>
      tpu.enqueue_dma source(%dma_start3A_40 : memref<1024xi32, #tpu.memory_space<hbm>>) target(%arg9 : memref<1024xi32, #tpu.memory_space<vmem>>) target_semaphore(%run_scoped3A : memref<!tpu.dma_semaphore, #tpu.memory_space<semaphore_mem>>)
      %dma_wait3A_41 = tpu.memref_slice %arg4[%mul3A_2] : memref<32768xi32, #tpu.memory_space<hbm>> -> memref<1024xi32, #tpu.memory_space<hbm>>
      %dma_wait3A_42 = tpu.memref_slice %arg4[%mul3A_2] : memref<32768xi32, #tpu.memory_space<hbm>> -> memref<1024xi32, #tpu.memory_space<hbm>>
      tpu.wait_dma2 semaphore(%run_scoped3A : memref<!tpu.dma_semaphore, #tpu.memory_space<semaphore_mem>>) src(%dma_wait3A_42 : memref<1024xi32, #tpu.memory_space<hbm>>) dst(%arg9 : memref<1024xi32, #tpu.memory_space<vmem>>)
      tpu.yield
    }) : () -> ()
    "tpu.region"() ({
      %run_scoped3A = tpu.sem_alloc : memref<!tpu.dma_semaphore, #tpu.memory_space<semaphore_mem>>
      %dma_start3A_39 = tpu.memref_slice %arg5[%mul3A_2] : memref<32768xi32, #tpu.memory_space<hbm>> -> memref<1024xi32, #tpu.memory_space<hbm>>
      %dma_start3A_40 = tpu.memref_slice %arg5[%mul3A_2] : memref<32768xi32, #tpu.memory_space<hbm>> -> memref<1024xi32, #tpu.memory_space<hbm>>
      tpu.enqueue_dma source(%dma_start3A_40 : memref<1024xi32, #tpu.memory_space<hbm>>) target(%arg10 : memref<1024xi32, #tpu.memory_space<vmem>>) target_semaphore(%run_scoped3A : memref<!tpu.dma_semaphore, #tpu.memory_space<semaphore_mem>>)
      %dma_wait3A_41 = tpu.memref_slice %arg5[%mul3A_2] : memref<32768xi32, #tpu.memory_space<hbm>> -> memref<1024xi32, #tpu.memory_space<hbm>>
      %dma_wait3A_42 = tpu.memref_slice %arg5[%mul3A_2] : memref<32768xi32, #tpu.memory_space<hbm>> -> memref<1024xi32, #tpu.memory_space<hbm>>
      tpu.wait_dma2 semaphore(%run_scoped3A : memref<!tpu.dma_semaphore, #tpu.memory_space<semaphore_mem>>) src(%dma_wait3A_42 : memref<1024xi32, #tpu.memory_space<hbm>>) dst(%arg10 : memref<1024xi32, #tpu.memory_space<vmem>>)
      tpu.yield
    }) : () -> ()
    %dma_start3A = arith.constant 0 : i32
    %dma_start3A_3 = tpu.memref_slice %arg8[%dma_start3A] : memref<1024xi32, #tpu.memory_space<vmem>> -> memref<16xi32, #tpu.memory_space<vmem>>
    %dma_start3A_4 = arith.constant 0 : i32
    %dma_start3A_5 = arith.constant 0 : i32
    %dma_start3A_6 = tpu.memref_slice %arg2[%dma_start3A_4, %dma_start3A_5] : memref<16384x512xf32, #tpu.memory_space<hbm>> -> memref<16384x512xf32, #tpu.memory_space<hbm>>
    tpu.enqueue_indirect_dma source(%dma_start3A_6 : memref<16384x512xf32, #tpu.memory_space<hbm>>) target(%arg11 : memref<16x512xf32, #tpu.memory_space<vmem>>) offsets(%dma_start3A_3 : memref<16xi32, #tpu.memory_space<vmem>>) semaphore(%arg21 : memref<!tpu.dma_semaphore, #tpu.memory_space<semaphore_mem>>)
    %dma_start3A_7 = arith.constant 0 : i32
    %dma_start3A_8 = tpu.memref_slice %arg9[%dma_start3A_7] : memref<1024xi32, #tpu.memory_space<vmem>> -> memref<16xi32, #tpu.memory_space<vmem>>
    %dma_start3A_9 = arith.constant 0 : i32
    %dma_start3A_10 = arith.constant 0 : i32
    %dma_start3A_11 = tpu.memref_slice %arg2[%dma_start3A_9, %dma_start3A_10] : memref<16384x512xf32, #tpu.memory_space<hbm>> -> memref<16384x512xf32, #tpu.memory_space<hbm>>
    tpu.enqueue_indirect_dma source(%dma_start3A_11 : memref<16384x512xf32, #tpu.memory_space<hbm>>) target(%arg12 : memref<16x512xf32, #tpu.memory_space<vmem>>) offsets(%dma_start3A_8 : memref<16xi32, #tpu.memory_space<vmem>>) semaphore(%arg21 : memref<!tpu.dma_semaphore, #tpu.memory_space<semaphore_mem>>)
    %dma_start3A_12 = arith.constant 0 : i32
    %dma_start3A_13 = tpu.memref_slice %arg10[%dma_start3A_12] : memref<1024xi32, #tpu.memory_space<vmem>> -> memref<16xi32, #tpu.memory_space<vmem>>
    %dma_start3A_14 = arith.constant 0 : i32
    %dma_start3A_15 = arith.constant 0 : i32
    %dma_start3A_16 = tpu.memref_slice %arg2[%dma_start3A_14, %dma_start3A_15] : memref<16384x512xf32, #tpu.memory_space<hbm>> -> memref<16384x512xf32, #tpu.memory_space<hbm>>
    tpu.enqueue_indirect_dma source(%dma_start3A_16 : memref<16384x512xf32, #tpu.memory_space<hbm>>) target(%arg13 : memref<16x512xf32, #tpu.memory_space<vmem>>) offsets(%dma_start3A_13 : memref<16xi32, #tpu.memory_space<vmem>>) semaphore(%arg21 : memref<!tpu.dma_semaphore, #tpu.memory_space<semaphore_mem>>)
    %add3A_17 = arith.constant 0 : i32
    %add3A_18 = arith.addi %mul3A_2, %add3A_17 : i32
    %mul3A_19 = arith.constant 48 : i32
    %mul3A_20 = arith.muli %add3A_18, %mul3A_19 : i32
    %dma_start3A_21 = tpu.memref_slice %arg6[%mul3A_20] : memref<1572864xf32, #tpu.memory_space<hbm>> -> memref<768xf32, #tpu.memory_space<hbm>>
    %dma_start3A_22 = tpu.memref_slice %arg6[%mul3A_20] : memref<1572864xf32, #tpu.memory_space<hbm>> -> memref<768xf32, #tpu.memory_space<hbm>>
    tpu.enqueue_dma source(%dma_start3A_22 : memref<768xf32, #tpu.memory_space<hbm>>) target(%arg14 : memref<768xf32, #tpu.memory_space<vmem>>) target_semaphore(%arg21 : memref<!tpu.dma_semaphore, #tpu.memory_space<semaphore_mem>>)
    %scan3A = arith.constant 0 : i32
    %scan3A_23 = arith.constant 0 : i32
    %scan3A_24 = arith.constant 64 : i32
    %scan3A_25 = arith.addi %scan3A_23, %scan3A_24 : i32
    %scan3A_26 = arith.constant 1 : i32
    scf.for %scan3A_39 = %scan3A_23 to %scan3A_25 step %scan3A_26  : i32 {
      %rem3A = arith.constant 2 : i32
      %rem3A_40 = arith.remsi %scan3A_39, %rem3A : i32
      %eq3A = arith.constant 0 : i32
      %eq3A_41 = arith.cmpi eq, %rem3A_40, %eq3A : i32
      %convert_element_type3A = arith.extui %eq3A_41 : i1 to i32
      %cond3A = arith.constant 0 : i32
      %cond3A_42 = arith.cmpi ne, %convert_element_type3A, %cond3A : i32
      scf.if %cond3A_42 {
        %add3A_47 = arith.constant 1 : i32
        %add3A_48 = arith.addi %scan3A_39, %add3A_47 : i32
        %lt3A = arith.constant 64 : i32
        %lt3A_49 = arith.cmpi slt, %add3A_48, %lt3A : i32
        %convert_element_type3A_50 = arith.extui %lt3A_49 : i1 to i32
        %cond3A_51 = arith.constant 0 : i32
        %cond3A_52 = arith.cmpi ne, %convert_element_type3A_50, %cond3A_51 : i32
        scf.if %cond3A_52 {
          %add3A_92 = arith.constant 1 : i32
          %add3A_93 = arith.addi %scan3A_39, %add3A_92 : i32
          %mul3A_94 = arith.constant 16 : i32
          %mul3A_95 = arith.muli %add3A_93, %mul3A_94 : i32
          %dma_start3A_96 = tpu.memref_slice %arg8[%mul3A_95] : memref<1024xi32, #tpu.memory_space<vmem>> -> memref<16xi32, #tpu.memory_space<vmem>>
          %dma_start3A_97 = arith.constant 0 : i32
          %dma_start3A_98 = arith.constant 0 : i32
          %dma_start3A_99 = tpu.memref_slice %arg2[%dma_start3A_97, %dma_start3A_98] : memref<16384x512xf32, #tpu.memory_space<hbm>> -> memref<16384x512xf32, #tpu.memory_space<hbm>>
          tpu.enqueue_indirect_dma source(%dma_start3A_99 : memref<16384x512xf32, #tpu.memory_space<hbm>>) target(%arg16 : memref<16x512xf32, #tpu.memory_space<vmem>>) offsets(%dma_start3A_96 : memref<16xi32, #tpu.memory_space<vmem>>) semaphore(%arg22 : memref<!tpu.dma_semaphore, #tpu.memory_space<semaphore_mem>>)
          %dma_start3A_100 = tpu.memref_slice %arg9[%mul3A_95] : memref<1024xi32, #tpu.memory_space<vmem>> -> memref<16xi32, #tpu.memory_space<vmem>>
          %dma_start3A_101 = arith.constant 0 : i32
          %dma_start3A_102 = arith.constant 0 : i32
          %dma_start3A_103 = tpu.memref_slice %arg2[%dma_start3A_101, %dma_start3A_102] : memref<16384x512xf32, #tpu.memory_space<hbm>> -> memref<16384x512xf32, #tpu.memory_space<hbm>>
          tpu.enqueue_indirect_dma source(%dma_start3A_103 : memref<16384x512xf32, #tpu.memory_space<hbm>>) target(%arg17 : memref<16x512xf32, #tpu.memory_space<vmem>>) offsets(%dma_start3A_100 : memref<16xi32, #tpu.memory_space<vmem>>) semaphore(%arg22 : memref<!tpu.dma_semaphore, #tpu.memory_space<semaphore_mem>>)
          %dma_start3A_104 = tpu.memref_slice %arg10[%mul3A_95] : memref<1024xi32, #tpu.memory_space<vmem>> -> memref<16xi32, #tpu.memory_space<vmem>>
          %dma_start3A_105 = arith.constant 0 : i32
          %dma_start3A_106 = arith.constant 0 : i32
          %dma_start3A_107 = tpu.memref_slice %arg2[%dma_start3A_105, %dma_start3A_106] : memref<16384x512xf32, #tpu.memory_space<hbm>> -> memref<16384x512xf32, #tpu.memory_space<hbm>>
          tpu.enqueue_indirect_dma source(%dma_start3A_107 : memref<16384x512xf32, #tpu.memory_space<hbm>>) target(%arg18 : memref<16x512xf32, #tpu.memory_space<vmem>>) offsets(%dma_start3A_104 : memref<16xi32, #tpu.memory_space<vmem>>) semaphore(%arg22 : memref<!tpu.dma_semaphore, #tpu.memory_space<semaphore_mem>>)
          %add3A_108 = arith.addi %mul3A_2, %mul3A_95 : i32
          %mul3A_109 = arith.constant 48 : i32
          %mul3A_110 = arith.muli %add3A_108, %mul3A_109 : i32
          %dma_start3A_111 = tpu.memref_slice %arg6[%mul3A_110] : memref<1572864xf32, #tpu.memory_space<hbm>> -> memref<768xf32, #tpu.memory_space<hbm>>
          %dma_start3A_112 = tpu.memref_slice %arg6[%mul3A_110] : memref<1572864xf32, #tpu.memory_space<hbm>> -> memref<768xf32, #tpu.memory_space<hbm>>
          tpu.enqueue_dma source(%dma_start3A_112 : memref<768xf32, #tpu.memory_space<hbm>>) target(%arg19 : memref<768xf32, #tpu.memory_space<vmem>>) target_semaphore(%arg22 : memref<!tpu.dma_semaphore, #tpu.memory_space<semaphore_mem>>)
        } else {
        }
        %dma_wait3A_53 = arith.constant 0 : i32
        %dma_wait3A_54 = arith.constant 0 : i32
        %dma_wait3A_55 = tpu.memref_slice %arg2[%dma_wait3A_53, %dma_wait3A_54] : memref<16384x512xf32, #tpu.memory_space<hbm>> -> memref<16x512xf32, #tpu.memory_space<hbm>>
        %dma_wait3A_56 = arith.constant 0 : i32
        %dma_wait3A_57 = arith.constant 0 : i32
        %dma_wait3A_58 = tpu.memref_slice %arg2[%dma_wait3A_56, %dma_wait3A_57] : memref<16384x512xf32, #tpu.memory_space<hbm>> -> memref<16x512xf32, #tpu.memory_space<hbm>>
        tpu.wait_dma2 semaphore(%arg21 : memref<!tpu.dma_semaphore, #tpu.memory_space<semaphore_mem>>) src(%dma_wait3A_58 : memref<16x512xf32, #tpu.memory_space<hbm>>) dst(%arg11 : memref<16x512xf32, #tpu.memory_space<vmem>>)
        %dma_wait3A_59 = arith.constant 0 : i32
        %dma_wait3A_60 = arith.constant 0 : i32
        %dma_wait3A_61 = tpu.memref_slice %arg2[%dma_wait3A_59, %dma_wait3A_60] : memref<16384x512xf32, #tpu.memory_space<hbm>> -> memref<16x512xf32, #tpu.memory_space<hbm>>
        %dma_wait3A_62 = arith.constant 0 : i32
        %dma_wait3A_63 = arith.constant 0 : i32
        %dma_wait3A_64 = tpu.memref_slice %arg2[%dma_wait3A_62, %dma_wait3A_63] : memref<16384x512xf32, #tpu.memory_space<hbm>> -> memref<16x512xf32, #tpu.memory_space<hbm>>
        tpu.wait_dma2 semaphore(%arg21 : memref<!tpu.dma_semaphore, #tpu.memory_space<semaphore_mem>>) src(%dma_wait3A_64 : memref<16x512xf32, #tpu.memory_space<hbm>>) dst(%arg12 : memref<16x512xf32, #tpu.memory_space<vmem>>)
        %dma_wait3A_65 = arith.constant 0 : i32
        %dma_wait3A_66 = arith.constant 0 : i32
        %dma_wait3A_67 = tpu.memref_slice %arg2[%dma_wait3A_65, %dma_wait3A_66] : memref<16384x512xf32, #tpu.memory_space<hbm>> -> memref<16x512xf32, #tpu.memory_space<hbm>>
        %dma_wait3A_68 = arith.constant 0 : i32
        %dma_wait3A_69 = arith.constant 0 : i32
        %dma_wait3A_70 = tpu.memref_slice %arg2[%dma_wait3A_68, %dma_wait3A_69] : memref<16384x512xf32, #tpu.memory_space<hbm>> -> memref<16x512xf32, #tpu.memory_space<hbm>>
        tpu.wait_dma2 semaphore(%arg21 : memref<!tpu.dma_semaphore, #tpu.memory_space<semaphore_mem>>) src(%dma_wait3A_70 : memref<16x512xf32, #tpu.memory_space<hbm>>) dst(%arg13 : memref<16x512xf32, #tpu.memory_space<vmem>>)
        %dma_wait3A_71 = arith.constant 0 : i32
        %dma_wait3A_72 = tpu.memref_slice %arg6[%dma_wait3A_71] : memref<1572864xf32, #tpu.memory_space<hbm>> -> memref<768xf32, #tpu.memory_space<hbm>>
        %dma_wait3A_73 = arith.constant 0 : i32
        %dma_wait3A_74 = tpu.memref_slice %arg6[%dma_wait3A_73] : memref<1572864xf32, #tpu.memory_space<hbm>> -> memref<768xf32, #tpu.memory_space<hbm>>
        tpu.wait_dma2 semaphore(%arg21 : memref<!tpu.dma_semaphore, #tpu.memory_space<semaphore_mem>>) src(%dma_wait3A_74 : memref<768xf32, #tpu.memory_space<hbm>>) dst(%arg14 : memref<768xf32, #tpu.memory_space<vmem>>)
        %ge3A = arith.constant 2 : i32
        %ge3A_75 = arith.cmpi sge, %scan3A_39, %ge3A : i32
        %convert_element_type3A_76 = arith.extui %ge3A_75 : i1 to i32
        %cond3A_77 = arith.constant 0 : i32
        %cond3A_78 = arith.cmpi ne, %convert_element_type3A_76, %cond3A_77 : i32
        scf.if %cond3A_78 {
          %dma_wait3A_92 = arith.constant 0 : i32
          %dma_wait3A_93 = arith.constant 0 : i32
          %dma_wait3A_94 = tpu.memref_slice %arg7[%dma_wait3A_92, %dma_wait3A_93] : memref<32768x512xf32, #tpu.memory_space<hbm>> -> memref<16x512xf32, #tpu.memory_space<hbm>>
          %dma_wait3A_95 = arith.constant 0 : i32
          %dma_wait3A_96 = arith.constant 0 : i32
          %dma_wait3A_97 = tpu.memref_slice %arg7[%dma_wait3A_95, %dma_wait3A_96] : memref<32768x512xf32, #tpu.memory_space<hbm>> -> memref<16x512xf32, #tpu.memory_space<hbm>>
          tpu.wait_dma2 semaphore(%arg23 : memref<!tpu.dma_semaphore, #tpu.memory_space<semaphore_mem>>) src(%arg15 : memref<16x512xf32, #tpu.memory_space<vmem>>) dst(%dma_wait3A_97 : memref<16x512xf32, #tpu.memory_space<hbm>>)
        } else {
        }
        %scan3A_79 = arith.constant 0 : i32
        %scan3A_80 = arith.constant 0 : i32
        %scan3A_81 = arith.constant 16 : i32
        %scan3A_82 = arith.addi %scan3A_80, %scan3A_81 : i32
        %scan3A_83 = arith.constant 1 : i32
        scf.for %scan3A_92 = %scan3A_80 to %scan3A_82 step %scan3A_83  : i32 {
          %mul3A_93 = arith.constant 48 : i32
          %mul3A_94 = arith.muli %scan3A_92, %mul3A_93 : i32
          %get3A = arith.index_cast %mul3A_94 : i32 to index
          %get3A_95 = tpu.vector_load %arg14[%get3A] {strides = array<i32>} : memref<768xf32, #tpu.memory_space<vmem>>, vector<16xf32>,
          %get3A_96 = vector.shape_cast %get3A_95 : vector<16xf32> to vector<16xf32>
          %mul3A_97 = arith.constant 48 : i32
          %mul3A_98 = arith.muli %scan3A_92, %mul3A_97 : i32
          %add3A_99 = arith.constant 16 : i32
          %add3A_100 = arith.addi %mul3A_98, %add3A_99 : i32
          %get3A_101 = arith.index_cast %add3A_100 : i32 to index
          %get3A_102 = tpu.vector_load %arg14[%get3A_101] {strides = array<i32>} : memref<768xf32, #tpu.memory_space<vmem>>, vector<16xf32>,
          %get3A_103 = vector.shape_cast %get3A_102 : vector<16xf32> to vector<16xf32>
          %mul3A_104 = arith.constant 48 : i32
          %mul3A_105 = arith.muli %scan3A_92, %mul3A_104 : i32
          %add3A_106 = arith.constant 32 : i32
          %add3A_107 = arith.addi %mul3A_105, %add3A_106 : i32
          %get3A_108 = arith.index_cast %add3A_107 : i32 to index
          %get3A_109 = tpu.vector_load %arg14[%get3A_108] {strides = array<i32>} : memref<768xf32, #tpu.memory_space<vmem>>, vector<16xf32>,
          %get3A_110 = vector.shape_cast %get3A_109 : vector<16xf32> to vector<16xf32>
          %get3A_111 = arith.index_cast %scan3A_92 : i32 to index
          %get3A_112 = arith.constant 0 : index
          %get3A_113 = tpu.vector_load %arg11[%get3A_111, %get3A_112] {strides = array<i32>} : memref<16x512xf32, #tpu.memory_space<vmem>>, vector<1x16xf32>,
          %get3A_114 = vector.shape_cast %get3A_113 : vector<1x16xf32> to vector<16xf32>
          %mul3A_115 = arith.mulf %get3A_96, %get3A_114 : vector<16xf32>
          %get3A_116 = arith.index_cast %scan3A_92 : i32 to index
          %get3A_117 = arith.constant 0 : index
          %get3A_118 = tpu.vector_load %arg12[%get3A_116, %get3A_117] {strides = array<i32>} : memref<16x512xf32, #tpu.memory_space<vmem>>, vector<1x16xf32>,
          %get3A_119 = vector.shape_cast %get3A_118 : vector<1x16xf32> to vector<16xf32>
          %mul3A_120 = arith.mulf %get3A_103, %get3A_119 : vector<16xf32>
          %add3A_121 = arith.addf %mul3A_115, %mul3A_120 : vector<16xf32>
          %get3A_122 = arith.index_cast %scan3A_92 : i32 to index
          %get3A_123 = arith.constant 0 : index
          %get3A_124 = tpu.vector_load %arg13[%get3A_122, %get3A_123] {strides = array<i32>} : memref<16x512xf32, #tpu.memory_space<vmem>>, vector<1x16xf32>,
          %get3A_125 = vector.shape_cast %get3A_124 : vector<1x16xf32> to vector<16xf32>
          %mul3A_126 = arith.mulf %get3A_110, %get3A_125 : vector<16xf32>
          %add3A_127 = arith.addf %add3A_121, %mul3A_126 : vector<16xf32>
          %swap3A = arith.index_cast %scan3A_92 : i32 to index
          %swap3A_128 = arith.constant 0 : index
          %swap3A_129 = tpu.vector_load %arg15[%swap3A, %swap3A_128] {strides = array<i32>} : memref<16x512xf32, #tpu.memory_space<vmem>>, vector<1x16xf32>,
          %swap3A_130 = vector.shape_cast %swap3A_129 : vector<1x16xf32> to vector<16xf32>
          %swap3A_131 = vector.shape_cast %add3A_127 : vector<16xf32> to vector<1x16xf32>
          tpu.vector_store %arg15[%swap3A, %swap3A_128], %swap3A_131 {strides = array<i32>} : memref<16x512xf32, #tpu.memory_space<vmem>>, vector<1x16xf32>,
          %get3A_132 = arith.index_cast %scan3A_92 : i32 to index
          %get3A_133 = arith.constant 16 : index
          %get3A_134 = tpu.vector_load %arg11[%get3A_132, %get3A_133] {strides = array<i32>} : memref<16x512xf32, #tpu.memory_space<vmem>>, vector<1x16xf32>,
          %get3A_135 = vector.shape_cast %get3A_134 : vector<1x16xf32> to vector<16xf32>
          %mul3A_136 = arith.mulf %get3A_96, %get3A_135 : vector<16xf32>
          %get3A_137 = arith.index_cast %scan3A_92 : i32 to index
          %get3A_138 = arith.constant 16 : index
          %get3A_139 = tpu.vector_load %arg12[%get3A_137, %get3A_138] {strides = array<i32>} : memref<16x512xf32, #tpu.memory_space<vmem>>, vector<1x16xf32>,
          %get3A_140 = vector.shape_cast %get3A_139 : vector<1x16xf32> to vector<16xf32>
          %mul3A_141 = arith.mulf %get3A_103, %get3A_140 : vector<16xf32>
          %add3A_142 = arith.addf %mul3A_136, %mul3A_141 : vector<16xf32>
          %get3A_143 = arith.index_cast %scan3A_92 : i32 to index
          %get3A_144 = arith.constant 16 : index
          %get3A_145 = tpu.vector_load %arg13[%get3A_143, %get3A_144] {strides = array<i32>} : memref<16x512xf32, #tpu.memory_space<vmem>>, vector<1x16xf32>,
          %get3A_146 = vector.shape_cast %get3A_145 : vector<1x16xf32> to vector<16xf32>
          %mul3A_147 = arith.mulf %get3A_110, %get3A_146 : vector<16xf32>
          %add3A_148 = arith.addf %add3A_142, %mul3A_147 : vector<16xf32>
          %swap3A_149 = arith.index_cast %scan3A_92 : i32 to index
          %swap3A_150 = arith.constant 16 : index
          %swap3A_151 = tpu.vector_load %arg15[%swap3A_149, %swap3A_150] {strides = array<i32>} : memref<16x512xf32, #tpu.memory_space<vmem>>, vector<1x16xf32>,
          %swap3A_152 = vector.shape_cast %swap3A_151 : vector<1x16xf32> to vector<16xf32>
          %swap3A_153 = vector.shape_cast %add3A_148 : vector<16xf32> to vector<1x16xf32>
          tpu.vector_store %arg15[%swap3A_149, %swap3A_150], %swap3A_153 {strides = array<i32>} : memref<16x512xf32, #tpu.memory_space<vmem>>, vector<1x16xf32>,
          %get3A_154 = arith.index_cast %scan3A_92 : i32 to index
          %get3A_155 = arith.constant 32 : index
          %get3A_156 = tpu.vector_load %arg11[%get3A_154, %get3A_155] {strides = array<i32>} : memref<16x512xf32, #tpu.memory_space<vmem>>, vector<1x16xf32>,
          %get3A_157 = vector.shape_cast %get3A_156 : vector<1x16xf32> to vector<16xf32>
          %mul3A_158 = arith.mulf %get3A_96, %get3A_157 : vector<16xf32>
          %get3A_159 = arith.index_cast %scan3A_92 : i32 to index
          %get3A_160 = arith.constant 32 : index
          %get3A_161 = tpu.vector_load %arg12[%get3A_159, %get3A_160] {strides = array<i32>} : memref<16x512xf32, #tpu.memory_space<vmem>>, vector<1x16xf32>,
          %get3A_162 = vector.shape_cast %get3A_161 : vector<1x16xf32> to vector<16xf32>
          %mul3A_163 = arith.mulf %get3A_103, %get3A_162 : vector<16xf32>
          %add3A_164 = arith.addf %mul3A_158, %mul3A_163 : vector<16xf32>
          %get3A_165 = arith.index_cast %scan3A_92 : i32 to index
          %get3A_166 = arith.constant 32 : index
          %get3A_167 = tpu.vector_load %arg13[%get3A_165, %get3A_166] {strides = array<i32>} : memref<16x512xf32, #tpu.memory_space<vmem>>, vector<1x16xf32>,
          %get3A_168 = vector.shape_cast %get3A_167 : vector<1x16xf32> to vector<16xf32>
          %mul3A_169 = arith.mulf %get3A_110, %get3A_168 : vector<16xf32>
          %add3A_170 = arith.addf %add3A_164, %mul3A_169 : vector<16xf32>
          %swap3A_171 = arith.index_cast %scan3A_92 : i32 to index
          %swap3A_172 = arith.constant 32 : index
          %swap3A_173 = tpu.vector_load %arg15[%swap3A_171, %swap3A_172] {strides = array<i32>} : memref<16x512xf32, #tpu.memory_space<vmem>>, vector<1x16xf32>,
          %swap3A_174 = vector.shape_cast %swap3A_173 : vector<1x16xf32> to vector<16xf32>
          %swap3A_175 = vector.shape_cast %add3A_170 : vector<16xf32> to vector<1x16xf32>
          tpu.vector_store %arg15[%swap3A_171, %swap3A_172], %swap3A_175 {strides = array<i32>} : memref<16x512xf32, #tpu.memory_space<vmem>>, vector<1x16xf32>,
          %get3A_176 = arith.index_cast %scan3A_92 : i32 to index
          %get3A_177 = arith.constant 48 : index
          %get3A_178 = tpu.vector_load %arg11[%get3A_176, %get3A_177] {strides = array<i32>} : memref<16x512xf32, #tpu.memory_space<vmem>>, vector<1x16xf32>,
          %get3A_179 = vector.shape_cast %get3A_178 : vector<1x16xf32> to vector<16xf32>
          %mul3A_180 = arith.mulf %get3A_96, %get3A_179 : vector<16xf32>
          %get3A_181 = arith.index_cast %scan3A_92 : i32 to index
          %get3A_182 = arith.constant 48 : index
          %get3A_183 = tpu.vector_load %arg12[%get3A_181, %get3A_182] {strides = array<i32>} : memref<16x512xf32, #tpu.memory_space<vmem>>, vector<1x16xf32>,
          %get3A_184 = vector.shape_cast %get3A_183 : vector<1x16xf32> to vector<16xf32>
          %mul3A_185 = arith.mulf %get3A_103, %get3A_184 : vector<16xf32>
          %add3A_186 = arith.addf %mul3A_180, %mul3A_185 : vector<16xf32>
          %get3A_187 = arith.index_cast %scan3A_92 : i32 to index
          %get3A_188 = arith.constant 48 : index
          %get3A_189 = tpu.vector_load %arg13[%get3A_187, %get3A_188] {strides = array<i32>} : memref<16x512xf32, #tpu.memory_space<vmem>>, vector<1x16xf32>,
          %get3A_190 = vector.shape_cast %get3A_189 : vector<1x16xf32> to vector<16xf32>
          %mul3A_191 = arith.mulf %get3A_110, %get3A_190 : vector<16xf32>
          %add3A_192 = arith.addf %add3A_186, %mul3A_191 : vector<16xf32>
          %swap3A_193 = arith.index_cast %scan3A_92 : i32 to index
          %swap3A_194 = arith.constant 48 : index
          %swap3A_195 = tpu.vector_load %arg15[%swap3A_193, %swap3A_194] {strides = array<i32>} : memref<16x512xf32, #tpu.memory_space<vmem>>, vector<1x16xf32>,
          %swap3A_196 = vector.shape_cast %swap3A_195 : vector<1x16xf32> to vector<16xf32>
          %swap3A_197 = vector.shape_cast %add3A_192 : vector<16xf32> to vector<1x16xf32>
          tpu.vector_store %arg15[%swap3A_193, %swap3A_194], %swap3A_197 {strides = array<i32>} : memref<16x512xf32, #tpu.memory_space<vmem>>, vector<1x16xf32>,
          %get3A_198 = arith.index_cast %scan3A_92 : i32 to index
          %get3A_199 = arith.constant 64 : index
          %get3A_200 = tpu.vector_load %arg11[%get3A_198, %get3A_199] {strides = array<i32>} : memref<16x512xf32, #tpu.memory_space<vmem>>, vector<1x16xf32>,
          %get3A_201 = vector.shape_cast %get3A_200 : vector<1x16xf32> to vector<16xf32>
          %mul3A_202 = arith.mulf %get3A_96, %get3A_201 : vector<16xf32>
          %get3A_203 = arith.index_cast %scan3A_92 : i32 to index
          %get3A_204 = arith.constant 64 : index
          %get3A_205 = tpu.vector_load %arg12[%get3A_203, %get3A_204] {strides = array<i32>} : memref<16x512xf32, #tpu.memory_space<vmem>>, vector<1x16xf32>,
          %get3A_206 = vector.shape_cast %get3A_205 : vector<1x16xf32> to vector<16xf32>
          %mul3A_207 = arith.mulf %get3A_103, %get3A_206 : vector<16xf32>
          %add3A_208 = arith.addf %mul3A_202, %mul3A_207 : vector<16xf32>
          %get3A_209 = arith.index_cast %scan3A_92 : i32 to index
          %get3A_210 = arith.constant 64 : index
          %get3A_211 = tpu.vector_load %arg13[%get3A_209, %get3A_210] {strides = array<i32>} : memref<16x512xf32, #tpu.memory_space<vmem>>, vector<1x16xf32>,
          %get3A_212 = vector.shape_cast %get3A_211 : vector<1x16xf32> to vector<16xf32>
          %mul3A_213 = arith.mulf %get3A_110, %get3A_212 : vector<16xf32>
          %add3A_214 = arith.addf %add3A_208, %mul3A_213 : vector<16xf32>
          %swap3A_215 = arith.index_cast %scan3A_92 : i32 to index
          %swap3A_216 = arith.constant 64 : index
          %swap3A_217 = tpu.vector_load %arg15[%swap3A_215, %swap3A_216] {strides = array<i32>} : memref<16x512xf32, #tpu.memory_space<vmem>>, vector<1x16xf32>,
          %swap3A_218 = vector.shape_cast %swap3A_217 : vector<1x16xf32> to vector<16xf32>
          %swap3A_219 = vector.shape_cast %add3A_214 : vector<16xf32> to vector<1x16xf32>
          tpu.vector_store %arg15[%swap3A_215, %swap3A_216], %swap3A_219 {strides = array<i32>} : memref<16x512xf32, #tpu.memory_space<vmem>>, vector<1x16xf32>,
          %get3A_220 = arith.index_cast %scan3A_92 : i32 to index
          %get3A_221 = arith.constant 80 : index
          %get3A_222 = tpu.vector_load %arg11[%get3A_220, %get3A_221] {strides = array<i32>} : memref<16x512xf32, #tpu.memory_space<vmem>>, vector<1x16xf32>,
          %get3A_223 = vector.shape_cast %get3A_222 : vector<1x16xf32> to vector<16xf32>
          %mul3A_224 = arith.mulf %get3A_96, %get3A_223 : vector<16xf32>
          %get3A_225 = arith.index_cast %scan3A_92 : i32 to index
          %get3A_226 = arith.constant 80 : index
          %get3A_227 = tpu.vector_load %arg12[%get3A_225, %get3A_226] {strides = array<i32>} : memref<16x512xf32, #tpu.memory_space<vmem>>, vector<1x16xf32>,
          %get3A_228 = vector.shape_cast %get3A_227 : vector<1x16xf32> to vector<16xf32>
          %mul3A_229 = arith.mulf %get3A_103, %get3A_228 : vector<16xf32>
          %add3A_230 = arith.addf %mul3A_224, %mul3A_229 : vector<16xf32>
          %get3A_231 = arith.index_cast %scan3A_92 : i32 to index
          %get3A_232 = arith.constant 80 : index
          %get3A_233 = tpu.vector_load %arg13[%get3A_231, %get3A_232] {strides = array<i32>} : memref<16x512xf32, #tpu.memory_space<vmem>>, vector<1x16xf32>,
          %get3A_234 = vector.shape_cast %get3A_233 : vector<1x16xf32> to vector<16xf32>
          %mul3A_235 = arith.mulf %get3A_110, %get3A_234 : vector<16xf32>
          %add3A_236 = arith.addf %add3A_230, %mul3A_235 : vector<16xf32>
          %swap3A_237 = arith.index_cast %scan3A_92 : i32 to index
          %swap3A_238 = arith.constant 80 : index
          %swap3A_239 = tpu.vector_load %arg15[%swap3A_237, %swap3A_238] {strides = array<i32>} : memref<16x512xf32, #tpu.memory_space<vmem>>, vector<1x16xf32>,
          %swap3A_240 = vector.shape_cast %swap3A_239 : vector<1x16xf32> to vector<16xf32>
          %swap3A_241 = vector.shape_cast %add3A_236 : vector<16xf32> to vector<1x16xf32>
          tpu.vector_store %arg15[%swap3A_237, %swap3A_238], %swap3A_241 {strides = array<i32>} : memref<16x512xf32, #tpu.memory_space<vmem>>, vector<1x16xf32>,
          %get3A_242 = arith.index_cast %scan3A_92 : i32 to index
          %get3A_243 = arith.constant 96 : index
          %get3A_244 = tpu.vector_load %arg11[%get3A_242, %get3A_243] {strides = array<i32>} : memref<16x512xf32, #tpu.memory_space<vmem>>, vector<1x16xf32>,
          %get3A_245 = vector.shape_cast %get3A_244 : vector<1x16xf32> to vector<16xf32>
          %mul3A_246 = arith.mulf %get3A_96, %get3A_245 : vector<16xf32>
          %get3A_247 = arith.index_cast %scan3A_92 : i32 to index
          %get3A_248 = arith.constant 96 : index
          %get3A_249 = tpu.vector_load %arg12[%get3A_247, %get3A_248] {strides = array<i32>} : memref<16x512xf32, #tpu.memory_space<vmem>>, vector<1x16xf32>,
          %get3A_250 = vector.shape_cast %get3A_249 : vector<1x16xf32> to vector<16xf32>
          %mul3A_251 = arith.mulf %get3A_103, %get3A_250 : vector<16xf32>
          %add3A_252 = arith.addf %mul3A_246, %mul3A_251 : vector<16xf32>
          %get3A_253 = arith.index_cast %scan3A_92 : i32 to index
          %get3A_254 = arith.constant 96 : index
          %get3A_255 = tpu.vector_load %arg13[%get3A_253, %get3A_254] {strides = array<i32>} : memref<16x512xf32, #tpu.memory_space<vmem>>, vector<1x16xf32>,
          %get3A_256 = vector.shape_cast %get3A_255 : vector<1x16xf32> to vector<16xf32>
          %mul3A_257 = arith.mulf %get3A_110, %get3A_256 : vector<16xf32>
          %add3A_258 = arith.addf %add3A_252, %mul3A_257 : vector<16xf32>
          %swap3A_259 = arith.index_cast %scan3A_92 : i32 to index
          %swap3A_260 = arith.constant 96 : index
          %swap3A_261 = tpu.vector_load %arg15[%swap3A_259, %swap3A_260] {strides = array<i32>} : memref<16x512xf32, #tpu.memory_space<vmem>>, vector<1x16xf32>,
          %swap3A_262 = vector.shape_cast %swap3A_261 : vector<1x16xf32> to vector<16xf32>
          %swap3A_263 = vector.shape_cast %add3A_258 : vector<16xf32> to vector<1x16xf32>
          tpu.vector_store %arg15[%swap3A_259, %swap3A_260], %swap3A_263 {strides = array<i32>} : memref<16x512xf32, #tpu.memory_space<vmem>>, vector<1x16xf32>,
          %get3A_264 = arith.index_cast %scan3A_92 : i32 to index
          %get3A_265 = arith.constant 112 : index
          %get3A_266 = tpu.vector_load %arg11[%get3A_264, %get3A_265] {strides = array<i32>} : memref<16x512xf32, #tpu.memory_space<vmem>>, vector<1x16xf32>,
          %get3A_267 = vector.shape_cast %get3A_266 : vector<1x16xf32> to vector<16xf32>
          %mul3A_268 = arith.mulf %get3A_96, %get3A_267 : vector<16xf32>
          %get3A_269 = arith.index_cast %scan3A_92 : i32 to index
          %get3A_270 = arith.constant 112 : index
          %get3A_271 = tpu.vector_load %arg12[%get3A_269, %get3A_270] {strides = array<i32>} : memref<16x512xf32, #tpu.memory_space<vmem>>, vector<1x16xf32>,
          %get3A_272 = vector.shape_cast %get3A_271 : vector<1x16xf32> to vector<16xf32>
          %mul3A_273 = arith.mulf %get3A_103, %get3A_272 : vector<16xf32>
          %add3A_274 = arith.addf %mul3A_268, %mul3A_273 : vector<16xf32>
          %get3A_275 = arith.index_cast %scan3A_92 : i32 to index
          %get3A_276 = arith.constant 112 : index
          %get3A_277 = tpu.vector_load %arg13[%get3A_275, %get3A_276] {strides = array<i32>} : memref<16x512xf32, #tpu.memory_space<vmem>>, vector<1x16xf32>,
          %get3A_278 = vector.shape_cast %get3A_277 : vector<1x16xf32> to vector<16xf32>
          %mul3A_279 = arith.mulf %get3A_110, %get3A_278 : vector<16xf32>
          %add3A_280 = arith.addf %add3A_274, %mul3A_279 : vector<16xf32>
          %swap3A_281 = arith.index_cast %scan3A_92 : i32 to index
          %swap3A_282 = arith.constant 112 : index
          %swap3A_283 = tpu.vector_load %arg15[%swap3A_281, %swap3A_282] {strides = array<i32>} : memref<16x512xf32, #tpu.memory_space<vmem>>, vector<1x16xf32>,
          %swap3A_284 = vector.shape_cast %swap3A_283 : vector<1x16xf32> to vector<16xf32>
          %swap3A_285 = vector.shape_cast %add3A_280 : vector<16xf32> to vector<1x16xf32>
          tpu.vector_store %arg15[%swap3A_281, %swap3A_282], %swap3A_285 {strides = array<i32>} : memref<16x512xf32, #tpu.memory_space<vmem>>, vector<1x16xf32>,
          %get3A_286 = arith.index_cast %scan3A_92 : i32 to index
          %get3A_287 = arith.constant 128 : index
          %get3A_288 = tpu.vector_load %arg11[%get3A_286, %get3A_287] {strides = array<i32>} : memref<16x512xf32, #tpu.memory_space<vmem>>, vector<1x16xf32>,
          %get3A_289 = vector.shape_cast %get3A_288 : vector<1x16xf32> to vector<16xf32>
          %mul3A_290 = arith.mulf %get3A_96, %get3A_289 : vector<16xf32>
          %get3A_291 = arith.index_cast %scan3A_92 : i32 to index
          %get3A_292 = arith.constant 128 : index
          %get3A_293 = tpu.vector_load %arg12[%get3A_291, %get3A_292] {strides = array<i32>} : memref<16x512xf32, #tpu.memory_space<vmem>>, vector<1x16xf32>,
          %get3A_294 = vector.shape_cast %get3A_293 : vector<1x16xf32> to vector<16xf32>
          %mul3A_295 = arith.mulf %get3A_103, %get3A_294 : vector<16xf32>
          %add3A_296 = arith.addf %mul3A_290, %mul3A_295 : vector<16xf32>
          %get3A_297 = arith.index_cast %scan3A_92 : i32 to index
          %get3A_298 = arith.constant 128 : index
          %get3A_299 = tpu.vector_load %arg13[%get3A_297, %get3A_298] {strides = array<i32>} : memref<16x512xf32, #tpu.memory_space<vmem>>, vector<1x16xf32>,
          %get3A_300 = vector.shape_cast %get3A_299 : vector<1x16xf32> to vector<16xf32>
          %mul3A_301 = arith.mulf %get3A_110, %get3A_300 : vector<16xf32>
          %add3A_302 = arith.addf %add3A_296, %mul3A_301 : vector<16xf32>
          %swap3A_303 = arith.index_cast %scan3A_92 : i32 to index
          %swap3A_304 = arith.constant 128 : index
          %swap3A_305 = tpu.vector_load %arg15[%swap3A_303, %swap3A_304] {strides = array<i32>} : memref<16x512xf32, #tpu.memory_space<vmem>>, vector<1x16xf32>,
          %swap3A_306 = vector.shape_cast %swap3A_305 : vector<1x16xf32> to vector<16xf32>
          %swap3A_307 = vector.shape_cast %add3A_302 : vector<16xf32> to vector<1x16xf32>
          tpu.vector_store %arg15[%swap3A_303, %swap3A_304], %swap3A_307 {strides = array<i32>} : memref<16x512xf32, #tpu.memory_space<vmem>>, vector<1x16xf32>,
          %get3A_308 = arith.index_cast %scan3A_92 : i32 to index
          %get3A_309 = arith.constant 144 : index
          %get3A_310 = tpu.vector_load %arg11[%get3A_308, %get3A_309] {strides = array<i32>} : memref<16x512xf32, #tpu.memory_space<vmem>>, vector<1x16xf32>,
          %get3A_311 = vector.shape_cast %get3A_310 : vector<1x16xf32> to vector<16xf32>
          %mul3A_312 = arith.mulf %get3A_96, %get3A_311 : vector<16xf32>
          %get3A_313 = arith.index_cast %scan3A_92 : i32 to index
          %get3A_314 = arith.constant 144 : index
          %get3A_315 = tpu.vector_load %arg12[%get3A_313, %get3A_314] {strides = array<i32>} : memref<16x512xf32, #tpu.memory_space<vmem>>, vector<1x16xf32>,
          %get3A_316 = vector.shape_cast %get3A_315 : vector<1x16xf32> to vector<16xf32>
          %mul3A_317 = arith.mulf %get3A_103, %get3A_316 : vector<16xf32>
          %add3A_318 = arith.addf %mul3A_312, %mul3A_317 : vector<16xf32>
          %get3A_319 = arith.index_cast %scan3A_92 : i32 to index
          %get3A_320 = arith.constant 144 : index
          %get3A_321 = tpu.vector_load %arg13[%get3A_319, %get3A_320] {strides = array<i32>} : memref<16x512xf32, #tpu.memory_space<vmem>>, vector<1x16xf32>,
          %get3A_322 = vector.shape_cast %get3A_321 : vector<1x16xf32> to vector<16xf32>
          %mul3A_323 = arith.mulf %get3A_110, %get3A_322 : vector<16xf32>
          %add3A_324 = arith.addf %add3A_318, %mul3A_323 : vector<16xf32>
          %swap3A_325 = arith.index_cast %scan3A_92 : i32 to index
          %swap3A_326 = arith.constant 144 : index
          %swap3A_327 = tpu.vector_load %arg15[%swap3A_325, %swap3A_326] {strides = array<i32>} : memref<16x512xf32, #tpu.memory_space<vmem>>, vector<1x16xf32>,
          %swap3A_328 = vector.shape_cast %swap3A_327 : vector<1x16xf32> to vector<16xf32>
          %swap3A_329 = vector.shape_cast %add3A_324 : vector<16xf32> to vector<1x16xf32>
          tpu.vector_store %arg15[%swap3A_325, %swap3A_326], %swap3A_329 {strides = array<i32>} : memref<16x512xf32, #tpu.memory_space<vmem>>, vector<1x16xf32>,
          %get3A_330 = arith.index_cast %scan3A_92 : i32 to index
          %get3A_331 = arith.constant 160 : index
          %get3A_332 = tpu.vector_load %arg11[%get3A_330, %get3A_331] {strides = array<i32>} : memref<16x512xf32, #tpu.memory_space<vmem>>, vector<1x16xf32>,
          %get3A_333 = vector.shape_cast %get3A_332 : vector<1x16xf32> to vector<16xf32>
          %mul3A_334 = arith.mulf %get3A_96, %get3A_333 : vector<16xf32>
          %get3A_335 = arith.index_cast %scan3A_92 : i32 to index
          %get3A_336 = arith.constant 160 : index
          %get3A_337 = tpu.vector_load %arg12[%get3A_335, %get3A_336] {strides = array<i32>} : memref<16x512xf32, #tpu.memory_space<vmem>>, vector<1x16xf32>,
          %get3A_338 = vector.shape_cast %get3A_337 : vector<1x16xf32> to vector<16xf32>
          %mul3A_339 = arith.mulf %get3A_103, %get3A_338 : vector<16xf32>
          %add3A_340 = arith.addf %mul3A_334, %mul3A_339 : vector<16xf32>
          %get3A_341 = arith.index_cast %scan3A_92 : i32 to index
          %get3A_342 = arith.constant 160 : index
          %get3A_343 = tpu.vector_load %arg13[%get3A_341, %get3A_342] {strides = array<i32>} : memref<16x512xf32, #tpu.memory_space<vmem>>, vector<1x16xf32>,
          %get3A_344 = vector.shape_cast %get3A_343 : vector<1x16xf32> to vector<16xf32>
          %mul3A_345 = arith.mulf %get3A_110, %get3A_344 : vector<16xf32>
          %add3A_346 = arith.addf %add3A_340, %mul3A_345 : vector<16xf32>
          %swap3A_347 = arith.index_cast %scan3A_92 : i32 to index
          %swap3A_348 = arith.constant 160 : index
          %swap3A_349 = tpu.vector_load %arg15[%swap3A_347, %swap3A_348] {strides = array<i32>} : memref<16x512xf32, #tpu.memory_space<vmem>>, vector<1x16xf32>,
          %swap3A_350 = vector.shape_cast %swap3A_349 : vector<1x16xf32> to vector<16xf32>
          %swap3A_351 = vector.shape_cast %add3A_346 : vector<16xf32> to vector<1x16xf32>
          tpu.vector_store %arg15[%swap3A_347, %swap3A_348], %swap3A_351 {strides = array<i32>} : memref<16x512xf32, #tpu.memory_space<vmem>>, vector<1x16xf32>,
          %get3A_352 = arith.index_cast %scan3A_92 : i32 to index
          %get3A_353 = arith.constant 176 : index
          %get3A_354 = tpu.vector_load %arg11[%get3A_352, %get3A_353] {strides = array<i32>} : memref<16x512xf32, #tpu.memory_space<vmem>>, vector<1x16xf32>,
          %get3A_355 = vector.shape_cast %get3A_354 : vector<1x16xf32> to vector<16xf32>
          %mul3A_356 = arith.mulf %get3A_96, %get3A_355 : vector<16xf32>
          %get3A_357 = arith.index_cast %scan3A_92 : i32 to index
          %get3A_358 = arith.constant 176 : index
          %get3A_359 = tpu.vector_load %arg12[%get3A_357, %get3A_358] {strides = array<i32>} : memref<16x512xf32, #tpu.memory_space<vmem>>, vector<1x16xf32>,
          %get3A_360 = vector.shape_cast %get3A_359 : vector<1x16xf32> to vector<16xf32>
          %mul3A_361 = arith.mulf %get3A_103, %get3A_360 : vector<16xf32>
          %add3A_362 = arith.addf %mul3A_356, %mul3A_361 : vector<16xf32>
          %get3A_363 = arith.index_cast %scan3A_92 : i32 to index
          %get3A_364 = arith.constant 176 : index
          %get3A_365 = tpu.vector_load %arg13[%get3A_363, %get3A_364] {strides = array<i32>} : memref<16x512xf32, #tpu.memory_space<vmem>>, vector<1x16xf32>,
          %get3A_366 = vector.shape_cast %get3A_365 : vector<1x16xf32> to vector<16xf32>
          %mul3A_367 = arith.mulf %get3A_110, %get3A_366 : vector<16xf32>
          %add3A_368 = arith.addf %add3A_362, %mul3A_367 : vector<16xf32>
          %swap3A_369 = arith.index_cast %scan3A_92 : i32 to index
          %swap3A_370 = arith.constant 176 : index
          %swap3A_371 = tpu.vector_load %arg15[%swap3A_369, %swap3A_370] {strides = array<i32>} : memref<16x512xf32, #tpu.memory_space<vmem>>, vector<1x16xf32>,
          %swap3A_372 = vector.shape_cast %swap3A_371 : vector<1x16xf32> to vector<16xf32>
          %swap3A_373 = vector.shape_cast %add3A_368 : vector<16xf32> to vector<1x16xf32>
          tpu.vector_store %arg15[%swap3A_369, %swap3A_370], %swap3A_373 {strides = array<i32>} : memref<16x512xf32, #tpu.memory_space<vmem>>, vector<1x16xf32>,
          %get3A_374 = arith.index_cast %scan3A_92 : i32 to index
          %get3A_375 = arith.constant 192 : index
          %get3A_376 = tpu.vector_load %arg11[%get3A_374, %get3A_375] {strides = array<i32>} : memref<16x512xf32, #tpu.memory_space<vmem>>, vector<1x16xf32>,
          %get3A_377 = vector.shape_cast %get3A_376 : vector<1x16xf32> to vector<16xf32>
          %mul3A_378 = arith.mulf %get3A_96, %get3A_377 : vector<16xf32>
          %get3A_379 = arith.index_cast %scan3A_92 : i32 to index
          %get3A_380 = arith.constant 192 : index
          %get3A_381 = tpu.vector_load %arg12[%get3A_379, %get3A_380] {strides = array<i32>} : memref<16x512xf32, #tpu.memory_space<vmem>>, vector<1x16xf32>,
          %get3A_382 = vector.shape_cast %get3A_381 : vector<1x16xf32> to vector<16xf32>
          %mul3A_383 = arith.mulf %get3A_103, %get3A_382 : vector<16xf32>
          %add3A_384 = arith.addf %mul3A_378, %mul3A_383 : vector<16xf32>
          %get3A_385 = arith.index_cast %scan3A_92 : i32 to index
          %get3A_386 = arith.constant 192 : index
          %get3A_387 = tpu.vector_load %arg13[%get3A_385, %get3A_386] {strides = array<i32>} : memref<16x512xf32, #tpu.memory_space<vmem>>, vector<1x16xf32>,
          %get3A_388 = vector.shape_cast %get3A_387 : vector<1x16xf32> to vector<16xf32>
          %mul3A_389 = arith.mulf %get3A_110, %get3A_388 : vector<16xf32>
          %add3A_390 = arith.addf %add3A_384, %mul3A_389 : vector<16xf32>
          %swap3A_391 = arith.index_cast %scan3A_92 : i32 to index
          %swap3A_392 = arith.constant 192 : index
          %swap3A_393 = tpu.vector_load %arg15[%swap3A_391, %swap3A_392] {strides = array<i32>} : memref<16x512xf32, #tpu.memory_space<vmem>>, vector<1x16xf32>,
          %swap3A_394 = vector.shape_cast %swap3A_393 : vector<1x16xf32> to vector<16xf32>
          %swap3A_395 = vector.shape_cast %add3A_390 : vector<16xf32> to vector<1x16xf32>
          tpu.vector_store %arg15[%swap3A_391, %swap3A_392], %swap3A_395 {strides = array<i32>} : memref<16x512xf32, #tpu.memory_space<vmem>>, vector<1x16xf32>,
          %get3A_396 = arith.index_cast %scan3A_92 : i32 to index
          %get3A_397 = arith.constant 208 : index
          %get3A_398 = tpu.vector_load %arg11[%get3A_396, %get3A_397] {strides = array<i32>} : memref<16x512xf32, #tpu.memory_space<vmem>>, vector<1x16xf32>,
          %get3A_399 = vector.shape_cast %get3A_398 : vector<1x16xf32> to vector<16xf32>
          %mul3A_400 = arith.mulf %get3A_96, %get3A_399 : vector<16xf32>
          %get3A_401 = arith.index_cast %scan3A_92 : i32 to index
          %get3A_402 = arith.constant 208 : index
          %get3A_403 = tpu.vector_load %arg12[%get3A_401, %get3A_402] {strides = array<i32>} : memref<16x512xf32, #tpu.memory_space<vmem>>, vector<1x16xf32>,
          %get3A_404 = vector.shape_cast %get3A_403 : vector<1x16xf32> to vector<16xf32>
          %mul3A_405 = arith.mulf %get3A_103, %get3A_404 : vector<16xf32>
          %add3A_406 = arith.addf %mul3A_400, %mul3A_405 : vector<16xf32>
          %get3A_407 = arith.index_cast %scan3A_92 : i32 to index
          %get3A_408 = arith.constant 208 : index
          %get3A_409 = tpu.vector_load %arg13[%get3A_407, %get3A_408] {strides = array<i32>} : memref<16x512xf32, #tpu.memory_space<vmem>>, vector<1x16xf32>,
          %get3A_410 = vector.shape_cast %get3A_409 : vector<1x16xf32> to vector<16xf32>
          %mul3A_411 = arith.mulf %get3A_110, %get3A_410 : vector<16xf32>
          %add3A_412 = arith.addf %add3A_406, %mul3A_411 : vector<16xf32>
          %swap3A_413 = arith.index_cast %scan3A_92 : i32 to index
          %swap3A_414 = arith.constant 208 : index
          %swap3A_415 = tpu.vector_load %arg15[%swap3A_413, %swap3A_414] {strides = array<i32>} : memref<16x512xf32, #tpu.memory_space<vmem>>, vector<1x16xf32>,
          %swap3A_416 = vector.shape_cast %swap3A_415 : vector<1x16xf32> to vector<16xf32>
          %swap3A_417 = vector.shape_cast %add3A_412 : vector<16xf32> to vector<1x16xf32>
          tpu.vector_store %arg15[%swap3A_413, %swap3A_414], %swap3A_417 {strides = array<i32>} : memref<16x512xf32, #tpu.memory_space<vmem>>, vector<1x16xf32>,
          %get3A_418 = arith.index_cast %scan3A_92 : i32 to index
          %get3A_419 = arith.constant 224 : index
          %get3A_420 = tpu.vector_load %arg11[%get3A_418, %get3A_419] {strides = array<i32>} : memref<16x512xf32, #tpu.memory_space<vmem>>, vector<1x16xf32>,
          %get3A_421 = vector.shape_cast %get3A_420 : vector<1x16xf32> to vector<16xf32>
          %mul3A_422 = arith.mulf %get3A_96, %get3A_421 : vector<16xf32>
          %get3A_423 = arith.index_cast %scan3A_92 : i32 to index
          %get3A_424 = arith.constant 224 : index
          %get3A_425 = tpu.vector_load %arg12[%get3A_423, %get3A_424] {strides = array<i32>} : memref<16x512xf32, #tpu.memory_space<vmem>>, vector<1x16xf32>,
          %get3A_426 = vector.shape_cast %get3A_425 : vector<1x16xf32> to vector<16xf32>
          %mul3A_427 = arith.mulf %get3A_103, %get3A_426 : vector<16xf32>
          %add3A_428 = arith.addf %mul3A_422, %mul3A_427 : vector<16xf32>
          %get3A_429 = arith.index_cast %scan3A_92 : i32 to index
          %get3A_430 = arith.constant 224 : index
          %get3A_431 = tpu.vector_load %arg13[%get3A_429, %get3A_430] {strides = array<i32>} : memref<16x512xf32, #tpu.memory_space<vmem>>, vector<1x16xf32>,
          %get3A_432 = vector.shape_cast %get3A_431 : vector<1x16xf32> to vector<16xf32>
          %mul3A_433 = arith.mulf %get3A_110, %get3A_432 : vector<16xf32>
          %add3A_434 = arith.addf %add3A_428, %mul3A_433 : vector<16xf32>
          %swap3A_435 = arith.index_cast %scan3A_92 : i32 to index
          %swap3A_436 = arith.constant 224 : index
          %swap3A_437 = tpu.vector_load %arg15[%swap3A_435, %swap3A_436] {strides = array<i32>} : memref<16x512xf32, #tpu.memory_space<vmem>>, vector<1x16xf32>,
          %swap3A_438 = vector.shape_cast %swap3A_437 : vector<1x16xf32> to vector<16xf32>
          %swap3A_439 = vector.shape_cast %add3A_434 : vector<16xf32> to vector<1x16xf32>
          tpu.vector_store %arg15[%swap3A_435, %swap3A_436], %swap3A_439 {strides = array<i32>} : memref<16x512xf32, #tpu.memory_space<vmem>>, vector<1x16xf32>,
          %get3A_440 = arith.index_cast %scan3A_92 : i32 to index
          %get3A_441 = arith.constant 240 : index
          %get3A_442 = tpu.vector_load %arg11[%get3A_440, %get3A_441] {strides = array<i32>} : memref<16x512xf32, #tpu.memory_space<vmem>>, vector<1x16xf32>,
          %get3A_443 = vector.shape_cast %get3A_442 : vector<1x16xf32> to vector<16xf32>
          %mul3A_444 = arith.mulf %get3A_96, %get3A_443 : vector<16xf32>
          %get3A_445 = arith.index_cast %scan3A_92 : i32 to index
          %get3A_446 = arith.constant 240 : index
          %get3A_447 = tpu.vector_load %arg12[%get3A_445, %get3A_446] {strides = array<i32>} : memref<16x512xf32, #tpu.memory_space<vmem>>, vector<1x16xf32>,
          %get3A_448 = vector.shape_cast %get3A_447 : vector<1x16xf32> to vector<16xf32>
          %mul3A_449 = arith.mulf %get3A_103, %get3A_448 : vector<16xf32>
          %add3A_450 = arith.addf %mul3A_444, %mul3A_449 : vector<16xf32>
          %get3A_451 = arith.index_cast %scan3A_92 : i32 to index
          %get3A_452 = arith.constant 240 : index
          %get3A_453 = tpu.vector_load %arg13[%get3A_451, %get3A_452] {strides = array<i32>} : memref<16x512xf32, #tpu.memory_space<vmem>>, vector<1x16xf32>,
          %get3A_454 = vector.shape_cast %get3A_453 : vector<1x16xf32> to vector<16xf32>
          %mul3A_455 = arith.mulf %get3A_110, %get3A_454 : vector<16xf32>
          %add3A_456 = arith.addf %add3A_450, %mul3A_455 : vector<16xf32>
          %swap3A_457 = arith.index_cast %scan3A_92 : i32 to index
          %swap3A_458 = arith.constant 240 : index
          %swap3A_459 = tpu.vector_load %arg15[%swap3A_457, %swap3A_458] {strides = array<i32>} : memref<16x512xf32, #tpu.memory_space<vmem>>, vector<1x16xf32>,
          %swap3A_460 = vector.shape_cast %swap3A_459 : vector<1x16xf32> to vector<16xf32>
          %swap3A_461 = vector.shape_cast %add3A_456 : vector<16xf32> to vector<1x16xf32>
          tpu.vector_store %arg15[%swap3A_457, %swap3A_458], %swap3A_461 {strides = array<i32>} : memref<16x512xf32, #tpu.memory_space<vmem>>, vector<1x16xf32>,
          %get3A_462 = arith.index_cast %scan3A_92 : i32 to index
          %get3A_463 = arith.constant 256 : index
          %get3A_464 = tpu.vector_load %arg11[%get3A_462, %get3A_463] {strides = array<i32>} : memref<16x512xf32, #tpu.memory_space<vmem>>, vector<1x16xf32>,
          %get3A_465 = vector.shape_cast %get3A_464 : vector<1x16xf32> to vector<16xf32>
          %mul3A_466 = arith.mulf %get3A_96, %get3A_465 : vector<16xf32>
          %get3A_467 = arith.index_cast %scan3A_92 : i32 to index
          %get3A_468 = arith.constant 256 : index
          %get3A_469 = tpu.vector_load %arg12[%get3A_467, %get3A_468] {strides = array<i32>} : memref<16x512xf32, #tpu.memory_space<vmem>>, vector<1x16xf32>,
          %get3A_470 = vector.shape_cast %get3A_469 : vector<1x16xf32> to vector<16xf32>
          %mul3A_471 = arith.mulf %get3A_103, %get3A_470 : vector<16xf32>
          %add3A_472 = arith.addf %mul3A_466, %mul3A_471 : vector<16xf32>
          %get3A_473 = arith.index_cast %scan3A_92 : i32 to index
          %get3A_474 = arith.constant 256 : index
          %get3A_475 = tpu.vector_load %arg13[%get3A_473, %get3A_474] {strides = array<i32>} : memref<16x512xf32, #tpu.memory_space<vmem>>, vector<1x16xf32>,
          %get3A_476 = vector.shape_cast %get3A_475 : vector<1x16xf32> to vector<16xf32>
          %mul3A_477 = arith.mulf %get3A_110, %get3A_476 : vector<16xf32>
          %add3A_478 = arith.addf %add3A_472, %mul3A_477 : vector<16xf32>
          %swap3A_479 = arith.index_cast %scan3A_92 : i32 to index
          %swap3A_480 = arith.constant 256 : index
          %swap3A_481 = tpu.vector_load %arg15[%swap3A_479, %swap3A_480] {strides = array<i32>} : memref<16x512xf32, #tpu.memory_space<vmem>>, vector<1x16xf32>,
          %swap3A_482 = vector.shape_cast %swap3A_481 : vector<1x16xf32> to vector<16xf32>
          %swap3A_483 = vector.shape_cast %add3A_478 : vector<16xf32> to vector<1x16xf32>
          tpu.vector_store %arg15[%swap3A_479, %swap3A_480], %swap3A_483 {strides = array<i32>} : memref<16x512xf32, #tpu.memory_space<vmem>>, vector<1x16xf32>,
          %get3A_484 = arith.index_cast %scan3A_92 : i32 to index
          %get3A_485 = arith.constant 272 : index
          %get3A_486 = tpu.vector_load %arg11[%get3A_484, %get3A_485] {strides = array<i32>} : memref<16x512xf32, #tpu.memory_space<vmem>>, vector<1x16xf32>,
          %get3A_487 = vector.shape_cast %get3A_486 : vector<1x16xf32> to vector<16xf32>
          %mul3A_488 = arith.mulf %get3A_96, %get3A_487 : vector<16xf32>
          %get3A_489 = arith.index_cast %scan3A_92 : i32 to index
          %get3A_490 = arith.constant 272 : index
          %get3A_491 = tpu.vector_load %arg12[%get3A_489, %get3A_490] {strides = array<i32>} : memref<16x512xf32, #tpu.memory_space<vmem>>, vector<1x16xf32>,
          %get3A_492 = vector.shape_cast %get3A_491 : vector<1x16xf32> to vector<16xf32>
          %mul3A_493 = arith.mulf %get3A_103, %get3A_492 : vector<16xf32>
          %add3A_494 = arith.addf %mul3A_488, %mul3A_493 : vector<16xf32>
          %get3A_495 = arith.index_cast %scan3A_92 : i32 to index
          %get3A_496 = arith.constant 272 : index
          %get3A_497 = tpu.vector_load %arg13[%get3A_495, %get3A_496] {strides = array<i32>} : memref<16x512xf32, #tpu.memory_space<vmem>>, vector<1x16xf32>,
          %get3A_498 = vector.shape_cast %get3A_497 : vector<1x16xf32> to vector<16xf32>
          %mul3A_499 = arith.mulf %get3A_110, %get3A_498 : vector<16xf32>
          %add3A_500 = arith.addf %add3A_494, %mul3A_499 : vector<16xf32>
          %swap3A_501 = arith.index_cast %scan3A_92 : i32 to index
          %swap3A_502 = arith.constant 272 : index
          %swap3A_503 = tpu.vector_load %arg15[%swap3A_501, %swap3A_502] {strides = array<i32>} : memref<16x512xf32, #tpu.memory_space<vmem>>, vector<1x16xf32>,
          %swap3A_504 = vector.shape_cast %swap3A_503 : vector<1x16xf32> to vector<16xf32>
          %swap3A_505 = vector.shape_cast %add3A_500 : vector<16xf32> to vector<1x16xf32>
          tpu.vector_store %arg15[%swap3A_501, %swap3A_502], %swap3A_505 {strides = array<i32>} : memref<16x512xf32, #tpu.memory_space<vmem>>, vector<1x16xf32>,
          %get3A_506 = arith.index_cast %scan3A_92 : i32 to index
          %get3A_507 = arith.constant 288 : index
          %get3A_508 = tpu.vector_load %arg11[%get3A_506, %get3A_507] {strides = array<i32>} : memref<16x512xf32, #tpu.memory_space<vmem>>, vector<1x16xf32>,
          %get3A_509 = vector.shape_cast %get3A_508 : vector<1x16xf32> to vector<16xf32>
          %mul3A_510 = arith.mulf %get3A_96, %get3A_509 : vector<16xf32>
          %get3A_511 = arith.index_cast %scan3A_92 : i32 to index
          %get3A_512 = arith.constant 288 : index
          %get3A_513 = tpu.vector_load %arg12[%get3A_511, %get3A_512] {strides = array<i32>} : memref<16x512xf32, #tpu.memory_space<vmem>>, vector<1x16xf32>,
          %get3A_514 = vector.shape_cast %get3A_513 : vector<1x16xf32> to vector<16xf32>
          %mul3A_515 = arith.mulf %get3A_103, %get3A_514 : vector<16xf32>
          %add3A_516 = arith.addf %mul3A_510, %mul3A_515 : vector<16xf32>
          %get3A_517 = arith.index_cast %scan3A_92 : i32 to index
          %get3A_518 = arith.constant 288 : index
          %get3A_519 = tpu.vector_load %arg13[%get3A_517, %get3A_518] {strides = array<i32>} : memref<16x512xf32, #tpu.memory_space<vmem>>, vector<1x16xf32>,
          %get3A_520 = vector.shape_cast %get3A_519 : vector<1x16xf32> to vector<16xf32>
          %mul3A_521 = arith.mulf %get3A_110, %get3A_520 : vector<16xf32>
          %add3A_522 = arith.addf %add3A_516, %mul3A_521 : vector<16xf32>
          %swap3A_523 = arith.index_cast %scan3A_92 : i32 to index
          %swap3A_524 = arith.constant 288 : index
          %swap3A_525 = tpu.vector_load %arg15[%swap3A_523, %swap3A_524] {strides = array<i32>} : memref<16x512xf32, #tpu.memory_space<vmem>>, vector<1x16xf32>,
          %swap3A_526 = vector.shape_cast %swap3A_525 : vector<1x16xf32> to vector<16xf32>
          %swap3A_527 = vector.shape_cast %add3A_522 : vector<16xf32> to vector<1x16xf32>
          tpu.vector_store %arg15[%swap3A_523, %swap3A_524], %swap3A_527 {strides = array<i32>} : memref<16x512xf32, #tpu.memory_space<vmem>>, vector<1x16xf32>,
          %get3A_528 = arith.index_cast %scan3A_92 : i32 to index
          %get3A_529 = arith.constant 304 : index
          %get3A_530 = tpu.vector_load %arg11[%get3A_528, %get3A_529] {strides = array<i32>} : memref<16x512xf32, #tpu.memory_space<vmem>>, vector<1x16xf32>,
          %get3A_531 = vector.shape_cast %get3A_530 : vector<1x16xf32> to vector<16xf32>
          %mul3A_532 = arith.mulf %get3A_96, %get3A_531 : vector<16xf32>
          %get3A_533 = arith.index_cast %scan3A_92 : i32 to index
          %get3A_534 = arith.constant 304 : index
          %get3A_535 = tpu.vector_load %arg12[%get3A_533, %get3A_534] {strides = array<i32>} : memref<16x512xf32, #tpu.memory_space<vmem>>, vector<1x16xf32>,
          %get3A_536 = vector.shape_cast %get3A_535 : vector<1x16xf32> to vector<16xf32>
          %mul3A_537 = arith.mulf %get3A_103, %get3A_536 : vector<16xf32>
          %add3A_538 = arith.addf %mul3A_532, %mul3A_537 : vector<16xf32>
          %get3A_539 = arith.index_cast %scan3A_92 : i32 to index
          %get3A_540 = arith.constant 304 : index
          %get3A_541 = tpu.vector_load %arg13[%get3A_539, %get3A_540] {strides = array<i32>} : memref<16x512xf32, #tpu.memory_space<vmem>>, vector<1x16xf32>,
          %get3A_542 = vector.shape_cast %get3A_541 : vector<1x16xf32> to vector<16xf32>
          %mul3A_543 = arith.mulf %get3A_110, %get3A_542 : vector<16xf32>
          %add3A_544 = arith.addf %add3A_538, %mul3A_543 : vector<16xf32>
          %swap3A_545 = arith.index_cast %scan3A_92 : i32 to index
          %swap3A_546 = arith.constant 304 : index
          %swap3A_547 = tpu.vector_load %arg15[%swap3A_545, %swap3A_546] {strides = array<i32>} : memref<16x512xf32, #tpu.memory_space<vmem>>, vector<1x16xf32>,
          %swap3A_548 = vector.shape_cast %swap3A_547 : vector<1x16xf32> to vector<16xf32>
          %swap3A_549 = vector.shape_cast %add3A_544 : vector<16xf32> to vector<1x16xf32>
          tpu.vector_store %arg15[%swap3A_545, %swap3A_546], %swap3A_549 {strides = array<i32>} : memref<16x512xf32, #tpu.memory_space<vmem>>, vector<1x16xf32>,
          %get3A_550 = arith.index_cast %scan3A_92 : i32 to index
          %get3A_551 = arith.constant 320 : index
          %get3A_552 = tpu.vector_load %arg11[%get3A_550, %get3A_551] {strides = array<i32>} : memref<16x512xf32, #tpu.memory_space<vmem>>, vector<1x16xf32>,
          %get3A_553 = vector.shape_cast %get3A_552 : vector<1x16xf32> to vector<16xf32>
          %mul3A_554 = arith.mulf %get3A_96, %get3A_553 : vector<16xf32>
          %get3A_555 = arith.index_cast %scan3A_92 : i32 to index
          %get3A_556 = arith.constant 320 : index
          %get3A_557 = tpu.vector_load %arg12[%get3A_555, %get3A_556] {strides = array<i32>} : memref<16x512xf32, #tpu.memory_space<vmem>>, vector<1x16xf32>,
          %get3A_558 = vector.shape_cast %get3A_557 : vector<1x16xf32> to vector<16xf32>
          %mul3A_559 = arith.mulf %get3A_103, %get3A_558 : vector<16xf32>
          %add3A_560 = arith.addf %mul3A_554, %mul3A_559 : vector<16xf32>
          %get3A_561 = arith.index_cast %scan3A_92 : i32 to index
          %get3A_562 = arith.constant 320 : index
          %get3A_563 = tpu.vector_load %arg13[%get3A_561, %get3A_562] {strides = array<i32>} : memref<16x512xf32, #tpu.memory_space<vmem>>, vector<1x16xf32>,
          %get3A_564 = vector.shape_cast %get3A_563 : vector<1x16xf32> to vector<16xf32>
          %mul3A_565 = arith.mulf %get3A_110, %get3A_564 : vector<16xf32>
          %add3A_566 = arith.addf %add3A_560, %mul3A_565 : vector<16xf32>
          %swap3A_567 = arith.index_cast %scan3A_92 : i32 to index
          %swap3A_568 = arith.constant 320 : index
          %swap3A_569 = tpu.vector_load %arg15[%swap3A_567, %swap3A_568] {strides = array<i32>} : memref<16x512xf32, #tpu.memory_space<vmem>>, vector<1x16xf32>,
          %swap3A_570 = vector.shape_cast %swap3A_569 : vector<1x16xf32> to vector<16xf32>
          %swap3A_571 = vector.shape_cast %add3A_566 : vector<16xf32> to vector<1x16xf32>
          tpu.vector_store %arg15[%swap3A_567, %swap3A_568], %swap3A_571 {strides = array<i32>} : memref<16x512xf32, #tpu.memory_space<vmem>>, vector<1x16xf32>,
          %get3A_572 = arith.index_cast %scan3A_92 : i32 to index
          %get3A_573 = arith.constant 336 : index
          %get3A_574 = tpu.vector_load %arg11[%get3A_572, %get3A_573] {strides = array<i32>} : memref<16x512xf32, #tpu.memory_space<vmem>>, vector<1x16xf32>,
          %get3A_575 = vector.shape_cast %get3A_574 : vector<1x16xf32> to vector<16xf32>
          %mul3A_576 = arith.mulf %get3A_96, %get3A_575 : vector<16xf32>
          %get3A_577 = arith.index_cast %scan3A_92 : i32 to index
          %get3A_578 = arith.constant 336 : index
          %get3A_579 = tpu.vector_load %arg12[%get3A_577, %get3A_578] {strides = array<i32>} : memref<16x512xf32, #tpu.memory_space<vmem>>, vector<1x16xf32>,
          %get3A_580 = vector.shape_cast %get3A_579 : vector<1x16xf32> to vector<16xf32>
          %mul3A_581 = arith.mulf %get3A_103, %get3A_580 : vector<16xf32>
          %add3A_582 = arith.addf %mul3A_576, %mul3A_581 : vector<16xf32>
          %get3A_583 = arith.index_cast %scan3A_92 : i32 to index
          %get3A_584 = arith.constant 336 : index
          %get3A_585 = tpu.vector_load %arg13[%get3A_583, %get3A_584] {strides = array<i32>} : memref<16x512xf32, #tpu.memory_space<vmem>>, vector<1x16xf32>,
          %get3A_586 = vector.shape_cast %get3A_585 : vector<1x16xf32> to vector<16xf32>
          %mul3A_587 = arith.mulf %get3A_110, %get3A_586 : vector<16xf32>
          %add3A_588 = arith.addf %add3A_582, %mul3A_587 : vector<16xf32>
          %swap3A_589 = arith.index_cast %scan3A_92 : i32 to index
          %swap3A_590 = arith.constant 336 : index
          %swap3A_591 = tpu.vector_load %arg15[%swap3A_589, %swap3A_590] {strides = array<i32>} : memref<16x512xf32, #tpu.memory_space<vmem>>, vector<1x16xf32>,
          %swap3A_592 = vector.shape_cast %swap3A_591 : vector<1x16xf32> to vector<16xf32>
          %swap3A_593 = vector.shape_cast %add3A_588 : vector<16xf32> to vector<1x16xf32>
          tpu.vector_store %arg15[%swap3A_589, %swap3A_590], %swap3A_593 {strides = array<i32>} : memref<16x512xf32, #tpu.memory_space<vmem>>, vector<1x16xf32>,
          %get3A_594 = arith.index_cast %scan3A_92 : i32 to index
          %get3A_595 = arith.constant 352 : index
          %get3A_596 = tpu.vector_load %arg11[%get3A_594, %get3A_595] {strides = array<i32>} : memref<16x512xf32, #tpu.memory_space<vmem>>, vector<1x16xf32>,
          %get3A_597 = vector.shape_cast %get3A_596 : vector<1x16xf32> to vector<16xf32>
          %mul3A_598 = arith.mulf %get3A_96, %get3A_597 : vector<16xf32>
          %get3A_599 = arith.index_cast %scan3A_92 : i32 to index
          %get3A_600 = arith.constant 352 : index
          %get3A_601 = tpu.vector_load %arg12[%get3A_599, %get3A_600] {strides = array<i32>} : memref<16x512xf32, #tpu.memory_space<vmem>>, vector<1x16xf32>,
          %get3A_602 = vector.shape_cast %get3A_601 : vector<1x16xf32> to vector<16xf32>
          %mul3A_603 = arith.mulf %get3A_103, %get3A_602 : vector<16xf32>
          %add3A_604 = arith.addf %mul3A_598, %mul3A_603 : vector<16xf32>
          %get3A_605 = arith.index_cast %scan3A_92 : i32 to index
          %get3A_606 = arith.constant 352 : index
          %get3A_607 = tpu.vector_load %arg13[%get3A_605, %get3A_606] {strides = array<i32>} : memref<16x512xf32, #tpu.memory_space<vmem>>, vector<1x16xf32>,
          %get3A_608 = vector.shape_cast %get3A_607 : vector<1x16xf32> to vector<16xf32>
          %mul3A_609 = arith.mulf %get3A_110, %get3A_608 : vector<16xf32>
          %add3A_610 = arith.addf %add3A_604, %mul3A_609 : vector<16xf32>
          %swap3A_611 = arith.index_cast %scan3A_92 : i32 to index
          %swap3A_612 = arith.constant 352 : index
          %swap3A_613 = tpu.vector_load %arg15[%swap3A_611, %swap3A_612] {strides = array<i32>} : memref<16x512xf32, #tpu.memory_space<vmem>>, vector<1x16xf32>,
          %swap3A_614 = vector.shape_cast %swap3A_613 : vector<1x16xf32> to vector<16xf32>
          %swap3A_615 = vector.shape_cast %add3A_610 : vector<16xf32> to vector<1x16xf32>
          tpu.vector_store %arg15[%swap3A_611, %swap3A_612], %swap3A_615 {strides = array<i32>} : memref<16x512xf32, #tpu.memory_space<vmem>>, vector<1x16xf32>,
          %get3A_616 = arith.index_cast %scan3A_92 : i32 to index
          %get3A_617 = arith.constant 368 : index
          %get3A_618 = tpu.vector_load %arg11[%get3A_616, %get3A_617] {strides = array<i32>} : memref<16x512xf32, #tpu.memory_space<vmem>>, vector<1x16xf32>,
          %get3A_619 = vector.shape_cast %get3A_618 : vector<1x16xf32> to vector<16xf32>
          %mul3A_620 = arith.mulf %get3A_96, %get3A_619 : vector<16xf32>
          %get3A_621 = arith.index_cast %scan3A_92 : i32 to index
          %get3A_622 = arith.constant 368 : index
          %get3A_623 = tpu.vector_load %arg12[%get3A_621, %get3A_622] {strides = array<i32>} : memref<16x512xf32, #tpu.memory_space<vmem>>, vector<1x16xf32>,
          %get3A_624 = vector.shape_cast %get3A_623 : vector<1x16xf32> to vector<16xf32>
          %mul3A_625 = arith.mulf %get3A_103, %get3A_624 : vector<16xf32>
          %add3A_626 = arith.addf %mul3A_620, %mul3A_625 : vector<16xf32>
          %get3A_627 = arith.index_cast %scan3A_92 : i32 to index
          %get3A_628 = arith.constant 368 : index
          %get3A_629 = tpu.vector_load %arg13[%get3A_627, %get3A_628] {strides = array<i32>} : memref<16x512xf32, #tpu.memory_space<vmem>>, vector<1x16xf32>,
          %get3A_630 = vector.shape_cast %get3A_629 : vector<1x16xf32> to vector<16xf32>
          %mul3A_631 = arith.mulf %get3A_110, %get3A_630 : vector<16xf32>
          %add3A_632 = arith.addf %add3A_626, %mul3A_631 : vector<16xf32>
          %swap3A_633 = arith.index_cast %scan3A_92 : i32 to index
          %swap3A_634 = arith.constant 368 : index
          %swap3A_635 = tpu.vector_load %arg15[%swap3A_633, %swap3A_634] {strides = array<i32>} : memref<16x512xf32, #tpu.memory_space<vmem>>, vector<1x16xf32>,
          %swap3A_636 = vector.shape_cast %swap3A_635 : vector<1x16xf32> to vector<16xf32>
          %swap3A_637 = vector.shape_cast %add3A_632 : vector<16xf32> to vector<1x16xf32>
          tpu.vector_store %arg15[%swap3A_633, %swap3A_634], %swap3A_637 {strides = array<i32>} : memref<16x512xf32, #tpu.memory_space<vmem>>, vector<1x16xf32>,
          %get3A_638 = arith.index_cast %scan3A_92 : i32 to index
          %get3A_639 = arith.constant 384 : index
          %get3A_640 = tpu.vector_load %arg11[%get3A_638, %get3A_639] {strides = array<i32>} : memref<16x512xf32, #tpu.memory_space<vmem>>, vector<1x16xf32>,
          %get3A_641 = vector.shape_cast %get3A_640 : vector<1x16xf32> to vector<16xf32>
          %mul3A_642 = arith.mulf %get3A_96, %get3A_641 : vector<16xf32>
          %get3A_643 = arith.index_cast %scan3A_92 : i32 to index
          %get3A_644 = arith.constant 384 : index
          %get3A_645 = tpu.vector_load %arg12[%get3A_643, %get3A_644] {strides = array<i32>} : memref<16x512xf32, #tpu.memory_space<vmem>>, vector<1x16xf32>,
          %get3A_646 = vector.shape_cast %get3A_645 : vector<1x16xf32> to vector<16xf32>
          %mul3A_647 = arith.mulf %get3A_103, %get3A_646 : vector<16xf32>
          %add3A_648 = arith.addf %mul3A_642, %mul3A_647 : vector<16xf32>
          %get3A_649 = arith.index_cast %scan3A_92 : i32 to index
          %get3A_650 = arith.constant 384 : index
          %get3A_651 = tpu.vector_load %arg13[%get3A_649, %get3A_650] {strides = array<i32>} : memref<16x512xf32, #tpu.memory_space<vmem>>, vector<1x16xf32>,
          %get3A_652 = vector.shape_cast %get3A_651 : vector<1x16xf32> to vector<16xf32>
          %mul3A_653 = arith.mulf %get3A_110, %get3A_652 : vector<16xf32>
          %add3A_654 = arith.addf %add3A_648, %mul3A_653 : vector<16xf32>
          %swap3A_655 = arith.index_cast %scan3A_92 : i32 to index
          %swap3A_656 = arith.constant 384 : index
          %swap3A_657 = tpu.vector_load %arg15[%swap3A_655, %swap3A_656] {strides = array<i32>} : memref<16x512xf32, #tpu.memory_space<vmem>>, vector<1x16xf32>,
          %swap3A_658 = vector.shape_cast %swap3A_657 : vector<1x16xf32> to vector<16xf32>
          %swap3A_659 = vector.shape_cast %add3A_654 : vector<16xf32> to vector<1x16xf32>
          tpu.vector_store %arg15[%swap3A_655, %swap3A_656], %swap3A_659 {strides = array<i32>} : memref<16x512xf32, #tpu.memory_space<vmem>>, vector<1x16xf32>,
          %get3A_660 = arith.index_cast %scan3A_92 : i32 to index
          %get3A_661 = arith.constant 400 : index
          %get3A_662 = tpu.vector_load %arg11[%get3A_660, %get3A_661] {strides = array<i32>} : memref<16x512xf32, #tpu.memory_space<vmem>>, vector<1x16xf32>,
          %get3A_663 = vector.shape_cast %get3A_662 : vector<1x16xf32> to vector<16xf32>
          %mul3A_664 = arith.mulf %get3A_96, %get3A_663 : vector<16xf32>
          %get3A_665 = arith.index_cast %scan3A_92 : i32 to index
          %get3A_666 = arith.constant 400 : index
          %get3A_667 = tpu.vector_load %arg12[%get3A_665, %get3A_666] {strides = array<i32>} : memref<16x512xf32, #tpu.memory_space<vmem>>, vector<1x16xf32>,
          %get3A_668 = vector.shape_cast %get3A_667 : vector<1x16xf32> to vector<16xf32>
          %mul3A_669 = arith.mulf %get3A_103, %get3A_668 : vector<16xf32>
          %add3A_670 = arith.addf %mul3A_664, %mul3A_669 : vector<16xf32>
          %get3A_671 = arith.index_cast %scan3A_92 : i32 to index
          %get3A_672 = arith.constant 400 : index
          %get3A_673 = tpu.vector_load %arg13[%get3A_671, %get3A_672] {strides = array<i32>} : memref<16x512xf32, #tpu.memory_space<vmem>>, vector<1x16xf32>,
          %get3A_674 = vector.shape_cast %get3A_673 : vector<1x16xf32> to vector<16xf32>
          %mul3A_675 = arith.mulf %get3A_110, %get3A_674 : vector<16xf32>
          %add3A_676 = arith.addf %add3A_670, %mul3A_675 : vector<16xf32>
          %swap3A_677 = arith.index_cast %scan3A_92 : i32 to index
          %swap3A_678 = arith.constant 400 : index
          %swap3A_679 = tpu.vector_load %arg15[%swap3A_677, %swap3A_678] {strides = array<i32>} : memref<16x512xf32, #tpu.memory_space<vmem>>, vector<1x16xf32>,
          %swap3A_680 = vector.shape_cast %swap3A_679 : vector<1x16xf32> to vector<16xf32>
          %swap3A_681 = vector.shape_cast %add3A_676 : vector<16xf32> to vector<1x16xf32>
          tpu.vector_store %arg15[%swap3A_677, %swap3A_678], %swap3A_681 {strides = array<i32>} : memref<16x512xf32, #tpu.memory_space<vmem>>, vector<1x16xf32>,
          %get3A_682 = arith.index_cast %scan3A_92 : i32 to index
          %get3A_683 = arith.constant 416 : index
          %get3A_684 = tpu.vector_load %arg11[%get3A_682, %get3A_683] {strides = array<i32>} : memref<16x512xf32, #tpu.memory_space<vmem>>, vector<1x16xf32>,
          %get3A_685 = vector.shape_cast %get3A_684 : vector<1x16xf32> to vector<16xf32>
          %mul3A_686 = arith.mulf %get3A_96, %get3A_685 : vector<16xf32>
          %get3A_687 = arith.index_cast %scan3A_92 : i32 to index
          %get3A_688 = arith.constant 416 : index
          %get3A_689 = tpu.vector_load %arg12[%get3A_687, %get3A_688] {strides = array<i32>} : memref<16x512xf32, #tpu.memory_space<vmem>>, vector<1x16xf32>,
          %get3A_690 = vector.shape_cast %get3A_689 : vector<1x16xf32> to vector<16xf32>
          %mul3A_691 = arith.mulf %get3A_103, %get3A_690 : vector<16xf32>
          %add3A_692 = arith.addf %mul3A_686, %mul3A_691 : vector<16xf32>
          %get3A_693 = arith.index_cast %scan3A_92 : i32 to index
          %get3A_694 = arith.constant 416 : index
          %get3A_695 = tpu.vector_load %arg13[%get3A_693, %get3A_694] {strides = array<i32>} : memref<16x512xf32, #tpu.memory_space<vmem>>, vector<1x16xf32>,
          %get3A_696 = vector.shape_cast %get3A_695 : vector<1x16xf32> to vector<16xf32>
          %mul3A_697 = arith.mulf %get3A_110, %get3A_696 : vector<16xf32>
          %add3A_698 = arith.addf %add3A_692, %mul3A_697 : vector<16xf32>
          %swap3A_699 = arith.index_cast %scan3A_92 : i32 to index
          %swap3A_700 = arith.constant 416 : index
          %swap3A_701 = tpu.vector_load %arg15[%swap3A_699, %swap3A_700] {strides = array<i32>} : memref<16x512xf32, #tpu.memory_space<vmem>>, vector<1x16xf32>,
          %swap3A_702 = vector.shape_cast %swap3A_701 : vector<1x16xf32> to vector<16xf32>
          %swap3A_703 = vector.shape_cast %add3A_698 : vector<16xf32> to vector<1x16xf32>
          tpu.vector_store %arg15[%swap3A_699, %swap3A_700], %swap3A_703 {strides = array<i32>} : memref<16x512xf32, #tpu.memory_space<vmem>>, vector<1x16xf32>,
          %get3A_704 = arith.index_cast %scan3A_92 : i32 to index
          %get3A_705 = arith.constant 432 : index
          %get3A_706 = tpu.vector_load %arg11[%get3A_704, %get3A_705] {strides = array<i32>} : memref<16x512xf32, #tpu.memory_space<vmem>>, vector<1x16xf32>,
          %get3A_707 = vector.shape_cast %get3A_706 : vector<1x16xf32> to vector<16xf32>
          %mul3A_708 = arith.mulf %get3A_96, %get3A_707 : vector<16xf32>
          %get3A_709 = arith.index_cast %scan3A_92 : i32 to index
          %get3A_710 = arith.constant 432 : index
          %get3A_711 = tpu.vector_load %arg12[%get3A_709, %get3A_710] {strides = array<i32>} : memref<16x512xf32, #tpu.memory_space<vmem>>, vector<1x16xf32>,
          %get3A_712 = vector.shape_cast %get3A_711 : vector<1x16xf32> to vector<16xf32>
          %mul3A_713 = arith.mulf %get3A_103, %get3A_712 : vector<16xf32>
          %add3A_714 = arith.addf %mul3A_708, %mul3A_713 : vector<16xf32>
          %get3A_715 = arith.index_cast %scan3A_92 : i32 to index
          %get3A_716 = arith.constant 432 : index
          %get3A_717 = tpu.vector_load %arg13[%get3A_715, %get3A_716] {strides = array<i32>} : memref<16x512xf32, #tpu.memory_space<vmem>>, vector<1x16xf32>,
          %get3A_718 = vector.shape_cast %get3A_717 : vector<1x16xf32> to vector<16xf32>
          %mul3A_719 = arith.mulf %get3A_110, %get3A_718 : vector<16xf32>
          %add3A_720 = arith.addf %add3A_714, %mul3A_719 : vector<16xf32>
          %swap3A_721 = arith.index_cast %scan3A_92 : i32 to index
          %swap3A_722 = arith.constant 432 : index
          %swap3A_723 = tpu.vector_load %arg15[%swap3A_721, %swap3A_722] {strides = array<i32>} : memref<16x512xf32, #tpu.memory_space<vmem>>, vector<1x16xf32>,
          %swap3A_724 = vector.shape_cast %swap3A_723 : vector<1x16xf32> to vector<16xf32>
          %swap3A_725 = vector.shape_cast %add3A_720 : vector<16xf32> to vector<1x16xf32>
          tpu.vector_store %arg15[%swap3A_721, %swap3A_722], %swap3A_725 {strides = array<i32>} : memref<16x512xf32, #tpu.memory_space<vmem>>, vector<1x16xf32>,
          %get3A_726 = arith.index_cast %scan3A_92 : i32 to index
          %get3A_727 = arith.constant 448 : index
          %get3A_728 = tpu.vector_load %arg11[%get3A_726, %get3A_727] {strides = array<i32>} : memref<16x512xf32, #tpu.memory_space<vmem>>, vector<1x16xf32>,
          %get3A_729 = vector.shape_cast %get3A_728 : vector<1x16xf32> to vector<16xf32>
          %mul3A_730 = arith.mulf %get3A_96, %get3A_729 : vector<16xf32>
          %get3A_731 = arith.index_cast %scan3A_92 : i32 to index
          %get3A_732 = arith.constant 448 : index
          %get3A_733 = tpu.vector_load %arg12[%get3A_731, %get3A_732] {strides = array<i32>} : memref<16x512xf32, #tpu.memory_space<vmem>>, vector<1x16xf32>,
          %get3A_734 = vector.shape_cast %get3A_733 : vector<1x16xf32> to vector<16xf32>
          %mul3A_735 = arith.mulf %get3A_103, %get3A_734 : vector<16xf32>
          %add3A_736 = arith.addf %mul3A_730, %mul3A_735 : vector<16xf32>
          %get3A_737 = arith.index_cast %scan3A_92 : i32 to index
          %get3A_738 = arith.constant 448 : index
          %get3A_739 = tpu.vector_load %arg13[%get3A_737, %get3A_738] {strides = array<i32>} : memref<16x512xf32, #tpu.memory_space<vmem>>, vector<1x16xf32>,
          %get3A_740 = vector.shape_cast %get3A_739 : vector<1x16xf32> to vector<16xf32>
          %mul3A_741 = arith.mulf %get3A_110, %get3A_740 : vector<16xf32>
          %add3A_742 = arith.addf %add3A_736, %mul3A_741 : vector<16xf32>
          %swap3A_743 = arith.index_cast %scan3A_92 : i32 to index
          %swap3A_744 = arith.constant 448 : index
          %swap3A_745 = tpu.vector_load %arg15[%swap3A_743, %swap3A_744] {strides = array<i32>} : memref<16x512xf32, #tpu.memory_space<vmem>>, vector<1x16xf32>,
          %swap3A_746 = vector.shape_cast %swap3A_745 : vector<1x16xf32> to vector<16xf32>
          %swap3A_747 = vector.shape_cast %add3A_742 : vector<16xf32> to vector<1x16xf32>
          tpu.vector_store %arg15[%swap3A_743, %swap3A_744], %swap3A_747 {strides = array<i32>} : memref<16x512xf32, #tpu.memory_space<vmem>>, vector<1x16xf32>,
          %get3A_748 = arith.index_cast %scan3A_92 : i32 to index
          %get3A_749 = arith.constant 464 : index
          %get3A_750 = tpu.vector_load %arg11[%get3A_748, %get3A_749] {strides = array<i32>} : memref<16x512xf32, #tpu.memory_space<vmem>>, vector<1x16xf32>,
          %get3A_751 = vector.shape_cast %get3A_750 : vector<1x16xf32> to vector<16xf32>
          %mul3A_752 = arith.mulf %get3A_96, %get3A_751 : vector<16xf32>
          %get3A_753 = arith.index_cast %scan3A_92 : i32 to index
          %get3A_754 = arith.constant 464 : index
          %get3A_755 = tpu.vector_load %arg12[%get3A_753, %get3A_754] {strides = array<i32>} : memref<16x512xf32, #tpu.memory_space<vmem>>, vector<1x16xf32>,
          %get3A_756 = vector.shape_cast %get3A_755 : vector<1x16xf32> to vector<16xf32>
          %mul3A_757 = arith.mulf %get3A_103, %get3A_756 : vector<16xf32>
          %add3A_758 = arith.addf %mul3A_752, %mul3A_757 : vector<16xf32>
          %get3A_759 = arith.index_cast %scan3A_92 : i32 to index
          %get3A_760 = arith.constant 464 : index
          %get3A_761 = tpu.vector_load %arg13[%get3A_759, %get3A_760] {strides = array<i32>} : memref<16x512xf32, #tpu.memory_space<vmem>>, vector<1x16xf32>,
          %get3A_762 = vector.shape_cast %get3A_761 : vector<1x16xf32> to vector<16xf32>
          %mul3A_763 = arith.mulf %get3A_110, %get3A_762 : vector<16xf32>
          %add3A_764 = arith.addf %add3A_758, %mul3A_763 : vector<16xf32>
          %swap3A_765 = arith.index_cast %scan3A_92 : i32 to index
          %swap3A_766 = arith.constant 464 : index
          %swap3A_767 = tpu.vector_load %arg15[%swap3A_765, %swap3A_766] {strides = array<i32>} : memref<16x512xf32, #tpu.memory_space<vmem>>, vector<1x16xf32>,
          %swap3A_768 = vector.shape_cast %swap3A_767 : vector<1x16xf32> to vector<16xf32>
          %swap3A_769 = vector.shape_cast %add3A_764 : vector<16xf32> to vector<1x16xf32>
          tpu.vector_store %arg15[%swap3A_765, %swap3A_766], %swap3A_769 {strides = array<i32>} : memref<16x512xf32, #tpu.memory_space<vmem>>, vector<1x16xf32>,
          %get3A_770 = arith.index_cast %scan3A_92 : i32 to index
          %get3A_771 = arith.constant 480 : index
          %get3A_772 = tpu.vector_load %arg11[%get3A_770, %get3A_771] {strides = array<i32>} : memref<16x512xf32, #tpu.memory_space<vmem>>, vector<1x16xf32>,
          %get3A_773 = vector.shape_cast %get3A_772 : vector<1x16xf32> to vector<16xf32>
          %mul3A_774 = arith.mulf %get3A_96, %get3A_773 : vector<16xf32>
          %get3A_775 = arith.index_cast %scan3A_92 : i32 to index
          %get3A_776 = arith.constant 480 : index
          %get3A_777 = tpu.vector_load %arg12[%get3A_775, %get3A_776] {strides = array<i32>} : memref<16x512xf32, #tpu.memory_space<vmem>>, vector<1x16xf32>,
          %get3A_778 = vector.shape_cast %get3A_777 : vector<1x16xf32> to vector<16xf32>
          %mul3A_779 = arith.mulf %get3A_103, %get3A_778 : vector<16xf32>
          %add3A_780 = arith.addf %mul3A_774, %mul3A_779 : vector<16xf32>
          %get3A_781 = arith.index_cast %scan3A_92 : i32 to index
          %get3A_782 = arith.constant 480 : index
          %get3A_783 = tpu.vector_load %arg13[%get3A_781, %get3A_782] {strides = array<i32>} : memref<16x512xf32, #tpu.memory_space<vmem>>, vector<1x16xf32>,
          %get3A_784 = vector.shape_cast %get3A_783 : vector<1x16xf32> to vector<16xf32>
          %mul3A_785 = arith.mulf %get3A_110, %get3A_784 : vector<16xf32>
          %add3A_786 = arith.addf %add3A_780, %mul3A_785 : vector<16xf32>
          %swap3A_787 = arith.index_cast %scan3A_92 : i32 to index
          %swap3A_788 = arith.constant 480 : index
          %swap3A_789 = tpu.vector_load %arg15[%swap3A_787, %swap3A_788] {strides = array<i32>} : memref<16x512xf32, #tpu.memory_space<vmem>>, vector<1x16xf32>,
          %swap3A_790 = vector.shape_cast %swap3A_789 : vector<1x16xf32> to vector<16xf32>
          %swap3A_791 = vector.shape_cast %add3A_786 : vector<16xf32> to vector<1x16xf32>
          tpu.vector_store %arg15[%swap3A_787, %swap3A_788], %swap3A_791 {strides = array<i32>} : memref<16x512xf32, #tpu.memory_space<vmem>>, vector<1x16xf32>,
          %get3A_792 = arith.index_cast %scan3A_92 : i32 to index
          %get3A_793 = arith.constant 496 : index
          %get3A_794 = tpu.vector_load %arg11[%get3A_792, %get3A_793] {strides = array<i32>} : memref<16x512xf32, #tpu.memory_space<vmem>>, vector<1x16xf32>,
          %get3A_795 = vector.shape_cast %get3A_794 : vector<1x16xf32> to vector<16xf32>
          %mul3A_796 = arith.mulf %get3A_96, %get3A_795 : vector<16xf32>
          %get3A_797 = arith.index_cast %scan3A_92 : i32 to index
          %get3A_798 = arith.constant 496 : index
          %get3A_799 = tpu.vector_load %arg12[%get3A_797, %get3A_798] {strides = array<i32>} : memref<16x512xf32, #tpu.memory_space<vmem>>, vector<1x16xf32>,
          %get3A_800 = vector.shape_cast %get3A_799 : vector<1x16xf32> to vector<16xf32>
          %mul3A_801 = arith.mulf %get3A_103, %get3A_800 : vector<16xf32>
          %add3A_802 = arith.addf %mul3A_796, %mul3A_801 : vector<16xf32>
          %get3A_803 = arith.index_cast %scan3A_92 : i32 to index
          %get3A_804 = arith.constant 496 : index
          %get3A_805 = tpu.vector_load %arg13[%get3A_803, %get3A_804] {strides = array<i32>} : memref<16x512xf32, #tpu.memory_space<vmem>>, vector<1x16xf32>,
          %get3A_806 = vector.shape_cast %get3A_805 : vector<1x16xf32> to vector<16xf32>
          %mul3A_807 = arith.mulf %get3A_110, %get3A_806 : vector<16xf32>
          %add3A_808 = arith.addf %add3A_802, %mul3A_807 : vector<16xf32>
          %swap3A_809 = arith.index_cast %scan3A_92 : i32 to index
          %swap3A_810 = arith.constant 496 : index
          %swap3A_811 = tpu.vector_load %arg15[%swap3A_809, %swap3A_810] {strides = array<i32>} : memref<16x512xf32, #tpu.memory_space<vmem>>, vector<1x16xf32>,
          %swap3A_812 = vector.shape_cast %swap3A_811 : vector<1x16xf32> to vector<16xf32>
          %swap3A_813 = vector.shape_cast %add3A_808 : vector<16xf32> to vector<1x16xf32>
          tpu.vector_store %arg15[%swap3A_809, %swap3A_810], %swap3A_813 {strides = array<i32>} : memref<16x512xf32, #tpu.memory_space<vmem>>, vector<1x16xf32>,
        }
        %scan3A_84 = arith.constant 16 : i32
        %mul3A_85 = arith.constant 16 : i32
        %mul3A_86 = arith.muli %scan3A_39, %mul3A_85 : i32
        %add3A_87 = arith.addi %mul3A_2, %mul3A_86 : i32
        %dma_start3A_88 = arith.constant 0 : i32
        %dma_start3A_89 = tpu.memref_slice %arg7[%add3A_87, %dma_start3A_88] : memref<32768x512xf32, #tpu.memory_space<hbm>> -> memref<16x512xf32, #tpu.memory_space<hbm>>
        %dma_start3A_90 = arith.constant 0 : i32
        %dma_start3A_91 = tpu.memref_slice %arg7[%add3A_87, %dma_start3A_90] : memref<32768x512xf32, #tpu.memory_space<hbm>> -> memref<16x512xf32, #tpu.memory_space<hbm>>
        tpu.enqueue_dma source(%arg15 : memref<16x512xf32, #tpu.memory_space<vmem>>) target(%dma_start3A_91 : memref<16x512xf32, #tpu.memory_space<hbm>>) target_semaphore(%arg23 : memref<!tpu.dma_semaphore, #tpu.memory_space<semaphore_mem>>)
      } else {
      }
      %not3A = arith.constant true
      %not3A_43 = arith.xori %eq3A_41, %not3A : i1
      %convert_element_type3A_44 = arith.extui %not3A_43 : i1 to i32
      %cond3A_45 = arith.constant 0 : i32
      %cond3A_46 = arith.cmpi ne, %convert_element_type3A_44, %cond3A_45 : i32
      scf.if %cond3A_46 {
        %add3A_47 = arith.constant 1 : i32
        %add3A_48 = arith.addi %scan3A_39, %add3A_47 : i32
        %lt3A = arith.constant 64 : i32
        %lt3A_49 = arith.cmpi slt, %add3A_48, %lt3A : i32
        %convert_element_type3A_50 = arith.extui %lt3A_49 : i1 to i32
        %cond3A_51 = arith.constant 0 : i32
        %cond3A_52 = arith.cmpi ne, %convert_element_type3A_50, %cond3A_51 : i32
        scf.if %cond3A_52 {
          %add3A_92 = arith.constant 1 : i32
          %add3A_93 = arith.addi %scan3A_39, %add3A_92 : i32
          %mul3A_94 = arith.constant 16 : i32
          %mul3A_95 = arith.muli %add3A_93, %mul3A_94 : i32
          %dma_start3A_96 = tpu.memref_slice %arg8[%mul3A_95] : memref<1024xi32, #tpu.memory_space<vmem>> -> memref<16xi32, #tpu.memory_space<vmem>>
          %dma_start3A_97 = arith.constant 0 : i32
          %dma_start3A_98 = arith.constant 0 : i32
          %dma_start3A_99 = tpu.memref_slice %arg2[%dma_start3A_97, %dma_start3A_98] : memref<16384x512xf32, #tpu.memory_space<hbm>> -> memref<16384x512xf32, #tpu.memory_space<hbm>>
          tpu.enqueue_indirect_dma source(%dma_start3A_99 : memref<16384x512xf32, #tpu.memory_space<hbm>>) target(%arg11 : memref<16x512xf32, #tpu.memory_space<vmem>>) offsets(%dma_start3A_96 : memref<16xi32, #tpu.memory_space<vmem>>) semaphore(%arg21 : memref<!tpu.dma_semaphore, #tpu.memory_space<semaphore_mem>>)
          %dma_start3A_100 = tpu.memref_slice %arg9[%mul3A_95] : memref<1024xi32, #tpu.memory_space<vmem>> -> memref<16xi32, #tpu.memory_space<vmem>>
          %dma_start3A_101 = arith.constant 0 : i32
          %dma_start3A_102 = arith.constant 0 : i32
          %dma_start3A_103 = tpu.memref_slice %arg2[%dma_start3A_101, %dma_start3A_102] : memref<16384x512xf32, #tpu.memory_space<hbm>> -> memref<16384x512xf32, #tpu.memory_space<hbm>>
          tpu.enqueue_indirect_dma source(%dma_start3A_103 : memref<16384x512xf32, #tpu.memory_space<hbm>>) target(%arg12 : memref<16x512xf32, #tpu.memory_space<vmem>>) offsets(%dma_start3A_100 : memref<16xi32, #tpu.memory_space<vmem>>) semaphore(%arg21 : memref<!tpu.dma_semaphore, #tpu.memory_space<semaphore_mem>>)
          %dma_start3A_104 = tpu.memref_slice %arg10[%mul3A_95] : memref<1024xi32, #tpu.memory_space<vmem>> -> memref<16xi32, #tpu.memory_space<vmem>>
          %dma_start3A_105 = arith.constant 0 : i32
          %dma_start3A_106 = arith.constant 0 : i32
          %dma_start3A_107 = tpu.memref_slice %arg2[%dma_start3A_105, %dma_start3A_106] : memref<16384x512xf32, #tpu.memory_space<hbm>> -> memref<16384x512xf32, #tpu.memory_space<hbm>>
          tpu.enqueue_indirect_dma source(%dma_start3A_107 : memref<16384x512xf32, #tpu.memory_space<hbm>>) target(%arg13 : memref<16x512xf32, #tpu.memory_space<vmem>>) offsets(%dma_start3A_104 : memref<16xi32, #tpu.memory_space<vmem>>) semaphore(%arg21 : memref<!tpu.dma_semaphore, #tpu.memory_space<semaphore_mem>>)
          %add3A_108 = arith.addi %mul3A_2, %mul3A_95 : i32
          %mul3A_109 = arith.constant 48 : i32
          %mul3A_110 = arith.muli %add3A_108, %mul3A_109 : i32
          %dma_start3A_111 = tpu.memref_slice %arg6[%mul3A_110] : memref<1572864xf32, #tpu.memory_space<hbm>> -> memref<768xf32, #tpu.memory_space<hbm>>
          %dma_start3A_112 = tpu.memref_slice %arg6[%mul3A_110] : memref<1572864xf32, #tpu.memory_space<hbm>> -> memref<768xf32, #tpu.memory_space<hbm>>
          tpu.enqueue_dma source(%dma_start3A_112 : memref<768xf32, #tpu.memory_space<hbm>>) target(%arg14 : memref<768xf32, #tpu.memory_space<vmem>>) target_semaphore(%arg21 : memref<!tpu.dma_semaphore, #tpu.memory_space<semaphore_mem>>)
        } else {
        }
        %dma_wait3A_53 = arith.constant 0 : i32
        %dma_wait3A_54 = arith.constant 0 : i32
        %dma_wait3A_55 = tpu.memref_slice %arg2[%dma_wait3A_53, %dma_wait3A_54] : memref<16384x512xf32, #tpu.memory_space<hbm>> -> memref<16x512xf32, #tpu.memory_space<hbm>>
        %dma_wait3A_56 = arith.constant 0 : i32
        %dma_wait3A_57 = arith.constant 0 : i32
        %dma_wait3A_58 = tpu.memref_slice %arg2[%dma_wait3A_56, %dma_wait3A_57] : memref<16384x512xf32, #tpu.memory_space<hbm>> -> memref<16x512xf32, #tpu.memory_space<hbm>>
        tpu.wait_dma2 semaphore(%arg22 : memref<!tpu.dma_semaphore, #tpu.memory_space<semaphore_mem>>) src(%dma_wait3A_58 : memref<16x512xf32, #tpu.memory_space<hbm>>) dst(%arg16 : memref<16x512xf32, #tpu.memory_space<vmem>>)
        %dma_wait3A_59 = arith.constant 0 : i32
        %dma_wait3A_60 = arith.constant 0 : i32
        %dma_wait3A_61 = tpu.memref_slice %arg2[%dma_wait3A_59, %dma_wait3A_60] : memref<16384x512xf32, #tpu.memory_space<hbm>> -> memref<16x512xf32, #tpu.memory_space<hbm>>
        %dma_wait3A_62 = arith.constant 0 : i32
        %dma_wait3A_63 = arith.constant 0 : i32
        %dma_wait3A_64 = tpu.memref_slice %arg2[%dma_wait3A_62, %dma_wait3A_63] : memref<16384x512xf32, #tpu.memory_space<hbm>> -> memref<16x512xf32, #tpu.memory_space<hbm>>
        tpu.wait_dma2 semaphore(%arg22 : memref<!tpu.dma_semaphore, #tpu.memory_space<semaphore_mem>>) src(%dma_wait3A_64 : memref<16x512xf32, #tpu.memory_space<hbm>>) dst(%arg17 : memref<16x512xf32, #tpu.memory_space<vmem>>)
        %dma_wait3A_65 = arith.constant 0 : i32
        %dma_wait3A_66 = arith.constant 0 : i32
        %dma_wait3A_67 = tpu.memref_slice %arg2[%dma_wait3A_65, %dma_wait3A_66] : memref<16384x512xf32, #tpu.memory_space<hbm>> -> memref<16x512xf32, #tpu.memory_space<hbm>>
        %dma_wait3A_68 = arith.constant 0 : i32
        %dma_wait3A_69 = arith.constant 0 : i32
        %dma_wait3A_70 = tpu.memref_slice %arg2[%dma_wait3A_68, %dma_wait3A_69] : memref<16384x512xf32, #tpu.memory_space<hbm>> -> memref<16x512xf32, #tpu.memory_space<hbm>>
        tpu.wait_dma2 semaphore(%arg22 : memref<!tpu.dma_semaphore, #tpu.memory_space<semaphore_mem>>) src(%dma_wait3A_70 : memref<16x512xf32, #tpu.memory_space<hbm>>) dst(%arg18 : memref<16x512xf32, #tpu.memory_space<vmem>>)
        %dma_wait3A_71 = arith.constant 0 : i32
        %dma_wait3A_72 = tpu.memref_slice %arg6[%dma_wait3A_71] : memref<1572864xf32, #tpu.memory_space<hbm>> -> memref<768xf32, #tpu.memory_space<hbm>>
        %dma_wait3A_73 = arith.constant 0 : i32
        %dma_wait3A_74 = tpu.memref_slice %arg6[%dma_wait3A_73] : memref<1572864xf32, #tpu.memory_space<hbm>> -> memref<768xf32, #tpu.memory_space<hbm>>
        tpu.wait_dma2 semaphore(%arg22 : memref<!tpu.dma_semaphore, #tpu.memory_space<semaphore_mem>>) src(%dma_wait3A_74 : memref<768xf32, #tpu.memory_space<hbm>>) dst(%arg19 : memref<768xf32, #tpu.memory_space<vmem>>)
        %ge3A = arith.constant 2 : i32
        %ge3A_75 = arith.cmpi sge, %scan3A_39, %ge3A : i32
        %convert_element_type3A_76 = arith.extui %ge3A_75 : i1 to i32
        %cond3A_77 = arith.constant 0 : i32
        %cond3A_78 = arith.cmpi ne, %convert_element_type3A_76, %cond3A_77 : i32
        scf.if %cond3A_78 {
          %dma_wait3A_92 = arith.constant 0 : i32
          %dma_wait3A_93 = arith.constant 0 : i32
          %dma_wait3A_94 = tpu.memref_slice %arg7[%dma_wait3A_92, %dma_wait3A_93] : memref<32768x512xf32, #tpu.memory_space<hbm>> -> memref<16x512xf32, #tpu.memory_space<hbm>>
          %dma_wait3A_95 = arith.constant 0 : i32
          %dma_wait3A_96 = arith.constant 0 : i32
          %dma_wait3A_97 = tpu.memref_slice %arg7[%dma_wait3A_95, %dma_wait3A_96] : memref<32768x512xf32, #tpu.memory_space<hbm>> -> memref<16x512xf32, #tpu.memory_space<hbm>>
          tpu.wait_dma2 semaphore(%arg24 : memref<!tpu.dma_semaphore, #tpu.memory_space<semaphore_mem>>) src(%arg20 : memref<16x512xf32, #tpu.memory_space<vmem>>) dst(%dma_wait3A_97 : memref<16x512xf32, #tpu.memory_space<hbm>>)
        } else {
        }
        %scan3A_79 = arith.constant 0 : i32
        %scan3A_80 = arith.constant 0 : i32
        %scan3A_81 = arith.constant 16 : i32
        %scan3A_82 = arith.addi %scan3A_80, %scan3A_81 : i32
        %scan3A_83 = arith.constant 1 : i32
        scf.for %scan3A_92 = %scan3A_80 to %scan3A_82 step %scan3A_83  : i32 {
          %mul3A_93 = arith.constant 48 : i32
          %mul3A_94 = arith.muli %scan3A_92, %mul3A_93 : i32
          %get3A = arith.index_cast %mul3A_94 : i32 to index
          %get3A_95 = tpu.vector_load %arg19[%get3A] {strides = array<i32>} : memref<768xf32, #tpu.memory_space<vmem>>, vector<16xf32>,
          %get3A_96 = vector.shape_cast %get3A_95 : vector<16xf32> to vector<16xf32>
          %mul3A_97 = arith.constant 48 : i32
          %mul3A_98 = arith.muli %scan3A_92, %mul3A_97 : i32
          %add3A_99 = arith.constant 16 : i32
          %add3A_100 = arith.addi %mul3A_98, %add3A_99 : i32
          %get3A_101 = arith.index_cast %add3A_100 : i32 to index
          %get3A_102 = tpu.vector_load %arg19[%get3A_101] {strides = array<i32>} : memref<768xf32, #tpu.memory_space<vmem>>, vector<16xf32>,
          %get3A_103 = vector.shape_cast %get3A_102 : vector<16xf32> to vector<16xf32>
          %mul3A_104 = arith.constant 48 : i32
          %mul3A_105 = arith.muli %scan3A_92, %mul3A_104 : i32
          %add3A_106 = arith.constant 32 : i32
          %add3A_107 = arith.addi %mul3A_105, %add3A_106 : i32
          %get3A_108 = arith.index_cast %add3A_107 : i32 to index
          %get3A_109 = tpu.vector_load %arg19[%get3A_108] {strides = array<i32>} : memref<768xf32, #tpu.memory_space<vmem>>, vector<16xf32>,
          %get3A_110 = vector.shape_cast %get3A_109 : vector<16xf32> to vector<16xf32>
          %get3A_111 = arith.index_cast %scan3A_92 : i32 to index
          %get3A_112 = arith.constant 0 : index
          %get3A_113 = tpu.vector_load %arg16[%get3A_111, %get3A_112] {strides = array<i32>} : memref<16x512xf32, #tpu.memory_space<vmem>>, vector<1x16xf32>,
          %get3A_114 = vector.shape_cast %get3A_113 : vector<1x16xf32> to vector<16xf32>
          %mul3A_115 = arith.mulf %get3A_96, %get3A_114 : vector<16xf32>
          %get3A_116 = arith.index_cast %scan3A_92 : i32 to index
          %get3A_117 = arith.constant 0 : index
          %get3A_118 = tpu.vector_load %arg17[%get3A_116, %get3A_117] {strides = array<i32>} : memref<16x512xf32, #tpu.memory_space<vmem>>, vector<1x16xf32>,
          %get3A_119 = vector.shape_cast %get3A_118 : vector<1x16xf32> to vector<16xf32>
          %mul3A_120 = arith.mulf %get3A_103, %get3A_119 : vector<16xf32>
          %add3A_121 = arith.addf %mul3A_115, %mul3A_120 : vector<16xf32>
          %get3A_122 = arith.index_cast %scan3A_92 : i32 to index
          %get3A_123 = arith.constant 0 : index
          %get3A_124 = tpu.vector_load %arg18[%get3A_122, %get3A_123] {strides = array<i32>} : memref<16x512xf32, #tpu.memory_space<vmem>>, vector<1x16xf32>,
          %get3A_125 = vector.shape_cast %get3A_124 : vector<1x16xf32> to vector<16xf32>
          %mul3A_126 = arith.mulf %get3A_110, %get3A_125 : vector<16xf32>
          %add3A_127 = arith.addf %add3A_121, %mul3A_126 : vector<16xf32>
          %swap3A = arith.index_cast %scan3A_92 : i32 to index
          %swap3A_128 = arith.constant 0 : index
          %swap3A_129 = tpu.vector_load %arg20[%swap3A, %swap3A_128] {strides = array<i32>} : memref<16x512xf32, #tpu.memory_space<vmem>>, vector<1x16xf32>,
          %swap3A_130 = vector.shape_cast %swap3A_129 : vector<1x16xf32> to vector<16xf32>
          %swap3A_131 = vector.shape_cast %add3A_127 : vector<16xf32> to vector<1x16xf32>
          tpu.vector_store %arg20[%swap3A, %swap3A_128], %swap3A_131 {strides = array<i32>} : memref<16x512xf32, #tpu.memory_space<vmem>>, vector<1x16xf32>,
          %get3A_132 = arith.index_cast %scan3A_92 : i32 to index
          %get3A_133 = arith.constant 16 : index
          %get3A_134 = tpu.vector_load %arg16[%get3A_132, %get3A_133] {strides = array<i32>} : memref<16x512xf32, #tpu.memory_space<vmem>>, vector<1x16xf32>,
          %get3A_135 = vector.shape_cast %get3A_134 : vector<1x16xf32> to vector<16xf32>
          %mul3A_136 = arith.mulf %get3A_96, %get3A_135 : vector<16xf32>
          %get3A_137 = arith.index_cast %scan3A_92 : i32 to index
          %get3A_138 = arith.constant 16 : index
          %get3A_139 = tpu.vector_load %arg17[%get3A_137, %get3A_138] {strides = array<i32>} : memref<16x512xf32, #tpu.memory_space<vmem>>, vector<1x16xf32>,
          %get3A_140 = vector.shape_cast %get3A_139 : vector<1x16xf32> to vector<16xf32>
          %mul3A_141 = arith.mulf %get3A_103, %get3A_140 : vector<16xf32>
          %add3A_142 = arith.addf %mul3A_136, %mul3A_141 : vector<16xf32>
          %get3A_143 = arith.index_cast %scan3A_92 : i32 to index
          %get3A_144 = arith.constant 16 : index
          %get3A_145 = tpu.vector_load %arg18[%get3A_143, %get3A_144] {strides = array<i32>} : memref<16x512xf32, #tpu.memory_space<vmem>>, vector<1x16xf32>,
          %get3A_146 = vector.shape_cast %get3A_145 : vector<1x16xf32> to vector<16xf32>
          %mul3A_147 = arith.mulf %get3A_110, %get3A_146 : vector<16xf32>
          %add3A_148 = arith.addf %add3A_142, %mul3A_147 : vector<16xf32>
          %swap3A_149 = arith.index_cast %scan3A_92 : i32 to index
          %swap3A_150 = arith.constant 16 : index
          %swap3A_151 = tpu.vector_load %arg20[%swap3A_149, %swap3A_150] {strides = array<i32>} : memref<16x512xf32, #tpu.memory_space<vmem>>, vector<1x16xf32>,
          %swap3A_152 = vector.shape_cast %swap3A_151 : vector<1x16xf32> to vector<16xf32>
          %swap3A_153 = vector.shape_cast %add3A_148 : vector<16xf32> to vector<1x16xf32>
          tpu.vector_store %arg20[%swap3A_149, %swap3A_150], %swap3A_153 {strides = array<i32>} : memref<16x512xf32, #tpu.memory_space<vmem>>, vector<1x16xf32>,
          %get3A_154 = arith.index_cast %scan3A_92 : i32 to index
          %get3A_155 = arith.constant 32 : index
          %get3A_156 = tpu.vector_load %arg16[%get3A_154, %get3A_155] {strides = array<i32>} : memref<16x512xf32, #tpu.memory_space<vmem>>, vector<1x16xf32>,
          %get3A_157 = vector.shape_cast %get3A_156 : vector<1x16xf32> to vector<16xf32>
          %mul3A_158 = arith.mulf %get3A_96, %get3A_157 : vector<16xf32>
          %get3A_159 = arith.index_cast %scan3A_92 : i32 to index
          %get3A_160 = arith.constant 32 : index
          %get3A_161 = tpu.vector_load %arg17[%get3A_159, %get3A_160] {strides = array<i32>} : memref<16x512xf32, #tpu.memory_space<vmem>>, vector<1x16xf32>,
          %get3A_162 = vector.shape_cast %get3A_161 : vector<1x16xf32> to vector<16xf32>
          %mul3A_163 = arith.mulf %get3A_103, %get3A_162 : vector<16xf32>
          %add3A_164 = arith.addf %mul3A_158, %mul3A_163 : vector<16xf32>
          %get3A_165 = arith.index_cast %scan3A_92 : i32 to index
          %get3A_166 = arith.constant 32 : index
          %get3A_167 = tpu.vector_load %arg18[%get3A_165, %get3A_166] {strides = array<i32>} : memref<16x512xf32, #tpu.memory_space<vmem>>, vector<1x16xf32>,
          %get3A_168 = vector.shape_cast %get3A_167 : vector<1x16xf32> to vector<16xf32>
          %mul3A_169 = arith.mulf %get3A_110, %get3A_168 : vector<16xf32>
          %add3A_170 = arith.addf %add3A_164, %mul3A_169 : vector<16xf32>
          %swap3A_171 = arith.index_cast %scan3A_92 : i32 to index
          %swap3A_172 = arith.constant 32 : index
          %swap3A_173 = tpu.vector_load %arg20[%swap3A_171, %swap3A_172] {strides = array<i32>} : memref<16x512xf32, #tpu.memory_space<vmem>>, vector<1x16xf32>,
          %swap3A_174 = vector.shape_cast %swap3A_173 : vector<1x16xf32> to vector<16xf32>
          %swap3A_175 = vector.shape_cast %add3A_170 : vector<16xf32> to vector<1x16xf32>
          tpu.vector_store %arg20[%swap3A_171, %swap3A_172], %swap3A_175 {strides = array<i32>} : memref<16x512xf32, #tpu.memory_space<vmem>>, vector<1x16xf32>,
          %get3A_176 = arith.index_cast %scan3A_92 : i32 to index
          %get3A_177 = arith.constant 48 : index
          %get3A_178 = tpu.vector_load %arg16[%get3A_176, %get3A_177] {strides = array<i32>} : memref<16x512xf32, #tpu.memory_space<vmem>>, vector<1x16xf32>,
          %get3A_179 = vector.shape_cast %get3A_178 : vector<1x16xf32> to vector<16xf32>
          %mul3A_180 = arith.mulf %get3A_96, %get3A_179 : vector<16xf32>
          %get3A_181 = arith.index_cast %scan3A_92 : i32 to index
          %get3A_182 = arith.constant 48 : index
          %get3A_183 = tpu.vector_load %arg17[%get3A_181, %get3A_182] {strides = array<i32>} : memref<16x512xf32, #tpu.memory_space<vmem>>, vector<1x16xf32>,
          %get3A_184 = vector.shape_cast %get3A_183 : vector<1x16xf32> to vector<16xf32>
          %mul3A_185 = arith.mulf %get3A_103, %get3A_184 : vector<16xf32>
          %add3A_186 = arith.addf %mul3A_180, %mul3A_185 : vector<16xf32>
          %get3A_187 = arith.index_cast %scan3A_92 : i32 to index
          %get3A_188 = arith.constant 48 : index
          %get3A_189 = tpu.vector_load %arg18[%get3A_187, %get3A_188] {strides = array<i32>} : memref<16x512xf32, #tpu.memory_space<vmem>>, vector<1x16xf32>,
          %get3A_190 = vector.shape_cast %get3A_189 : vector<1x16xf32> to vector<16xf32>
          %mul3A_191 = arith.mulf %get3A_110, %get3A_190 : vector<16xf32>
          %add3A_192 = arith.addf %add3A_186, %mul3A_191 : vector<16xf32>
          %swap3A_193 = arith.index_cast %scan3A_92 : i32 to index
          %swap3A_194 = arith.constant 48 : index
          %swap3A_195 = tpu.vector_load %arg20[%swap3A_193, %swap3A_194] {strides = array<i32>} : memref<16x512xf32, #tpu.memory_space<vmem>>, vector<1x16xf32>,
          %swap3A_196 = vector.shape_cast %swap3A_195 : vector<1x16xf32> to vector<16xf32>
          %swap3A_197 = vector.shape_cast %add3A_192 : vector<16xf32> to vector<1x16xf32>
          tpu.vector_store %arg20[%swap3A_193, %swap3A_194], %swap3A_197 {strides = array<i32>} : memref<16x512xf32, #tpu.memory_space<vmem>>, vector<1x16xf32>,
          %get3A_198 = arith.index_cast %scan3A_92 : i32 to index
          %get3A_199 = arith.constant 64 : index
          %get3A_200 = tpu.vector_load %arg16[%get3A_198, %get3A_199] {strides = array<i32>} : memref<16x512xf32, #tpu.memory_space<vmem>>, vector<1x16xf32>,
          %get3A_201 = vector.shape_cast %get3A_200 : vector<1x16xf32> to vector<16xf32>
          %mul3A_202 = arith.mulf %get3A_96, %get3A_201 : vector<16xf32>
          %get3A_203 = arith.index_cast %scan3A_92 : i32 to index
          %get3A_204 = arith.constant 64 : index
          %get3A_205 = tpu.vector_load %arg17[%get3A_203, %get3A_204] {strides = array<i32>} : memref<16x512xf32, #tpu.memory_space<vmem>>, vector<1x16xf32>,
          %get3A_206 = vector.shape_cast %get3A_205 : vector<1x16xf32> to vector<16xf32>
          %mul3A_207 = arith.mulf %get3A_103, %get3A_206 : vector<16xf32>
          %add3A_208 = arith.addf %mul3A_202, %mul3A_207 : vector<16xf32>
          %get3A_209 = arith.index_cast %scan3A_92 : i32 to index
          %get3A_210 = arith.constant 64 : index
          %get3A_211 = tpu.vector_load %arg18[%get3A_209, %get3A_210] {strides = array<i32>} : memref<16x512xf32, #tpu.memory_space<vmem>>, vector<1x16xf32>,
          %get3A_212 = vector.shape_cast %get3A_211 : vector<1x16xf32> to vector<16xf32>
          %mul3A_213 = arith.mulf %get3A_110, %get3A_212 : vector<16xf32>
          %add3A_214 = arith.addf %add3A_208, %mul3A_213 : vector<16xf32>
          %swap3A_215 = arith.index_cast %scan3A_92 : i32 to index
          %swap3A_216 = arith.constant 64 : index
          %swap3A_217 = tpu.vector_load %arg20[%swap3A_215, %swap3A_216] {strides = array<i32>} : memref<16x512xf32, #tpu.memory_space<vmem>>, vector<1x16xf32>,
          %swap3A_218 = vector.shape_cast %swap3A_217 : vector<1x16xf32> to vector<16xf32>
          %swap3A_219 = vector.shape_cast %add3A_214 : vector<16xf32> to vector<1x16xf32>
          tpu.vector_store %arg20[%swap3A_215, %swap3A_216], %swap3A_219 {strides = array<i32>} : memref<16x512xf32, #tpu.memory_space<vmem>>, vector<1x16xf32>,
          %get3A_220 = arith.index_cast %scan3A_92 : i32 to index
          %get3A_221 = arith.constant 80 : index
          %get3A_222 = tpu.vector_load %arg16[%get3A_220, %get3A_221] {strides = array<i32>} : memref<16x512xf32, #tpu.memory_space<vmem>>, vector<1x16xf32>,
          %get3A_223 = vector.shape_cast %get3A_222 : vector<1x16xf32> to vector<16xf32>
          %mul3A_224 = arith.mulf %get3A_96, %get3A_223 : vector<16xf32>
          %get3A_225 = arith.index_cast %scan3A_92 : i32 to index
          %get3A_226 = arith.constant 80 : index
          %get3A_227 = tpu.vector_load %arg17[%get3A_225, %get3A_226] {strides = array<i32>} : memref<16x512xf32, #tpu.memory_space<vmem>>, vector<1x16xf32>,
          %get3A_228 = vector.shape_cast %get3A_227 : vector<1x16xf32> to vector<16xf32>
          %mul3A_229 = arith.mulf %get3A_103, %get3A_228 : vector<16xf32>
          %add3A_230 = arith.addf %mul3A_224, %mul3A_229 : vector<16xf32>
          %get3A_231 = arith.index_cast %scan3A_92 : i32 to index
          %get3A_232 = arith.constant 80 : index
          %get3A_233 = tpu.vector_load %arg18[%get3A_231, %get3A_232] {strides = array<i32>} : memref<16x512xf32, #tpu.memory_space<vmem>>, vector<1x16xf32>,
          %get3A_234 = vector.shape_cast %get3A_233 : vector<1x16xf32> to vector<16xf32>
          %mul3A_235 = arith.mulf %get3A_110, %get3A_234 : vector<16xf32>
          %add3A_236 = arith.addf %add3A_230, %mul3A_235 : vector<16xf32>
          %swap3A_237 = arith.index_cast %scan3A_92 : i32 to index
          %swap3A_238 = arith.constant 80 : index
          %swap3A_239 = tpu.vector_load %arg20[%swap3A_237, %swap3A_238] {strides = array<i32>} : memref<16x512xf32, #tpu.memory_space<vmem>>, vector<1x16xf32>,
          %swap3A_240 = vector.shape_cast %swap3A_239 : vector<1x16xf32> to vector<16xf32>
          %swap3A_241 = vector.shape_cast %add3A_236 : vector<16xf32> to vector<1x16xf32>
          tpu.vector_store %arg20[%swap3A_237, %swap3A_238], %swap3A_241 {strides = array<i32>} : memref<16x512xf32, #tpu.memory_space<vmem>>, vector<1x16xf32>,
          %get3A_242 = arith.index_cast %scan3A_92 : i32 to index
          %get3A_243 = arith.constant 96 : index
          %get3A_244 = tpu.vector_load %arg16[%get3A_242, %get3A_243] {strides = array<i32>} : memref<16x512xf32, #tpu.memory_space<vmem>>, vector<1x16xf32>,
          %get3A_245 = vector.shape_cast %get3A_244 : vector<1x16xf32> to vector<16xf32>
          %mul3A_246 = arith.mulf %get3A_96, %get3A_245 : vector<16xf32>
          %get3A_247 = arith.index_cast %scan3A_92 : i32 to index
          %get3A_248 = arith.constant 96 : index
          %get3A_249 = tpu.vector_load %arg17[%get3A_247, %get3A_248] {strides = array<i32>} : memref<16x512xf32, #tpu.memory_space<vmem>>, vector<1x16xf32>,
          %get3A_250 = vector.shape_cast %get3A_249 : vector<1x16xf32> to vector<16xf32>
          %mul3A_251 = arith.mulf %get3A_103, %get3A_250 : vector<16xf32>
          %add3A_252 = arith.addf %mul3A_246, %mul3A_251 : vector<16xf32>
          %get3A_253 = arith.index_cast %scan3A_92 : i32 to index
          %get3A_254 = arith.constant 96 : index
          %get3A_255 = tpu.vector_load %arg18[%get3A_253, %get3A_254] {strides = array<i32>} : memref<16x512xf32, #tpu.memory_space<vmem>>, vector<1x16xf32>,
          %get3A_256 = vector.shape_cast %get3A_255 : vector<1x16xf32> to vector<16xf32>
          %mul3A_257 = arith.mulf %get3A_110, %get3A_256 : vector<16xf32>
          %add3A_258 = arith.addf %add3A_252, %mul3A_257 : vector<16xf32>
          %swap3A_259 = arith.index_cast %scan3A_92 : i32 to index
          %swap3A_260 = arith.constant 96 : index
          %swap3A_261 = tpu.vector_load %arg20[%swap3A_259, %swap3A_260] {strides = array<i32>} : memref<16x512xf32, #tpu.memory_space<vmem>>, vector<1x16xf32>,
          %swap3A_262 = vector.shape_cast %swap3A_261 : vector<1x16xf32> to vector<16xf32>
          %swap3A_263 = vector.shape_cast %add3A_258 : vector<16xf32> to vector<1x16xf32>
          tpu.vector_store %arg20[%swap3A_259, %swap3A_260], %swap3A_263 {strides = array<i32>} : memref<16x512xf32, #tpu.memory_space<vmem>>, vector<1x16xf32>,
          %get3A_264 = arith.index_cast %scan3A_92 : i32 to index
          %get3A_265 = arith.constant 112 : index
          %get3A_266 = tpu.vector_load %arg16[%get3A_264, %get3A_265] {strides = array<i32>} : memref<16x512xf32, #tpu.memory_space<vmem>>, vector<1x16xf32>,
          %get3A_267 = vector.shape_cast %get3A_266 : vector<1x16xf32> to vector<16xf32>
          %mul3A_268 = arith.mulf %get3A_96, %get3A_267 : vector<16xf32>
          %get3A_269 = arith.index_cast %scan3A_92 : i32 to index
          %get3A_270 = arith.constant 112 : index
          %get3A_271 = tpu.vector_load %arg17[%get3A_269, %get3A_270] {strides = array<i32>} : memref<16x512xf32, #tpu.memory_space<vmem>>, vector<1x16xf32>,
          %get3A_272 = vector.shape_cast %get3A_271 : vector<1x16xf32> to vector<16xf32>
          %mul3A_273 = arith.mulf %get3A_103, %get3A_272 : vector<16xf32>
          %add3A_274 = arith.addf %mul3A_268, %mul3A_273 : vector<16xf32>
          %get3A_275 = arith.index_cast %scan3A_92 : i32 to index
          %get3A_276 = arith.constant 112 : index
          %get3A_277 = tpu.vector_load %arg18[%get3A_275, %get3A_276] {strides = array<i32>} : memref<16x512xf32, #tpu.memory_space<vmem>>, vector<1x16xf32>,
          %get3A_278 = vector.shape_cast %get3A_277 : vector<1x16xf32> to vector<16xf32>
          %mul3A_279 = arith.mulf %get3A_110, %get3A_278 : vector<16xf32>
          %add3A_280 = arith.addf %add3A_274, %mul3A_279 : vector<16xf32>
          %swap3A_281 = arith.index_cast %scan3A_92 : i32 to index
          %swap3A_282 = arith.constant 112 : index
          %swap3A_283 = tpu.vector_load %arg20[%swap3A_281, %swap3A_282] {strides = array<i32>} : memref<16x512xf32, #tpu.memory_space<vmem>>, vector<1x16xf32>,
          %swap3A_284 = vector.shape_cast %swap3A_283 : vector<1x16xf32> to vector<16xf32>
          %swap3A_285 = vector.shape_cast %add3A_280 : vector<16xf32> to vector<1x16xf32>
          tpu.vector_store %arg20[%swap3A_281, %swap3A_282], %swap3A_285 {strides = array<i32>} : memref<16x512xf32, #tpu.memory_space<vmem>>, vector<1x16xf32>,
          %get3A_286 = arith.index_cast %scan3A_92 : i32 to index
          %get3A_287 = arith.constant 128 : index
          %get3A_288 = tpu.vector_load %arg16[%get3A_286, %get3A_287] {strides = array<i32>} : memref<16x512xf32, #tpu.memory_space<vmem>>, vector<1x16xf32>,
          %get3A_289 = vector.shape_cast %get3A_288 : vector<1x16xf32> to vector<16xf32>
          %mul3A_290 = arith.mulf %get3A_96, %get3A_289 : vector<16xf32>
          %get3A_291 = arith.index_cast %scan3A_92 : i32 to index
          %get3A_292 = arith.constant 128 : index
          %get3A_293 = tpu.vector_load %arg17[%get3A_291, %get3A_292] {strides = array<i32>} : memref<16x512xf32, #tpu.memory_space<vmem>>, vector<1x16xf32>,
          %get3A_294 = vector.shape_cast %get3A_293 : vector<1x16xf32> to vector<16xf32>
          %mul3A_295 = arith.mulf %get3A_103, %get3A_294 : vector<16xf32>
          %add3A_296 = arith.addf %mul3A_290, %mul3A_295 : vector<16xf32>
          %get3A_297 = arith.index_cast %scan3A_92 : i32 to index
          %get3A_298 = arith.constant 128 : index
          %get3A_299 = tpu.vector_load %arg18[%get3A_297, %get3A_298] {strides = array<i32>} : memref<16x512xf32, #tpu.memory_space<vmem>>, vector<1x16xf32>,
          %get3A_300 = vector.shape_cast %get3A_299 : vector<1x16xf32> to vector<16xf32>
          %mul3A_301 = arith.mulf %get3A_110, %get3A_300 : vector<16xf32>
          %add3A_302 = arith.addf %add3A_296, %mul3A_301 : vector<16xf32>
          %swap3A_303 = arith.index_cast %scan3A_92 : i32 to index
          %swap3A_304 = arith.constant 128 : index
          %swap3A_305 = tpu.vector_load %arg20[%swap3A_303, %swap3A_304] {strides = array<i32>} : memref<16x512xf32, #tpu.memory_space<vmem>>, vector<1x16xf32>,
          %swap3A_306 = vector.shape_cast %swap3A_305 : vector<1x16xf32> to vector<16xf32>
          %swap3A_307 = vector.shape_cast %add3A_302 : vector<16xf32> to vector<1x16xf32>
          tpu.vector_store %arg20[%swap3A_303, %swap3A_304], %swap3A_307 {strides = array<i32>} : memref<16x512xf32, #tpu.memory_space<vmem>>, vector<1x16xf32>,
          %get3A_308 = arith.index_cast %scan3A_92 : i32 to index
          %get3A_309 = arith.constant 144 : index
          %get3A_310 = tpu.vector_load %arg16[%get3A_308, %get3A_309] {strides = array<i32>} : memref<16x512xf32, #tpu.memory_space<vmem>>, vector<1x16xf32>,
          %get3A_311 = vector.shape_cast %get3A_310 : vector<1x16xf32> to vector<16xf32>
          %mul3A_312 = arith.mulf %get3A_96, %get3A_311 : vector<16xf32>
          %get3A_313 = arith.index_cast %scan3A_92 : i32 to index
          %get3A_314 = arith.constant 144 : index
          %get3A_315 = tpu.vector_load %arg17[%get3A_313, %get3A_314] {strides = array<i32>} : memref<16x512xf32, #tpu.memory_space<vmem>>, vector<1x16xf32>,
          %get3A_316 = vector.shape_cast %get3A_315 : vector<1x16xf32> to vector<16xf32>
          %mul3A_317 = arith.mulf %get3A_103, %get3A_316 : vector<16xf32>
          %add3A_318 = arith.addf %mul3A_312, %mul3A_317 : vector<16xf32>
          %get3A_319 = arith.index_cast %scan3A_92 : i32 to index
          %get3A_320 = arith.constant 144 : index
          %get3A_321 = tpu.vector_load %arg18[%get3A_319, %get3A_320] {strides = array<i32>} : memref<16x512xf32, #tpu.memory_space<vmem>>, vector<1x16xf32>,
          %get3A_322 = vector.shape_cast %get3A_321 : vector<1x16xf32> to vector<16xf32>
          %mul3A_323 = arith.mulf %get3A_110, %get3A_322 : vector<16xf32>
          %add3A_324 = arith.addf %add3A_318, %mul3A_323 : vector<16xf32>
          %swap3A_325 = arith.index_cast %scan3A_92 : i32 to index
          %swap3A_326 = arith.constant 144 : index
          %swap3A_327 = tpu.vector_load %arg20[%swap3A_325, %swap3A_326] {strides = array<i32>} : memref<16x512xf32, #tpu.memory_space<vmem>>, vector<1x16xf32>,
          %swap3A_328 = vector.shape_cast %swap3A_327 : vector<1x16xf32> to vector<16xf32>
          %swap3A_329 = vector.shape_cast %add3A_324 : vector<16xf32> to vector<1x16xf32>
          tpu.vector_store %arg20[%swap3A_325, %swap3A_326], %swap3A_329 {strides = array<i32>} : memref<16x512xf32, #tpu.memory_space<vmem>>, vector<1x16xf32>,
          %get3A_330 = arith.index_cast %scan3A_92 : i32 to index
          %get3A_331 = arith.constant 160 : index
          %get3A_332 = tpu.vector_load %arg16[%get3A_330, %get3A_331] {strides = array<i32>} : memref<16x512xf32, #tpu.memory_space<vmem>>, vector<1x16xf32>,
          %get3A_333 = vector.shape_cast %get3A_332 : vector<1x16xf32> to vector<16xf32>
          %mul3A_334 = arith.mulf %get3A_96, %get3A_333 : vector<16xf32>
          %get3A_335 = arith.index_cast %scan3A_92 : i32 to index
          %get3A_336 = arith.constant 160 : index
          %get3A_337 = tpu.vector_load %arg17[%get3A_335, %get3A_336] {strides = array<i32>} : memref<16x512xf32, #tpu.memory_space<vmem>>, vector<1x16xf32>,
          %get3A_338 = vector.shape_cast %get3A_337 : vector<1x16xf32> to vector<16xf32>
          %mul3A_339 = arith.mulf %get3A_103, %get3A_338 : vector<16xf32>
          %add3A_340 = arith.addf %mul3A_334, %mul3A_339 : vector<16xf32>
          %get3A_341 = arith.index_cast %scan3A_92 : i32 to index
          %get3A_342 = arith.constant 160 : index
          %get3A_343 = tpu.vector_load %arg18[%get3A_341, %get3A_342] {strides = array<i32>} : memref<16x512xf32, #tpu.memory_space<vmem>>, vector<1x16xf32>,
          %get3A_344 = vector.shape_cast %get3A_343 : vector<1x16xf32> to vector<16xf32>
          %mul3A_345 = arith.mulf %get3A_110, %get3A_344 : vector<16xf32>
          %add3A_346 = arith.addf %add3A_340, %mul3A_345 : vector<16xf32>
          %swap3A_347 = arith.index_cast %scan3A_92 : i32 to index
          %swap3A_348 = arith.constant 160 : index
          %swap3A_349 = tpu.vector_load %arg20[%swap3A_347, %swap3A_348] {strides = array<i32>} : memref<16x512xf32, #tpu.memory_space<vmem>>, vector<1x16xf32>,
          %swap3A_350 = vector.shape_cast %swap3A_349 : vector<1x16xf32> to vector<16xf32>
          %swap3A_351 = vector.shape_cast %add3A_346 : vector<16xf32> to vector<1x16xf32>
          tpu.vector_store %arg20[%swap3A_347, %swap3A_348], %swap3A_351 {strides = array<i32>} : memref<16x512xf32, #tpu.memory_space<vmem>>, vector<1x16xf32>,
          %get3A_352 = arith.index_cast %scan3A_92 : i32 to index
          %get3A_353 = arith.constant 176 : index
          %get3A_354 = tpu.vector_load %arg16[%get3A_352, %get3A_353] {strides = array<i32>} : memref<16x512xf32, #tpu.memory_space<vmem>>, vector<1x16xf32>,
          %get3A_355 = vector.shape_cast %get3A_354 : vector<1x16xf32> to vector<16xf32>
          %mul3A_356 = arith.mulf %get3A_96, %get3A_355 : vector<16xf32>
          %get3A_357 = arith.index_cast %scan3A_92 : i32 to index
          %get3A_358 = arith.constant 176 : index
          %get3A_359 = tpu.vector_load %arg17[%get3A_357, %get3A_358] {strides = array<i32>} : memref<16x512xf32, #tpu.memory_space<vmem>>, vector<1x16xf32>,
          %get3A_360 = vector.shape_cast %get3A_359 : vector<1x16xf32> to vector<16xf32>
          %mul3A_361 = arith.mulf %get3A_103, %get3A_360 : vector<16xf32>
          %add3A_362 = arith.addf %mul3A_356, %mul3A_361 : vector<16xf32>
          %get3A_363 = arith.index_cast %scan3A_92 : i32 to index
          %get3A_364 = arith.constant 176 : index
          %get3A_365 = tpu.vector_load %arg18[%get3A_363, %get3A_364] {strides = array<i32>} : memref<16x512xf32, #tpu.memory_space<vmem>>, vector<1x16xf32>,
          %get3A_366 = vector.shape_cast %get3A_365 : vector<1x16xf32> to vector<16xf32>
          %mul3A_367 = arith.mulf %get3A_110, %get3A_366 : vector<16xf32>
          %add3A_368 = arith.addf %add3A_362, %mul3A_367 : vector<16xf32>
          %swap3A_369 = arith.index_cast %scan3A_92 : i32 to index
          %swap3A_370 = arith.constant 176 : index
          %swap3A_371 = tpu.vector_load %arg20[%swap3A_369, %swap3A_370] {strides = array<i32>} : memref<16x512xf32, #tpu.memory_space<vmem>>, vector<1x16xf32>,
          %swap3A_372 = vector.shape_cast %swap3A_371 : vector<1x16xf32> to vector<16xf32>
          %swap3A_373 = vector.shape_cast %add3A_368 : vector<16xf32> to vector<1x16xf32>
          tpu.vector_store %arg20[%swap3A_369, %swap3A_370], %swap3A_373 {strides = array<i32>} : memref<16x512xf32, #tpu.memory_space<vmem>>, vector<1x16xf32>,
          %get3A_374 = arith.index_cast %scan3A_92 : i32 to index
          %get3A_375 = arith.constant 192 : index
          %get3A_376 = tpu.vector_load %arg16[%get3A_374, %get3A_375] {strides = array<i32>} : memref<16x512xf32, #tpu.memory_space<vmem>>, vector<1x16xf32>,
          %get3A_377 = vector.shape_cast %get3A_376 : vector<1x16xf32> to vector<16xf32>
          %mul3A_378 = arith.mulf %get3A_96, %get3A_377 : vector<16xf32>
          %get3A_379 = arith.index_cast %scan3A_92 : i32 to index
          %get3A_380 = arith.constant 192 : index
          %get3A_381 = tpu.vector_load %arg17[%get3A_379, %get3A_380] {strides = array<i32>} : memref<16x512xf32, #tpu.memory_space<vmem>>, vector<1x16xf32>,
          %get3A_382 = vector.shape_cast %get3A_381 : vector<1x16xf32> to vector<16xf32>
          %mul3A_383 = arith.mulf %get3A_103, %get3A_382 : vector<16xf32>
          %add3A_384 = arith.addf %mul3A_378, %mul3A_383 : vector<16xf32>
          %get3A_385 = arith.index_cast %scan3A_92 : i32 to index
          %get3A_386 = arith.constant 192 : index
          %get3A_387 = tpu.vector_load %arg18[%get3A_385, %get3A_386] {strides = array<i32>} : memref<16x512xf32, #tpu.memory_space<vmem>>, vector<1x16xf32>,
          %get3A_388 = vector.shape_cast %get3A_387 : vector<1x16xf32> to vector<16xf32>
          %mul3A_389 = arith.mulf %get3A_110, %get3A_388 : vector<16xf32>
          %add3A_390 = arith.addf %add3A_384, %mul3A_389 : vector<16xf32>
          %swap3A_391 = arith.index_cast %scan3A_92 : i32 to index
          %swap3A_392 = arith.constant 192 : index
          %swap3A_393 = tpu.vector_load %arg20[%swap3A_391, %swap3A_392] {strides = array<i32>} : memref<16x512xf32, #tpu.memory_space<vmem>>, vector<1x16xf32>,
          %swap3A_394 = vector.shape_cast %swap3A_393 : vector<1x16xf32> to vector<16xf32>
          %swap3A_395 = vector.shape_cast %add3A_390 : vector<16xf32> to vector<1x16xf32>
          tpu.vector_store %arg20[%swap3A_391, %swap3A_392], %swap3A_395 {strides = array<i32>} : memref<16x512xf32, #tpu.memory_space<vmem>>, vector<1x16xf32>,
          %get3A_396 = arith.index_cast %scan3A_92 : i32 to index
          %get3A_397 = arith.constant 208 : index
          %get3A_398 = tpu.vector_load %arg16[%get3A_396, %get3A_397] {strides = array<i32>} : memref<16x512xf32, #tpu.memory_space<vmem>>, vector<1x16xf32>,
          %get3A_399 = vector.shape_cast %get3A_398 : vector<1x16xf32> to vector<16xf32>
          %mul3A_400 = arith.mulf %get3A_96, %get3A_399 : vector<16xf32>
          %get3A_401 = arith.index_cast %scan3A_92 : i32 to index
          %get3A_402 = arith.constant 208 : index
          %get3A_403 = tpu.vector_load %arg17[%get3A_401, %get3A_402] {strides = array<i32>} : memref<16x512xf32, #tpu.memory_space<vmem>>, vector<1x16xf32>,
          %get3A_404 = vector.shape_cast %get3A_403 : vector<1x16xf32> to vector<16xf32>
          %mul3A_405 = arith.mulf %get3A_103, %get3A_404 : vector<16xf32>
          %add3A_406 = arith.addf %mul3A_400, %mul3A_405 : vector<16xf32>
          %get3A_407 = arith.index_cast %scan3A_92 : i32 to index
          %get3A_408 = arith.constant 208 : index
          %get3A_409 = tpu.vector_load %arg18[%get3A_407, %get3A_408] {strides = array<i32>} : memref<16x512xf32, #tpu.memory_space<vmem>>, vector<1x16xf32>,
          %get3A_410 = vector.shape_cast %get3A_409 : vector<1x16xf32> to vector<16xf32>
          %mul3A_411 = arith.mulf %get3A_110, %get3A_410 : vector<16xf32>
          %add3A_412 = arith.addf %add3A_406, %mul3A_411 : vector<16xf32>
          %swap3A_413 = arith.index_cast %scan3A_92 : i32 to index
          %swap3A_414 = arith.constant 208 : index
          %swap3A_415 = tpu.vector_load %arg20[%swap3A_413, %swap3A_414] {strides = array<i32>} : memref<16x512xf32, #tpu.memory_space<vmem>>, vector<1x16xf32>,
          %swap3A_416 = vector.shape_cast %swap3A_415 : vector<1x16xf32> to vector<16xf32>
          %swap3A_417 = vector.shape_cast %add3A_412 : vector<16xf32> to vector<1x16xf32>
          tpu.vector_store %arg20[%swap3A_413, %swap3A_414], %swap3A_417 {strides = array<i32>} : memref<16x512xf32, #tpu.memory_space<vmem>>, vector<1x16xf32>,
          %get3A_418 = arith.index_cast %scan3A_92 : i32 to index
          %get3A_419 = arith.constant 224 : index
          %get3A_420 = tpu.vector_load %arg16[%get3A_418, %get3A_419] {strides = array<i32>} : memref<16x512xf32, #tpu.memory_space<vmem>>, vector<1x16xf32>,
          %get3A_421 = vector.shape_cast %get3A_420 : vector<1x16xf32> to vector<16xf32>
          %mul3A_422 = arith.mulf %get3A_96, %get3A_421 : vector<16xf32>
          %get3A_423 = arith.index_cast %scan3A_92 : i32 to index
          %get3A_424 = arith.constant 224 : index
          %get3A_425 = tpu.vector_load %arg17[%get3A_423, %get3A_424] {strides = array<i32>} : memref<16x512xf32, #tpu.memory_space<vmem>>, vector<1x16xf32>,
          %get3A_426 = vector.shape_cast %get3A_425 : vector<1x16xf32> to vector<16xf32>
          %mul3A_427 = arith.mulf %get3A_103, %get3A_426 : vector<16xf32>
          %add3A_428 = arith.addf %mul3A_422, %mul3A_427 : vector<16xf32>
          %get3A_429 = arith.index_cast %scan3A_92 : i32 to index
          %get3A_430 = arith.constant 224 : index
          %get3A_431 = tpu.vector_load %arg18[%get3A_429, %get3A_430] {strides = array<i32>} : memref<16x512xf32, #tpu.memory_space<vmem>>, vector<1x16xf32>,
          %get3A_432 = vector.shape_cast %get3A_431 : vector<1x16xf32> to vector<16xf32>
          %mul3A_433 = arith.mulf %get3A_110, %get3A_432 : vector<16xf32>
          %add3A_434 = arith.addf %add3A_428, %mul3A_433 : vector<16xf32>
          %swap3A_435 = arith.index_cast %scan3A_92 : i32 to index
          %swap3A_436 = arith.constant 224 : index
          %swap3A_437 = tpu.vector_load %arg20[%swap3A_435, %swap3A_436] {strides = array<i32>} : memref<16x512xf32, #tpu.memory_space<vmem>>, vector<1x16xf32>,
          %swap3A_438 = vector.shape_cast %swap3A_437 : vector<1x16xf32> to vector<16xf32>
          %swap3A_439 = vector.shape_cast %add3A_434 : vector<16xf32> to vector<1x16xf32>
          tpu.vector_store %arg20[%swap3A_435, %swap3A_436], %swap3A_439 {strides = array<i32>} : memref<16x512xf32, #tpu.memory_space<vmem>>, vector<1x16xf32>,
          %get3A_440 = arith.index_cast %scan3A_92 : i32 to index
          %get3A_441 = arith.constant 240 : index
          %get3A_442 = tpu.vector_load %arg16[%get3A_440, %get3A_441] {strides = array<i32>} : memref<16x512xf32, #tpu.memory_space<vmem>>, vector<1x16xf32>,
          %get3A_443 = vector.shape_cast %get3A_442 : vector<1x16xf32> to vector<16xf32>
          %mul3A_444 = arith.mulf %get3A_96, %get3A_443 : vector<16xf32>
          %get3A_445 = arith.index_cast %scan3A_92 : i32 to index
          %get3A_446 = arith.constant 240 : index
          %get3A_447 = tpu.vector_load %arg17[%get3A_445, %get3A_446] {strides = array<i32>} : memref<16x512xf32, #tpu.memory_space<vmem>>, vector<1x16xf32>,
          %get3A_448 = vector.shape_cast %get3A_447 : vector<1x16xf32> to vector<16xf32>
          %mul3A_449 = arith.mulf %get3A_103, %get3A_448 : vector<16xf32>
          %add3A_450 = arith.addf %mul3A_444, %mul3A_449 : vector<16xf32>
          %get3A_451 = arith.index_cast %scan3A_92 : i32 to index
          %get3A_452 = arith.constant 240 : index
          %get3A_453 = tpu.vector_load %arg18[%get3A_451, %get3A_452] {strides = array<i32>} : memref<16x512xf32, #tpu.memory_space<vmem>>, vector<1x16xf32>,
          %get3A_454 = vector.shape_cast %get3A_453 : vector<1x16xf32> to vector<16xf32>
          %mul3A_455 = arith.mulf %get3A_110, %get3A_454 : vector<16xf32>
          %add3A_456 = arith.addf %add3A_450, %mul3A_455 : vector<16xf32>
          %swap3A_457 = arith.index_cast %scan3A_92 : i32 to index
          %swap3A_458 = arith.constant 240 : index
          %swap3A_459 = tpu.vector_load %arg20[%swap3A_457, %swap3A_458] {strides = array<i32>} : memref<16x512xf32, #tpu.memory_space<vmem>>, vector<1x16xf32>,
          %swap3A_460 = vector.shape_cast %swap3A_459 : vector<1x16xf32> to vector<16xf32>
          %swap3A_461 = vector.shape_cast %add3A_456 : vector<16xf32> to vector<1x16xf32>
          tpu.vector_store %arg20[%swap3A_457, %swap3A_458], %swap3A_461 {strides = array<i32>} : memref<16x512xf32, #tpu.memory_space<vmem>>, vector<1x16xf32>,
          %get3A_462 = arith.index_cast %scan3A_92 : i32 to index
          %get3A_463 = arith.constant 256 : index
          %get3A_464 = tpu.vector_load %arg16[%get3A_462, %get3A_463] {strides = array<i32>} : memref<16x512xf32, #tpu.memory_space<vmem>>, vector<1x16xf32>,
          %get3A_465 = vector.shape_cast %get3A_464 : vector<1x16xf32> to vector<16xf32>
          %mul3A_466 = arith.mulf %get3A_96, %get3A_465 : vector<16xf32>
          %get3A_467 = arith.index_cast %scan3A_92 : i32 to index
          %get3A_468 = arith.constant 256 : index
          %get3A_469 = tpu.vector_load %arg17[%get3A_467, %get3A_468] {strides = array<i32>} : memref<16x512xf32, #tpu.memory_space<vmem>>, vector<1x16xf32>,
          %get3A_470 = vector.shape_cast %get3A_469 : vector<1x16xf32> to vector<16xf32>
          %mul3A_471 = arith.mulf %get3A_103, %get3A_470 : vector<16xf32>
          %add3A_472 = arith.addf %mul3A_466, %mul3A_471 : vector<16xf32>
          %get3A_473 = arith.index_cast %scan3A_92 : i32 to index
          %get3A_474 = arith.constant 256 : index
          %get3A_475 = tpu.vector_load %arg18[%get3A_473, %get3A_474] {strides = array<i32>} : memref<16x512xf32, #tpu.memory_space<vmem>>, vector<1x16xf32>,
          %get3A_476 = vector.shape_cast %get3A_475 : vector<1x16xf32> to vector<16xf32>
          %mul3A_477 = arith.mulf %get3A_110, %get3A_476 : vector<16xf32>
          %add3A_478 = arith.addf %add3A_472, %mul3A_477 : vector<16xf32>
          %swap3A_479 = arith.index_cast %scan3A_92 : i32 to index
          %swap3A_480 = arith.constant 256 : index
          %swap3A_481 = tpu.vector_load %arg20[%swap3A_479, %swap3A_480] {strides = array<i32>} : memref<16x512xf32, #tpu.memory_space<vmem>>, vector<1x16xf32>,
          %swap3A_482 = vector.shape_cast %swap3A_481 : vector<1x16xf32> to vector<16xf32>
          %swap3A_483 = vector.shape_cast %add3A_478 : vector<16xf32> to vector<1x16xf32>
          tpu.vector_store %arg20[%swap3A_479, %swap3A_480], %swap3A_483 {strides = array<i32>} : memref<16x512xf32, #tpu.memory_space<vmem>>, vector<1x16xf32>,
          %get3A_484 = arith.index_cast %scan3A_92 : i32 to index
          %get3A_485 = arith.constant 272 : index
          %get3A_486 = tpu.vector_load %arg16[%get3A_484, %get3A_485] {strides = array<i32>} : memref<16x512xf32, #tpu.memory_space<vmem>>, vector<1x16xf32>,
          %get3A_487 = vector.shape_cast %get3A_486 : vector<1x16xf32> to vector<16xf32>
          %mul3A_488 = arith.mulf %get3A_96, %get3A_487 : vector<16xf32>
          %get3A_489 = arith.index_cast %scan3A_92 : i32 to index
          %get3A_490 = arith.constant 272 : index
          %get3A_491 = tpu.vector_load %arg17[%get3A_489, %get3A_490] {strides = array<i32>} : memref<16x512xf32, #tpu.memory_space<vmem>>, vector<1x16xf32>,
          %get3A_492 = vector.shape_cast %get3A_491 : vector<1x16xf32> to vector<16xf32>
          %mul3A_493 = arith.mulf %get3A_103, %get3A_492 : vector<16xf32>
          %add3A_494 = arith.addf %mul3A_488, %mul3A_493 : vector<16xf32>
          %get3A_495 = arith.index_cast %scan3A_92 : i32 to index
          %get3A_496 = arith.constant 272 : index
          %get3A_497 = tpu.vector_load %arg18[%get3A_495, %get3A_496] {strides = array<i32>} : memref<16x512xf32, #tpu.memory_space<vmem>>, vector<1x16xf32>,
          %get3A_498 = vector.shape_cast %get3A_497 : vector<1x16xf32> to vector<16xf32>
          %mul3A_499 = arith.mulf %get3A_110, %get3A_498 : vector<16xf32>
          %add3A_500 = arith.addf %add3A_494, %mul3A_499 : vector<16xf32>
          %swap3A_501 = arith.index_cast %scan3A_92 : i32 to index
          %swap3A_502 = arith.constant 272 : index
          %swap3A_503 = tpu.vector_load %arg20[%swap3A_501, %swap3A_502] {strides = array<i32>} : memref<16x512xf32, #tpu.memory_space<vmem>>, vector<1x16xf32>,
          %swap3A_504 = vector.shape_cast %swap3A_503 : vector<1x16xf32> to vector<16xf32>
          %swap3A_505 = vector.shape_cast %add3A_500 : vector<16xf32> to vector<1x16xf32>
          tpu.vector_store %arg20[%swap3A_501, %swap3A_502], %swap3A_505 {strides = array<i32>} : memref<16x512xf32, #tpu.memory_space<vmem>>, vector<1x16xf32>,
          %get3A_506 = arith.index_cast %scan3A_92 : i32 to index
          %get3A_507 = arith.constant 288 : index
          %get3A_508 = tpu.vector_load %arg16[%get3A_506, %get3A_507] {strides = array<i32>} : memref<16x512xf32, #tpu.memory_space<vmem>>, vector<1x16xf32>,
          %get3A_509 = vector.shape_cast %get3A_508 : vector<1x16xf32> to vector<16xf32>
          %mul3A_510 = arith.mulf %get3A_96, %get3A_509 : vector<16xf32>
          %get3A_511 = arith.index_cast %scan3A_92 : i32 to index
          %get3A_512 = arith.constant 288 : index
          %get3A_513 = tpu.vector_load %arg17[%get3A_511, %get3A_512] {strides = array<i32>} : memref<16x512xf32, #tpu.memory_space<vmem>>, vector<1x16xf32>,
          %get3A_514 = vector.shape_cast %get3A_513 : vector<1x16xf32> to vector<16xf32>
          %mul3A_515 = arith.mulf %get3A_103, %get3A_514 : vector<16xf32>
          %add3A_516 = arith.addf %mul3A_510, %mul3A_515 : vector<16xf32>
          %get3A_517 = arith.index_cast %scan3A_92 : i32 to index
          %get3A_518 = arith.constant 288 : index
          %get3A_519 = tpu.vector_load %arg18[%get3A_517, %get3A_518] {strides = array<i32>} : memref<16x512xf32, #tpu.memory_space<vmem>>, vector<1x16xf32>,
          %get3A_520 = vector.shape_cast %get3A_519 : vector<1x16xf32> to vector<16xf32>
          %mul3A_521 = arith.mulf %get3A_110, %get3A_520 : vector<16xf32>
          %add3A_522 = arith.addf %add3A_516, %mul3A_521 : vector<16xf32>
          %swap3A_523 = arith.index_cast %scan3A_92 : i32 to index
          %swap3A_524 = arith.constant 288 : index
          %swap3A_525 = tpu.vector_load %arg20[%swap3A_523, %swap3A_524] {strides = array<i32>} : memref<16x512xf32, #tpu.memory_space<vmem>>, vector<1x16xf32>,
          %swap3A_526 = vector.shape_cast %swap3A_525 : vector<1x16xf32> to vector<16xf32>
          %swap3A_527 = vector.shape_cast %add3A_522 : vector<16xf32> to vector<1x16xf32>
          tpu.vector_store %arg20[%swap3A_523, %swap3A_524], %swap3A_527 {strides = array<i32>} : memref<16x512xf32, #tpu.memory_space<vmem>>, vector<1x16xf32>,
          %get3A_528 = arith.index_cast %scan3A_92 : i32 to index
          %get3A_529 = arith.constant 304 : index
          %get3A_530 = tpu.vector_load %arg16[%get3A_528, %get3A_529] {strides = array<i32>} : memref<16x512xf32, #tpu.memory_space<vmem>>, vector<1x16xf32>,
          %get3A_531 = vector.shape_cast %get3A_530 : vector<1x16xf32> to vector<16xf32>
          %mul3A_532 = arith.mulf %get3A_96, %get3A_531 : vector<16xf32>
          %get3A_533 = arith.index_cast %scan3A_92 : i32 to index
          %get3A_534 = arith.constant 304 : index
          %get3A_535 = tpu.vector_load %arg17[%get3A_533, %get3A_534] {strides = array<i32>} : memref<16x512xf32, #tpu.memory_space<vmem>>, vector<1x16xf32>,
          %get3A_536 = vector.shape_cast %get3A_535 : vector<1x16xf32> to vector<16xf32>
          %mul3A_537 = arith.mulf %get3A_103, %get3A_536 : vector<16xf32>
          %add3A_538 = arith.addf %mul3A_532, %mul3A_537 : vector<16xf32>
          %get3A_539 = arith.index_cast %scan3A_92 : i32 to index
          %get3A_540 = arith.constant 304 : index
          %get3A_541 = tpu.vector_load %arg18[%get3A_539, %get3A_540] {strides = array<i32>} : memref<16x512xf32, #tpu.memory_space<vmem>>, vector<1x16xf32>,
          %get3A_542 = vector.shape_cast %get3A_541 : vector<1x16xf32> to vector<16xf32>
          %mul3A_543 = arith.mulf %get3A_110, %get3A_542 : vector<16xf32>
          %add3A_544 = arith.addf %add3A_538, %mul3A_543 : vector<16xf32>
          %swap3A_545 = arith.index_cast %scan3A_92 : i32 to index
          %swap3A_546 = arith.constant 304 : index
          %swap3A_547 = tpu.vector_load %arg20[%swap3A_545, %swap3A_546] {strides = array<i32>} : memref<16x512xf32, #tpu.memory_space<vmem>>, vector<1x16xf32>,
          %swap3A_548 = vector.shape_cast %swap3A_547 : vector<1x16xf32> to vector<16xf32>
          %swap3A_549 = vector.shape_cast %add3A_544 : vector<16xf32> to vector<1x16xf32>
          tpu.vector_store %arg20[%swap3A_545, %swap3A_546], %swap3A_549 {strides = array<i32>} : memref<16x512xf32, #tpu.memory_space<vmem>>, vector<1x16xf32>,
          %get3A_550 = arith.index_cast %scan3A_92 : i32 to index
          %get3A_551 = arith.constant 320 : index
          %get3A_552 = tpu.vector_load %arg16[%get3A_550, %get3A_551] {strides = array<i32>} : memref<16x512xf32, #tpu.memory_space<vmem>>, vector<1x16xf32>,
          %get3A_553 = vector.shape_cast %get3A_552 : vector<1x16xf32> to vector<16xf32>
          %mul3A_554 = arith.mulf %get3A_96, %get3A_553 : vector<16xf32>
          %get3A_555 = arith.index_cast %scan3A_92 : i32 to index
          %get3A_556 = arith.constant 320 : index
          %get3A_557 = tpu.vector_load %arg17[%get3A_555, %get3A_556] {strides = array<i32>} : memref<16x512xf32, #tpu.memory_space<vmem>>, vector<1x16xf32>,
          %get3A_558 = vector.shape_cast %get3A_557 : vector<1x16xf32> to vector<16xf32>
          %mul3A_559 = arith.mulf %get3A_103, %get3A_558 : vector<16xf32>
          %add3A_560 = arith.addf %mul3A_554, %mul3A_559 : vector<16xf32>
          %get3A_561 = arith.index_cast %scan3A_92 : i32 to index
          %get3A_562 = arith.constant 320 : index
          %get3A_563 = tpu.vector_load %arg18[%get3A_561, %get3A_562] {strides = array<i32>} : memref<16x512xf32, #tpu.memory_space<vmem>>, vector<1x16xf32>,
          %get3A_564 = vector.shape_cast %get3A_563 : vector<1x16xf32> to vector<16xf32>
          %mul3A_565 = arith.mulf %get3A_110, %get3A_564 : vector<16xf32>
          %add3A_566 = arith.addf %add3A_560, %mul3A_565 : vector<16xf32>
          %swap3A_567 = arith.index_cast %scan3A_92 : i32 to index
          %swap3A_568 = arith.constant 320 : index
          %swap3A_569 = tpu.vector_load %arg20[%swap3A_567, %swap3A_568] {strides = array<i32>} : memref<16x512xf32, #tpu.memory_space<vmem>>, vector<1x16xf32>,
          %swap3A_570 = vector.shape_cast %swap3A_569 : vector<1x16xf32> to vector<16xf32>
          %swap3A_571 = vector.shape_cast %add3A_566 : vector<16xf32> to vector<1x16xf32>
          tpu.vector_store %arg20[%swap3A_567, %swap3A_568], %swap3A_571 {strides = array<i32>} : memref<16x512xf32, #tpu.memory_space<vmem>>, vector<1x16xf32>,
          %get3A_572 = arith.index_cast %scan3A_92 : i32 to index
          %get3A_573 = arith.constant 336 : index
          %get3A_574 = tpu.vector_load %arg16[%get3A_572, %get3A_573] {strides = array<i32>} : memref<16x512xf32, #tpu.memory_space<vmem>>, vector<1x16xf32>,
          %get3A_575 = vector.shape_cast %get3A_574 : vector<1x16xf32> to vector<16xf32>
          %mul3A_576 = arith.mulf %get3A_96, %get3A_575 : vector<16xf32>
          %get3A_577 = arith.index_cast %scan3A_92 : i32 to index
          %get3A_578 = arith.constant 336 : index
          %get3A_579 = tpu.vector_load %arg17[%get3A_577, %get3A_578] {strides = array<i32>} : memref<16x512xf32, #tpu.memory_space<vmem>>, vector<1x16xf32>,
          %get3A_580 = vector.shape_cast %get3A_579 : vector<1x16xf32> to vector<16xf32>
          %mul3A_581 = arith.mulf %get3A_103, %get3A_580 : vector<16xf32>
          %add3A_582 = arith.addf %mul3A_576, %mul3A_581 : vector<16xf32>
          %get3A_583 = arith.index_cast %scan3A_92 : i32 to index
          %get3A_584 = arith.constant 336 : index
          %get3A_585 = tpu.vector_load %arg18[%get3A_583, %get3A_584] {strides = array<i32>} : memref<16x512xf32, #tpu.memory_space<vmem>>, vector<1x16xf32>,
          %get3A_586 = vector.shape_cast %get3A_585 : vector<1x16xf32> to vector<16xf32>
          %mul3A_587 = arith.mulf %get3A_110, %get3A_586 : vector<16xf32>
          %add3A_588 = arith.addf %add3A_582, %mul3A_587 : vector<16xf32>
          %swap3A_589 = arith.index_cast %scan3A_92 : i32 to index
          %swap3A_590 = arith.constant 336 : index
          %swap3A_591 = tpu.vector_load %arg20[%swap3A_589, %swap3A_590] {strides = array<i32>} : memref<16x512xf32, #tpu.memory_space<vmem>>, vector<1x16xf32>,
          %swap3A_592 = vector.shape_cast %swap3A_591 : vector<1x16xf32> to vector<16xf32>
          %swap3A_593 = vector.shape_cast %add3A_588 : vector<16xf32> to vector<1x16xf32>
          tpu.vector_store %arg20[%swap3A_589, %swap3A_590], %swap3A_593 {strides = array<i32>} : memref<16x512xf32, #tpu.memory_space<vmem>>, vector<1x16xf32>,
          %get3A_594 = arith.index_cast %scan3A_92 : i32 to index
          %get3A_595 = arith.constant 352 : index
          %get3A_596 = tpu.vector_load %arg16[%get3A_594, %get3A_595] {strides = array<i32>} : memref<16x512xf32, #tpu.memory_space<vmem>>, vector<1x16xf32>,
          %get3A_597 = vector.shape_cast %get3A_596 : vector<1x16xf32> to vector<16xf32>
          %mul3A_598 = arith.mulf %get3A_96, %get3A_597 : vector<16xf32>
          %get3A_599 = arith.index_cast %scan3A_92 : i32 to index
          %get3A_600 = arith.constant 352 : index
          %get3A_601 = tpu.vector_load %arg17[%get3A_599, %get3A_600] {strides = array<i32>} : memref<16x512xf32, #tpu.memory_space<vmem>>, vector<1x16xf32>,
          %get3A_602 = vector.shape_cast %get3A_601 : vector<1x16xf32> to vector<16xf32>
          %mul3A_603 = arith.mulf %get3A_103, %get3A_602 : vector<16xf32>
          %add3A_604 = arith.addf %mul3A_598, %mul3A_603 : vector<16xf32>
          %get3A_605 = arith.index_cast %scan3A_92 : i32 to index
          %get3A_606 = arith.constant 352 : index
          %get3A_607 = tpu.vector_load %arg18[%get3A_605, %get3A_606] {strides = array<i32>} : memref<16x512xf32, #tpu.memory_space<vmem>>, vector<1x16xf32>,
          %get3A_608 = vector.shape_cast %get3A_607 : vector<1x16xf32> to vector<16xf32>
          %mul3A_609 = arith.mulf %get3A_110, %get3A_608 : vector<16xf32>
          %add3A_610 = arith.addf %add3A_604, %mul3A_609 : vector<16xf32>
          %swap3A_611 = arith.index_cast %scan3A_92 : i32 to index
          %swap3A_612 = arith.constant 352 : index
          %swap3A_613 = tpu.vector_load %arg20[%swap3A_611, %swap3A_612] {strides = array<i32>} : memref<16x512xf32, #tpu.memory_space<vmem>>, vector<1x16xf32>,
          %swap3A_614 = vector.shape_cast %swap3A_613 : vector<1x16xf32> to vector<16xf32>
          %swap3A_615 = vector.shape_cast %add3A_610 : vector<16xf32> to vector<1x16xf32>
          tpu.vector_store %arg20[%swap3A_611, %swap3A_612], %swap3A_615 {strides = array<i32>} : memref<16x512xf32, #tpu.memory_space<vmem>>, vector<1x16xf32>,
          %get3A_616 = arith.index_cast %scan3A_92 : i32 to index
          %get3A_617 = arith.constant 368 : index
          %get3A_618 = tpu.vector_load %arg16[%get3A_616, %get3A_617] {strides = array<i32>} : memref<16x512xf32, #tpu.memory_space<vmem>>, vector<1x16xf32>,
          %get3A_619 = vector.shape_cast %get3A_618 : vector<1x16xf32> to vector<16xf32>
          %mul3A_620 = arith.mulf %get3A_96, %get3A_619 : vector<16xf32>
          %get3A_621 = arith.index_cast %scan3A_92 : i32 to index
          %get3A_622 = arith.constant 368 : index
          %get3A_623 = tpu.vector_load %arg17[%get3A_621, %get3A_622] {strides = array<i32>} : memref<16x512xf32, #tpu.memory_space<vmem>>, vector<1x16xf32>,
          %get3A_624 = vector.shape_cast %get3A_623 : vector<1x16xf32> to vector<16xf32>
          %mul3A_625 = arith.mulf %get3A_103, %get3A_624 : vector<16xf32>
          %add3A_626 = arith.addf %mul3A_620, %mul3A_625 : vector<16xf32>
          %get3A_627 = arith.index_cast %scan3A_92 : i32 to index
          %get3A_628 = arith.constant 368 : index
          %get3A_629 = tpu.vector_load %arg18[%get3A_627, %get3A_628] {strides = array<i32>} : memref<16x512xf32, #tpu.memory_space<vmem>>, vector<1x16xf32>,
          %get3A_630 = vector.shape_cast %get3A_629 : vector<1x16xf32> to vector<16xf32>
          %mul3A_631 = arith.mulf %get3A_110, %get3A_630 : vector<16xf32>
          %add3A_632 = arith.addf %add3A_626, %mul3A_631 : vector<16xf32>
          %swap3A_633 = arith.index_cast %scan3A_92 : i32 to index
          %swap3A_634 = arith.constant 368 : index
          %swap3A_635 = tpu.vector_load %arg20[%swap3A_633, %swap3A_634] {strides = array<i32>} : memref<16x512xf32, #tpu.memory_space<vmem>>, vector<1x16xf32>,
          %swap3A_636 = vector.shape_cast %swap3A_635 : vector<1x16xf32> to vector<16xf32>
          %swap3A_637 = vector.shape_cast %add3A_632 : vector<16xf32> to vector<1x16xf32>
          tpu.vector_store %arg20[%swap3A_633, %swap3A_634], %swap3A_637 {strides = array<i32>} : memref<16x512xf32, #tpu.memory_space<vmem>>, vector<1x16xf32>,
          %get3A_638 = arith.index_cast %scan3A_92 : i32 to index
          %get3A_639 = arith.constant 384 : index
          %get3A_640 = tpu.vector_load %arg16[%get3A_638, %get3A_639] {strides = array<i32>} : memref<16x512xf32, #tpu.memory_space<vmem>>, vector<1x16xf32>,
          %get3A_641 = vector.shape_cast %get3A_640 : vector<1x16xf32> to vector<16xf32>
          %mul3A_642 = arith.mulf %get3A_96, %get3A_641 : vector<16xf32>
          %get3A_643 = arith.index_cast %scan3A_92 : i32 to index
          %get3A_644 = arith.constant 384 : index
          %get3A_645 = tpu.vector_load %arg17[%get3A_643, %get3A_644] {strides = array<i32>} : memref<16x512xf32, #tpu.memory_space<vmem>>, vector<1x16xf32>,
          %get3A_646 = vector.shape_cast %get3A_645 : vector<1x16xf32> to vector<16xf32>
          %mul3A_647 = arith.mulf %get3A_103, %get3A_646 : vector<16xf32>
          %add3A_648 = arith.addf %mul3A_642, %mul3A_647 : vector<16xf32>
          %get3A_649 = arith.index_cast %scan3A_92 : i32 to index
          %get3A_650 = arith.constant 384 : index
          %get3A_651 = tpu.vector_load %arg18[%get3A_649, %get3A_650] {strides = array<i32>} : memref<16x512xf32, #tpu.memory_space<vmem>>, vector<1x16xf32>,
          %get3A_652 = vector.shape_cast %get3A_651 : vector<1x16xf32> to vector<16xf32>
          %mul3A_653 = arith.mulf %get3A_110, %get3A_652 : vector<16xf32>
          %add3A_654 = arith.addf %add3A_648, %mul3A_653 : vector<16xf32>
          %swap3A_655 = arith.index_cast %scan3A_92 : i32 to index
          %swap3A_656 = arith.constant 384 : index
          %swap3A_657 = tpu.vector_load %arg20[%swap3A_655, %swap3A_656] {strides = array<i32>} : memref<16x512xf32, #tpu.memory_space<vmem>>, vector<1x16xf32>,
          %swap3A_658 = vector.shape_cast %swap3A_657 : vector<1x16xf32> to vector<16xf32>
          %swap3A_659 = vector.shape_cast %add3A_654 : vector<16xf32> to vector<1x16xf32>
          tpu.vector_store %arg20[%swap3A_655, %swap3A_656], %swap3A_659 {strides = array<i32>} : memref<16x512xf32, #tpu.memory_space<vmem>>, vector<1x16xf32>,
          %get3A_660 = arith.index_cast %scan3A_92 : i32 to index
          %get3A_661 = arith.constant 400 : index
          %get3A_662 = tpu.vector_load %arg16[%get3A_660, %get3A_661] {strides = array<i32>} : memref<16x512xf32, #tpu.memory_space<vmem>>, vector<1x16xf32>,
          %get3A_663 = vector.shape_cast %get3A_662 : vector<1x16xf32> to vector<16xf32>
          %mul3A_664 = arith.mulf %get3A_96, %get3A_663 : vector<16xf32>
          %get3A_665 = arith.index_cast %scan3A_92 : i32 to index
          %get3A_666 = arith.constant 400 : index
          %get3A_667 = tpu.vector_load %arg17[%get3A_665, %get3A_666] {strides = array<i32>} : memref<16x512xf32, #tpu.memory_space<vmem>>, vector<1x16xf32>,
          %get3A_668 = vector.shape_cast %get3A_667 : vector<1x16xf32> to vector<16xf32>
          %mul3A_669 = arith.mulf %get3A_103, %get3A_668 : vector<16xf32>
          %add3A_670 = arith.addf %mul3A_664, %mul3A_669 : vector<16xf32>
          %get3A_671 = arith.index_cast %scan3A_92 : i32 to index
          %get3A_672 = arith.constant 400 : index
          %get3A_673 = tpu.vector_load %arg18[%get3A_671, %get3A_672] {strides = array<i32>} : memref<16x512xf32, #tpu.memory_space<vmem>>, vector<1x16xf32>,
          %get3A_674 = vector.shape_cast %get3A_673 : vector<1x16xf32> to vector<16xf32>
          %mul3A_675 = arith.mulf %get3A_110, %get3A_674 : vector<16xf32>
          %add3A_676 = arith.addf %add3A_670, %mul3A_675 : vector<16xf32>
          %swap3A_677 = arith.index_cast %scan3A_92 : i32 to index
          %swap3A_678 = arith.constant 400 : index
          %swap3A_679 = tpu.vector_load %arg20[%swap3A_677, %swap3A_678] {strides = array<i32>} : memref<16x512xf32, #tpu.memory_space<vmem>>, vector<1x16xf32>,
          %swap3A_680 = vector.shape_cast %swap3A_679 : vector<1x16xf32> to vector<16xf32>
          %swap3A_681 = vector.shape_cast %add3A_676 : vector<16xf32> to vector<1x16xf32>
          tpu.vector_store %arg20[%swap3A_677, %swap3A_678], %swap3A_681 {strides = array<i32>} : memref<16x512xf32, #tpu.memory_space<vmem>>, vector<1x16xf32>,
          %get3A_682 = arith.index_cast %scan3A_92 : i32 to index
          %get3A_683 = arith.constant 416 : index
          %get3A_684 = tpu.vector_load %arg16[%get3A_682, %get3A_683] {strides = array<i32>} : memref<16x512xf32, #tpu.memory_space<vmem>>, vector<1x16xf32>,
          %get3A_685 = vector.shape_cast %get3A_684 : vector<1x16xf32> to vector<16xf32>
          %mul3A_686 = arith.mulf %get3A_96, %get3A_685 : vector<16xf32>
          %get3A_687 = arith.index_cast %scan3A_92 : i32 to index
          %get3A_688 = arith.constant 416 : index
          %get3A_689 = tpu.vector_load %arg17[%get3A_687, %get3A_688] {strides = array<i32>} : memref<16x512xf32, #tpu.memory_space<vmem>>, vector<1x16xf32>,
          %get3A_690 = vector.shape_cast %get3A_689 : vector<1x16xf32> to vector<16xf32>
          %mul3A_691 = arith.mulf %get3A_103, %get3A_690 : vector<16xf32>
          %add3A_692 = arith.addf %mul3A_686, %mul3A_691 : vector<16xf32>
          %get3A_693 = arith.index_cast %scan3A_92 : i32 to index
          %get3A_694 = arith.constant 416 : index
          %get3A_695 = tpu.vector_load %arg18[%get3A_693, %get3A_694] {strides = array<i32>} : memref<16x512xf32, #tpu.memory_space<vmem>>, vector<1x16xf32>,
          %get3A_696 = vector.shape_cast %get3A_695 : vector<1x16xf32> to vector<16xf32>
          %mul3A_697 = arith.mulf %get3A_110, %get3A_696 : vector<16xf32>
          %add3A_698 = arith.addf %add3A_692, %mul3A_697 : vector<16xf32>
          %swap3A_699 = arith.index_cast %scan3A_92 : i32 to index
          %swap3A_700 = arith.constant 416 : index
          %swap3A_701 = tpu.vector_load %arg20[%swap3A_699, %swap3A_700] {strides = array<i32>} : memref<16x512xf32, #tpu.memory_space<vmem>>, vector<1x16xf32>,
          %swap3A_702 = vector.shape_cast %swap3A_701 : vector<1x16xf32> to vector<16xf32>
          %swap3A_703 = vector.shape_cast %add3A_698 : vector<16xf32> to vector<1x16xf32>
          tpu.vector_store %arg20[%swap3A_699, %swap3A_700], %swap3A_703 {strides = array<i32>} : memref<16x512xf32, #tpu.memory_space<vmem>>, vector<1x16xf32>,
          %get3A_704 = arith.index_cast %scan3A_92 : i32 to index
          %get3A_705 = arith.constant 432 : index
          %get3A_706 = tpu.vector_load %arg16[%get3A_704, %get3A_705] {strides = array<i32>} : memref<16x512xf32, #tpu.memory_space<vmem>>, vector<1x16xf32>,
          %get3A_707 = vector.shape_cast %get3A_706 : vector<1x16xf32> to vector<16xf32>
          %mul3A_708 = arith.mulf %get3A_96, %get3A_707 : vector<16xf32>
          %get3A_709 = arith.index_cast %scan3A_92 : i32 to index
          %get3A_710 = arith.constant 432 : index
          %get3A_711 = tpu.vector_load %arg17[%get3A_709, %get3A_710] {strides = array<i32>} : memref<16x512xf32, #tpu.memory_space<vmem>>, vector<1x16xf32>,
          %get3A_712 = vector.shape_cast %get3A_711 : vector<1x16xf32> to vector<16xf32>
          %mul3A_713 = arith.mulf %get3A_103, %get3A_712 : vector<16xf32>
          %add3A_714 = arith.addf %mul3A_708, %mul3A_713 : vector<16xf32>
          %get3A_715 = arith.index_cast %scan3A_92 : i32 to index
          %get3A_716 = arith.constant 432 : index
          %get3A_717 = tpu.vector_load %arg18[%get3A_715, %get3A_716] {strides = array<i32>} : memref<16x512xf32, #tpu.memory_space<vmem>>, vector<1x16xf32>,
          %get3A_718 = vector.shape_cast %get3A_717 : vector<1x16xf32> to vector<16xf32>
          %mul3A_719 = arith.mulf %get3A_110, %get3A_718 : vector<16xf32>
          %add3A_720 = arith.addf %add3A_714, %mul3A_719 : vector<16xf32>
          %swap3A_721 = arith.index_cast %scan3A_92 : i32 to index
          %swap3A_722 = arith.constant 432 : index
          %swap3A_723 = tpu.vector_load %arg20[%swap3A_721, %swap3A_722] {strides = array<i32>} : memref<16x512xf32, #tpu.memory_space<vmem>>, vector<1x16xf32>,
          %swap3A_724 = vector.shape_cast %swap3A_723 : vector<1x16xf32> to vector<16xf32>
          %swap3A_725 = vector.shape_cast %add3A_720 : vector<16xf32> to vector<1x16xf32>
          tpu.vector_store %arg20[%swap3A_721, %swap3A_722], %swap3A_725 {strides = array<i32>} : memref<16x512xf32, #tpu.memory_space<vmem>>, vector<1x16xf32>,
          %get3A_726 = arith.index_cast %scan3A_92 : i32 to index
          %get3A_727 = arith.constant 448 : index
          %get3A_728 = tpu.vector_load %arg16[%get3A_726, %get3A_727] {strides = array<i32>} : memref<16x512xf32, #tpu.memory_space<vmem>>, vector<1x16xf32>,
          %get3A_729 = vector.shape_cast %get3A_728 : vector<1x16xf32> to vector<16xf32>
          %mul3A_730 = arith.mulf %get3A_96, %get3A_729 : vector<16xf32>
          %get3A_731 = arith.index_cast %scan3A_92 : i32 to index
          %get3A_732 = arith.constant 448 : index
          %get3A_733 = tpu.vector_load %arg17[%get3A_731, %get3A_732] {strides = array<i32>} : memref<16x512xf32, #tpu.memory_space<vmem>>, vector<1x16xf32>,
          %get3A_734 = vector.shape_cast %get3A_733 : vector<1x16xf32> to vector<16xf32>
          %mul3A_735 = arith.mulf %get3A_103, %get3A_734 : vector<16xf32>
          %add3A_736 = arith.addf %mul3A_730, %mul3A_735 : vector<16xf32>
          %get3A_737 = arith.index_cast %scan3A_92 : i32 to index
          %get3A_738 = arith.constant 448 : index
          %get3A_739 = tpu.vector_load %arg18[%get3A_737, %get3A_738] {strides = array<i32>} : memref<16x512xf32, #tpu.memory_space<vmem>>, vector<1x16xf32>,
          %get3A_740 = vector.shape_cast %get3A_739 : vector<1x16xf32> to vector<16xf32>
          %mul3A_741 = arith.mulf %get3A_110, %get3A_740 : vector<16xf32>
          %add3A_742 = arith.addf %add3A_736, %mul3A_741 : vector<16xf32>
          %swap3A_743 = arith.index_cast %scan3A_92 : i32 to index
          %swap3A_744 = arith.constant 448 : index
          %swap3A_745 = tpu.vector_load %arg20[%swap3A_743, %swap3A_744] {strides = array<i32>} : memref<16x512xf32, #tpu.memory_space<vmem>>, vector<1x16xf32>,
          %swap3A_746 = vector.shape_cast %swap3A_745 : vector<1x16xf32> to vector<16xf32>
          %swap3A_747 = vector.shape_cast %add3A_742 : vector<16xf32> to vector<1x16xf32>
          tpu.vector_store %arg20[%swap3A_743, %swap3A_744], %swap3A_747 {strides = array<i32>} : memref<16x512xf32, #tpu.memory_space<vmem>>, vector<1x16xf32>,
          %get3A_748 = arith.index_cast %scan3A_92 : i32 to index
          %get3A_749 = arith.constant 464 : index
          %get3A_750 = tpu.vector_load %arg16[%get3A_748, %get3A_749] {strides = array<i32>} : memref<16x512xf32, #tpu.memory_space<vmem>>, vector<1x16xf32>,
          %get3A_751 = vector.shape_cast %get3A_750 : vector<1x16xf32> to vector<16xf32>
          %mul3A_752 = arith.mulf %get3A_96, %get3A_751 : vector<16xf32>
          %get3A_753 = arith.index_cast %scan3A_92 : i32 to index
          %get3A_754 = arith.constant 464 : index
          %get3A_755 = tpu.vector_load %arg17[%get3A_753, %get3A_754] {strides = array<i32>} : memref<16x512xf32, #tpu.memory_space<vmem>>, vector<1x16xf32>,
          %get3A_756 = vector.shape_cast %get3A_755 : vector<1x16xf32> to vector<16xf32>
          %mul3A_757 = arith.mulf %get3A_103, %get3A_756 : vector<16xf32>
          %add3A_758 = arith.addf %mul3A_752, %mul3A_757 : vector<16xf32>
          %get3A_759 = arith.index_cast %scan3A_92 : i32 to index
          %get3A_760 = arith.constant 464 : index
          %get3A_761 = tpu.vector_load %arg18[%get3A_759, %get3A_760] {strides = array<i32>} : memref<16x512xf32, #tpu.memory_space<vmem>>, vector<1x16xf32>,
          %get3A_762 = vector.shape_cast %get3A_761 : vector<1x16xf32> to vector<16xf32>
          %mul3A_763 = arith.mulf %get3A_110, %get3A_762 : vector<16xf32>
          %add3A_764 = arith.addf %add3A_758, %mul3A_763 : vector<16xf32>
          %swap3A_765 = arith.index_cast %scan3A_92 : i32 to index
          %swap3A_766 = arith.constant 464 : index
          %swap3A_767 = tpu.vector_load %arg20[%swap3A_765, %swap3A_766] {strides = array<i32>} : memref<16x512xf32, #tpu.memory_space<vmem>>, vector<1x16xf32>,
          %swap3A_768 = vector.shape_cast %swap3A_767 : vector<1x16xf32> to vector<16xf32>
          %swap3A_769 = vector.shape_cast %add3A_764 : vector<16xf32> to vector<1x16xf32>
          tpu.vector_store %arg20[%swap3A_765, %swap3A_766], %swap3A_769 {strides = array<i32>} : memref<16x512xf32, #tpu.memory_space<vmem>>, vector<1x16xf32>,
          %get3A_770 = arith.index_cast %scan3A_92 : i32 to index
          %get3A_771 = arith.constant 480 : index
          %get3A_772 = tpu.vector_load %arg16[%get3A_770, %get3A_771] {strides = array<i32>} : memref<16x512xf32, #tpu.memory_space<vmem>>, vector<1x16xf32>,
          %get3A_773 = vector.shape_cast %get3A_772 : vector<1x16xf32> to vector<16xf32>
          %mul3A_774 = arith.mulf %get3A_96, %get3A_773 : vector<16xf32>
          %get3A_775 = arith.index_cast %scan3A_92 : i32 to index
          %get3A_776 = arith.constant 480 : index
          %get3A_777 = tpu.vector_load %arg17[%get3A_775, %get3A_776] {strides = array<i32>} : memref<16x512xf32, #tpu.memory_space<vmem>>, vector<1x16xf32>,
          %get3A_778 = vector.shape_cast %get3A_777 : vector<1x16xf32> to vector<16xf32>
          %mul3A_779 = arith.mulf %get3A_103, %get3A_778 : vector<16xf32>
          %add3A_780 = arith.addf %mul3A_774, %mul3A_779 : vector<16xf32>
          %get3A_781 = arith.index_cast %scan3A_92 : i32 to index
          %get3A_782 = arith.constant 480 : index
          %get3A_783 = tpu.vector_load %arg18[%get3A_781, %get3A_782] {strides = array<i32>} : memref<16x512xf32, #tpu.memory_space<vmem>>, vector<1x16xf32>,
          %get3A_784 = vector.shape_cast %get3A_783 : vector<1x16xf32> to vector<16xf32>
          %mul3A_785 = arith.mulf %get3A_110, %get3A_784 : vector<16xf32>
          %add3A_786 = arith.addf %add3A_780, %mul3A_785 : vector<16xf32>
          %swap3A_787 = arith.index_cast %scan3A_92 : i32 to index
          %swap3A_788 = arith.constant 480 : index
          %swap3A_789 = tpu.vector_load %arg20[%swap3A_787, %swap3A_788] {strides = array<i32>} : memref<16x512xf32, #tpu.memory_space<vmem>>, vector<1x16xf32>,
          %swap3A_790 = vector.shape_cast %swap3A_789 : vector<1x16xf32> to vector<16xf32>
          %swap3A_791 = vector.shape_cast %add3A_786 : vector<16xf32> to vector<1x16xf32>
          tpu.vector_store %arg20[%swap3A_787, %swap3A_788], %swap3A_791 {strides = array<i32>} : memref<16x512xf32, #tpu.memory_space<vmem>>, vector<1x16xf32>,
          %get3A_792 = arith.index_cast %scan3A_92 : i32 to index
          %get3A_793 = arith.constant 496 : index
          %get3A_794 = tpu.vector_load %arg16[%get3A_792, %get3A_793] {strides = array<i32>} : memref<16x512xf32, #tpu.memory_space<vmem>>, vector<1x16xf32>,
          %get3A_795 = vector.shape_cast %get3A_794 : vector<1x16xf32> to vector<16xf32>
          %mul3A_796 = arith.mulf %get3A_96, %get3A_795 : vector<16xf32>
          %get3A_797 = arith.index_cast %scan3A_92 : i32 to index
          %get3A_798 = arith.constant 496 : index
          %get3A_799 = tpu.vector_load %arg17[%get3A_797, %get3A_798] {strides = array<i32>} : memref<16x512xf32, #tpu.memory_space<vmem>>, vector<1x16xf32>,
          %get3A_800 = vector.shape_cast %get3A_799 : vector<1x16xf32> to vector<16xf32>
          %mul3A_801 = arith.mulf %get3A_103, %get3A_800 : vector<16xf32>
          %add3A_802 = arith.addf %mul3A_796, %mul3A_801 : vector<16xf32>
          %get3A_803 = arith.index_cast %scan3A_92 : i32 to index
          %get3A_804 = arith.constant 496 : index
          %get3A_805 = tpu.vector_load %arg18[%get3A_803, %get3A_804] {strides = array<i32>} : memref<16x512xf32, #tpu.memory_space<vmem>>, vector<1x16xf32>,
          %get3A_806 = vector.shape_cast %get3A_805 : vector<1x16xf32> to vector<16xf32>
          %mul3A_807 = arith.mulf %get3A_110, %get3A_806 : vector<16xf32>
          %add3A_808 = arith.addf %add3A_802, %mul3A_807 : vector<16xf32>
          %swap3A_809 = arith.index_cast %scan3A_92 : i32 to index
          %swap3A_810 = arith.constant 496 : index
          %swap3A_811 = tpu.vector_load %arg20[%swap3A_809, %swap3A_810] {strides = array<i32>} : memref<16x512xf32, #tpu.memory_space<vmem>>, vector<1x16xf32>,
          %swap3A_812 = vector.shape_cast %swap3A_811 : vector<1x16xf32> to vector<16xf32>
          %swap3A_813 = vector.shape_cast %add3A_808 : vector<16xf32> to vector<1x16xf32>
          tpu.vector_store %arg20[%swap3A_809, %swap3A_810], %swap3A_813 {strides = array<i32>} : memref<16x512xf32, #tpu.memory_space<vmem>>, vector<1x16xf32>,
        }
        %scan3A_84 = arith.constant 16 : i32
        %mul3A_85 = arith.constant 16 : i32
        %mul3A_86 = arith.muli %scan3A_39, %mul3A_85 : i32
        %add3A_87 = arith.addi %mul3A_2, %mul3A_86 : i32
        %dma_start3A_88 = arith.constant 0 : i32
        %dma_start3A_89 = tpu.memref_slice %arg7[%add3A_87, %dma_start3A_88] : memref<32768x512xf32, #tpu.memory_space<hbm>> -> memref<16x512xf32, #tpu.memory_space<hbm>>
        %dma_start3A_90 = arith.constant 0 : i32
        %dma_start3A_91 = tpu.memref_slice %arg7[%add3A_87, %dma_start3A_90] : memref<32768x512xf32, #tpu.memory_space<hbm>> -> memref<16x512xf32, #tpu.memory_space<hbm>>
        tpu.enqueue_dma source(%arg20 : memref<16x512xf32, #tpu.memory_space<vmem>>) target(%dma_start3A_91 : memref<16x512xf32, #tpu.memory_space<hbm>>) target_semaphore(%arg24 : memref<!tpu.dma_semaphore, #tpu.memory_space<semaphore_mem>>)
      } else {
      }
    }
    %scan3A_27 = arith.constant 64 : i32
    %dma_wait3A = arith.constant 0 : i32
    %dma_wait3A_28 = arith.constant 0 : i32
    %dma_wait3A_29 = tpu.memref_slice %arg7[%dma_wait3A, %dma_wait3A_28] : memref<32768x512xf32, #tpu.memory_space<hbm>> -> memref<16x512xf32, #tpu.memory_space<hbm>>
    %dma_wait3A_30 = arith.constant 0 : i32
    %dma_wait3A_31 = arith.constant 0 : i32
    %dma_wait3A_32 = tpu.memref_slice %arg7[%dma_wait3A_30, %dma_wait3A_31] : memref<32768x512xf32, #tpu.memory_space<hbm>> -> memref<16x512xf32, #tpu.memory_space<hbm>>
    tpu.wait_dma2 semaphore(%arg23 : memref<!tpu.dma_semaphore, #tpu.memory_space<semaphore_mem>>) src(%arg15 : memref<16x512xf32, #tpu.memory_space<vmem>>) dst(%dma_wait3A_32 : memref<16x512xf32, #tpu.memory_space<hbm>>)
    %dma_wait3A_33 = arith.constant 0 : i32
    %dma_wait3A_34 = arith.constant 0 : i32
    %dma_wait3A_35 = tpu.memref_slice %arg7[%dma_wait3A_33, %dma_wait3A_34] : memref<32768x512xf32, #tpu.memory_space<hbm>> -> memref<16x512xf32, #tpu.memory_space<hbm>>
    %dma_wait3A_36 = arith.constant 0 : i32
    %dma_wait3A_37 = arith.constant 0 : i32
    %dma_wait3A_38 = tpu.memref_slice %arg7[%dma_wait3A_36, %dma_wait3A_37] : memref<32768x512xf32, #tpu.memory_space<hbm>> -> memref<16x512xf32, #tpu.memory_space<hbm>>
    tpu.wait_dma2 semaphore(%arg24 : memref<!tpu.dma_semaphore, #tpu.memory_space<semaphore_mem>>) src(%arg20 : memref<16x512xf32, #tpu.memory_space<vmem>>) dst(%dma_wait3A_38 : memref<16x512xf32, #tpu.memory_space<hbm>>)
    return
  }
}

module attributes {stable_mosaic.version = 14 : i64} {
  func.func @_nn3_body(%arg0: i32, %arg1: i32, %arg2: memref<1x512x3xf32, #tpu.memory_space<vmem>>, %arg3: memref<1x3x1024xf32, #tpu.memory_space<vmem>>, %arg4: memref<1x512x1024xf32, #tpu.memory_space<vmem>>, %arg5: memref<512x512xf32, #tpu.memory_space<vmem>>, %arg6: memref<1x512x1xi32, #tpu.memory_space<vmem>>, %arg7: memref<1x512x1xi32, #tpu.memory_space<vmem>>, %arg8: memref<1x512x1xi32, #tpu.memory_space<vmem>>, %arg9: memref<1x512x48xf32, #tpu.memory_space<vmem>>, %arg10: memref<1024x512xf32, #tpu.memory_space<vmem>>) attributes {dimension_semantics = [#tpu.dimension_semantics<arbitrary>, #tpu.dimension_semantics<arbitrary>], iteration_bounds = array<i64: 8, 8>, scalar_prefetch = 0 : i64, scratch_operands = 0 : i64, tpu.core_type = #tpu.core_type<tc>, window_params = [{transform_indices = @transform_0, window_bounds = array<i64: 1, 512, 3>}, {transform_indices = @transform_1, window_bounds = array<i64: 1, 3, 1024>}, {transform_indices = @transform_2, window_bounds = array<i64: 1, 512, 1024>}, {pipeline_mode = #tpu.pipeline_mode<synchronous>, transform_indices = @transform_3, window_bounds = array<i64: 512, 512>}, {transform_indices = @transform_4, window_bounds = array<i64: 1, 512, 1>}, {transform_indices = @transform_5, window_bounds = array<i64: 1, 512, 1>}, {transform_indices = @transform_6, window_bounds = array<i64: 1, 512, 1>}, {transform_indices = @transform_7, window_bounds = array<i64: 1, 512, 48>}, {transform_indices = @transform_8, window_bounds = array<i64: 1024, 512>}]} {
    %eq3A = arith.constant 0 : i32
    %eq3A_0 = arith.cmpi eq, %arg1, %eq3A : i32
    %convert_element_type3A = arith.extui %eq3A_0 : i1 to i32
    %cond3A = arith.constant 0 : i32
    %cond3A_1 = arith.cmpi ne, %convert_element_type3A, %cond3A : i32
    scf.if %cond3A_1 {
      %get3A_155 = arith.constant 0 : index
      %get3A_156 = arith.constant 0 : index
      %get3A_157 = arith.constant 0 : index
      %get3A_158 = vector.load %arg4[%get3A_155, %get3A_156, %get3A_157] : memref<1x512x1024xf32, #tpu.memory_space<vmem>>, vector<1x512x1024xf32>
      %get3A_159 = vector.shape_cast %get3A_158 : vector<1x512x1024xf32> to vector<512x1024xf32>
      %convert_element_type3A_160 = arith.truncf %get3A_159 : vector<512x1024xf32> to vector<512x1024xbf16>
      %get3A_161 = arith.constant 0 : index
      %get3A_162 = arith.constant 0 : index
      %get3A_163 = vector.load %arg5[%get3A_161, %get3A_162] : memref<512x512xf32, #tpu.memory_space<vmem>>, vector<512x512xf32>
      %convert_element_type3A_164 = arith.truncf %get3A_163 : vector<512x512xf32> to vector<512x512xbf16>
      %dot_general3A = arith.constant dense<0.000000e+00> : vector<1024x512xf32>
      %dot_general3A_165 = tpu.matmul %convert_element_type3A_160, %convert_element_type3A_164, %dot_general3A {dimension_numbers = #tpu.dot_dimension_numbers<[0], [0], [1], [1], [0, 1, 1, 1], [], []>, transpose_lhs_hint = false} : vector<512x1024xbf16>, vector<512x512xbf16>, vector<1024x512xf32> -> vector<1024x512xf32>
      %swap3A_166 = arith.constant 0 : index
      %swap3A_167 = arith.constant 0 : index
      %swap3A_168 = vector.load %arg10[%swap3A_166, %swap3A_167] : memref<1024x512xf32, #tpu.memory_space<vmem>>, vector<1024x512xf32>
      tpu.vector_store %arg10[%swap3A_166, %swap3A_167], %dot_general3A_165 {strides = array<i32>} : memref<1024x512xf32, #tpu.memory_space<vmem>>, vector<1024x512xf32>,
    } else {
    }
    %get3A = arith.constant 0 : index
    %get3A_2 = arith.constant 0 : index
    %get3A_3 = arith.constant 0 : index
    %get3A_4 = vector.load %arg2[%get3A, %get3A_2, %get3A_3] : memref<1x512x3xf32, #tpu.memory_space<vmem>>, vector<1x512x3xf32>
    %get3A_5 = vector.shape_cast %get3A_4 : vector<1x512x3xf32> to vector<512x3xf32>
    %get3A_6 = arith.constant 0 : index
    %get3A_7 = arith.constant 0 : index
    %get3A_8 = arith.constant 0 : index
    %get3A_9 = vector.load %arg3[%get3A_6, %get3A_7, %get3A_8] : memref<1x3x1024xf32, #tpu.memory_space<vmem>>, vector<1x3x1024xf32>
    %get3A_10 = vector.shape_cast %get3A_9 : vector<1x3x1024xf32> to vector<3x1024xf32>
    %broadcast_in_dim3A = arith.constant 0.000000e+00 : f32
    %broadcast_in_dim3A_11 = vector.broadcast %broadcast_in_dim3A : f32 to vector<512x1024xf32>
    %slice3A = vector.extract_strided_slice %get3A_5 {offsets = [0, 0], sizes = [512, 1], strides = [1, 1]} : vector<512x3xf32> to vector<512x1xf32>
    %slice3A_12 = vector.extract_strided_slice %get3A_10 {offsets = [0, 0], sizes = [1, 1024], strides = [1, 1]} : vector<3x1024xf32> to vector<1x1024xf32>
    %sub3A = vector.broadcast %slice3A : vector<512x1xf32> to vector<512x1024xf32>
    %sub3A_13 = vector.broadcast %slice3A_12 : vector<1x1024xf32> to vector<512x1024xf32>
    %sub3A_14 = arith.subf %sub3A, %sub3A_13 : vector<512x1024xf32>
    %mul3A = arith.mulf %sub3A_14, %sub3A_14 : vector<512x1024xf32>
    %add3A = arith.addf %broadcast_in_dim3A_11, %mul3A : vector<512x1024xf32>
    %slice3A_15 = vector.extract_strided_slice %get3A_5 {offsets = [0, 1], sizes = [512, 1], strides = [1, 1]} : vector<512x3xf32> to vector<512x1xf32>
    %slice3A_16 = vector.extract_strided_slice %get3A_10 {offsets = [1, 0], sizes = [1, 1024], strides = [1, 1]} : vector<3x1024xf32> to vector<1x1024xf32>
    %sub3A_17 = vector.broadcast %slice3A_15 : vector<512x1xf32> to vector<512x1024xf32>
    %sub3A_18 = vector.broadcast %slice3A_16 : vector<1x1024xf32> to vector<512x1024xf32>
    %sub3A_19 = arith.subf %sub3A_17, %sub3A_18 : vector<512x1024xf32>
    %mul3A_20 = arith.mulf %sub3A_19, %sub3A_19 : vector<512x1024xf32>
    %add3A_21 = arith.addf %add3A, %mul3A_20 : vector<512x1024xf32>
    %slice3A_22 = vector.extract_strided_slice %get3A_5 {offsets = [0, 2], sizes = [512, 1], strides = [1, 1]} : vector<512x3xf32> to vector<512x1xf32>
    %slice3A_23 = vector.extract_strided_slice %get3A_10 {offsets = [2, 0], sizes = [1, 1024], strides = [1, 1]} : vector<3x1024xf32> to vector<1x1024xf32>
    %sub3A_24 = vector.broadcast %slice3A_22 : vector<512x1xf32> to vector<512x1024xf32>
    %sub3A_25 = vector.broadcast %slice3A_23 : vector<1x1024xf32> to vector<512x1024xf32>
    %sub3A_26 = arith.subf %sub3A_24, %sub3A_25 : vector<512x1024xf32>
    %mul3A_27 = arith.mulf %sub3A_26, %sub3A_26 : vector<512x1024xf32>
    %add3A_28 = arith.addf %add3A_21, %mul3A_27 : vector<512x1024xf32>
    %iota3A = tpu.iota {dimensions = array<i32: 1>} : vector<512x1024xi32>
    %convert_element_type3A_29 = arith.sitofp %iota3A : vector<512x1024xi32> to vector<512x1024xf32>
    %reduce_min3A = arith.constant dense<0x7F800000> : vector<512xf32>
    %reduce_min3A_30 = vector.multi_reduction <minimumf>, %add3A_28, %reduce_min3A [1] : vector<512x1024xf32> to vector<512xf32>
    %broadcast_in_dim3A_31 = vector.shape_cast %reduce_min3A_30 : vector<512xf32> to vector<512x1xf32>
    %eq3A_32 = vector.broadcast %broadcast_in_dim3A_31 : vector<512x1xf32> to vector<512x1024xf32>
    %eq3A_33 = arith.cmpf oeq, %add3A_28, %eq3A_32 : vector<512x1024xf32>
    %jit3A = arith.constant 1.07374182E+9 : f32
    %broadcast_in_dim3A_34 = vector.broadcast %jit3A : f32 to vector<512x1024xf32>
    %select_n3A = arith.select %eq3A_33, %convert_element_type3A_29, %broadcast_in_dim3A_34 : vector<512x1024xi1>, vector<512x1024xf32>
    %reduce_min3A_35 = arith.constant dense<0x7F800000> : vector<512xf32>
    %reduce_min3A_36 = vector.multi_reduction <minimumf>, %select_n3A, %reduce_min3A_35 [1] : vector<512x1024xf32> to vector<512xf32>
    %broadcast_in_dim3A_37 = vector.shape_cast %reduce_min3A_36 : vector<512xf32> to vector<512x1xf32>
    %eq3A_38 = vector.broadcast %broadcast_in_dim3A_37 : vector<512x1xf32> to vector<512x1024xf32>
    %eq3A_39 = arith.cmpf oeq, %convert_element_type3A_29, %eq3A_38 : vector<512x1024xf32>
    %jit3A_40 = arith.constant 0x7F800000 : f32
    %broadcast_in_dim3A_41 = vector.broadcast %jit3A_40 : f32 to vector<512x1024xf32>
    %select_n3A_42 = arith.select %eq3A_39, %broadcast_in_dim3A_41, %add3A_28 : vector<512x1024xi1>, vector<512x1024xf32>
    %convert_element_type3A_43 = arith.fptosi %broadcast_in_dim3A_37 : vector<512x1xf32> to vector<512x1xi32>
    %reduce_min3A_44 = arith.constant dense<0x7F800000> : vector<512xf32>
    %reduce_min3A_45 = vector.multi_reduction <minimumf>, %select_n3A_42, %reduce_min3A_44 [1] : vector<512x1024xf32> to vector<512xf32>
    %broadcast_in_dim3A_46 = vector.shape_cast %reduce_min3A_45 : vector<512xf32> to vector<512x1xf32>
    %eq3A_47 = vector.broadcast %broadcast_in_dim3A_46 : vector<512x1xf32> to vector<512x1024xf32>
    %eq3A_48 = arith.cmpf oeq, %select_n3A_42, %eq3A_47 : vector<512x1024xf32>
    %jit3A_49 = arith.constant 1.07374182E+9 : f32
    %broadcast_in_dim3A_50 = vector.broadcast %jit3A_49 : f32 to vector<512x1024xf32>
    %select_n3A_51 = arith.select %eq3A_48, %convert_element_type3A_29, %broadcast_in_dim3A_50 : vector<512x1024xi1>, vector<512x1024xf32>
    %reduce_min3A_52 = arith.constant dense<0x7F800000> : vector<512xf32>
    %reduce_min3A_53 = vector.multi_reduction <minimumf>, %select_n3A_51, %reduce_min3A_52 [1] : vector<512x1024xf32> to vector<512xf32>
    %broadcast_in_dim3A_54 = vector.shape_cast %reduce_min3A_53 : vector<512xf32> to vector<512x1xf32>
    %eq3A_55 = vector.broadcast %broadcast_in_dim3A_54 : vector<512x1xf32> to vector<512x1024xf32>
    %eq3A_56 = arith.cmpf oeq, %convert_element_type3A_29, %eq3A_55 : vector<512x1024xf32>
    %jit3A_57 = arith.constant 0x7F800000 : f32
    %broadcast_in_dim3A_58 = vector.broadcast %jit3A_57 : f32 to vector<512x1024xf32>
    %select_n3A_59 = arith.select %eq3A_56, %broadcast_in_dim3A_58, %select_n3A_42 : vector<512x1024xi1>, vector<512x1024xf32>
    %convert_element_type3A_60 = arith.fptosi %broadcast_in_dim3A_54 : vector<512x1xf32> to vector<512x1xi32>
    %reduce_min3A_61 = arith.constant dense<0x7F800000> : vector<512xf32>
    %reduce_min3A_62 = vector.multi_reduction <minimumf>, %select_n3A_59, %reduce_min3A_61 [1] : vector<512x1024xf32> to vector<512xf32>
    %broadcast_in_dim3A_63 = vector.shape_cast %reduce_min3A_62 : vector<512xf32> to vector<512x1xf32>
    %eq3A_64 = vector.broadcast %broadcast_in_dim3A_63 : vector<512x1xf32> to vector<512x1024xf32>
    %eq3A_65 = arith.cmpf oeq, %select_n3A_59, %eq3A_64 : vector<512x1024xf32>
    %jit3A_66 = arith.constant 1.07374182E+9 : f32
    %broadcast_in_dim3A_67 = vector.broadcast %jit3A_66 : f32 to vector<512x1024xf32>
    %select_n3A_68 = arith.select %eq3A_65, %convert_element_type3A_29, %broadcast_in_dim3A_67 : vector<512x1024xi1>, vector<512x1024xf32>
    %reduce_min3A_69 = arith.constant dense<0x7F800000> : vector<512xf32>
    %reduce_min3A_70 = vector.multi_reduction <minimumf>, %select_n3A_68, %reduce_min3A_69 [1] : vector<512x1024xf32> to vector<512xf32>
    %broadcast_in_dim3A_71 = vector.shape_cast %reduce_min3A_70 : vector<512xf32> to vector<512x1xf32>
    %convert_element_type3A_72 = arith.fptosi %broadcast_in_dim3A_71 : vector<512x1xf32> to vector<512x1xi32>
    %max3A = arith.constant 0.000000e+00 : f32
    %max3A_73 = vector.broadcast %max3A : f32 to vector<512x1xf32>
    %max3A_74 = arith.maximumf %broadcast_in_dim3A_31, %max3A_73 : vector<512x1xf32>
    %sqrt3A = math.sqrt %max3A_74 : vector<512x1xf32>
    %mul3A_75 = arith.mulf %sqrt3A, %sqrt3A : vector<512x1xf32>
    %lt3A = arith.constant 1.000000e-10 : f32
    %lt3A_76 = vector.broadcast %lt3A : f32 to vector<512x1xf32>
    %lt3A_77 = arith.cmpf olt, %mul3A_75, %lt3A_76 : vector<512x1xf32>
    %jit3A_78 = arith.constant 1.000000e-10 : f32
    %broadcast_in_dim3A_79 = vector.broadcast %jit3A_78 : f32 to vector<512x1xf32>
    %select_n3A_80 = arith.select %lt3A_77, %broadcast_in_dim3A_79, %mul3A_75 : vector<512x1xi1>, vector<512x1xf32>
    %div3A = arith.constant 1.000000e+00 : f32
    %div3A_81 = vector.broadcast %div3A : f32 to vector<512x1xf32>
    %div3A_82 = arith.divf %div3A_81, %select_n3A_80 : vector<512x1xf32>
    %max3A_83 = arith.constant 0.000000e+00 : f32
    %max3A_84 = vector.broadcast %max3A_83 : f32 to vector<512x1xf32>
    %max3A_85 = arith.maximumf %broadcast_in_dim3A_46, %max3A_84 : vector<512x1xf32>
    %sqrt3A_86 = math.sqrt %max3A_85 : vector<512x1xf32>
    %mul3A_87 = arith.mulf %sqrt3A_86, %sqrt3A_86 : vector<512x1xf32>
    %lt3A_88 = arith.constant 1.000000e-10 : f32
    %lt3A_89 = vector.broadcast %lt3A_88 : f32 to vector<512x1xf32>
    %lt3A_90 = arith.cmpf olt, %mul3A_87, %lt3A_89 : vector<512x1xf32>
    %jit3A_91 = arith.constant 1.000000e-10 : f32
    %broadcast_in_dim3A_92 = vector.broadcast %jit3A_91 : f32 to vector<512x1xf32>
    %select_n3A_93 = arith.select %lt3A_90, %broadcast_in_dim3A_92, %mul3A_87 : vector<512x1xi1>, vector<512x1xf32>
    %div3A_94 = arith.constant 1.000000e+00 : f32
    %div3A_95 = vector.broadcast %div3A_94 : f32 to vector<512x1xf32>
    %div3A_96 = arith.divf %div3A_95, %select_n3A_93 : vector<512x1xf32>
    %max3A_97 = arith.constant 0.000000e+00 : f32
    %max3A_98 = vector.broadcast %max3A_97 : f32 to vector<512x1xf32>
    %max3A_99 = arith.maximumf %broadcast_in_dim3A_63, %max3A_98 : vector<512x1xf32>
    %sqrt3A_100 = math.sqrt %max3A_99 : vector<512x1xf32>
    %mul3A_101 = arith.mulf %sqrt3A_100, %sqrt3A_100 : vector<512x1xf32>
    %lt3A_102 = arith.constant 1.000000e-10 : f32
    %lt3A_103 = vector.broadcast %lt3A_102 : f32 to vector<512x1xf32>
    %lt3A_104 = arith.cmpf olt, %mul3A_101, %lt3A_103 : vector<512x1xf32>
    %jit3A_105 = arith.constant 1.000000e-10 : f32
    %broadcast_in_dim3A_106 = vector.broadcast %jit3A_105 : f32 to vector<512x1xf32>
    %select_n3A_107 = arith.select %lt3A_104, %broadcast_in_dim3A_106, %mul3A_101 : vector<512x1xi1>, vector<512x1xf32>
    %div3A_108 = arith.constant 1.000000e+00 : f32
    %div3A_109 = vector.broadcast %div3A_108 : f32 to vector<512x1xf32>
    %div3A_110 = arith.divf %div3A_109, %select_n3A_107 : vector<512x1xf32>
    %add3A_111 = arith.addf %div3A_82, %div3A_96 : vector<512x1xf32>
    %add3A_112 = arith.addf %add3A_111, %div3A_110 : vector<512x1xf32>
    %add3A_113 = arith.constant 0 : i32
    %add3A_114 = arith.addi %arg0, %add3A_113 : i32
    %mul3A_115 = arith.constant 1024 : i32
    %mul3A_116 = arith.muli %add3A_114, %mul3A_115 : i32
    %add3A_117 = vector.broadcast %mul3A_116 : i32 to vector<512x1xi32>
    %add3A_118 = arith.addi %convert_element_type3A_43, %add3A_117 : vector<512x1xi32>
    %swap3A = arith.constant 0 : index
    %swap3A_119 = arith.constant 0 : index
    %swap3A_120 = arith.constant 0 : index
    %swap3A_121 = vector.load %arg6[%swap3A, %swap3A_119, %swap3A_120] : memref<1x512x1xi32, #tpu.memory_space<vmem>>, vector<1x512x1xi32>
    %swap3A_122 = vector.shape_cast %swap3A_121 : vector<1x512x1xi32> to vector<512x1xi32>
    %swap3A_123 = vector.shape_cast %add3A_118 : vector<512x1xi32> to vector<1x512x1xi32>
    tpu.vector_store %arg6[%swap3A, %swap3A_119, %swap3A_120], %swap3A_123 {strides = array<i32>} : memref<1x512x1xi32, #tpu.memory_space<vmem>>, vector<1x512x1xi32>,
    %add3A_124 = vector.broadcast %mul3A_116 : i32 to vector<512x1xi32>
    %add3A_125 = arith.addi %convert_element_type3A_60, %add3A_124 : vector<512x1xi32>
    %swap3A_126 = arith.constant 0 : index
    %swap3A_127 = arith.constant 0 : index
    %swap3A_128 = arith.constant 0 : index
    %swap3A_129 = vector.load %arg7[%swap3A_126, %swap3A_127, %swap3A_128] : memref<1x512x1xi32, #tpu.memory_space<vmem>>, vector<1x512x1xi32>
    %swap3A_130 = vector.shape_cast %swap3A_129 : vector<1x512x1xi32> to vector<512x1xi32>
    %swap3A_131 = vector.shape_cast %add3A_125 : vector<512x1xi32> to vector<1x512x1xi32>
    tpu.vector_store %arg7[%swap3A_126, %swap3A_127, %swap3A_128], %swap3A_131 {strides = array<i32>} : memref<1x512x1xi32, #tpu.memory_space<vmem>>, vector<1x512x1xi32>,
    %add3A_132 = vector.broadcast %mul3A_116 : i32 to vector<512x1xi32>
    %add3A_133 = arith.addi %convert_element_type3A_72, %add3A_132 : vector<512x1xi32>
    %swap3A_134 = arith.constant 0 : index
    %swap3A_135 = arith.constant 0 : index
    %swap3A_136 = arith.constant 0 : index
    %swap3A_137 = vector.load %arg8[%swap3A_134, %swap3A_135, %swap3A_136] : memref<1x512x1xi32, #tpu.memory_space<vmem>>, vector<1x512x1xi32>
    %swap3A_138 = vector.shape_cast %swap3A_137 : vector<1x512x1xi32> to vector<512x1xi32>
    %swap3A_139 = vector.shape_cast %add3A_133 : vector<512x1xi32> to vector<1x512x1xi32>
    tpu.vector_store %arg8[%swap3A_134, %swap3A_135, %swap3A_136], %swap3A_139 {strides = array<i32>} : memref<1x512x1xi32, #tpu.memory_space<vmem>>, vector<1x512x1xi32>,
    %div3A_140 = arith.divf %div3A_82, %add3A_112 : vector<512x1xf32>
    %broadcast_in_dim3A_141 = vector.shape_cast %div3A_140 : vector<512x1xf32> to vector<512x1xf32>
    %broadcast_in_dim3A_142 = vector.broadcast %broadcast_in_dim3A_141 : vector<512x1xf32> to vector<512x16xf32>
    %div3A_143 = arith.divf %div3A_96, %add3A_112 : vector<512x1xf32>
    %broadcast_in_dim3A_144 = vector.shape_cast %div3A_143 : vector<512x1xf32> to vector<512x1xf32>
    %broadcast_in_dim3A_145 = vector.broadcast %broadcast_in_dim3A_144 : vector<512x1xf32> to vector<512x16xf32>
    %div3A_146 = arith.divf %div3A_110, %add3A_112 : vector<512x1xf32>
    %broadcast_in_dim3A_147 = vector.shape_cast %div3A_146 : vector<512x1xf32> to vector<512x1xf32>
    %broadcast_in_dim3A_148 = vector.broadcast %broadcast_in_dim3A_147 : vector<512x1xf32> to vector<512x16xf32>
    %concatenate3A = tpu.concatenate %broadcast_in_dim3A_142, %broadcast_in_dim3A_145, %broadcast_in_dim3A_148 in 1 : vector<512x16xf32>, vector<512x16xf32>, vector<512x16xf32> -> vector<512x48xf32>
    %swap3A_149 = arith.constant 0 : index
    %swap3A_150 = arith.constant 0 : index
    %swap3A_151 = arith.constant 0 : index
    %swap3A_152 = vector.load %arg9[%swap3A_149, %swap3A_150, %swap3A_151] : memref<1x512x48xf32, #tpu.memory_space<vmem>>, vector<1x512x48xf32>
    %swap3A_153 = vector.shape_cast %swap3A_152 : vector<1x512x48xf32> to vector<512x48xf32>
    %swap3A_154 = vector.shape_cast %concatenate3A : vector<512x48xf32> to vector<1x512x48xf32>
    tpu.vector_store %arg9[%swap3A_149, %swap3A_150, %swap3A_151], %swap3A_154 {strides = array<i32>} : memref<1x512x48xf32, #tpu.memory_space<vmem>>, vector<1x512x48xf32>,
    return
  }
  func.func @transform_0(%arg0: i32, %arg1: i32) -> (i32, i32, i32) {
    %add3A = arith.constant 0 : i32
    %add3A_0 = arith.addi %arg0, %add3A : i32
    %c0_i32 = arith.constant 0 : i32
    %c0_i32_1 = arith.constant 0 : i32
    return %add3A_0, %arg1, %c0_i32 : i32, i32, i32
  }
  func.func @transform_1(%arg0: i32, %arg1: i32) -> (i32, i32, i32) {
    %add3A = arith.constant 0 : i32
    %add3A_0 = arith.addi %arg0, %add3A : i32
    %c0_i32 = arith.constant 0 : i32
    %c0_i32_1 = arith.constant 0 : i32
    %c0_i32_2 = arith.constant 0 : i32
    return %add3A_0, %c0_i32, %c0_i32_1 : i32, i32, i32
  }
  func.func @transform_2(%arg0: i32, %arg1: i32) -> (i32, i32, i32) {
    %add3A = arith.constant 0 : i32
    %add3A_0 = arith.addi %arg0, %add3A : i32
    %c0_i32 = arith.constant 0 : i32
    %c0_i32_1 = arith.constant 0 : i32
    %c0_i32_2 = arith.constant 0 : i32
    return %add3A_0, %c0_i32, %c0_i32_1 : i32, i32, i32
  }
  func.func @transform_3(%arg0: i32, %arg1: i32) -> (i32, i32) {
    %c0_i32 = arith.constant 0 : i32
    %c0_i32_0 = arith.constant 0 : i32
    %c0_i32_1 = arith.constant 0 : i32
    return %c0_i32, %c0_i32_0 : i32, i32
  }
  func.func @transform_4(%arg0: i32, %arg1: i32) -> (i32, i32, i32) {
    %c0_i32 = arith.constant 0 : i32
    %c0_i32_0 = arith.constant 0 : i32
    return %arg0, %arg1, %c0_i32 : i32, i32, i32
  }
  func.func @transform_5(%arg0: i32, %arg1: i32) -> (i32, i32, i32) {
    %c0_i32 = arith.constant 0 : i32
    %c0_i32_0 = arith.constant 0 : i32
    return %arg0, %arg1, %c0_i32 : i32, i32, i32
  }
  func.func @transform_6(%arg0: i32, %arg1: i32) -> (i32, i32, i32) {
    %c0_i32 = arith.constant 0 : i32
    %c0_i32_0 = arith.constant 0 : i32
    return %arg0, %arg1, %c0_i32 : i32, i32, i32
  }
  func.func @transform_7(%arg0: i32, %arg1: i32) -> (i32, i32, i32) {
    %c0_i32 = arith.constant 0 : i32
    %c0_i32_0 = arith.constant 0 : i32
    return %arg0, %arg1, %c0_i32 : i32, i32, i32
  }
  func.func @transform_8(%arg0: i32, %arg1: i32) -> (i32, i32) {
    %add3A = arith.constant 0 : i32
    %add3A_0 = arith.addi %arg0, %add3A : i32
    %c0_i32 = arith.constant 0 : i32
    %c0_i32_1 = arith.constant 0 : i32
    return %add3A_0, %c0_i32 : i32, i32
  }
}

module attributes {stable_mosaic.version = 14 : i64} {
  func.func @_nn3_body(%arg0: i32, %arg1: i32, %arg2: memref<1x512x3xf32, #tpu.memory_space<vmem>>, %arg3: memref<1x3x1024xf32, #tpu.memory_space<vmem>>, %arg4: memref<1x512x1024xf32, #tpu.memory_space<vmem>>, %arg5: memref<512x512xf32, #tpu.memory_space<vmem>>, %arg6: memref<1x512x1xi32, #tpu.memory_space<vmem>>, %arg7: memref<1x512x1xi32, #tpu.memory_space<vmem>>, %arg8: memref<1x512x1xi32, #tpu.memory_space<vmem>>, %arg9: memref<1x512x48xf32, #tpu.memory_space<vmem>>, %arg10: memref<1024x512xf32, #tpu.memory_space<vmem>>) attributes {dimension_semantics = [#tpu.dimension_semantics<arbitrary>, #tpu.dimension_semantics<arbitrary>], iteration_bounds = array<i64: 8, 8>, scalar_prefetch = 0 : i64, scratch_operands = 0 : i64, tpu.core_type = #tpu.core_type<tc>, window_params = [{transform_indices = @transform_0, window_bounds = array<i64: 1, 512, 3>}, {transform_indices = @transform_1, window_bounds = array<i64: 1, 3, 1024>}, {transform_indices = @transform_2, window_bounds = array<i64: 1, 512, 1024>}, {pipeline_mode = #tpu.pipeline_mode<synchronous>, transform_indices = @transform_3, window_bounds = array<i64: 512, 512>}, {transform_indices = @transform_4, window_bounds = array<i64: 1, 512, 1>}, {transform_indices = @transform_5, window_bounds = array<i64: 1, 512, 1>}, {transform_indices = @transform_6, window_bounds = array<i64: 1, 512, 1>}, {transform_indices = @transform_7, window_bounds = array<i64: 1, 512, 48>}, {transform_indices = @transform_8, window_bounds = array<i64: 1024, 512>}]} {
    %eq3A = arith.constant 0 : i32
    %eq3A_0 = arith.cmpi eq, %arg1, %eq3A : i32
    %convert_element_type3A = arith.extui %eq3A_0 : i1 to i32
    %cond3A = arith.constant 0 : i32
    %cond3A_1 = arith.cmpi ne, %convert_element_type3A, %cond3A : i32
    scf.if %cond3A_1 {
      %get3A_155 = arith.constant 0 : index
      %get3A_156 = arith.constant 0 : index
      %get3A_157 = arith.constant 0 : index
      %get3A_158 = vector.load %arg4[%get3A_155, %get3A_156, %get3A_157] : memref<1x512x1024xf32, #tpu.memory_space<vmem>>, vector<1x512x1024xf32>
      %get3A_159 = vector.shape_cast %get3A_158 : vector<1x512x1024xf32> to vector<512x1024xf32>
      %convert_element_type3A_160 = arith.truncf %get3A_159 : vector<512x1024xf32> to vector<512x1024xbf16>
      %get3A_161 = arith.constant 0 : index
      %get3A_162 = arith.constant 0 : index
      %get3A_163 = vector.load %arg5[%get3A_161, %get3A_162] : memref<512x512xf32, #tpu.memory_space<vmem>>, vector<512x512xf32>
      %convert_element_type3A_164 = arith.truncf %get3A_163 : vector<512x512xf32> to vector<512x512xbf16>
      %dot_general3A = arith.constant dense<0.000000e+00> : vector<1024x512xf32>
      %dot_general3A_165 = tpu.matmul %convert_element_type3A_160, %convert_element_type3A_164, %dot_general3A {dimension_numbers = #tpu.dot_dimension_numbers<[0], [0], [1], [1], [0, 1, 1, 1], [], []>, transpose_lhs_hint = false} : vector<512x1024xbf16>, vector<512x512xbf16>, vector<1024x512xf32> -> vector<1024x512xf32>
      %swap3A_166 = arith.constant 0 : index
      %swap3A_167 = arith.constant 0 : index
      %swap3A_168 = vector.load %arg10[%swap3A_166, %swap3A_167] : memref<1024x512xf32, #tpu.memory_space<vmem>>, vector<1024x512xf32>
      tpu.vector_store %arg10[%swap3A_166, %swap3A_167], %dot_general3A_165 {strides = array<i32>} : memref<1024x512xf32, #tpu.memory_space<vmem>>, vector<1024x512xf32>,
    } else {
    }
    %get3A = arith.constant 0 : index
    %get3A_2 = arith.constant 0 : index
    %get3A_3 = arith.constant 0 : index
    %get3A_4 = vector.load %arg2[%get3A, %get3A_2, %get3A_3] : memref<1x512x3xf32, #tpu.memory_space<vmem>>, vector<1x512x3xf32>
    %get3A_5 = vector.shape_cast %get3A_4 : vector<1x512x3xf32> to vector<512x3xf32>
    %get3A_6 = arith.constant 0 : index
    %get3A_7 = arith.constant 0 : index
    %get3A_8 = arith.constant 0 : index
    %get3A_9 = vector.load %arg3[%get3A_6, %get3A_7, %get3A_8] : memref<1x3x1024xf32, #tpu.memory_space<vmem>>, vector<1x3x1024xf32>
    %get3A_10 = vector.shape_cast %get3A_9 : vector<1x3x1024xf32> to vector<3x1024xf32>
    %broadcast_in_dim3A = arith.constant 0.000000e+00 : f32
    %broadcast_in_dim3A_11 = vector.broadcast %broadcast_in_dim3A : f32 to vector<512x1024xf32>
    %slice3A = vector.extract_strided_slice %get3A_5 {offsets = [0, 0], sizes = [512, 1], strides = [1, 1]} : vector<512x3xf32> to vector<512x1xf32>
    %slice3A_12 = vector.extract_strided_slice %get3A_10 {offsets = [0, 0], sizes = [1, 1024], strides = [1, 1]} : vector<3x1024xf32> to vector<1x1024xf32>
    %sub3A = vector.broadcast %slice3A : vector<512x1xf32> to vector<512x1024xf32>
    %sub3A_13 = vector.broadcast %slice3A_12 : vector<1x1024xf32> to vector<512x1024xf32>
    %sub3A_14 = arith.subf %sub3A, %sub3A_13 : vector<512x1024xf32>
    %mul3A = arith.mulf %sub3A_14, %sub3A_14 : vector<512x1024xf32>
    %add3A = arith.addf %broadcast_in_dim3A_11, %mul3A : vector<512x1024xf32>
    %slice3A_15 = vector.extract_strided_slice %get3A_5 {offsets = [0, 1], sizes = [512, 1], strides = [1, 1]} : vector<512x3xf32> to vector<512x1xf32>
    %slice3A_16 = vector.extract_strided_slice %get3A_10 {offsets = [1, 0], sizes = [1, 1024], strides = [1, 1]} : vector<3x1024xf32> to vector<1x1024xf32>
    %sub3A_17 = vector.broadcast %slice3A_15 : vector<512x1xf32> to vector<512x1024xf32>
    %sub3A_18 = vector.broadcast %slice3A_16 : vector<1x1024xf32> to vector<512x1024xf32>
    %sub3A_19 = arith.subf %sub3A_17, %sub3A_18 : vector<512x1024xf32>
    %mul3A_20 = arith.mulf %sub3A_19, %sub3A_19 : vector<512x1024xf32>
    %add3A_21 = arith.addf %add3A, %mul3A_20 : vector<512x1024xf32>
    %slice3A_22 = vector.extract_strided_slice %get3A_5 {offsets = [0, 2], sizes = [512, 1], strides = [1, 1]} : vector<512x3xf32> to vector<512x1xf32>
    %slice3A_23 = vector.extract_strided_slice %get3A_10 {offsets = [2, 0], sizes = [1, 1024], strides = [1, 1]} : vector<3x1024xf32> to vector<1x1024xf32>
    %sub3A_24 = vector.broadcast %slice3A_22 : vector<512x1xf32> to vector<512x1024xf32>
    %sub3A_25 = vector.broadcast %slice3A_23 : vector<1x1024xf32> to vector<512x1024xf32>
    %sub3A_26 = arith.subf %sub3A_24, %sub3A_25 : vector<512x1024xf32>
    %mul3A_27 = arith.mulf %sub3A_26, %sub3A_26 : vector<512x1024xf32>
    %add3A_28 = arith.addf %add3A_21, %mul3A_27 : vector<512x1024xf32>
    %iota3A = tpu.iota {dimensions = array<i32: 1>} : vector<512x1024xi32>
    %convert_element_type3A_29 = arith.sitofp %iota3A : vector<512x1024xi32> to vector<512x1024xf32>
    %reduce_min3A = arith.constant dense<0x7F800000> : vector<512xf32>
    %reduce_min3A_30 = vector.multi_reduction <minimumf>, %add3A_28, %reduce_min3A [1] : vector<512x1024xf32> to vector<512xf32>
    %broadcast_in_dim3A_31 = vector.shape_cast %reduce_min3A_30 : vector<512xf32> to vector<512x1xf32>
    %eq3A_32 = vector.broadcast %broadcast_in_dim3A_31 : vector<512x1xf32> to vector<512x1024xf32>
    %eq3A_33 = arith.cmpf oeq, %add3A_28, %eq3A_32 : vector<512x1024xf32>
    %jit3A = arith.constant 1.07374182E+9 : f32
    %broadcast_in_dim3A_34 = vector.broadcast %jit3A : f32 to vector<512x1024xf32>
    %select_n3A = arith.select %eq3A_33, %convert_element_type3A_29, %broadcast_in_dim3A_34 : vector<512x1024xi1>, vector<512x1024xf32>
    %reduce_min3A_35 = arith.constant dense<0x7F800000> : vector<512xf32>
    %reduce_min3A_36 = vector.multi_reduction <minimumf>, %select_n3A, %reduce_min3A_35 [1] : vector<512x1024xf32> to vector<512xf32>
    %broadcast_in_dim3A_37 = vector.shape_cast %reduce_min3A_36 : vector<512xf32> to vector<512x1xf32>
    %eq3A_38 = vector.broadcast %broadcast_in_dim3A_37 : vector<512x1xf32> to vector<512x1024xf32>
    %eq3A_39 = arith.cmpf oeq, %convert_element_type3A_29, %eq3A_38 : vector<512x1024xf32>
    %jit3A_40 = arith.constant 0x7F800000 : f32
    %broadcast_in_dim3A_41 = vector.broadcast %jit3A_40 : f32 to vector<512x1024xf32>
    %select_n3A_42 = arith.select %eq3A_39, %broadcast_in_dim3A_41, %add3A_28 : vector<512x1024xi1>, vector<512x1024xf32>
    %convert_element_type3A_43 = arith.fptosi %broadcast_in_dim3A_37 : vector<512x1xf32> to vector<512x1xi32>
    %reduce_min3A_44 = arith.constant dense<0x7F800000> : vector<512xf32>
    %reduce_min3A_45 = vector.multi_reduction <minimumf>, %select_n3A_42, %reduce_min3A_44 [1] : vector<512x1024xf32> to vector<512xf32>
    %broadcast_in_dim3A_46 = vector.shape_cast %reduce_min3A_45 : vector<512xf32> to vector<512x1xf32>
    %eq3A_47 = vector.broadcast %broadcast_in_dim3A_46 : vector<512x1xf32> to vector<512x1024xf32>
    %eq3A_48 = arith.cmpf oeq, %select_n3A_42, %eq3A_47 : vector<512x1024xf32>
    %jit3A_49 = arith.constant 1.07374182E+9 : f32
    %broadcast_in_dim3A_50 = vector.broadcast %jit3A_49 : f32 to vector<512x1024xf32>
    %select_n3A_51 = arith.select %eq3A_48, %convert_element_type3A_29, %broadcast_in_dim3A_50 : vector<512x1024xi1>, vector<512x1024xf32>
    %reduce_min3A_52 = arith.constant dense<0x7F800000> : vector<512xf32>
    %reduce_min3A_53 = vector.multi_reduction <minimumf>, %select_n3A_51, %reduce_min3A_52 [1] : vector<512x1024xf32> to vector<512xf32>
    %broadcast_in_dim3A_54 = vector.shape_cast %reduce_min3A_53 : vector<512xf32> to vector<512x1xf32>
    %eq3A_55 = vector.broadcast %broadcast_in_dim3A_54 : vector<512x1xf32> to vector<512x1024xf32>
    %eq3A_56 = arith.cmpf oeq, %convert_element_type3A_29, %eq3A_55 : vector<512x1024xf32>
    %jit3A_57 = arith.constant 0x7F800000 : f32
    %broadcast_in_dim3A_58 = vector.broadcast %jit3A_57 : f32 to vector<512x1024xf32>
    %select_n3A_59 = arith.select %eq3A_56, %broadcast_in_dim3A_58, %select_n3A_42 : vector<512x1024xi1>, vector<512x1024xf32>
    %convert_element_type3A_60 = arith.fptosi %broadcast_in_dim3A_54 : vector<512x1xf32> to vector<512x1xi32>
    %reduce_min3A_61 = arith.constant dense<0x7F800000> : vector<512xf32>
    %reduce_min3A_62 = vector.multi_reduction <minimumf>, %select_n3A_59, %reduce_min3A_61 [1] : vector<512x1024xf32> to vector<512xf32>
    %broadcast_in_dim3A_63 = vector.shape_cast %reduce_min3A_62 : vector<512xf32> to vector<512x1xf32>
    %eq3A_64 = vector.broadcast %broadcast_in_dim3A_63 : vector<512x1xf32> to vector<512x1024xf32>
    %eq3A_65 = arith.cmpf oeq, %select_n3A_59, %eq3A_64 : vector<512x1024xf32>
    %jit3A_66 = arith.constant 1.07374182E+9 : f32
    %broadcast_in_dim3A_67 = vector.broadcast %jit3A_66 : f32 to vector<512x1024xf32>
    %select_n3A_68 = arith.select %eq3A_65, %convert_element_type3A_29, %broadcast_in_dim3A_67 : vector<512x1024xi1>, vector<512x1024xf32>
    %reduce_min3A_69 = arith.constant dense<0x7F800000> : vector<512xf32>
    %reduce_min3A_70 = vector.multi_reduction <minimumf>, %select_n3A_68, %reduce_min3A_69 [1] : vector<512x1024xf32> to vector<512xf32>
    %broadcast_in_dim3A_71 = vector.shape_cast %reduce_min3A_70 : vector<512xf32> to vector<512x1xf32>
    %convert_element_type3A_72 = arith.fptosi %broadcast_in_dim3A_71 : vector<512x1xf32> to vector<512x1xi32>
    %max3A = arith.constant 0.000000e+00 : f32
    %max3A_73 = vector.broadcast %max3A : f32 to vector<512x1xf32>
    %max3A_74 = arith.maximumf %broadcast_in_dim3A_31, %max3A_73 : vector<512x1xf32>
    %sqrt3A = math.sqrt %max3A_74 : vector<512x1xf32>
    %mul3A_75 = arith.mulf %sqrt3A, %sqrt3A : vector<512x1xf32>
    %lt3A = arith.constant 1.000000e-10 : f32
    %lt3A_76 = vector.broadcast %lt3A : f32 to vector<512x1xf32>
    %lt3A_77 = arith.cmpf olt, %mul3A_75, %lt3A_76 : vector<512x1xf32>
    %jit3A_78 = arith.constant 1.000000e-10 : f32
    %broadcast_in_dim3A_79 = vector.broadcast %jit3A_78 : f32 to vector<512x1xf32>
    %select_n3A_80 = arith.select %lt3A_77, %broadcast_in_dim3A_79, %mul3A_75 : vector<512x1xi1>, vector<512x1xf32>
    %div3A = arith.constant 1.000000e+00 : f32
    %div3A_81 = vector.broadcast %div3A : f32 to vector<512x1xf32>
    %div3A_82 = arith.divf %div3A_81, %select_n3A_80 : vector<512x1xf32>
    %max3A_83 = arith.constant 0.000000e+00 : f32
    %max3A_84 = vector.broadcast %max3A_83 : f32 to vector<512x1xf32>
    %max3A_85 = arith.maximumf %broadcast_in_dim3A_46, %max3A_84 : vector<512x1xf32>
    %sqrt3A_86 = math.sqrt %max3A_85 : vector<512x1xf32>
    %mul3A_87 = arith.mulf %sqrt3A_86, %sqrt3A_86 : vector<512x1xf32>
    %lt3A_88 = arith.constant 1.000000e-10 : f32
    %lt3A_89 = vector.broadcast %lt3A_88 : f32 to vector<512x1xf32>
    %lt3A_90 = arith.cmpf olt, %mul3A_87, %lt3A_89 : vector<512x1xf32>
    %jit3A_91 = arith.constant 1.000000e-10 : f32
    %broadcast_in_dim3A_92 = vector.broadcast %jit3A_91 : f32 to vector<512x1xf32>
    %select_n3A_93 = arith.select %lt3A_90, %broadcast_in_dim3A_92, %mul3A_87 : vector<512x1xi1>, vector<512x1xf32>
    %div3A_94 = arith.constant 1.000000e+00 : f32
    %div3A_95 = vector.broadcast %div3A_94 : f32 to vector<512x1xf32>
    %div3A_96 = arith.divf %div3A_95, %select_n3A_93 : vector<512x1xf32>
    %max3A_97 = arith.constant 0.000000e+00 : f32
    %max3A_98 = vector.broadcast %max3A_97 : f32 to vector<512x1xf32>
    %max3A_99 = arith.maximumf %broadcast_in_dim3A_63, %max3A_98 : vector<512x1xf32>
    %sqrt3A_100 = math.sqrt %max3A_99 : vector<512x1xf32>
    %mul3A_101 = arith.mulf %sqrt3A_100, %sqrt3A_100 : vector<512x1xf32>
    %lt3A_102 = arith.constant 1.000000e-10 : f32
    %lt3A_103 = vector.broadcast %lt3A_102 : f32 to vector<512x1xf32>
    %lt3A_104 = arith.cmpf olt, %mul3A_101, %lt3A_103 : vector<512x1xf32>
    %jit3A_105 = arith.constant 1.000000e-10 : f32
    %broadcast_in_dim3A_106 = vector.broadcast %jit3A_105 : f32 to vector<512x1xf32>
    %select_n3A_107 = arith.select %lt3A_104, %broadcast_in_dim3A_106, %mul3A_101 : vector<512x1xi1>, vector<512x1xf32>
    %div3A_108 = arith.constant 1.000000e+00 : f32
    %div3A_109 = vector.broadcast %div3A_108 : f32 to vector<512x1xf32>
    %div3A_110 = arith.divf %div3A_109, %select_n3A_107 : vector<512x1xf32>
    %add3A_111 = arith.addf %div3A_82, %div3A_96 : vector<512x1xf32>
    %add3A_112 = arith.addf %add3A_111, %div3A_110 : vector<512x1xf32>
    %add3A_113 = arith.constant 8 : i32
    %add3A_114 = arith.addi %arg0, %add3A_113 : i32
    %mul3A_115 = arith.constant 1024 : i32
    %mul3A_116 = arith.muli %add3A_114, %mul3A_115 : i32
    %add3A_117 = vector.broadcast %mul3A_116 : i32 to vector<512x1xi32>
    %add3A_118 = arith.addi %convert_element_type3A_43, %add3A_117 : vector<512x1xi32>
    %swap3A = arith.constant 0 : index
    %swap3A_119 = arith.constant 0 : index
    %swap3A_120 = arith.constant 0 : index
    %swap3A_121 = vector.load %arg6[%swap3A, %swap3A_119, %swap3A_120] : memref<1x512x1xi32, #tpu.memory_space<vmem>>, vector<1x512x1xi32>
    %swap3A_122 = vector.shape_cast %swap3A_121 : vector<1x512x1xi32> to vector<512x1xi32>
    %swap3A_123 = vector.shape_cast %add3A_118 : vector<512x1xi32> to vector<1x512x1xi32>
    tpu.vector_store %arg6[%swap3A, %swap3A_119, %swap3A_120], %swap3A_123 {strides = array<i32>} : memref<1x512x1xi32, #tpu.memory_space<vmem>>, vector<1x512x1xi32>,
    %add3A_124 = vector.broadcast %mul3A_116 : i32 to vector<512x1xi32>
    %add3A_125 = arith.addi %convert_element_type3A_60, %add3A_124 : vector<512x1xi32>
    %swap3A_126 = arith.constant 0 : index
    %swap3A_127 = arith.constant 0 : index
    %swap3A_128 = arith.constant 0 : index
    %swap3A_129 = vector.load %arg7[%swap3A_126, %swap3A_127, %swap3A_128] : memref<1x512x1xi32, #tpu.memory_space<vmem>>, vector<1x512x1xi32>
    %swap3A_130 = vector.shape_cast %swap3A_129 : vector<1x512x1xi32> to vector<512x1xi32>
    %swap3A_131 = vector.shape_cast %add3A_125 : vector<512x1xi32> to vector<1x512x1xi32>
    tpu.vector_store %arg7[%swap3A_126, %swap3A_127, %swap3A_128], %swap3A_131 {strides = array<i32>} : memref<1x512x1xi32, #tpu.memory_space<vmem>>, vector<1x512x1xi32>,
    %add3A_132 = vector.broadcast %mul3A_116 : i32 to vector<512x1xi32>
    %add3A_133 = arith.addi %convert_element_type3A_72, %add3A_132 : vector<512x1xi32>
    %swap3A_134 = arith.constant 0 : index
    %swap3A_135 = arith.constant 0 : index
    %swap3A_136 = arith.constant 0 : index
    %swap3A_137 = vector.load %arg8[%swap3A_134, %swap3A_135, %swap3A_136] : memref<1x512x1xi32, #tpu.memory_space<vmem>>, vector<1x512x1xi32>
    %swap3A_138 = vector.shape_cast %swap3A_137 : vector<1x512x1xi32> to vector<512x1xi32>
    %swap3A_139 = vector.shape_cast %add3A_133 : vector<512x1xi32> to vector<1x512x1xi32>
    tpu.vector_store %arg8[%swap3A_134, %swap3A_135, %swap3A_136], %swap3A_139 {strides = array<i32>} : memref<1x512x1xi32, #tpu.memory_space<vmem>>, vector<1x512x1xi32>,
    %div3A_140 = arith.divf %div3A_82, %add3A_112 : vector<512x1xf32>
    %broadcast_in_dim3A_141 = vector.shape_cast %div3A_140 : vector<512x1xf32> to vector<512x1xf32>
    %broadcast_in_dim3A_142 = vector.broadcast %broadcast_in_dim3A_141 : vector<512x1xf32> to vector<512x16xf32>
    %div3A_143 = arith.divf %div3A_96, %add3A_112 : vector<512x1xf32>
    %broadcast_in_dim3A_144 = vector.shape_cast %div3A_143 : vector<512x1xf32> to vector<512x1xf32>
    %broadcast_in_dim3A_145 = vector.broadcast %broadcast_in_dim3A_144 : vector<512x1xf32> to vector<512x16xf32>
    %div3A_146 = arith.divf %div3A_110, %add3A_112 : vector<512x1xf32>
    %broadcast_in_dim3A_147 = vector.shape_cast %div3A_146 : vector<512x1xf32> to vector<512x1xf32>
    %broadcast_in_dim3A_148 = vector.broadcast %broadcast_in_dim3A_147 : vector<512x1xf32> to vector<512x16xf32>
    %concatenate3A = tpu.concatenate %broadcast_in_dim3A_142, %broadcast_in_dim3A_145, %broadcast_in_dim3A_148 in 1 : vector<512x16xf32>, vector<512x16xf32>, vector<512x16xf32> -> vector<512x48xf32>
    %swap3A_149 = arith.constant 0 : index
    %swap3A_150 = arith.constant 0 : index
    %swap3A_151 = arith.constant 0 : index
    %swap3A_152 = vector.load %arg9[%swap3A_149, %swap3A_150, %swap3A_151] : memref<1x512x48xf32, #tpu.memory_space<vmem>>, vector<1x512x48xf32>
    %swap3A_153 = vector.shape_cast %swap3A_152 : vector<1x512x48xf32> to vector<512x48xf32>
    %swap3A_154 = vector.shape_cast %concatenate3A : vector<512x48xf32> to vector<1x512x48xf32>
    tpu.vector_store %arg9[%swap3A_149, %swap3A_150, %swap3A_151], %swap3A_154 {strides = array<i32>} : memref<1x512x48xf32, #tpu.memory_space<vmem>>, vector<1x512x48xf32>,
    return
  }
  func.func @transform_0(%arg0: i32, %arg1: i32) -> (i32, i32, i32) {
    %add3A = arith.constant 8 : i32
    %add3A_0 = arith.addi %arg0, %add3A : i32
    %c0_i32 = arith.constant 0 : i32
    %c0_i32_1 = arith.constant 0 : i32
    return %add3A_0, %arg1, %c0_i32 : i32, i32, i32
  }
  func.func @transform_1(%arg0: i32, %arg1: i32) -> (i32, i32, i32) {
    %add3A = arith.constant 8 : i32
    %add3A_0 = arith.addi %arg0, %add3A : i32
    %c0_i32 = arith.constant 0 : i32
    %c0_i32_1 = arith.constant 0 : i32
    %c0_i32_2 = arith.constant 0 : i32
    return %add3A_0, %c0_i32, %c0_i32_1 : i32, i32, i32
  }
  func.func @transform_2(%arg0: i32, %arg1: i32) -> (i32, i32, i32) {
    %add3A = arith.constant 8 : i32
    %add3A_0 = arith.addi %arg0, %add3A : i32
    %c0_i32 = arith.constant 0 : i32
    %c0_i32_1 = arith.constant 0 : i32
    %c0_i32_2 = arith.constant 0 : i32
    return %add3A_0, %c0_i32, %c0_i32_1 : i32, i32, i32
  }
  func.func @transform_3(%arg0: i32, %arg1: i32) -> (i32, i32) {
    %c0_i32 = arith.constant 0 : i32
    %c0_i32_0 = arith.constant 0 : i32
    %c0_i32_1 = arith.constant 0 : i32
    return %c0_i32, %c0_i32_0 : i32, i32
  }
  func.func @transform_4(%arg0: i32, %arg1: i32) -> (i32, i32, i32) {
    %c0_i32 = arith.constant 0 : i32
    %c0_i32_0 = arith.constant 0 : i32
    return %arg0, %arg1, %c0_i32 : i32, i32, i32
  }
  func.func @transform_5(%arg0: i32, %arg1: i32) -> (i32, i32, i32) {
    %c0_i32 = arith.constant 0 : i32
    %c0_i32_0 = arith.constant 0 : i32
    return %arg0, %arg1, %c0_i32 : i32, i32, i32
  }
  func.func @transform_6(%arg0: i32, %arg1: i32) -> (i32, i32, i32) {
    %c0_i32 = arith.constant 0 : i32
    %c0_i32_0 = arith.constant 0 : i32
    return %arg0, %arg1, %c0_i32 : i32, i32, i32
  }
  func.func @transform_7(%arg0: i32, %arg1: i32) -> (i32, i32, i32) {
    %c0_i32 = arith.constant 0 : i32
    %c0_i32_0 = arith.constant 0 : i32
    return %arg0, %arg1, %c0_i32 : i32, i32, i32
  }
  func.func @transform_8(%arg0: i32, %arg1: i32) -> (i32, i32) {
    %add3A = arith.constant 8 : i32
    %add3A_0 = arith.addi %arg0, %add3A : i32
    %c0_i32 = arith.constant 0 : i32
    %c0_i32_1 = arith.constant 0 : i32
    return %add3A_0, %c0_i32 : i32, i32
  }
}

module attributes {stable_mosaic.version = 14 : i64} {
  func.func @_mlp1_body(%arg0: i32, %arg1: i32, %arg2: memref<512x512xf32, #tpu.memory_space<vmem>>, %arg3: memref<1x256x512xf32, #tpu.memory_space<vmem>>, %arg4: memref<256x512xf32, #tpu.memory_space<vmem>>, %arg5: memref<1x512xf32, #tpu.memory_space<vmem>>, %arg6: memref<512x512xbf16, #tpu.memory_space<vmem>>, %arg7: memref<1x512xf32, #tpu.memory_space<vmem>>, %arg8: memref<1x512xf32, #tpu.memory_space<vmem>>) attributes {dimension_semantics = [#tpu.dimension_semantics<arbitrary>, #tpu.dimension_semantics<arbitrary>], iteration_bounds = array<i64: 8, 8>, scalar_prefetch = 0 : i64, scratch_operands = 0 : i64, tpu.core_type = #tpu.core_type<tc>, window_params = [{transform_indices = @transform_0, window_bounds = array<i64: 512, 512>}, {transform_indices = @transform_1, window_bounds = array<i64: 1, 256, 512>}, {pipeline_mode = #tpu.pipeline_mode<synchronous>, transform_indices = @transform_2, window_bounds = array<i64: 256, 512>}, {pipeline_mode = #tpu.pipeline_mode<synchronous>, transform_indices = @transform_3, window_bounds = array<i64: 1, 512>}, {transform_indices = @transform_4, window_bounds = array<i64: 512, 512>}, {pipeline_mode = #tpu.pipeline_mode<synchronous>, transform_indices = @transform_5, window_bounds = array<i64: 1, 512>}, {pipeline_mode = #tpu.pipeline_mode<synchronous>, transform_indices = @transform_6, window_bounds = array<i64: 1, 512>}]} {
    %get3A = arith.constant 0 : index
    %get3A_0 = arith.constant 0 : index
    %get3A_1 = vector.load %arg2[%get3A, %get3A_0] : memref<512x512xf32, #tpu.memory_space<vmem>>, vector<512x512xf32>
    %get3A_2 = arith.constant 0 : index
    %get3A_3 = arith.constant 0 : index
    %get3A_4 = arith.constant 0 : index
    %get3A_5 = vector.load %arg3[%get3A_2, %get3A_3, %get3A_4] : memref<1x256x512xf32, #tpu.memory_space<vmem>>, vector<1x256x512xf32>
    %get3A_6 = vector.shape_cast %get3A_5 : vector<1x256x512xf32> to vector<256x512xf32>
    %convert_element_type3A = arith.truncf %get3A_6 : vector<256x512xf32> to vector<256x512xbf16>
    %get3A_7 = arith.constant 0 : index
    %get3A_8 = arith.constant 0 : index
    %get3A_9 = vector.load %arg4[%get3A_7, %get3A_8] : memref<256x512xf32, #tpu.memory_space<vmem>>, vector<256x512xf32>
    %convert_element_type3A_10 = arith.truncf %get3A_9 : vector<256x512xf32> to vector<256x512xbf16>
    %dot_general3A = arith.constant dense<0.000000e+00> : vector<512x512xf32>
    %dot_general3A_11 = tpu.matmul %convert_element_type3A, %convert_element_type3A_10, %dot_general3A {dimension_numbers = #tpu.dot_dimension_numbers<[0], [0], [1], [1], [0, 1, 1, 1], [], []>, transpose_lhs_hint = false} : vector<256x512xbf16>, vector<256x512xbf16>, vector<512x512xf32> -> vector<512x512xf32>
    %add3A = arith.addf %get3A_1, %dot_general3A_11 : vector<512x512xf32>
    %get3A_12 = arith.constant 0 : index
    %get3A_13 = arith.constant 0 : index
    %get3A_14 = vector.load %arg5[%get3A_12, %get3A_13] : memref<1x512xf32, #tpu.memory_space<vmem>>, vector<1x512xf32>
    %add3A_15 = vector.broadcast %get3A_14 : vector<1x512xf32> to vector<512x512xf32>
    %add3A_16 = arith.addf %add3A, %add3A_15 : vector<512x512xf32>
    %convert_element_type3A_17 = arith.truncf %add3A_16 : vector<512x512xf32> to vector<512x512xbf16>
    %swap3A = arith.constant 0 : index
    %swap3A_18 = arith.constant 0 : index
    %swap3A_19 = vector.load %arg6[%swap3A, %swap3A_18] : memref<512x512xbf16, #tpu.memory_space<vmem>>, vector<512x512xbf16>
    tpu.vector_store %arg6[%swap3A, %swap3A_18], %convert_element_type3A_17 {strides = array<i32>} : memref<512x512xbf16, #tpu.memory_space<vmem>>, vector<512x512xbf16>,
    %eq3A = arith.constant 0 : i32
    %eq3A_20 = arith.cmpi eq, %arg0, %eq3A : i32
    %eq3A_21 = arith.constant 0 : i32
    %eq3A_22 = arith.cmpi eq, %arg1, %eq3A_21 : i32
    %and3A = arith.andi %eq3A_20, %eq3A_22 : i1
    %convert_element_type3A_23 = arith.extui %and3A : i1 to i32
    %cond3A = arith.constant 0 : i32
    %cond3A_24 = arith.cmpi ne, %convert_element_type3A_23, %cond3A : i32
    scf.if %cond3A_24 {
      %broadcast_in_dim3A_43 = arith.constant 0.000000e+00 : f32
      %broadcast_in_dim3A_44 = vector.broadcast %broadcast_in_dim3A_43 : f32 to vector<1x512xf32>
      %swap3A_45 = arith.constant 0 : index
      %swap3A_46 = arith.constant 0 : index
      %swap3A_47 = vector.load %arg7[%swap3A_45, %swap3A_46] : memref<1x512xf32, #tpu.memory_space<vmem>>, vector<1x512xf32>
      tpu.vector_store %arg7[%swap3A_45, %swap3A_46], %broadcast_in_dim3A_44 {strides = array<i32>} : memref<1x512xf32, #tpu.memory_space<vmem>>, vector<1x512xf32>,
      %broadcast_in_dim3A_48 = arith.constant 0.000000e+00 : f32
      %broadcast_in_dim3A_49 = vector.broadcast %broadcast_in_dim3A_48 : f32 to vector<1x512xf32>
      %swap3A_50 = arith.constant 0 : index
      %swap3A_51 = arith.constant 0 : index
      %swap3A_52 = vector.load %arg8[%swap3A_50, %swap3A_51] : memref<1x512xf32, #tpu.memory_space<vmem>>, vector<1x512xf32>
      tpu.vector_store %arg8[%swap3A_50, %swap3A_51], %broadcast_in_dim3A_49 {strides = array<i32>} : memref<1x512xf32, #tpu.memory_space<vmem>>, vector<1x512xf32>,
    } else {
    }
    %get3A_25 = arith.constant 0 : index
    %get3A_26 = arith.constant 0 : index
    %get3A_27 = vector.load %arg7[%get3A_25, %get3A_26] : memref<1x512xf32, #tpu.memory_space<vmem>>, vector<1x512xf32>
    %reduce_sum3A = arith.constant dense<0.000000e+00> : vector<512xf32>
    %reduce_sum3A_28 = vector.multi_reduction <add>, %add3A_16, %reduce_sum3A [0] : vector<512x512xf32> to vector<512xf32>
    %broadcast_in_dim3A = vector.shape_cast %reduce_sum3A_28 : vector<512xf32> to vector<1x512xf32>
    %add3A_29 = arith.addf %get3A_27, %broadcast_in_dim3A : vector<1x512xf32>
    %swap3A_30 = arith.constant 0 : index
    %swap3A_31 = arith.constant 0 : index
    %swap3A_32 = vector.load %arg7[%swap3A_30, %swap3A_31] : memref<1x512xf32, #tpu.memory_space<vmem>>, vector<1x512xf32>
    tpu.vector_store %arg7[%swap3A_30, %swap3A_31], %add3A_29 {strides = array<i32>} : memref<1x512xf32, #tpu.memory_space<vmem>>, vector<1x512xf32>,
    %get3A_33 = arith.constant 0 : index
    %get3A_34 = arith.constant 0 : index
    %get3A_35 = vector.load %arg8[%get3A_33, %get3A_34] : memref<1x512xf32, #tpu.memory_space<vmem>>, vector<1x512xf32>
    %mul3A = arith.mulf %add3A_16, %add3A_16 : vector<512x512xf32>
    %reduce_sum3A_36 = arith.constant dense<0.000000e+00> : vector<512xf32>
    %reduce_sum3A_37 = vector.multi_reduction <add>, %mul3A, %reduce_sum3A_36 [0] : vector<512x512xf32> to vector<512xf32>
    %broadcast_in_dim3A_38 = vector.shape_cast %reduce_sum3A_37 : vector<512xf32> to vector<1x512xf32>
    %add3A_39 = arith.addf %get3A_35, %broadcast_in_dim3A_38 : vector<1x512xf32>
    %swap3A_40 = arith.constant 0 : index
    %swap3A_41 = arith.constant 0 : index
    %swap3A_42 = vector.load %arg8[%swap3A_40, %swap3A_41] : memref<1x512xf32, #tpu.memory_space<vmem>>, vector<1x512xf32>
    tpu.vector_store %arg8[%swap3A_40, %swap3A_41], %add3A_39 {strides = array<i32>} : memref<1x512xf32, #tpu.memory_space<vmem>>, vector<1x512xf32>,
    return
  }
  func.func @transform_0(%arg0: i32, %arg1: i32) -> (i32, i32) {
    %mul3A = arith.constant 8 : i32
    %mul3A_0 = arith.muli %arg0, %mul3A : i32
    %add3A = arith.addi %mul3A_0, %arg1 : i32
    %c0_i32 = arith.constant 0 : i32
    %c0_i32_1 = arith.constant 0 : i32
    return %add3A, %c0_i32 : i32, i32
  }
  func.func @transform_1(%arg0: i32, %arg1: i32) -> (i32, i32, i32) {
    %add3A = arith.constant 0 : i32
    %add3A_0 = arith.addi %arg0, %add3A : i32
    %c0_i32 = arith.constant 0 : i32
    %c0_i32_1 = arith.constant 0 : i32
    return %add3A_0, %c0_i32, %arg1 : i32, i32, i32
  }
  func.func @transform_2(%arg0: i32, %arg1: i32) -> (i32, i32) {
    %c0_i32 = arith.constant 0 : i32
    %c0_i32_0 = arith.constant 0 : i32
    %c0_i32_1 = arith.constant 0 : i32
    return %c0_i32, %c0_i32_0 : i32, i32
  }
  func.func @transform_3(%arg0: i32, %arg1: i32) -> (i32, i32) {
    %c0_i32 = arith.constant 0 : i32
    %c0_i32_0 = arith.constant 0 : i32
    %c0_i32_1 = arith.constant 0 : i32
    return %c0_i32, %c0_i32_0 : i32, i32
  }
  func.func @transform_4(%arg0: i32, %arg1: i32) -> (i32, i32) {
    %mul3A = arith.constant 8 : i32
    %mul3A_0 = arith.muli %arg0, %mul3A : i32
    %add3A = arith.addi %mul3A_0, %arg1 : i32
    %c0_i32 = arith.constant 0 : i32
    %c0_i32_1 = arith.constant 0 : i32
    return %add3A, %c0_i32 : i32, i32
  }
  func.func @transform_5(%arg0: i32, %arg1: i32) -> (i32, i32) {
    %c0_i32 = arith.constant 0 : i32
    %c0_i32_0 = arith.constant 0 : i32
    %c0_i32_1 = arith.constant 0 : i32
    return %c0_i32, %c0_i32_0 : i32, i32
  }
  func.func @transform_6(%arg0: i32, %arg1: i32) -> (i32, i32) {
    %c0_i32 = arith.constant 0 : i32
    %c0_i32_0 = arith.constant 0 : i32
    %c0_i32_1 = arith.constant 0 : i32
    return %c0_i32, %c0_i32_0 : i32, i32
  }
}

module attributes {stable_mosaic.version = 14 : i64} {
  func.func @_mlp1_body(%arg0: i32, %arg1: i32, %arg2: memref<512x512xf32, #tpu.memory_space<vmem>>, %arg3: memref<1x256x512xf32, #tpu.memory_space<vmem>>, %arg4: memref<256x512xf32, #tpu.memory_space<vmem>>, %arg5: memref<1x512xf32, #tpu.memory_space<vmem>>, %arg6: memref<512x512xbf16, #tpu.memory_space<vmem>>, %arg7: memref<1x512xf32, #tpu.memory_space<vmem>>, %arg8: memref<1x512xf32, #tpu.memory_space<vmem>>) attributes {dimension_semantics = [#tpu.dimension_semantics<arbitrary>, #tpu.dimension_semantics<arbitrary>], iteration_bounds = array<i64: 8, 8>, scalar_prefetch = 0 : i64, scratch_operands = 0 : i64, tpu.core_type = #tpu.core_type<tc>, window_params = [{transform_indices = @transform_0, window_bounds = array<i64: 512, 512>}, {transform_indices = @transform_1, window_bounds = array<i64: 1, 256, 512>}, {pipeline_mode = #tpu.pipeline_mode<synchronous>, transform_indices = @transform_2, window_bounds = array<i64: 256, 512>}, {pipeline_mode = #tpu.pipeline_mode<synchronous>, transform_indices = @transform_3, window_bounds = array<i64: 1, 512>}, {transform_indices = @transform_4, window_bounds = array<i64: 512, 512>}, {pipeline_mode = #tpu.pipeline_mode<synchronous>, transform_indices = @transform_5, window_bounds = array<i64: 1, 512>}, {pipeline_mode = #tpu.pipeline_mode<synchronous>, transform_indices = @transform_6, window_bounds = array<i64: 1, 512>}]} {
    %get3A = arith.constant 0 : index
    %get3A_0 = arith.constant 0 : index
    %get3A_1 = vector.load %arg2[%get3A, %get3A_0] : memref<512x512xf32, #tpu.memory_space<vmem>>, vector<512x512xf32>
    %get3A_2 = arith.constant 0 : index
    %get3A_3 = arith.constant 0 : index
    %get3A_4 = arith.constant 0 : index
    %get3A_5 = vector.load %arg3[%get3A_2, %get3A_3, %get3A_4] : memref<1x256x512xf32, #tpu.memory_space<vmem>>, vector<1x256x512xf32>
    %get3A_6 = vector.shape_cast %get3A_5 : vector<1x256x512xf32> to vector<256x512xf32>
    %convert_element_type3A = arith.truncf %get3A_6 : vector<256x512xf32> to vector<256x512xbf16>
    %get3A_7 = arith.constant 0 : index
    %get3A_8 = arith.constant 0 : index
    %get3A_9 = vector.load %arg4[%get3A_7, %get3A_8] : memref<256x512xf32, #tpu.memory_space<vmem>>, vector<256x512xf32>
    %convert_element_type3A_10 = arith.truncf %get3A_9 : vector<256x512xf32> to vector<256x512xbf16>
    %dot_general3A = arith.constant dense<0.000000e+00> : vector<512x512xf32>
    %dot_general3A_11 = tpu.matmul %convert_element_type3A, %convert_element_type3A_10, %dot_general3A {dimension_numbers = #tpu.dot_dimension_numbers<[0], [0], [1], [1], [0, 1, 1, 1], [], []>, transpose_lhs_hint = false} : vector<256x512xbf16>, vector<256x512xbf16>, vector<512x512xf32> -> vector<512x512xf32>
    %add3A = arith.addf %get3A_1, %dot_general3A_11 : vector<512x512xf32>
    %get3A_12 = arith.constant 0 : index
    %get3A_13 = arith.constant 0 : index
    %get3A_14 = vector.load %arg5[%get3A_12, %get3A_13] : memref<1x512xf32, #tpu.memory_space<vmem>>, vector<1x512xf32>
    %add3A_15 = vector.broadcast %get3A_14 : vector<1x512xf32> to vector<512x512xf32>
    %add3A_16 = arith.addf %add3A, %add3A_15 : vector<512x512xf32>
    %convert_element_type3A_17 = arith.truncf %add3A_16 : vector<512x512xf32> to vector<512x512xbf16>
    %swap3A = arith.constant 0 : index
    %swap3A_18 = arith.constant 0 : index
    %swap3A_19 = vector.load %arg6[%swap3A, %swap3A_18] : memref<512x512xbf16, #tpu.memory_space<vmem>>, vector<512x512xbf16>
    tpu.vector_store %arg6[%swap3A, %swap3A_18], %convert_element_type3A_17 {strides = array<i32>} : memref<512x512xbf16, #tpu.memory_space<vmem>>, vector<512x512xbf16>,
    %eq3A = arith.constant 0 : i32
    %eq3A_20 = arith.cmpi eq, %arg0, %eq3A : i32
    %eq3A_21 = arith.constant 0 : i32
    %eq3A_22 = arith.cmpi eq, %arg1, %eq3A_21 : i32
    %and3A = arith.andi %eq3A_20, %eq3A_22 : i1
    %convert_element_type3A_23 = arith.extui %and3A : i1 to i32
    %cond3A = arith.constant 0 : i32
    %cond3A_24 = arith.cmpi ne, %convert_element_type3A_23, %cond3A : i32
    scf.if %cond3A_24 {
      %broadcast_in_dim3A_43 = arith.constant 0.000000e+00 : f32
      %broadcast_in_dim3A_44 = vector.broadcast %broadcast_in_dim3A_43 : f32 to vector<1x512xf32>
      %swap3A_45 = arith.constant 0 : index
      %swap3A_46 = arith.constant 0 : index
      %swap3A_47 = vector.load %arg7[%swap3A_45, %swap3A_46] : memref<1x512xf32, #tpu.memory_space<vmem>>, vector<1x512xf32>
      tpu.vector_store %arg7[%swap3A_45, %swap3A_46], %broadcast_in_dim3A_44 {strides = array<i32>} : memref<1x512xf32, #tpu.memory_space<vmem>>, vector<1x512xf32>,
      %broadcast_in_dim3A_48 = arith.constant 0.000000e+00 : f32
      %broadcast_in_dim3A_49 = vector.broadcast %broadcast_in_dim3A_48 : f32 to vector<1x512xf32>
      %swap3A_50 = arith.constant 0 : index
      %swap3A_51 = arith.constant 0 : index
      %swap3A_52 = vector.load %arg8[%swap3A_50, %swap3A_51] : memref<1x512xf32, #tpu.memory_space<vmem>>, vector<1x512xf32>
      tpu.vector_store %arg8[%swap3A_50, %swap3A_51], %broadcast_in_dim3A_49 {strides = array<i32>} : memref<1x512xf32, #tpu.memory_space<vmem>>, vector<1x512xf32>,
    } else {
    }
    %get3A_25 = arith.constant 0 : index
    %get3A_26 = arith.constant 0 : index
    %get3A_27 = vector.load %arg7[%get3A_25, %get3A_26] : memref<1x512xf32, #tpu.memory_space<vmem>>, vector<1x512xf32>
    %reduce_sum3A = arith.constant dense<0.000000e+00> : vector<512xf32>
    %reduce_sum3A_28 = vector.multi_reduction <add>, %add3A_16, %reduce_sum3A [0] : vector<512x512xf32> to vector<512xf32>
    %broadcast_in_dim3A = vector.shape_cast %reduce_sum3A_28 : vector<512xf32> to vector<1x512xf32>
    %add3A_29 = arith.addf %get3A_27, %broadcast_in_dim3A : vector<1x512xf32>
    %swap3A_30 = arith.constant 0 : index
    %swap3A_31 = arith.constant 0 : index
    %swap3A_32 = vector.load %arg7[%swap3A_30, %swap3A_31] : memref<1x512xf32, #tpu.memory_space<vmem>>, vector<1x512xf32>
    tpu.vector_store %arg7[%swap3A_30, %swap3A_31], %add3A_29 {strides = array<i32>} : memref<1x512xf32, #tpu.memory_space<vmem>>, vector<1x512xf32>,
    %get3A_33 = arith.constant 0 : index
    %get3A_34 = arith.constant 0 : index
    %get3A_35 = vector.load %arg8[%get3A_33, %get3A_34] : memref<1x512xf32, #tpu.memory_space<vmem>>, vector<1x512xf32>
    %mul3A = arith.mulf %add3A_16, %add3A_16 : vector<512x512xf32>
    %reduce_sum3A_36 = arith.constant dense<0.000000e+00> : vector<512xf32>
    %reduce_sum3A_37 = vector.multi_reduction <add>, %mul3A, %reduce_sum3A_36 [0] : vector<512x512xf32> to vector<512xf32>
    %broadcast_in_dim3A_38 = vector.shape_cast %reduce_sum3A_37 : vector<512xf32> to vector<1x512xf32>
    %add3A_39 = arith.addf %get3A_35, %broadcast_in_dim3A_38 : vector<1x512xf32>
    %swap3A_40 = arith.constant 0 : index
    %swap3A_41 = arith.constant 0 : index
    %swap3A_42 = vector.load %arg8[%swap3A_40, %swap3A_41] : memref<1x512xf32, #tpu.memory_space<vmem>>, vector<1x512xf32>
    tpu.vector_store %arg8[%swap3A_40, %swap3A_41], %add3A_39 {strides = array<i32>} : memref<1x512xf32, #tpu.memory_space<vmem>>, vector<1x512xf32>,
    return
  }
  func.func @transform_0(%arg0: i32, %arg1: i32) -> (i32, i32) {
    %mul3A = arith.constant 8 : i32
    %mul3A_0 = arith.muli %arg0, %mul3A : i32
    %add3A = arith.addi %mul3A_0, %arg1 : i32
    %c0_i32 = arith.constant 0 : i32
    %c0_i32_1 = arith.constant 0 : i32
    return %add3A, %c0_i32 : i32, i32
  }
  func.func @transform_1(%arg0: i32, %arg1: i32) -> (i32, i32, i32) {
    %add3A = arith.constant 8 : i32
    %add3A_0 = arith.addi %arg0, %add3A : i32
    %c0_i32 = arith.constant 0 : i32
    %c0_i32_1 = arith.constant 0 : i32
    return %add3A_0, %c0_i32, %arg1 : i32, i32, i32
  }
  func.func @transform_2(%arg0: i32, %arg1: i32) -> (i32, i32) {
    %c0_i32 = arith.constant 0 : i32
    %c0_i32_0 = arith.constant 0 : i32
    %c0_i32_1 = arith.constant 0 : i32
    return %c0_i32, %c0_i32_0 : i32, i32
  }
  func.func @transform_3(%arg0: i32, %arg1: i32) -> (i32, i32) {
    %c0_i32 = arith.constant 0 : i32
    %c0_i32_0 = arith.constant 0 : i32
    %c0_i32_1 = arith.constant 0 : i32
    return %c0_i32, %c0_i32_0 : i32, i32
  }
  func.func @transform_4(%arg0: i32, %arg1: i32) -> (i32, i32) {
    %mul3A = arith.constant 8 : i32
    %mul3A_0 = arith.muli %arg0, %mul3A : i32
    %add3A = arith.addi %mul3A_0, %arg1 : i32
    %c0_i32 = arith.constant 0 : i32
    %c0_i32_1 = arith.constant 0 : i32
    return %add3A, %c0_i32 : i32, i32
  }
  func.func @transform_5(%arg0: i32, %arg1: i32) -> (i32, i32) {
    %c0_i32 = arith.constant 0 : i32
    %c0_i32_0 = arith.constant 0 : i32
    %c0_i32_1 = arith.constant 0 : i32
    return %c0_i32, %c0_i32_0 : i32, i32
  }
  func.func @transform_6(%arg0: i32, %arg1: i32) -> (i32, i32) {
    %c0_i32 = arith.constant 0 : i32
    %c0_i32_0 = arith.constant 0 : i32
    %c0_i32_1 = arith.constant 0 : i32
    return %c0_i32, %c0_i32_0 : i32, i32
  }
}

module attributes {stable_mosaic.version = 14 : i64} {
  func.func @_mlp2_body(%arg0: i32, %arg1: memref<512x512xbf16, #tpu.memory_space<vmem>>, %arg2: memref<1x512xf32, #tpu.memory_space<vmem>>, %arg3: memref<1x512xf32, #tpu.memory_space<vmem>>, %arg4: memref<1x512xf32, #tpu.memory_space<vmem>>, %arg5: memref<1x512xf32, #tpu.memory_space<vmem>>, %arg6: memref<1x512xf32, #tpu.memory_space<vmem>>, %arg7: memref<1x512xf32, #tpu.memory_space<vmem>>, %arg8: memref<512x256xf32, #tpu.memory_space<vmem>>, %arg9: memref<1x256xf32, #tpu.memory_space<vmem>>, %arg10: memref<512x256xbf16, #tpu.memory_space<vmem>>, %arg11: memref<1x256xf32, #tpu.memory_space<vmem>>, %arg12: memref<1x256xf32, #tpu.memory_space<vmem>>) attributes {dimension_semantics = [#tpu.dimension_semantics<arbitrary>], iteration_bounds = array<i64: 64>, scalar_prefetch = 0 : i64, scratch_operands = 0 : i64, tpu.core_type = #tpu.core_type<tc>, window_params = [{transform_indices = @transform_0, window_bounds = array<i64: 512, 512>}, {pipeline_mode = #tpu.pipeline_mode<synchronous>, transform_indices = @transform_1, window_bounds = array<i64: 1, 512>}, {pipeline_mode = #tpu.pipeline_mode<synchronous>, transform_indices = @transform_2, window_bounds = array<i64: 1, 512>}, {pipeline_mode = #tpu.pipeline_mode<synchronous>, transform_indices = @transform_3, window_bounds = array<i64: 1, 512>}, {pipeline_mode = #tpu.pipeline_mode<synchronous>, transform_indices = @transform_4, window_bounds = array<i64: 1, 512>}, {pipeline_mode = #tpu.pipeline_mode<synchronous>, transform_indices = @transform_5, window_bounds = array<i64: 1, 512>}, {pipeline_mode = #tpu.pipeline_mode<synchronous>, transform_indices = @transform_6, window_bounds = array<i64: 1, 512>}, {pipeline_mode = #tpu.pipeline_mode<synchronous>, transform_indices = @transform_7, window_bounds = array<i64: 512, 256>}, {pipeline_mode = #tpu.pipeline_mode<synchronous>, transform_indices = @transform_8, window_bounds = array<i64: 1, 256>}, {transform_indices = @transform_9, window_bounds = array<i64: 512, 256>}, {pipeline_mode = #tpu.pipeline_mode<synchronous>, transform_indices = @transform_10, window_bounds = array<i64: 1, 256>}, {pipeline_mode = #tpu.pipeline_mode<synchronous>, transform_indices = @transform_11, window_bounds = array<i64: 1, 256>}]} {
    %get3A = arith.constant 0 : index
    %get3A_0 = arith.constant 0 : index
    %get3A_1 = vector.load %arg2[%get3A, %get3A_0] : memref<1x512xf32, #tpu.memory_space<vmem>>, vector<1x512xf32>
    %get3A_2 = arith.constant 0 : index
    %get3A_3 = arith.constant 0 : index
    %get3A_4 = vector.load %arg4[%get3A_2, %get3A_3] : memref<1x512xf32, #tpu.memory_space<vmem>>, vector<1x512xf32>
    %add3A = arith.addf %get3A_1, %get3A_4 : vector<1x512xf32>
    %mul3A = arith.constant 1.52587891E-5 : f32
    %mul3A_5 = vector.broadcast %mul3A : f32 to vector<1x512xf32>
    %mul3A_6 = arith.mulf %add3A, %mul3A_5 : vector<1x512xf32>
    %get3A_7 = arith.constant 0 : index
    %get3A_8 = arith.constant 0 : index
    %get3A_9 = vector.load %arg3[%get3A_7, %get3A_8] : memref<1x512xf32, #tpu.memory_space<vmem>>, vector<1x512xf32>
    %get3A_10 = arith.constant 0 : index
    %get3A_11 = arith.constant 0 : index
    %get3A_12 = vector.load %arg5[%get3A_10, %get3A_11] : memref<1x512xf32, #tpu.memory_space<vmem>>, vector<1x512xf32>
    %add3A_13 = arith.addf %get3A_9, %get3A_12 : vector<1x512xf32>
    %mul3A_14 = arith.constant 1.52587891E-5 : f32
    %mul3A_15 = vector.broadcast %mul3A_14 : f32 to vector<1x512xf32>
    %mul3A_16 = arith.mulf %add3A_13, %mul3A_15 : vector<1x512xf32>
    %mul3A_17 = arith.mulf %mul3A_6, %mul3A_6 : vector<1x512xf32>
    %sub3A = arith.subf %mul3A_16, %mul3A_17 : vector<1x512xf32>
    %get3A_18 = arith.constant 0 : index
    %get3A_19 = arith.constant 0 : index
    %get3A_20 = vector.load %arg6[%get3A_18, %get3A_19] : memref<1x512xf32, #tpu.memory_space<vmem>>, vector<1x512xf32>
    %add3A_21 = arith.constant 1.000000e-03 : f32
    %add3A_22 = vector.broadcast %add3A_21 : f32 to vector<1x512xf32>
    %add3A_23 = arith.addf %sub3A, %add3A_22 : vector<1x512xf32>
    %sqrt3A = math.sqrt %add3A_23 : vector<1x512xf32>
    %div3A = arith.divf %get3A_20, %sqrt3A : vector<1x512xf32>
    %get3A_24 = arith.constant 0 : index
    %get3A_25 = arith.constant 0 : index
    %get3A_26 = vector.load %arg7[%get3A_24, %get3A_25] : memref<1x512xf32, #tpu.memory_space<vmem>>, vector<1x512xf32>
    %mul3A_27 = arith.mulf %mul3A_6, %div3A : vector<1x512xf32>
    %sub3A_28 = arith.subf %get3A_26, %mul3A_27 : vector<1x512xf32>
    %get3A_29 = arith.constant 0 : index
    %get3A_30 = arith.constant 0 : index
    %get3A_31 = vector.load %arg1[%get3A_29, %get3A_30] : memref<512x512xbf16, #tpu.memory_space<vmem>>, vector<512x512xbf16>
    %convert_element_type3A = arith.extf %get3A_31 : vector<512x512xbf16> to vector<512x512xf32>
    %mul3A_32 = vector.broadcast %div3A : vector<1x512xf32> to vector<512x512xf32>
    %mul3A_33 = arith.mulf %convert_element_type3A, %mul3A_32 : vector<512x512xf32>
    %add3A_34 = vector.broadcast %sub3A_28 : vector<1x512xf32> to vector<512x512xf32>
    %add3A_35 = arith.addf %mul3A_33, %add3A_34 : vector<512x512xf32>
    %max3A = arith.constant 0.000000e+00 : f32
    %max3A_36 = vector.broadcast %max3A : f32 to vector<512x512xf32>
    %max3A_37 = arith.maximumf %add3A_35, %max3A_36 : vector<512x512xf32>
    %convert_element_type3A_38 = arith.truncf %max3A_37 : vector<512x512xf32> to vector<512x512xbf16>
    %get3A_39 = arith.constant 0 : index
    %get3A_40 = arith.constant 0 : index
    %get3A_41 = vector.load %arg8[%get3A_39, %get3A_40] : memref<512x256xf32, #tpu.memory_space<vmem>>, vector<512x256xf32>
    %convert_element_type3A_42 = arith.truncf %get3A_41 : vector<512x256xf32> to vector<512x256xbf16>
    %dot_general3A = arith.constant dense<0.000000e+00> : vector<512x256xf32>
    %dot_general3A_43 = tpu.matmul %convert_element_type3A_38, %convert_element_type3A_42, %dot_general3A {dimension_numbers = #tpu.dot_dimension_numbers<[1], [0], [0], [1], [0, 0, 1, 1], [], []>, transpose_lhs_hint = false} : vector<512x512xbf16>, vector<512x256xbf16>, vector<512x256xf32> -> vector<512x256xf32>
    %get3A_44 = arith.constant 0 : index
    %get3A_45 = arith.constant 0 : index
    %get3A_46 = vector.load %arg9[%get3A_44, %get3A_45] : memref<1x256xf32, #tpu.memory_space<vmem>>, vector<1x256xf32>
    %add3A_47 = vector.broadcast %get3A_46 : vector<1x256xf32> to vector<512x256xf32>
    %add3A_48 = arith.addf %dot_general3A_43, %add3A_47 : vector<512x256xf32>
    %convert_element_type3A_49 = arith.truncf %add3A_48 : vector<512x256xf32> to vector<512x256xbf16>
    %swap3A = arith.constant 0 : index
    %swap3A_50 = arith.constant 0 : index
    %swap3A_51 = vector.load %arg10[%swap3A, %swap3A_50] : memref<512x256xbf16, #tpu.memory_space<vmem>>, vector<512x256xbf16>
    tpu.vector_store %arg10[%swap3A, %swap3A_50], %convert_element_type3A_49 {strides = array<i32>} : memref<512x256xbf16, #tpu.memory_space<vmem>>, vector<512x256xbf16>,
    %eq3A = arith.constant 0 : i32
    %eq3A_52 = arith.cmpi eq, %arg0, %eq3A : i32
    %convert_element_type3A_53 = arith.extui %eq3A_52 : i1 to i32
    %cond3A = arith.constant 0 : i32
    %cond3A_54 = arith.cmpi ne, %convert_element_type3A_53, %cond3A : i32
    scf.if %cond3A_54 {
      %broadcast_in_dim3A_74 = arith.constant 0.000000e+00 : f32
      %broadcast_in_dim3A_75 = vector.broadcast %broadcast_in_dim3A_74 : f32 to vector<1x256xf32>
      %swap3A_76 = arith.constant 0 : index
      %swap3A_77 = arith.constant 0 : index
      %swap3A_78 = vector.load %arg11[%swap3A_76, %swap3A_77] : memref<1x256xf32, #tpu.memory_space<vmem>>, vector<1x256xf32>
      tpu.vector_store %arg11[%swap3A_76, %swap3A_77], %broadcast_in_dim3A_75 {strides = array<i32>} : memref<1x256xf32, #tpu.memory_space<vmem>>, vector<1x256xf32>,
      %broadcast_in_dim3A_79 = arith.constant 0.000000e+00 : f32
      %broadcast_in_dim3A_80 = vector.broadcast %broadcast_in_dim3A_79 : f32 to vector<1x256xf32>
      %swap3A_81 = arith.constant 0 : index
      %swap3A_82 = arith.constant 0 : index
      %swap3A_83 = vector.load %arg12[%swap3A_81, %swap3A_82] : memref<1x256xf32, #tpu.memory_space<vmem>>, vector<1x256xf32>
      tpu.vector_store %arg12[%swap3A_81, %swap3A_82], %broadcast_in_dim3A_80 {strides = array<i32>} : memref<1x256xf32, #tpu.memory_space<vmem>>, vector<1x256xf32>,
    } else {
    }
    %get3A_55 = arith.constant 0 : index
    %get3A_56 = arith.constant 0 : index
    %get3A_57 = vector.load %arg11[%get3A_55, %get3A_56] : memref<1x256xf32, #tpu.memory_space<vmem>>, vector<1x256xf32>
    %reduce_sum3A = arith.constant dense<0.000000e+00> : vector<256xf32>
    %reduce_sum3A_58 = vector.multi_reduction <add>, %add3A_48, %reduce_sum3A [0] : vector<512x256xf32> to vector<256xf32>
    %broadcast_in_dim3A = vector.shape_cast %reduce_sum3A_58 : vector<256xf32> to vector<1x256xf32>
    %add3A_59 = arith.addf %get3A_57, %broadcast_in_dim3A : vector<1x256xf32>
    %swap3A_60 = arith.constant 0 : index
    %swap3A_61 = arith.constant 0 : index
    %swap3A_62 = vector.load %arg11[%swap3A_60, %swap3A_61] : memref<1x256xf32, #tpu.memory_space<vmem>>, vector<1x256xf32>
    tpu.vector_store %arg11[%swap3A_60, %swap3A_61], %add3A_59 {strides = array<i32>} : memref<1x256xf32, #tpu.memory_space<vmem>>, vector<1x256xf32>,
    %get3A_63 = arith.constant 0 : index
    %get3A_64 = arith.constant 0 : index
    %get3A_65 = vector.load %arg12[%get3A_63, %get3A_64] : memref<1x256xf32, #tpu.memory_space<vmem>>, vector<1x256xf32>
    %mul3A_66 = arith.mulf %add3A_48, %add3A_48 : vector<512x256xf32>
    %reduce_sum3A_67 = arith.constant dense<0.000000e+00> : vector<256xf32>
    %reduce_sum3A_68 = vector.multi_reduction <add>, %mul3A_66, %reduce_sum3A_67 [0] : vector<512x256xf32> to vector<256xf32>
    %broadcast_in_dim3A_69 = vector.shape_cast %reduce_sum3A_68 : vector<256xf32> to vector<1x256xf32>
    %add3A_70 = arith.addf %get3A_65, %broadcast_in_dim3A_69 : vector<1x256xf32>
    %swap3A_71 = arith.constant 0 : index
    %swap3A_72 = arith.constant 0 : index
    %swap3A_73 = vector.load %arg12[%swap3A_71, %swap3A_72] : memref<1x256xf32, #tpu.memory_space<vmem>>, vector<1x256xf32>
    tpu.vector_store %arg12[%swap3A_71, %swap3A_72], %add3A_70 {strides = array<i32>} : memref<1x256xf32, #tpu.memory_space<vmem>>, vector<1x256xf32>,
    return
  }
  func.func @transform_0(%arg0: i32) -> (i32, i32) {
    %c0_i32 = arith.constant 0 : i32
    %c0_i32_0 = arith.constant 0 : i32
    return %arg0, %c0_i32 : i32, i32
  }
  func.func @transform_1(%arg0: i32) -> (i32, i32) {
    %c0_i32 = arith.constant 0 : i32
    %c0_i32_0 = arith.constant 0 : i32
    %c0_i32_1 = arith.constant 0 : i32
    return %c0_i32, %c0_i32_0 : i32, i32
  }
  func.func @transform_2(%arg0: i32) -> (i32, i32) {
    %c0_i32 = arith.constant 0 : i32
    %c0_i32_0 = arith.constant 0 : i32
    %c0_i32_1 = arith.constant 0 : i32
    return %c0_i32, %c0_i32_0 : i32, i32
  }
  func.func @transform_3(%arg0: i32) -> (i32, i32) {
    %c0_i32 = arith.constant 0 : i32
    %c0_i32_0 = arith.constant 0 : i32
    %c0_i32_1 = arith.constant 0 : i32
    return %c0_i32, %c0_i32_0 : i32, i32
  }
  func.func @transform_4(%arg0: i32) -> (i32, i32) {
    %c0_i32 = arith.constant 0 : i32
    %c0_i32_0 = arith.constant 0 : i32
    %c0_i32_1 = arith.constant 0 : i32
    return %c0_i32, %c0_i32_0 : i32, i32
  }
  func.func @transform_5(%arg0: i32) -> (i32, i32) {
    %c0_i32 = arith.constant 0 : i32
    %c0_i32_0 = arith.constant 0 : i32
    %c0_i32_1 = arith.constant 0 : i32
    return %c0_i32, %c0_i32_0 : i32, i32
  }
  func.func @transform_6(%arg0: i32) -> (i32, i32) {
    %c0_i32 = arith.constant 0 : i32
    %c0_i32_0 = arith.constant 0 : i32
    %c0_i32_1 = arith.constant 0 : i32
    return %c0_i32, %c0_i32_0 : i32, i32
  }
  func.func @transform_7(%arg0: i32) -> (i32, i32) {
    %c0_i32 = arith.constant 0 : i32
    %c0_i32_0 = arith.constant 0 : i32
    %c0_i32_1 = arith.constant 0 : i32
    return %c0_i32, %c0_i32_0 : i32, i32
  }
  func.func @transform_8(%arg0: i32) -> (i32, i32) {
    %c0_i32 = arith.constant 0 : i32
    %c0_i32_0 = arith.constant 0 : i32
    %c0_i32_1 = arith.constant 0 : i32
    return %c0_i32, %c0_i32_0 : i32, i32
  }
  func.func @transform_9(%arg0: i32) -> (i32, i32) {
    %c0_i32 = arith.constant 0 : i32
    %c0_i32_0 = arith.constant 0 : i32
    return %arg0, %c0_i32 : i32, i32
  }
  func.func @transform_10(%arg0: i32) -> (i32, i32) {
    %c0_i32 = arith.constant 0 : i32
    %c0_i32_0 = arith.constant 0 : i32
    %c0_i32_1 = arith.constant 0 : i32
    return %c0_i32, %c0_i32_0 : i32, i32
  }
  func.func @transform_11(%arg0: i32) -> (i32, i32) {
    %c0_i32 = arith.constant 0 : i32
    %c0_i32_0 = arith.constant 0 : i32
    %c0_i32_1 = arith.constant 0 : i32
    return %c0_i32, %c0_i32_0 : i32, i32
  }
}

module attributes {stable_mosaic.version = 14 : i64} {
  func.func @_fin_body(%arg0: i32, %arg1: i32, %arg2: memref<256x256xbf16, #tpu.memory_space<vmem>>, %arg3: memref<1x256xf32, #tpu.memory_space<vmem>>, %arg4: memref<1x256xf32, #tpu.memory_space<vmem>>, %arg5: memref<1x256xf32, #tpu.memory_space<vmem>>, %arg6: memref<1x256xf32, #tpu.memory_space<vmem>>, %arg7: memref<1x256xf32, #tpu.memory_space<vmem>>, %arg8: memref<1x256xf32, #tpu.memory_space<vmem>>, %arg9: memref<1x256x256xf32, #tpu.memory_space<vmem>>) attributes {dimension_semantics = [#tpu.dimension_semantics<arbitrary>, #tpu.dimension_semantics<arbitrary>], iteration_bounds = array<i64: 8, 16>, scalar_prefetch = 0 : i64, scratch_operands = 0 : i64, tpu.core_type = #tpu.core_type<tc>, window_params = [{transform_indices = @transform_0, window_bounds = array<i64: 256, 256>}, {pipeline_mode = #tpu.pipeline_mode<synchronous>, transform_indices = @transform_1, window_bounds = array<i64: 1, 256>}, {pipeline_mode = #tpu.pipeline_mode<synchronous>, transform_indices = @transform_2, window_bounds = array<i64: 1, 256>}, {pipeline_mode = #tpu.pipeline_mode<synchronous>, transform_indices = @transform_3, window_bounds = array<i64: 1, 256>}, {pipeline_mode = #tpu.pipeline_mode<synchronous>, transform_indices = @transform_4, window_bounds = array<i64: 1, 256>}, {pipeline_mode = #tpu.pipeline_mode<synchronous>, transform_indices = @transform_5, window_bounds = array<i64: 1, 256>}, {pipeline_mode = #tpu.pipeline_mode<synchronous>, transform_indices = @transform_6, window_bounds = array<i64: 1, 256>}, {transform_indices = @transform_7, window_bounds = array<i64: 1, 256, 256>}]} {
    %get3A = arith.constant 0 : index
    %get3A_0 = arith.constant 0 : index
    %get3A_1 = vector.load %arg3[%get3A, %get3A_0] : memref<1x256xf32, #tpu.memory_space<vmem>>, vector<1x256xf32>
    %get3A_2 = arith.constant 0 : index
    %get3A_3 = arith.constant 0 : index
    %get3A_4 = vector.load %arg5[%get3A_2, %get3A_3] : memref<1x256xf32, #tpu.memory_space<vmem>>, vector<1x256xf32>
    %add3A = arith.addf %get3A_1, %get3A_4 : vector<1x256xf32>
    %mul3A = arith.constant 1.52587891E-5 : f32
    %mul3A_5 = vector.broadcast %mul3A : f32 to vector<1x256xf32>
    %mul3A_6 = arith.mulf %add3A, %mul3A_5 : vector<1x256xf32>
    %get3A_7 = arith.constant 0 : index
    %get3A_8 = arith.constant 0 : index
    %get3A_9 = vector.load %arg4[%get3A_7, %get3A_8] : memref<1x256xf32, #tpu.memory_space<vmem>>, vector<1x256xf32>
    %get3A_10 = arith.constant 0 : index
    %get3A_11 = arith.constant 0 : index
    %get3A_12 = vector.load %arg6[%get3A_10, %get3A_11] : memref<1x256xf32, #tpu.memory_space<vmem>>, vector<1x256xf32>
    %add3A_13 = arith.addf %get3A_9, %get3A_12 : vector<1x256xf32>
    %mul3A_14 = arith.constant 1.52587891E-5 : f32
    %mul3A_15 = vector.broadcast %mul3A_14 : f32 to vector<1x256xf32>
    %mul3A_16 = arith.mulf %add3A_13, %mul3A_15 : vector<1x256xf32>
    %mul3A_17 = arith.mulf %mul3A_6, %mul3A_6 : vector<1x256xf32>
    %sub3A = arith.subf %mul3A_16, %mul3A_17 : vector<1x256xf32>
    %get3A_18 = arith.constant 0 : index
    %get3A_19 = arith.constant 0 : index
    %get3A_20 = vector.load %arg7[%get3A_18, %get3A_19] : memref<1x256xf32, #tpu.memory_space<vmem>>, vector<1x256xf32>
    %add3A_21 = arith.constant 1.000000e-03 : f32
    %add3A_22 = vector.broadcast %add3A_21 : f32 to vector<1x256xf32>
    %add3A_23 = arith.addf %sub3A, %add3A_22 : vector<1x256xf32>
    %sqrt3A = math.sqrt %add3A_23 : vector<1x256xf32>
    %div3A = arith.divf %get3A_20, %sqrt3A : vector<1x256xf32>
    %get3A_24 = arith.constant 0 : index
    %get3A_25 = arith.constant 0 : index
    %get3A_26 = vector.load %arg8[%get3A_24, %get3A_25] : memref<1x256xf32, #tpu.memory_space<vmem>>, vector<1x256xf32>
    %mul3A_27 = arith.mulf %mul3A_6, %div3A : vector<1x256xf32>
    %sub3A_28 = arith.subf %get3A_26, %mul3A_27 : vector<1x256xf32>
    %get3A_29 = arith.constant 0 : index
    %get3A_30 = arith.constant 0 : index
    %get3A_31 = vector.load %arg2[%get3A_29, %get3A_30] : memref<256x256xbf16, #tpu.memory_space<vmem>>, vector<256x256xbf16>
    %convert_element_type3A = arith.extf %get3A_31 : vector<256x256xbf16> to vector<256x256xf32>
    %mul3A_32 = vector.broadcast %div3A : vector<1x256xf32> to vector<256x256xf32>
    %mul3A_33 = arith.mulf %convert_element_type3A, %mul3A_32 : vector<256x256xf32>
    %add3A_34 = vector.broadcast %sub3A_28 : vector<1x256xf32> to vector<256x256xf32>
    %add3A_35 = arith.addf %mul3A_33, %add3A_34 : vector<256x256xf32>
    %max3A = arith.constant 0.000000e+00 : f32
    %max3A_36 = vector.broadcast %max3A : f32 to vector<256x256xf32>
    %max3A_37 = arith.maximumf %add3A_35, %max3A_36 : vector<256x256xf32>
    %transpose3A = tpu.transpose %max3A_37, [1, 0] : vector<256x256xf32> -> vector<256x256xf32>
    %swap3A = arith.constant 0 : index
    %swap3A_38 = arith.constant 0 : index
    %swap3A_39 = arith.constant 0 : index
    %swap3A_40 = vector.load %arg9[%swap3A, %swap3A_38, %swap3A_39] : memref<1x256x256xf32, #tpu.memory_space<vmem>>, vector<1x256x256xf32>
    %swap3A_41 = vector.shape_cast %swap3A_40 : vector<1x256x256xf32> to vector<256x256xf32>
    %swap3A_42 = vector.shape_cast %transpose3A : vector<256x256xf32> to vector<1x256x256xf32>
    tpu.vector_store %arg9[%swap3A, %swap3A_38, %swap3A_39], %swap3A_42 {strides = array<i32>} : memref<1x256x256xf32, #tpu.memory_space<vmem>>, vector<1x256x256xf32>,
    return
  }
  func.func @transform_0(%arg0: i32, %arg1: i32) -> (i32, i32) {
    %mul3A = arith.constant 16 : i32
    %mul3A_0 = arith.muli %arg0, %mul3A : i32
    %add3A = arith.addi %mul3A_0, %arg1 : i32
    %c0_i32 = arith.constant 0 : i32
    %c0_i32_1 = arith.constant 0 : i32
    return %add3A, %c0_i32 : i32, i32
  }
  func.func @transform_1(%arg0: i32, %arg1: i32) -> (i32, i32) {
    %c0_i32 = arith.constant 0 : i32
    %c0_i32_0 = arith.constant 0 : i32
    %c0_i32_1 = arith.constant 0 : i32
    return %c0_i32, %c0_i32_0 : i32, i32
  }
  func.func @transform_2(%arg0: i32, %arg1: i32) -> (i32, i32) {
    %c0_i32 = arith.constant 0 : i32
    %c0_i32_0 = arith.constant 0 : i32
    %c0_i32_1 = arith.constant 0 : i32
    return %c0_i32, %c0_i32_0 : i32, i32
  }
  func.func @transform_3(%arg0: i32, %arg1: i32) -> (i32, i32) {
    %c0_i32 = arith.constant 0 : i32
    %c0_i32_0 = arith.constant 0 : i32
    %c0_i32_1 = arith.constant 0 : i32
    return %c0_i32, %c0_i32_0 : i32, i32
  }
  func.func @transform_4(%arg0: i32, %arg1: i32) -> (i32, i32) {
    %c0_i32 = arith.constant 0 : i32
    %c0_i32_0 = arith.constant 0 : i32
    %c0_i32_1 = arith.constant 0 : i32
    return %c0_i32, %c0_i32_0 : i32, i32
  }
  func.func @transform_5(%arg0: i32, %arg1: i32) -> (i32, i32) {
    %c0_i32 = arith.constant 0 : i32
    %c0_i32_0 = arith.constant 0 : i32
    %c0_i32_1 = arith.constant 0 : i32
    return %c0_i32, %c0_i32_0 : i32, i32
  }
  func.func @transform_6(%arg0: i32, %arg1: i32) -> (i32, i32) {
    %c0_i32 = arith.constant 0 : i32
    %c0_i32_0 = arith.constant 0 : i32
    %c0_i32_1 = arith.constant 0 : i32
    return %c0_i32, %c0_i32_0 : i32, i32
  }
  func.func @transform_7(%arg0: i32, %arg1: i32) -> (i32, i32, i32) {
    %c0_i32 = arith.constant 0 : i32
    %c0_i32_0 = arith.constant 0 : i32
    return %arg0, %c0_i32, %arg1 : i32, i32, i32
  }
}

module attributes {stable_mosaic.version = 14 : i64} {
  func.func @_fin_body_b(%arg0: i32, %arg1: i32, %arg2: memref<1x256x256xf32, #tpu.memory_space<vmem>>, %arg3: memref<256x256xbf16, #tpu.memory_space<vmem>>, %arg4: memref<1x256xf32, #tpu.memory_space<vmem>>, %arg5: memref<1x256xf32, #tpu.memory_space<vmem>>, %arg6: memref<1x256xf32, #tpu.memory_space<vmem>>, %arg7: memref<1x256xf32, #tpu.memory_space<vmem>>, %arg8: memref<1x256xf32, #tpu.memory_space<vmem>>, %arg9: memref<1x256xf32, #tpu.memory_space<vmem>>, %arg10: memref<1x256x256xf32, #tpu.memory_space<vmem>>) attributes {dimension_semantics = [#tpu.dimension_semantics<arbitrary>, #tpu.dimension_semantics<arbitrary>], iteration_bounds = array<i64: 8, 16>, scalar_prefetch = 0 : i64, scratch_operands = 0 : i64, tpu.core_type = #tpu.core_type<tc>, window_params = [{transform_indices = @transform_0, window_bounds = array<i64: 1, 256, 256>}, {transform_indices = @transform_1, window_bounds = array<i64: 256, 256>}, {pipeline_mode = #tpu.pipeline_mode<synchronous>, transform_indices = @transform_2, window_bounds = array<i64: 1, 256>}, {pipeline_mode = #tpu.pipeline_mode<synchronous>, transform_indices = @transform_3, window_bounds = array<i64: 1, 256>}, {pipeline_mode = #tpu.pipeline_mode<synchronous>, transform_indices = @transform_4, window_bounds = array<i64: 1, 256>}, {pipeline_mode = #tpu.pipeline_mode<synchronous>, transform_indices = @transform_5, window_bounds = array<i64: 1, 256>}, {pipeline_mode = #tpu.pipeline_mode<synchronous>, transform_indices = @transform_6, window_bounds = array<i64: 1, 256>}, {pipeline_mode = #tpu.pipeline_mode<synchronous>, transform_indices = @transform_7, window_bounds = array<i64: 1, 256>}, {transform_indices = @transform_8, window_bounds = array<i64: 1, 256, 256>}]} {
    %get3A = arith.constant 0 : index
    %get3A_0 = arith.constant 0 : index
    %get3A_1 = vector.load %arg4[%get3A, %get3A_0] : memref<1x256xf32, #tpu.memory_space<vmem>>, vector<1x256xf32>
    %get3A_2 = arith.constant 0 : index
    %get3A_3 = arith.constant 0 : index
    %get3A_4 = vector.load %arg6[%get3A_2, %get3A_3] : memref<1x256xf32, #tpu.memory_space<vmem>>, vector<1x256xf32>
    %add3A = arith.addf %get3A_1, %get3A_4 : vector<1x256xf32>
    %mul3A = arith.constant 1.52587891E-5 : f32
    %mul3A_5 = vector.broadcast %mul3A : f32 to vector<1x256xf32>
    %mul3A_6 = arith.mulf %add3A, %mul3A_5 : vector<1x256xf32>
    %get3A_7 = arith.constant 0 : index
    %get3A_8 = arith.constant 0 : index
    %get3A_9 = vector.load %arg5[%get3A_7, %get3A_8] : memref<1x256xf32, #tpu.memory_space<vmem>>, vector<1x256xf32>
    %get3A_10 = arith.constant 0 : index
    %get3A_11 = arith.constant 0 : index
    %get3A_12 = vector.load %arg7[%get3A_10, %get3A_11] : memref<1x256xf32, #tpu.memory_space<vmem>>, vector<1x256xf32>
    %add3A_13 = arith.addf %get3A_9, %get3A_12 : vector<1x256xf32>
    %mul3A_14 = arith.constant 1.52587891E-5 : f32
    %mul3A_15 = vector.broadcast %mul3A_14 : f32 to vector<1x256xf32>
    %mul3A_16 = arith.mulf %add3A_13, %mul3A_15 : vector<1x256xf32>
    %mul3A_17 = arith.mulf %mul3A_6, %mul3A_6 : vector<1x256xf32>
    %sub3A = arith.subf %mul3A_16, %mul3A_17 : vector<1x256xf32>
    %get3A_18 = arith.constant 0 : index
    %get3A_19 = arith.constant 0 : index
    %get3A_20 = vector.load %arg8[%get3A_18, %get3A_19] : memref<1x256xf32, #tpu.memory_space<vmem>>, vector<1x256xf32>
    %add3A_21 = arith.constant 1.000000e-03 : f32
    %add3A_22 = vector.broadcast %add3A_21 : f32 to vector<1x256xf32>
    %add3A_23 = arith.addf %sub3A, %add3A_22 : vector<1x256xf32>
    %sqrt3A = math.sqrt %add3A_23 : vector<1x256xf32>
    %div3A = arith.divf %get3A_20, %sqrt3A : vector<1x256xf32>
    %get3A_24 = arith.constant 0 : index
    %get3A_25 = arith.constant 0 : index
    %get3A_26 = vector.load %arg9[%get3A_24, %get3A_25] : memref<1x256xf32, #tpu.memory_space<vmem>>, vector<1x256xf32>
    %mul3A_27 = arith.mulf %mul3A_6, %div3A : vector<1x256xf32>
    %sub3A_28 = arith.subf %get3A_26, %mul3A_27 : vector<1x256xf32>
    %get3A_29 = arith.constant 0 : index
    %get3A_30 = arith.constant 0 : index
    %get3A_31 = vector.load %arg3[%get3A_29, %get3A_30] : memref<256x256xbf16, #tpu.memory_space<vmem>>, vector<256x256xbf16>
    %convert_element_type3A = arith.extf %get3A_31 : vector<256x256xbf16> to vector<256x256xf32>
    %mul3A_32 = vector.broadcast %div3A : vector<1x256xf32> to vector<256x256xf32>
    %mul3A_33 = arith.mulf %convert_element_type3A, %mul3A_32 : vector<256x256xf32>
    %add3A_34 = vector.broadcast %sub3A_28 : vector<1x256xf32> to vector<256x256xf32>
    %add3A_35 = arith.addf %mul3A_33, %add3A_34 : vector<256x256xf32>
    %max3A = arith.constant 0.000000e+00 : f32
    %max3A_36 = vector.broadcast %max3A : f32 to vector<256x256xf32>
    %max3A_37 = arith.maximumf %add3A_35, %max3A_36 : vector<256x256xf32>
    %transpose3A = tpu.transpose %max3A_37, [1, 0] : vector<256x256xf32> -> vector<256x256xf32>
    %swap3A = arith.constant 0 : index
    %swap3A_38 = arith.constant 0 : index
    %swap3A_39 = arith.constant 0 : index
    %swap3A_40 = vector.load %arg10[%swap3A, %swap3A_38, %swap3A_39] : memref<1x256x256xf32, #tpu.memory_space<vmem>>, vector<1x256x256xf32>
    %swap3A_41 = vector.shape_cast %swap3A_40 : vector<1x256x256xf32> to vector<256x256xf32>
    %swap3A_42 = vector.shape_cast %transpose3A : vector<256x256xf32> to vector<1x256x256xf32>
    tpu.vector_store %arg10[%swap3A, %swap3A_38, %swap3A_39], %swap3A_42 {strides = array<i32>} : memref<1x256x256xf32, #tpu.memory_space<vmem>>, vector<1x256x256xf32>,
    return
  }
  func.func @transform_0(%arg0: i32, %arg1: i32) -> (i32, i32, i32) {
    %c0_i32 = arith.constant 0 : i32
    %c0_i32_0 = arith.constant 0 : i32
    %c0_i32_1 = arith.constant 0 : i32
    %c0_i32_2 = arith.constant 0 : i32
    return %c0_i32, %c0_i32_0, %c0_i32_1 : i32, i32, i32
  }
  func.func @transform_1(%arg0: i32, %arg1: i32) -> (i32, i32) {
    %mul3A = arith.constant 16 : i32
    %mul3A_0 = arith.muli %arg0, %mul3A : i32
    %add3A = arith.addi %mul3A_0, %arg1 : i32
    %c0_i32 = arith.constant 0 : i32
    %c0_i32_1 = arith.constant 0 : i32
    return %add3A, %c0_i32 : i32, i32
  }
  func.func @transform_2(%arg0: i32, %arg1: i32) -> (i32, i32) {
    %c0_i32 = arith.constant 0 : i32
    %c0_i32_0 = arith.constant 0 : i32
    %c0_i32_1 = arith.constant 0 : i32
    return %c0_i32, %c0_i32_0 : i32, i32
  }
  func.func @transform_3(%arg0: i32, %arg1: i32) -> (i32, i32) {
    %c0_i32 = arith.constant 0 : i32
    %c0_i32_0 = arith.constant 0 : i32
    %c0_i32_1 = arith.constant 0 : i32
    return %c0_i32, %c0_i32_0 : i32, i32
  }
  func.func @transform_4(%arg0: i32, %arg1: i32) -> (i32, i32) {
    %c0_i32 = arith.constant 0 : i32
    %c0_i32_0 = arith.constant 0 : i32
    %c0_i32_1 = arith.constant 0 : i32
    return %c0_i32, %c0_i32_0 : i32, i32
  }
  func.func @transform_5(%arg0: i32, %arg1: i32) -> (i32, i32) {
    %c0_i32 = arith.constant 0 : i32
    %c0_i32_0 = arith.constant 0 : i32
    %c0_i32_1 = arith.constant 0 : i32
    return %c0_i32, %c0_i32_0 : i32, i32
  }
  func.func @transform_6(%arg0: i32, %arg1: i32) -> (i32, i32) {
    %c0_i32 = arith.constant 0 : i32
    %c0_i32_0 = arith.constant 0 : i32
    %c0_i32_1 = arith.constant 0 : i32
    return %c0_i32, %c0_i32_0 : i32, i32
  }
  func.func @transform_7(%arg0: i32, %arg1: i32) -> (i32, i32) {
    %c0_i32 = arith.constant 0 : i32
    %c0_i32_0 = arith.constant 0 : i32
    %c0_i32_1 = arith.constant 0 : i32
    return %c0_i32, %c0_i32_0 : i32, i32
  }
  func.func @transform_8(%arg0: i32, %arg1: i32) -> (i32, i32, i32) {
    %add3A = arith.constant 8 : i32
    %add3A_0 = arith.addi %arg0, %add3A : i32
    %c0_i32 = arith.constant 0 : i32
    %c0_i32_1 = arith.constant 0 : i32
    return %add3A_0, %c0_i32, %arg1 : i32, i32, i32
  }
}

</mosaic_0001>

<sc_bundles>
// kernel: kernel.12.cloned.1.call-start
scs
__scs_entry_jumppad:
0x0: {  	(pc) =	sbr.rel $0x88, $3  }
0x1: {  	(tag) =	ssettag $0x0;
	lr =	simm.s32 $0x1  }
0x2: {  	[smem:$0x3F95] =	sst lr;
	_ =	strace $0xD0000000  }
0x3: {  	_ = 	snop  }
0x4: {  	_ = 	snop  }
0x5: {  	_ = 	snop  }
0x6: {  	_ = 	snop  }
0x7: {  	_ = 	snop  }
__scs_overlays_trampoline_lowered:
0x8: {  	[smem:$0x3FA4] =	sst s0  }
0x9: {  	[smem:$0x3FA5] =	sst s1  }
0xa: {  	[smem:$0x3FA6] =	sst s2  }
0xb: {  	[smem:$0x3FA7] =	sst s3  }
0xc: {  	[smem:$0x3FA8] =	sst s4  }
0xd: {  	[smem:$0x3FA9] =	sst s5  }
0xe: {  	[smem:$0x3FAA] =	sst s6  }
0xf: {  	[smem:$0x3FAB] =	sst s7  }
0x10: {  	[smem:$0x3FAC] =	sst s8  }
0x11: {  	[smem:$0x3FAD] =	sst s9;
	s0 =	simm.s32 @!p0 $0x0  }
0x12: {  	s1 =	sld [smem:$0x3F93];
	s0 =	simm.s32 @p0 $0x1  }
0x13: {  	[smem:$0x3FAE] =	sst s0;
	s0 =	simm.s32 @!p1 $0x0  }
0x14: {  	s2 =	sld [smem:$0x3F92];
	s0 =	simm.s32 @p1 $0x1  }
0x15: {  	[smem:$0x3FAF] =	sst s0;
	s0 =	simm.s32 @!p2 $0x0  }
0x16: {  	s3 =	sld [smem:$0x3FDB];
	s0 =	simm.s32 @p2 $0x1  }
0x17: {  	s4 =	simm.s32 $0x1BF5;
	[smem:$0x3FB1] =	sst s0  }
0x18: {  	s0 =	sld [smem:$0x3F94];
	_ =	swait.ge [sflag:s4], $0x0  }
0x19: {  	s7 =	sld [smem:$0x3F95]  }
0x1a: {  	s8 =	sadd.s32 $0xFFFFE003, lr  }
0x1b: {  	s9 =	sadd.s32 $0xFFFFFEF7, lr;
	s5 =	simm.s32 $0xFFFFFFFF;
	p2 =	slt.u32 s8, $0xFFFFF086  }
0x1c: {  	p1 =	slt.u32 s9, $0xF7A;
	s5 =	simm.s32 @!p2 $0x0  }
0x1d: {  	s5 =	simm.s32 @p1 $0x1;
	p0 =	seq.s32 s7, s2  }
0x1e: {  	s7 =	smul.u32 @!p0 $0xF7A, s2;
	p2 =	seq.s32 @!p0 s5, $0x0  }
0x1f: {  	s9 =	smul.u32 $0xF7A, s1;
	s8 =	simm.s32 @!p0 $0x1BF5;
	p2 =	por !p2, p0  }
0x20: {  	[sflag:s8] =	ssyncset.s32 @!p0 $0xFFFFF086;
	s6 =	sadd.s32 @!p0 s3, s7;
	s7 =	simm.s32 @!p0 $0x108  }
0x21: {  	s3 =	sadd.s32 s3, s9;
	s6 =	sadd.s32 @!p0 $0x88, s6;
	s7 =	simm.s32 @p2 $0x1082  }
0x22: {  	[simem:s7], [sflag:s8] =	dma.local @!p0 [hbm:s6], $0xF7A  }
0x23: {  	s9 =	sor.u32 $0xD0000000, s2;
	s6 =	simm.s32 $0x108;
	_ =	swait.ge @!p0 [sflag:s8], $0x0  }
0x24: {  	s3 =	sadd.s32 $0x88, s3;
	s6 =	simm.s32 @!p1 $0x1082;
	[sflag:s4] =	ssyncset.s32 $0xFFFFF086  }
0x25: {  	[simem:s6], [sflag:s4] =	dma.local [hbm:s3], $0xF7A  }
0x26: {  	[smem:$0x3F95] =	sst s1;
	(tag) =	ssettag s2;
	_ =	strace s9  }
0x27: {  	s1 =	sld [smem:$0x3FA5]  }
0x28: {  	s2 =	sld [smem:$0x3FA6]  }
0x29: {  	s4 =	sld [smem:$0x3FA8]  }
0x2a: {  	p0 =	seq.s32 s5, $0x0;
	s5 =	sld [smem:$0x3FA9]  }
0x2b: {  	s6 =	sld [smem:$0x3FAA]  }
0x2c: {  	s7 =	sld [smem:$0x3FAB]  }
0x2d: {  	s3 =	simm.s32 $0x108;
	s8 =	sld [smem:$0x3FAC]  }
0x2e: {  	s3 =	simm.s32 @!p0 $0x1082;
	s9 =	sld [smem:$0x3FAD]  }
0x2f: {  	lr =	sadd.s32 s0, s3;
	s0 =	sld [smem:$0x3FA4]  }
0x30: {  	s3 =	sld [smem:$0x3FA7]  }
0x31: {  	[smem:$0x3FB0] =	sst s10  }
0x32: {  	s10 =	sld [smem:$0x3FAE];
	_ =	sdelay $0x3  }
0x33: {  	p0 =	seq.s32 s10, $0x1;
	s10 =	sld [smem:$0x3FB0];
	_ =	sdelay $0x3  }
0x34: {  	[smem:$0x3FB0] =	sst s10  }
0x35: {  	s10 =	sld [smem:$0x3FAF];
	_ =	sdelay $0x3  }
0x36: {  	p1 =	seq.s32 s10, $0x1;
	s10 =	sld [smem:$0x3FB0];
	_ =	sdelay $0x3  }
0x37: {  	[smem:$0x3FB0] =	sst s10  }
0x38: {  	s10 =	sld [smem:$0x3FB1]  }
0x39: {  	_ = 	snop;
	(pc) =	sbr.ind lr, $3  }
0x3a: {  	_ = 	snop  }
0x3b: {  	_ = 	snop  }
0x3c: {  	p2 =	seq.s32 s10, $0x1;
	s10 =	sld [smem:$0x3FB0]  }
0x3d: {  	_ =	shalt  }
0x3e: {  	_ =	shalt  }
0x3f: {  	_ =	shalt  }
0x40: {  	_ =	shalt  }
0x41: {  	_ =	shalt  }
0x42: {  	_ =	shalt  }
0x43: {  	_ =	shalt  }
0x44: {  	_ =	shalt  }
0x45: {  	_ =	shalt  }
0x46: {  	_ =	shalt  }
0x47: {  	_ =	shalt  }
0x48: {  	_ =	shalt  }
0x49: {  	_ =	shalt  }
0x4a: {  	_ =	shalt  }
0x4b: {  	_ =	shalt  }
0x4c: {  	_ =	shalt  }
0x4d: {  	_ =	shalt  }
0x4e: {  	_ =	shalt  }
0x4f: {  	_ =	shalt  }
0x50: {  	_ =	shalt  }
0x51: {  	_ =	shalt  }
0x52: {  	_ =	shalt  }
0x53: {  	_ =	shalt  }
0x54: {  	_ =	shalt  }
0x55: {  	_ =	shalt  }
0x56: {  	_ =	shalt  }
0x57: {  	_ =	shalt  }
0x58: {  	_ =	shalt  }
0x59: {  	_ =	shalt  }
0x5a: {  	_ =	shalt  }
0x5b: {  	_ =	shalt  }
0x5c: {  	_ =	shalt  }
0x5d: {  	_ =	shalt  }
0x5e: {  	_ =	shalt  }
0x5f: {  	_ =	shalt  }
0x60: {  	_ =	shalt  }
0x61: {  	_ =	shalt  }
0x62: {  	_ =	shalt  }
0x63: {  	_ =	shalt  }
0x64: {  	_ =	shalt  }
0x65: {  	_ =	shalt  }
0x66: {  	_ =	shalt  }
0x67: {  	_ =	shalt  }
0x68: {  	_ =	shalt  }
0x69: {  	_ =	shalt  }
0x6a: {  	_ =	shalt  }
0x6b: {  	_ =	shalt  }
0x6c: {  	_ =	shalt  }
0x6d: {  	_ =	shalt  }
0x6e: {  	_ =	shalt  }
0x6f: {  	_ =	shalt  }
0x70: {  	_ =	shalt  }
0x71: {  	_ =	shalt  }
0x72: {  	_ =	shalt  }
0x73: {  	_ =	shalt  }
0x74: {  	_ =	shalt  }
0x75: {  	_ =	shalt  }
0x76: {  	_ =	shalt  }
0x77: {  	_ =	shalt  }
0x78: {  	_ =	shalt  }
0x79: {  	_ =	shalt  }
0x7a: {  	_ =	shalt  }
0x7b: {  	_ =	shalt  }
0x7c: {  	_ =	shalt  }
0x7d: {  	_ =	shalt  }
0x7e: {  	_ =	shalt  }
0x7f: {  	_ =	shalt  }
0x80: {  	_ =	shalt  }
0x81: {  	_ =	shalt  }
0x82: {  	_ =	shalt  }
0x83: {  	_ =	shalt  }
0x84: {  	_ =	shalt  }
0x85: {  	_ =	shalt  }
0x86: {  	_ =	shalt  }
0x87: {  	_ =	shalt  }
.Lfunc_end0:
.L_simem_size_0:
called_computation_lowered:
.L_overlay_start_0:
0x88: {  	s2 =	sld [smem:$0x3FD9]  }
0x89: {  	s3 =	sld [smem:$0x3FFE];
	_ =	sdelay $0x1  }
0x8a: {  	s1 =	srdreg.scid  }
0x8b: {  	s0 =	sand.u32 $0x1, s1  }
0x8c: {  	s16 =	sshll.u32 s0, $0xA;
	s2 =	sadd.s32 s3, s2  }
0x8d: {  	s2 =	sadd.s32 s2, s16  }
0x8e: {  	[smem:$0x3FBC] =	sst s2  }
0x8f: {  	_ = 	snop  }
0x90: {  	(tm) =	ssettm $0x1  }
0x91: {  	s17 =	sld [smem:$0x3FFB];
	_ =	sdelay $0x3  }
0x92: {  	_ =	strace s17  }
0x93: {  	s2 =	sld [smem:$0x3FFC];
	_ =	sdelay $0x3  }
0x94: {  	_ =	strace s2  }
0x95: {  	s2 =	sld [smem:$0x3FFD];
	_ =	sdelay $0x3  }
0x96: {  	_ =	strace s2  }
0x97: {  	_ =	strace $0x8FFFFFFF  }
0x98: {  	s18 =	sld [smem:$0x3FDB];
	_ =	sdelay $0x1  }
0x99: {  	s19 =	simm.s32 $_scs_section_size  }
0x9a: {  	s4 =	simm.s32 $_size__tile_overlayer_lowered;
	s5 =	simm.s32 $_tile_overlayer_lowered  }
0x9b: {  	s22 =	simm.s32 $0x1BFF;
	s21 =	sshll.u32 s5, $0x1;
	s2 =	sadd.s32 s19, s18  }
0x9c: {  	s6 =	simm.s32 $0x0;
	s20 =	sshll.u32 s4, $0x1;
	s4 =	sadd.s32 s21, s2  }
0x9d: {  	[timem:s6], [sflag:s22] =	dma.local [hbm:s4], s20  }
0x9e: {  	_ =	swait.ge [sflag:s22], s20  }
0x9f: {  	s3 =	ssub.s32 $0x0, s20;
	[sflag:s22] =	ssyncset.done $0x0  }
0xa0: {  	[sflag:s22] =	ssyncadd.s32 s3;
	_ =	sdelay $0x1  }
0xa1: {  	s23 =	simm.s32 $0x1B8B  }
0xa2: {  	_ =	swait.ge [sflag:s23], $0x1  }
0xa3: {  	[sflag:s23] =	ssyncset.done $0x0  }
0xa4: {  	s25 =	simm.s32 $0x1B8E;
	s24 =	sld [smem:$0x3FFE];
	[sflag:s23] =	ssyncadd.s32 $0xFFFFFFFF  }
0xa5: {  	s26 =	simm.s32 $execute0_lowered;
	[smem:$0x3FD2] =	sst s25  }
0xa6: {  	s4 =	sshll.u32 s26, $0x1;
	_ =	strace $0x80000046;
	[dreg:$0x1] =	wrdreg $0xFFFFFFFF  }
0xa7: {  	s28 =	simm.s32 $_size_execute0_lowered;
	s2 =	sadd.s32 s2, s4;
	[dreg:$0x0] =	wrdreg $0x0  }
0xa8: {  	s4 =	sshll.u32 s28, $0x1;
	[dreg:$0x2] =	wrdreg s2  }
0xa9: {  	[dreg:$0x3] =	wrdreg s4  }
0xaa: {  	[dreg:$0x4] =	wrdreg $0xC0  }
0xab: {  	_ =	task [dreg:s6], $0x5FFFF  }
0xac: {  	[dreg:$0x1] =	wrdreg $0xFFFFFFFF  }
0xad: {  	[dreg:$0x0] =	wrdreg $0x60  }
0xae: {  	[dreg:$0x2] =	wrdreg s24  }
0xaf: {  	[dreg:$0x3] =	wrdreg $0x9  }
0xb0: {  	_ =	task.clear_ibuf [dreg:s6], $0x4FFFF;
	_ =	strace $0x90000046  }
0xb1: {  	s29 =	simm.s32 $0x9;
	_ =	strace $0x80000048  }
0xb2: {  	_ =	swait.ge [sflag:s29], $0x1  }
0xb3: {  	[sflag:s29] =	ssyncadd.s32 $0xFFFFFFFF  }
0xb4: {  	_ =	strace $0x90000048  }
0xb5: {  	_ =	sfence  }
0xb6: {  	s30 =	sld [smem:$0x0];
	_ =	sdelay $0x2  }
0xb7: {  	s31 =	sshll.u32 s1, $0xD;
	s1 =	sshrl.u32 s1, $0x2  }
0xb8: {  	s3 =	sand.u32 $0x4000, s31;
	s1 =	sadd.s32 s1, s30  }
0xb9: {  	s0 =	sor.u32 s3, s0;
	s1 =	sshll.u32 s1, $0x11  }
0xba: {  	s0 =	sor.u32 s1, s0  }
0xbb: {  	s0 =	sadd.s32 $0x8F2B, s0  }
0xbc: {  	[sflag:s0] =	ssyncadd.remote.s32 $0x1  }
0xbd: {  	_ =	sfence.sel $0xFFFF  }
0xbe: {  	[dreg:$0x0] =	wrdreg $0xFFFFFFFF;
	(pc) =	sbr.abs _section_cstart, $3  }
0xbf: {  	[dreg:$0x1] =	wrdreg $0xFFFFFFFF  }
0xc0: {  	_ =	task.clear_ibuf [dreg:s6], $0x2FFFF;
	_ =	strace $0x9FFFFFFF  }
0xc1: {  	(tm) =	ssettm $0x7FFFFFFF  }
tec
execute0_lowered:
.L_overlay_start_1:
0x0: {  	(tag) =	ssettag $0x1  }
0x1: {  	s0 =	rddreg [dreg:$0x0]  }
0x2: {  	s2 =	simm.s32 $0x0;
	s1 =	srdreg.scid;
	s3 =	stileid.u32  }
0x3: {  	s29 =	simm.s32 $0x6C00;
	s30 =	simm.s32 $0x8F00;
	s31 =	simm.s32 $0x9700  }
0x4: {  	s14 =	simm.s32 $0xAF00;
	s15 =	simm.s32 $0xB700;
	s12 =	simm.s32 $0xDF00  }
0x5: {  	s13 =	simm.s32 $0xE700;
	s16 =	simm.s32 $0xEF00;
	s17 =	simm.s32 $0x1  }
0x6: {  	s18 =	simm.s32 $0x6F00;
	s19 =	simm.s32 $0x2;
	s20 =	simm.s32 $0xF200  }
0x7: {  	s21 =	simm.s32 $0x0;
	[smem:$0x7FF] =	sst s2;
	s1 =	sand.u32 $0x1, s1  }
0x8: {  	s3 =	sshll.u32 s3, $0x1;
	s9 =	sadd.s32 $0x183300, s0;
	_ =	strace $0x80000047  }
0x9: {  	s6 =	sor.u32 s1, s3;
	s3 =	sadd.s32 $0x183200, s0;
	s1 =	ssub.s32 $0x2, s1  }
0xa: {  	s4 =	sshll.u32 s6, $0x7;
	s5 =	sshll.u32 s6, $0x10;
	s8 =	sshrl.u32 s1, $0x1  }
0xb: {  	s7 =	sadd.s32 s4, s0;
	s4 =	sadd.s32 $0x5200, s0;
	s10 =	sadd.s32 s5, s0  }
0xc: {  	s1 =	ssub.s32 s1, s8;
	s5 =	sshll.u32 s6, $0xA;
	s6 =	smul.u32 $0x1800, s6  }
0xd: {  	s0 =	simm.s32 $0x9F00;
	s8 =	simm.s32 $0xCF00;
	s24 =	sadd.s32 $0x283200, s7  }
.Ltmp0:
0xe: {  	s25 =	sadd.s32 $0x3200, s7;
	[dreg:$0x2] =	wrdreg s24;
	(pc) =	sbr.rel .LBB2_1-.Ltmp0, $4  }
0xf: {  	s7 =	sadd.s32 $0x4200, s7;
	s11 =	sadd.s32 $0x284200, s10;
	[dreg:$0x3] =	wrdreg s25  }
0x10: {  	v2 =	vlaneseq.u32;
	s28 =	smax.u32 s1, $0x1;
	s1 =	simm.s32 $0xA700;
	[dreg:$0x4] =	wrdreg s7  }
0x11: {  	vm0 =	vmmov $0xffff;
	v1 =	vshrl.u32 v2, $0x3;
	s10 =	simm.s32 $0xD700;
	s26 =	sadd.s32 s4, s6;
	[dreg:$0x6] =	wrdreg s28  }
0x12: {  	v0 =	vand.u32 $0x7, v2;
	v2 =	vor.u32 $0x8, v2;
	v1 =	vmul.u32 $0x8, v1;
	s6 =	simm.s32 $0xBF00;
	s7 =	simm.s32 $0xC700;
	[dreg:$0x5] =	wrdreg s26  }
.LBB2_12:
0x13: {  	s22 =	simm.s32 $0x3  }
0x14: {  	_ =	swait.ge [sflag:s22], $0x2000  }
0x15: {  	[sflag:s22] =	ssyncset.done $0x0  }
0x16: {  	s23 =	simm.s32 $0x4;
	[sflag:s22] =	ssyncadd.s32 $0xFFFFE000  }
0x17: {  	_ =	swait.ge [sflag:s23], $0x2000  }
0x18: {  	s21 =	sadd.s32 $0x1, s21;
	s28 =	rddreg [dreg:$0x6]  }
0x19: {  	p0 =	sne.s32 s21, s28  }
.Ltmp1:
0x1a: {  	_ = 	snop;
	(pc) =	sbr.rel @!p0 .LBB2_13-.Ltmp1, $3  }
0x1b: {  	_ =	sdelay $0x1  }
0x1c: {  	[sflag:s23] =	ssyncset.done $0x0  }
0x1d: {  	[sflag:s23] =	ssyncadd.s32 $0xFFFFE000  }
.LBB2_1:
0x1e: {  	s22 =	rddreg [dreg:$0x2];
	s23 =	simm.s32 $0x5  }
0x1f: {  	[tilespmem:s2], [sflag:$0x5] =	stream.linear.gather [hbm4b:s22+s2], $0x400, $0x38;
	[tilespmem:$0x11200] =	vst v63  }
0x20: {  	_ =	swait.ge [sflag:s23], $0x400  }
0x21: {  	[sflag:s23] =	ssyncset.done $0x0  }
0x22: {  	s24 =	simm.s32 $0x400;
	s25 =	rddreg [dreg:$0x3];
	[sflag:s23] =	ssyncadd.s32 $0xFFFFFC00  }
0x23: {  	[tilespmem:s24], [sflag:$0x5] =	stream.linear.gather [hbm4b:s25+s2], $0x400, $0x38;
	[tilespmem:$0x11200] =	vst v63  }
0x24: {  	_ =	swait.ge [sflag:s23], $0x400  }
0x25: {  	[sflag:s23] =	ssyncset.done $0x0  }
0x26: {  	s28 =	simm.s32 $0x800;
	s26 =	rddreg [dreg:$0x4];
	[sflag:s23] =	ssyncadd.s32 $0xFFFFFC00  }
0x27: {  	[tilespmem:s28], [sflag:$0x5] =	stream.linear.gather [hbm4b:s26+s2], $0x400, $0x38;
	[tilespmem:$0x11200] =	vst v63  }
0x28: {  	_ =	swait.ge [sflag:s23], $0x400  }
0x29: {  	[sflag:s23] =	ssyncset.done $0x0  }
0x2a: {  	[sflag:s23] =	ssyncadd.s32 $0xFFFFFC00  }
0x2b: {  	v3 =	vld [tilespmem:$0x0];
	_ =	sdelay $0x4  }
0x2c: {  	v4 =	vshll.u32 v3, $0x2  }
0x2d: {  	v3 =	vand.u32 $0x7, v3;
	v4 =	vand.u32 $0xFFFFFFE0, v4  }
0x2e: {  	v3 =	vor.u32 v3, v4  }
0x2f: {  	v4 =	vperm.xlane v3, v0;
	_ =	sdelay $0x1  }
0x30: {  	v4 =	vadd.s32 v1, v4;
	_ =	sdelay $0x1  }
0x31: {  	v3 =	vperm.xlane v3, v2;
	_ =	sdelay $0x1  }
0x32: {  	s25 =	simm.s32 $0xC00;
	v3 =	vadd.s32 v1, v3  }
0x33: {  	[tilespmem:s25], [sflag:$0x1] =	stream.indirect_vreg.gather [hbm4b:s3+s2], $0x80, v4, vm0, $0xb8;
	[tilespmem:$0x11200] =	vst v63  }
0x34: {  	s26 =	simm.s32 $0x1400  }
0x35: {  	[tilespmem:s26], [sflag:$0x1] =	stream.indirect_vreg.gather [hbm4b:s9+s2], $0x80, v4, vm0, $0xb8;
	[tilespmem:$0x11200] =	vst v63  }
0x36: {  	s28 =	simm.s32 $0x1C00  }
0x37: {  	[tilespmem:s28], [sflag:$0x1] =	stream.indirect_vreg.gather [hbm4b:s3+s2], $0x80, v3, vm0, $0xb8;
	[tilespmem:$0x11200] =	vst v63  }
0x38: {  	s23 =	simm.s32 $0x2400  }
0x39: {  	[tilespmem:s23], [sflag:$0x1] =	stream.indirect_vreg.gather [hbm4b:s9+s2], $0x80, v3, vm0, $0xb8;
	[tilespmem:$0x11200] =	vst v63  }
0x3a: {  	v3 =	vld [tilespmem:$0x400];
	_ =	sdelay $0x4  }
0x3b: {  	v62 =	vshll.u32 v3, $0x2  }
0x3c: {  	v3 =	vand.u32 $0x7, v3;
	v4 =	vand.u32 $0xFFFFFFE0, v62  }
0x3d: {  	v3 =	vor.u32 v3, v4  }
0x3e: {  	v4 =	vperm.xlane v3, v0;
	_ =	sdelay $0x1  }
0x3f: {  	v4 =	vadd.s32 v1, v4;
	_ =	sdelay $0x1  }
0x40: {  	v3 =	vperm.xlane v3, v2;
	_ =	sdelay $0x1  }
0x41: {  	s24 =	simm.s32 $0x2C00;
	v3 =	vadd.s32 v1, v3  }
0x42: {  	[tilespmem:s24], [sflag:$0x1] =	stream.indirect_vreg.gather [hbm4b:s3+s2], $0x80, v4, vm0, $0xb8;
	[tilespmem:$0x11200] =	vst v63  }
0x43: {  	s25 =	simm.s32 $0x3400  }
0x44: {  	[tilespmem:s25], [sflag:$0x1] =	stream.indirect_vreg.gather [hbm4b:s9+s2], $0x80, v4, vm0, $0xb8;
	[tilespmem:$0x11200] =	vst v63  }
0x45: {  	s26 =	simm.s32 $0x3C00  }
0x46: {  	[tilespmem:s26], [sflag:$0x1] =	stream.indirect_vreg.gather [hbm4b:s3+s2], $0x80, v3, vm0, $0xb8;
	[tilespmem:$0x11200] =	vst v63  }
0x47: {  	s28 =	simm.s32 $0x4400  }
0x48: {  	[tilespmem:s28], [sflag:$0x1] =	stream.indirect_vreg.gather [hbm4b:s9+s2], $0x80, v3, vm0, $0xb8;
	[tilespmem:$0x11200] =	vst v63  }
0x49: {  	v3 =	vld [tilespmem:$0x800];
	_ =	sdelay $0x4  }
0x4a: {  	v63 =	vshll.u32 v3, $0x2  }
0x4b: {  	v3 =	vand.u32 $0x7, v3;
	v4 =	vand.u32 $0xFFFFFFE0, v63  }
0x4c: {  	v3 =	vor.u32 v3, v4  }
0x4d: {  	v4 =	vperm.xlane v3, v0;
	_ =	sdelay $0x1  }
0x4e: {  	v4 =	vadd.s32 v1, v4;
	_ =	sdelay $0x1  }
0x4f: {  	v3 =	vperm.xlane v3, v2;
	_ =	sdelay $0x1  }
0x50: {  	s23 =	simm.s32 $0x4C00;
	v3 =	vadd.s32 v1, v3  }
0x51: {  	[tilespmem:s23], [sflag:$0x1] =	stream.indirect_vreg.gather [hbm4b:s3+s2], $0x80, v4, vm0, $0xb8;
	[tilespmem:$0x11200] =	vst v63  }
0x52: {  	s24 =	simm.s32 $0x5400  }
0x53: {  	[tilespmem:s24], [sflag:$0x1] =	stream.indirect_vreg.gather [hbm4b:s9+s2], $0x80, v4, vm0, $0xb8;
	[tilespmem:$0x11200] =	vst v63  }
0x54: {  	s25 =	simm.s32 $0x5C00  }
0x55: {  	[tilespmem:s25], [sflag:$0x1] =	stream.indirect_vreg.gather [hbm4b:s3+s2], $0x80, v3, vm0, $0xb8;
	[tilespmem:$0x11200] =	vst v63  }
.Ltmp2:
0x56: {  	_ = 	snop;
	(pc) =	sbr.rel .LBB2_2-.Ltmp2, $4  }
0x57: {  	s26 =	simm.s32 $0x6400  }
0x58: {  	[tilespmem:s26], [sflag:$0x1] =	stream.indirect_vreg.gather [hbm4b:s9+s2], $0x80, v3, vm0, $0xb8;
	[tilespmem:$0x11200] =	vst v63  }
0x59: {  	s22 =	simm.s32 $0x0;
	s28 =	rddreg [dreg:$0x5]  }
0x5a: {  	[tilespmem:s29], [sflag:$0x1] =	stream.linear.gather [hbm4b:s28+s2], $0x300, $0x38;
	[tilespmem:$0x11200] =	vst v63  }
.LBB2_10:
0x5b: {  	s23 =	sshll.u32 s22, $0xA  }
0x5c: {  	s23 =	sadd.s32 s23, s11  }
0x5d: {  	[hbm4b:s23+s2] =	stream.linear.scatter [tilespmem:s20], [sflag:$0x4], $0x2000, $0x38;
	[tilespmem:$0x11200] =	vst v63  }
.LBB2_11:
0x5e: {  	s22 =	sadd.s32 $0x1, s22  }
0x5f: {  	p0 =	sne.s32 s22, $0x40  }
.Ltmp3:
0x60: {  	_ = 	snop;
	(pc) =	sbr.rel @!p0 .LBB2_12-.Ltmp3, $1  }
0x61: {  	_ =	sdelay $0x3  }
.LBB2_2:
0x62: {  	s23 =	sand.u32 $0x1, s22  }
0x63: {  	p0 =	seq.s32 s23, $0x1  }
.Ltmp4:
0x64: {  	_ = 	snop;
	(pc) =	sbr.rel @p0 .LBB2_6-.Ltmp4, $1  }
0x65: {  	_ =	sdelay $0x3  }
0x66: {  	s23 =	sshll.u32 s22, $0x4  }
0x67: {  	s24 =	sor.u32 $0x10, s23  }
0x68: {  	v3 =	vld [tilespmem:s24+$0x0];
	_ =	sdelay $0x4  }
0x69: {  	v4 =	vshll.u32 v3, $0x2  }
0x6a: {  	v3 =	vand.u32 $0x7, v3;
	v4 =	vand.u32 $0xFFFFFFE0, v4  }
0x6b: {  	v3 =	vor.u32 v3, v4  }
0x6c: {  	v4 =	vperm.xlane v3, v0;
	_ =	sdelay $0x1  }
0x6d: {  	v4 =	vadd.s32 v1, v4;
	_ =	sdelay $0x1  }
0x6e: {  	v3 =	vperm.xlane v3, v2;
	_ =	sdelay $0x1  }
0x6f: {  	v3 =	vadd.s32 v1, v3  }
0x70: {  	[tilespmem:s30], [sflag:$0x2] =	stream.indirect_vreg.gather [hbm4b:s3+s2], $0x80, v4, vm0, $0xb8;
	[tilespmem:$0x11200] =	vst v63  }
0x71: {  	_ = 	snop  }
0x72: {  	[tilespmem:s31], [sflag:$0x2] =	stream.indirect_vreg.gather [hbm4b:s9+s2], $0x80, v4, vm0, $0xb8;
	[tilespmem:$0x11200] =	vst v63  }
0x73: {  	_ = 	snop  }
0x74: {  	[tilespmem:s0], [sflag:$0x2] =	stream.indirect_vreg.gather [hbm4b:s3+s2], $0x80, v3, vm0, $0xb8;
	[tilespmem:$0x11200] =	vst v63  }
0x75: {  	_ = 	snop  }
0x76: {  	[tilespmem:s1], [sflag:$0x2] =	stream.indirect_vreg.gather [hbm4b:s9+s2], $0x80, v3, vm0, $0xb8;
	[tilespmem:$0x11200] =	vst v63  }
0x77: {  	v3 =	vld [tilespmem:s23+$0x410];
	_ =	sdelay $0x4  }
0x78: {  	v62 =	vshll.u32 v3, $0x2  }
0x79: {  	v3 =	vand.u32 $0x7, v3;
	v4 =	vand.u32 $0xFFFFFFE0, v62  }
0x7a: {  	v3 =	vor.u32 v3, v4  }
0x7b: {  	v4 =	vperm.xlane v3, v0;
	_ =	sdelay $0x1  }
0x7c: {  	v4 =	vadd.s32 v1, v4;
	_ =	sdelay $0x1  }
0x7d: {  	v3 =	vperm.xlane v3, v2;
	_ =	sdelay $0x1  }
0x7e: {  	v3 =	vadd.s32 v1, v3  }
0x7f: {  	[tilespmem:s14], [sflag:$0x2] =	stream.indirect_vreg.gather [hbm4b:s3+s2], $0x80, v4, vm0, $0xb8;
	[tilespmem:$0x11200] =	vst v63  }
0x80: {  	_ = 	snop  }
0x81: {  	[tilespmem:s15], [sflag:$0x2] =	stream.indirect_vreg.gather [hbm4b:s9+s2], $0x80, v4, vm0, $0xb8;
	[tilespmem:$0x11200] =	vst v63  }
0x82: {  	_ = 	snop  }
0x83: {  	[tilespmem:s6], [sflag:$0x2] =	stream.indirect_vreg.gather [hbm4b:s3+s2], $0x80, v3, vm0, $0xb8;
	[tilespmem:$0x11200] =	vst v63  }
0x84: {  	_ = 	snop  }
0x85: {  	[tilespmem:s7], [sflag:$0x2] =	stream.indirect_vreg.gather [hbm4b:s9+s2], $0x80, v3, vm0, $0xb8;
	[tilespmem:$0x11200] =	vst v63  }
0x86: {  	v3 =	vld [tilespmem:s23+$0x810];
	_ =	sdelay $0x4  }
0x87: {  	v63 =	vshll.u32 v3, $0x2  }
0x88: {  	v3 =	vand.u32 $0x7, v3;
	v4 =	vand.u32 $0xFFFFFFE0, v63  }
0x89: {  	v3 =	vor.u32 v3, v4  }
0x8a: {  	v4 =	vperm.xlane v3, v0;
	_ =	sdelay $0x1  }
0x8b: {  	v4 =	vadd.s32 v1, v4;
	_ =	sdelay $0x1  }
0x8c: {  	v3 =	vperm.xlane v3, v2;
	_ =	sdelay $0x1  }
0x8d: {  	v3 =	vadd.s32 v1, v3  }
0x8e: {  	[tilespmem:s8], [sflag:$0x2] =	stream.indirect_vreg.gather [hbm4b:s3+s2], $0x80, v4, vm0, $0xb8;
	[tilespmem:$0x11200] =	vst v63  }
0x8f: {  	_ = 	snop  }
0x90: {  	[tilespmem:s10], [sflag:$0x2] =	stream.indirect_vreg.gather [hbm4b:s9+s2], $0x80, v4, vm0, $0xb8;
	[tilespmem:$0x11200] =	vst v63  }
0x91: {  	s28 =	sadd.s32 s5, s24  }
0x92: {  	[tilespmem:s12], [sflag:$0x2] =	stream.indirect_vreg.gather [hbm4b:s3+s2], $0x80, v3, vm0, $0xb8;
	[tilespmem:$0x11200] =	vst v63  }
0x93: {  	s23 =	smul.u32 $0x6, s28  }
0x94: {  	[tilespmem:s13], [sflag:$0x2] =	stream.indirect_vreg.gather [hbm4b:s9+s2], $0x80, v3, vm0, $0xb8;
	[tilespmem:$0x11200] =	vst v63  }
0x95: {  	s23 =	sadd.s32 s4, s23  }
0x96: {  	[tilespmem:s16], [sflag:$0x2] =	stream.linear.gather [hbm4b:s23+s2], $0x300, $0x38;
	[tilespmem:$0x11200] =	vst v63  }
0x97: {  	_ =	swait.ge [sflag:s17], $0x2000  }
0x98: {  	[sflag:s17] =	ssyncset.done $0x0  }
0x99: {  	[sflag:s17] =	ssyncadd.s32 $0xFFFFE000  }
0x9a: {  	_ =	swait.ge [sflag:s17], $0x2000  }
0x9b: {  	[sflag:s17] =	ssyncset.done $0x0  }
0x9c: {  	[sflag:s17] =	ssyncadd.s32 $0xFFFFE000  }
0x9d: {  	_ =	swait.ge [sflag:s17], $0x2000  }
0x9e: {  	[sflag:s17] =	ssyncset.done $0x0  }
0x9f: {  	[sflag:s17] =	ssyncadd.s32 $0xFFFFE000  }
0xa0: {  	_ =	swait.ge [sflag:s17], $0x300  }
0xa1: {  	p0 =	slt.u32 s22, $0x2;
	[sflag:s17] =	ssyncset.done $0x0  }
0xa2: {  	s23 =	simm.s32 @!p0 $0x3;
	[sflag:s17] =	ssyncadd.s32 $0xFFFFFD00  }
0xa3: {  	_ =	swait.ge @!p0 [sflag:s23], $0x2000  }
0xa4: {  	s25 =	simm.s32 $0x0;
	[sflag:s23] =	ssyncset.done @!p0 $0x0  }
0xa5: {  	s24 =	simm.s32 $0x6C20;
	[sflag:s23] =	ssyncadd.s32 @!p0 $0xFFFFE000;
	s23 =	simm.s32 $0x0  }
.LBB2_4:
0xa6: {  	v5 =	vld [tilespmem:s24+$0xFFFFFFE0]  }
0xa7: {  	v4 =	vld [tilespmem:s24+$0xFFFFFFF0];
	s26 =	sand.u32 $0x1000, s25;
	s28 =	sand.u32 $0x380, s23  }
0xa8: {  	v3 =	vld [tilespmem:s24+$0x0];
	s26 =	sor.u32 s28, s26  }
0xa9: {  	v6 =	vld [tilespmem:s26+$0xC00]  }
0xaa: {  	v7 =	vld [tilespmem:s26+$0x2C00]  }
0xab: {  	v8 =	vld [tilespmem:s26+$0x4C00]  }
0xac: {  	v9 =	vld [tilespmem:s26+$0xC10]  }
0xad: {  	v10 =	vld [tilespmem:s26+$0x2C10]  }
0xae: {  	v11 =	vld [tilespmem:s26+$0x4C10]  }
0xaf: {  	v12 =	vld [tilespmem:s26+$0xC20]  }
0xb0: {  	v13 =	vld [tilespmem:s26+$0x2C20]  }
0xb1: {  	v14 =	vld [tilespmem:s26+$0x4C20]  }
0xb2: {  	v15 =	vld [tilespmem:s26+$0xC30]  }
0xb3: {  	v16 =	vld [tilespmem:s26+$0x2C30]  }
0xb4: {  	v17 =	vld [tilespmem:s26+$0x4C30]  }
0xb5: {  	v18 =	vld [tilespmem:s26+$0xC40]  }
0xb6: {  	v19 =	vld [tilespmem:s26+$0x2C40]  }
0xb7: {  	v20 =	vld [tilespmem:s26+$0x4C40]  }
0xb8: {  	v21 =	vld [tilespmem:s26+$0xC50]  }
0xb9: {  	v22 =	vld [tilespmem:s26+$0x2C50]  }
0xba: {  	v23 =	vld [tilespmem:s26+$0x4C50]  }
0xbb: {  	v24 =	vld [tilespmem:s26+$0xC60]  }
0xbc: {  	v25 =	vld [tilespmem:s26+$0x2C60]  }
0xbd: {  	v26 =	vld [tilespmem:s26+$0x4C60]  }
0xbe: {  	v27 =	vld [tilespmem:s26+$0xC70]  }
0xbf: {  	v28 =	vld [tilespmem:s26+$0x2C70]  }
0xc0: {  	v29 =	vld [tilespmem:s26+$0x4C70]  }
0xc1: {  	v30 =	vld [tilespmem:s26+$0x1000]  }
0xc2: {  	v31 =	vld [tilespmem:s26+$0x3000]  }
0xc3: {  	v32 =	vld [tilespmem:s26+$0x5000]  }
0xc4: {  	v33 =	vld [tilespmem:s26+$0x1010]  }
0xc5: {  	v34 =	vld [tilespmem:s26+$0x3010]  }
0xc6: {  	v35 =	vld [tilespmem:s26+$0x5010]  }
0xc7: {  	v36 =	vld [tilespmem:s26+$0x1020]  }
0xc8: {  	v37 =	vld [tilespmem:s26+$0x3020]  }
0xc9: {  	v38 =	vld [tilespmem:s26+$0x5020]  }
0xca: {  	v39 =	vld [tilespmem:s26+$0x1030]  }
0xcb: {  	v40 =	vld [tilespmem:s26+$0x3030]  }
0xcc: {  	v41 =	vld [tilespmem:s26+$0x5030]  }
0xcd: {  	v42 =	vld [tilespmem:s26+$0x1040]  }
0xce: {  	v43 =	vld [tilespmem:s26+$0x3040]  }
0xcf: {  	v44 =	vld [tilespmem:s26+$0x5040]  }
0xd0: {  	v45 =	vld [tilespmem:s26+$0x1050]  }
0xd1: {  	v46 =	vld [tilespmem:s26+$0x3050]  }
0xd2: {  	v47 =	vld [tilespmem:s26+$0x5050]  }
0xd3: {  	v48 =	vld [tilespmem:s26+$0x1060]  }
0xd4: {  	v49 =	vld [tilespmem:s26+$0x3060]  }
0xd5: {  	v50 =	vld [tilespmem:s26+$0x5060]  }
0xd6: {  	v51 =	vld [tilespmem:s26+$0x1070];
	v6 =	vmul.f32 v6, v5  }
0xd7: {  	v52 =	vld [tilespmem:s26+$0x3070];
	v7 =	vmul.f32 v7, v4;
	v9 =	vmul.f32 v9, v5  }
0xd8: {  	v53 =	vld [tilespmem:s26+$0x5070];
	v10 =	vmul.f32 v10, v4;
	v56 =	vmul.f32 v8, v3  }
0xd9: {  	v54 =	vld [tilespmem:s26+$0x1400];
	v57 =	vmul.f32 v11, v3;
	v58 =	vmul.f32 v12, v5  }
0xda: {  	v8 =	vld [tilespmem:s26+$0x3400];
	v59 =	vmul.f32 v13, v4;
	v60 =	vmul.f32 v15, v5  }
0xdb: {  	v11 =	vld [tilespmem:s26+$0x5400];
	v61 =	vmul.f32 v16, v4;
	v62 =	vmul.f32 v14, v3  }
0xdc: {  	v13 =	vld [tilespmem:s26+$0x1410];
	v63 =	vmul.f32 v17, v3;
	v55 =	vmul.f32 v18, v5  }
0xdd: {  	v16 =	vld [tilespmem:s26+$0x3410];
	v45 =	vmul.f32 v45, v5;
	v46 =	vmul.f32 v46, v4;
	v6 =	vadd.f32 v7, v6  }
0xde: {  	v17 =	vld [tilespmem:s26+$0x5410];
	v54 =	vmul.f32 v54, v5;
	v9 =	vadd.f32 v10, v9;
	v7 =	vadd.f32 v59, v58  }
0xdf: {  	v10 =	vadd.f32 v61, v60;
	v58 =	vmul.f32 v21, v5;
	v21 =	vld [tilespmem:s26+$0x3420];
	v59 =	vmul.f32 v22, v4  }
0xe0: {  	v60 =	vmul.f32 v23, v3;
	v23 =	vld [tilespmem:s26+$0x5420];
	v61 =	vmul.f32 v24, v5;
	v6 =	vadd.f32 v56, v6  }
0xe1: {  	v24 =	vld [tilespmem:s26+$0x5430];
	v9 =	vadd.f32 v57, v9;
	v56 =	vmul.f32 v19, v4;
	v7 =	vadd.f32 v62, v7  }
0xe2: {  	v19 =	vld [tilespmem:s26+$0x1420];
	v57 =	vmul.f32 v20, v3;
	v10 =	vadd.f32 v63, v10;
	v62 =	vmul.f32 v25, v4  }
0xe3: {  	v25 =	vld [tilespmem:s26+$0x1430];
	v14 =	vadd.f32 v59, v58;
	v63 =	vmul.f32 v27, v5;
	v58 =	vmul.f32 v29, v3  }
0xe4: {  	v59 =	vmul.f32 v30, v5;
	v29 =	vld [tilespmem:s26+$0x3440];
	v8 =	vmul.f32 v8, v4;
	v15 =	vadd.f32 v56, v55  }
0xe5: {  	v55 =	vmul.f32 v28, v4;
	v28 =	vld [tilespmem:s26+$0x3430];
	v14 =	vadd.f32 v60, v14;
	v60 =	vmul.f32 v31, v4  }
0xe6: {  	v56 =	vadd.f32 v62, v61;
	v61 =	vmul.f32 v33, v5;
	v62 =	vmul.f32 v34, v4;
	v31 =	vld [tilespmem:s26+$0x5440]  }
0xe7: {  	v33 =	vld [tilespmem:s26+$0x1450];
	v23 =	vmul.f32 v23, v3;
	v24 =	vmul.f32 v24, v3;
	v12 =	vadd.f32 v57, v15  }
0xe8: {  	v57 =	vmul.f32 v26, v3;
	v20 =	vadd.f32 v55, v63;
	v26 =	vld [tilespmem:s26+$0x1440];
	v63 =	vmul.f32 v32, v3  }
0xe9: {  	v18 =	vadd.f32 v60, v59;
	v55 =	vmul.f32 v35, v3;
	v35 =	vld [tilespmem:s26+$0x3450];
	v59 =	vmul.f32 v39, v5  }
0xea: {  	v22 =	vadd.f32 v62, v61;
	v60 =	vmul.f32 v40, v4;
	v61 =	vmul.f32 v41, v3;
	v39 =	vld [tilespmem:s26+$0x1460]  }
0xeb: {  	v62 =	vmul.f32 v42, v5;
	v41 =	vld [tilespmem:s26+$0x3460];
	v29 =	vmul.f32 v29, v4;
	v15 =	vadd.f32 v57, v56  }
0xec: {  	v40 =	vld [tilespmem:s26+$0x1470];
	v20 =	vadd.f32 v58, v20;
	v56 =	vmul.f32 v36, v5;
	v57 =	vmul.f32 v37, v4  }
0xed: {  	v42 =	vld [tilespmem:s26+$0x3470];
	v18 =	vadd.f32 v63, v18;
	v58 =	vmul.f32 v38, v3;
	v22 =	vadd.f32 v55, v22  }
0xee: {  	v37 =	vld [tilespmem:s26+$0x5450];
	v63 =	vmul.f32 v43, v4;
	v32 =	vadd.f32 v60, v59;
	v59 =	vmul.f32 v49, v4  }
0xef: {  	v43 =	vld [tilespmem:s26+$0x5460];
	v36 =	vadd.f32 v46, v45;
	v60 =	vmul.f32 v51, v5;
	v34 =	vmul.f32 v33, v5  }
0xf0: {  	v45 =	vld [tilespmem:s26+$0x5470];
	v38 =	vmul.f32 v31, v3;
	v30 =	vadd.f32 v57, v56;
	v56 =	vmul.f32 v44, v3  }
0xf1: {  	v46 =	vld [tilespmem:s26+$0x5800];
	v32 =	vadd.f32 v61, v32;
	v57 =	vmul.f32 v47, v3;
	v61 =	vmul.f32 v52, v4  }
0xf2: {  	[tilespmem:s26+$0x6F00] =	vst v6;
	v49 =	vld [tilespmem:s26+$0x5830];
	v55 =	vadd.f32 v63, v62;
	v63 =	vmul.f32 v50, v3;
	v52 =	vmul.f32 v53, v3  }
0xf3: {  	[tilespmem:s26+$0x6F10] =	vst v9;
	v47 =	vld [tilespmem:s26+$0x1800];
	v35 =	vmul.f32 v35, v4;
	v50 =	vmul.f32 v39, v5  }
0xf4: {  	v8 =	vadd.f32 v8, v54;
	[tilespmem:s26+$0x6F60] =	vst v15;
	v15 =	vld [tilespmem:s26+$0x3820];
	v51 =	vmul.f32 v41, v4;
	v54 =	vmul.f32 v40, v5  }
0xf5: {  	[tilespmem:s26+$0x7310] =	vst v22;
	v22 =	vld [tilespmem:s26+$0x3830];
	v27 =	vadd.f32 v58, v30;
	v30 =	vadd.f32 v56, v55;
	v58 =	vmul.f32 v48, v5  }
0xf6: {  	[tilespmem:s26+$0x6F20] =	vst v7;
	v36 =	vadd.f32 v57, v36;
	v48 =	vld [tilespmem:s26+$0x3800];
	v55 =	vmul.f32 v11, v3;
	v56 =	vmul.f32 v13, v5  }
0xf7: {  	[tilespmem:s26+$0x6F30] =	vst v10;
	v53 =	vadd.f32 v61, v60;
	v13 =	vld [tilespmem:s26+$0x1810];
	v57 =	vmul.f32 v16, v4;
	v60 =	vmul.f32 v21, v4  }
0xf8: {  	[tilespmem:s26+$0x6F50] =	vst v14;
	v21 =	vld [tilespmem:s26+$0x5810];
	v61 =	vmul.f32 v25, v5;
	v44 =	vmul.f32 v37, v3  }
0xf9: {  	[tilespmem:s26+$0x6F40] =	vst v12;
	v25 =	vld [tilespmem:s26+$0x1820];
	v14 =	vadd.f32 v35, v34;
	v34 =	vmul.f32 v46, v3;
	v62 =	vadd.f32 v59, v58  }
0xfa: {  	[tilespmem:s26+$0x6F70] =	vst v20;
	v16 =	vld [tilespmem:s26+$0x5820];
	v9 =	vadd.f32 v52, v53;
	v58 =	vmul.f32 v17, v3;
	v59 =	vmul.f32 v19, v5  }
0xfb: {  	[tilespmem:s26+$0x7300] =	vst v18;
	v35 =	vld [tilespmem:s26+$0x5850];
	v10 =	vadd.f32 v57, v56;
	v53 =	vmul.f32 v43, v3;
	v56 =	vmul.f32 v42, v4  }
0xfc: {  	[tilespmem:s26+$0x7330] =	vst v32;
	v46 =	vld [tilespmem:s26+$0x3870];
	v7 =	vadd.f32 v55, v8;
	v57 =	vmul.f32 v45, v3;
	v45 =	vmul.f32 v49, v3  }
0xfd: {  	v17 =	vld [tilespmem:s26+$0x3810];
	[tilespmem:s26+$0x7320] =	vst v27;
	v14 =	vadd.f32 v44, v14;
	v15 =	vmul.f32 v15, v4;
	v42 =	vmul.f32 v22, v4  }
0xfe: {  	v19 =	vld [tilespmem:s26+$0x1830];
	[tilespmem:s26+$0x7340] =	vst v30;
	v6 =	vadd.f32 v63, v62;
	v62 =	vmul.f32 v28, v4;
	v63 =	vadd.f32 v60, v59  }
0xff: {  	v52 =	vld [tilespmem:s26+$0x1840];
	[tilespmem:s26+$0x7350] =	vst v36;
	v10 =	vadd.f32 v58, v10;
	v28 =	vmul.f32 v26, v5;
	v60 =	vmul.f32 v47, v5  }
0x100: {  	v55 =	vld [tilespmem:s26+$0x3840];
	v59 =	vadd.f32 v51, v50;
	[tilespmem:s26+$0x7370] =	vst v9;
	v13 =	vmul.f32 v13, v5;
	v37 =	vmul.f32 v21, v3  }
0x101: {  	v43 =	vld [tilespmem:s26+$0x3860];
	[tilespmem:s26+$0x7700] =	vst v7;
	v39 =	vmul.f32 v25, v5;
	v44 =	vmul.f32 v16, v3;
	v11 =	vadd.f32 v62, v61  }
0x102: {  	v58 =	vld [tilespmem:s26+$0x5840];
	[tilespmem:s26+$0x7750] =	vst v14;
	v8 =	vadd.f32 v23, v63;
	v12 =	vadd.f32 v29, v28;
	v61 =	vmul.f32 v48, v4  }
0x103: {  	[tilespmem:s26+$0x7360] =	vst v6;
	v62 =	vld [tilespmem:s26+$0x1850];
	v63 =	vadd.f32 v56, v54;
	v6 =	vadd.f32 v53, v59;
	v59 =	vmul.f32 v35, v3  }
0x104: {  	v28 =	vld [tilespmem:s26+$0x3850];
	[tilespmem:s26+$0x7710] =	vst v10;
	v17 =	vmul.f32 v17, v4;
	v47 =	vmul.f32 v52, v5;
	v11 =	vadd.f32 v24, v11  }
0x105: {  	v48 =	vmul.f32 v55, v4;
	v12 =	vadd.f32 v38, v12;
	v33 =	vadd.f32 v61, v60;
	v38 =	vld [tilespmem:s26+$0x1860];
	[tilespmem:s26+$0x7720] =	vst v8  }
0x106: {  	v40 =	vld [tilespmem:s26+$0x1870];
	v41 =	vmul.f32 v19, v5;
	v9 =	vadd.f32 v57, v63;
	v8 =	vadd.f32 v15, v39;
	[tilespmem:s26+$0x7760] =	vst v6  }
0x107: {  	v49 =	vld [tilespmem:s26+$0x5860];
	v36 =	vadd.f32 v17, v13;
	v56 =	vadd.f32 v48, v47;
	v57 =	vmul.f32 v58, v3;
	[tilespmem:s26+$0x7730] =	vst v11  }
0x108: {  	v53 =	vld [tilespmem:s26+$0x5870];
	v58 =	vmul.f32 v43, v4;
	v7 =	vadd.f32 v34, v33;
	[tilespmem:s26+$0x7740] =	vst v12;
	v11 =	vadd.f32 v42, v41  }
0x109: {  	v50 =	vadd.f32 v44, v8;
	[tilespmem:s26+$0x7770] =	vst v9;
	v51 =	vmul.f32 v62, v5;
	v55 =	vmul.f32 v28, v4  }
0x10a: {  	v10 =	vadd.f32 v37, v36;
	v4 =	vmul.f32 v46, v4;
	[tilespmem:s26+$0x7B00] =	vst v7;
	v52 =	vmul.f32 v38, v5  }
0x10b: {  	v60 =	vadd.f32 v57, v56;
	[tilespmem:s26+$0x7B20] =	vst v50;
	v5 =	vmul.f32 v40, v5;
	v8 =	vadd.f32 v55, v51  }
0x10c: {  	p0 =	sne.s32 s25, $0x1E00;
	v62 =	vmul.f32 v49, v3;
	v54 =	vadd.f32 v45, v11;
	[tilespmem:s26+$0x7B10] =	vst v10;
	v61 =	vadd.f32 v58, v52  }
.Ltmp5:
0x10d: {  	v3 =	vmul.f32 v53, v3;
	[tilespmem:s26+$0x7B40] =	vst v60;
	v8 =	vadd.f32 v59, v8;
	v4 =	vadd.f32 v4, v5;
	(pc) =	sbr.rel @p0 .LBB2_4-.Ltmp5, $4  }
0x10e: {  	[tilespmem:s26+$0x7B30] =	vst v54;
	v63 =	vadd.f32 v62, v61  }
0x10f: {  	[tilespmem:s26+$0x7B50] =	vst v8;
	v3 =	vadd.f32 v3, v4  }
0x110: {  	[tilespmem:s26+$0x7B60] =	vst v63  }
0x111: {  	s23 =	sadd.s32 $0x80, s23;
	s24 =	sadd.s32 $0x30, s24;
	s25 =	sadd.s32 $0x200, s25;
	[tilespmem:s26+$0x7B70] =	vst v3  }
.Ltmp6:
0x112: {  	(pc) =	sbr.rel .LBB2_11-.Ltmp6, $4  }
0x113: {  	_ = 	snop  }
0x114: {  	s23 =	sshll.u32 s22, $0xA  }
0x115: {  	s23 =	sadd.s32 s23, s11  }
0x116: {  	[hbm4b:s23+s2] =	stream.linear.scatter [tilespmem:s18], [sflag:$0x3], $0x2000, $0x38;
	[tilespmem:$0x11200] =	vst v63  }
.LBB2_6:
0x117: {  	p0 =	seq.s32 s22, $0x3F  }
.Ltmp7:
0x118: {  	_ = 	snop;
	(pc) =	sbr.rel @p0 .LBB2_8-.Ltmp7, $1  }
0x119: {  	_ =	sdelay $0x3  }
0x11a: {  	s23 =	sshll.u32 s22, $0x4  }
0x11b: {  	v3 =	vld [tilespmem:s23+$0x10];
	_ =	sdelay $0x4  }
0x11c: {  	v4 =	vshll.u32 v3, $0x2  }
0x11d: {  	v3 =	vand.u32 $0x7, v3;
	v4 =	vand.u32 $0xFFFFFFE0, v4  }
0x11e: {  	v3 =	vor.u32 v3, v4  }
0x11f: {  	v4 =	vperm.xlane v3, v0;
	_ =	sdelay $0x1  }
0x120: {  	v4 =	vadd.s32 v1, v4;
	_ =	sdelay $0x1  }
0x121: {  	v3 =	vperm.xlane v3, v2;
	_ =	sdelay $0x1  }
0x122: {  	s24 =	simm.s32 $0xC00;
	v3 =	vadd.s32 v1, v3  }
0x123: {  	[tilespmem:s24], [sflag:$0x1] =	stream.indirect_vreg.gather [hbm4b:s3+s2], $0x80, v4, vm0, $0xb8;
	[tilespmem:$0x11200] =	vst v63  }
0x124: {  	s26 =	simm.s32 $0x1400  }
0x125: {  	[tilespmem:s26], [sflag:$0x1] =	stream.indirect_vreg.gather [hbm4b:s9+s2], $0x80, v4, vm0, $0xb8;
	[tilespmem:$0x11200] =	vst v63  }
0x126: {  	s28 =	simm.s32 $0x1C00  }
0x127: {  	[tilespmem:s28], [sflag:$0x1] =	stream.indirect_vreg.gather [hbm4b:s3+s2], $0x80, v3, vm0, $0xb8;
	[tilespmem:$0x11200] =	vst v63  }
0x128: {  	s25 =	simm.s32 $0x2400  }
0x129: {  	[tilespmem:s25], [sflag:$0x1] =	stream.indirect_vreg.gather [hbm4b:s9+s2], $0x80, v3, vm0, $0xb8;
	[tilespmem:$0x11200] =	vst v63  }
0x12a: {  	v3 =	vld [tilespmem:s23+$0x410];
	_ =	sdelay $0x4  }
0x12b: {  	v62 =	vshll.u32 v3, $0x2  }
0x12c: {  	v3 =	vand.u32 $0x7, v3;
	v4 =	vand.u32 $0xFFFFFFE0, v62  }
0x12d: {  	v3 =	vor.u32 v3, v4  }
0x12e: {  	v4 =	vperm.xlane v3, v0;
	_ =	sdelay $0x1  }
0x12f: {  	v4 =	vadd.s32 v1, v4;
	_ =	sdelay $0x1  }
0x130: {  	v3 =	vperm.xlane v3, v2;
	_ =	sdelay $0x1  }
0x131: {  	s26 =	simm.s32 $0x2C00;
	v3 =	vadd.s32 v1, v3  }
0x132: {  	[tilespmem:s26], [sflag:$0x1] =	stream.indirect_vreg.gather [hbm4b:s3+s2], $0x80, v4, vm0, $0xb8;
	[tilespmem:$0x11200] =	vst v63  }
0x133: {  	s28 =	simm.s32 $0x3400  }
0x134: {  	[tilespmem:s28], [sflag:$0x1] =	stream.indirect_vreg.gather [hbm4b:s9+s2], $0x80, v4, vm0, $0xb8;
	[tilespmem:$0x11200] =	vst v63  }
0x135: {  	s25 =	simm.s32 $0x3C00  }
0x136: {  	[tilespmem:s25], [sflag:$0x1] =	stream.indirect_vreg.gather [hbm4b:s3+s2], $0x80, v3, vm0, $0xb8;
	[tilespmem:$0x11200] =	vst v63  }
0x137: {  	s26 =	simm.s32 $0x4400  }
0x138: {  	[tilespmem:s26], [sflag:$0x1] =	stream.indirect_vreg.gather [hbm4b:s9+s2], $0x80, v3, vm0, $0xb8;
	[tilespmem:$0x11200] =	vst v63  }
0x139: {  	v3 =	vld [tilespmem:s23+$0x810];
	_ =	sdelay $0x4  }
0x13a: {  	v63 =	vshll.u32 v3, $0x2  }
0x13b: {  	v3 =	vand.u32 $0x7, v3;
	v4 =	vand.u32 $0xFFFFFFE0, v63  }
0x13c: {  	v3 =	vor.u32 v3, v4  }
0x13d: {  	v4 =	vperm.xlane v3, v0;
	_ =	sdelay $0x1  }
0x13e: {  	v4 =	vadd.s32 v1, v4;
	_ =	sdelay $0x1  }
0x13f: {  	v3 =	vperm.xlane v3, v2;
	_ =	sdelay $0x1  }
0x140: {  	s28 =	simm.s32 $0x4C00;
	v3 =	vadd.s32 v1, v3  }
0x141: {  	[tilespmem:s28], [sflag:$0x1] =	stream.indirect_vreg.gather [hbm4b:s3+s2], $0x80, v4, vm0, $0xb8;
	[tilespmem:$0x11200] =	vst v63  }
0x142: {  	s25 =	simm.s32 $0x5400;
	s23 =	sadd.s32 $0x10, s23  }
0x143: {  	[tilespmem:s25], [sflag:$0x1] =	stream.indirect_vreg.gather [hbm4b:s9+s2], $0x80, v4, vm0, $0xb8;
	[tilespmem:$0x11200] =	vst v63  }
0x144: {  	s26 =	simm.s32 $0x5C00;
	s23 =	sadd.s32 s5, s23  }
0x145: {  	[tilespmem:s26], [sflag:$0x1] =	stream.indirect_vreg.gather [hbm4b:s3+s2], $0x80, v3, vm0, $0xb8;
	[tilespmem:$0x11200] =	vst v63  }
0x146: {  	s23 =	smul.u32 $0x6, s23;
	s28 =	simm.s32 $0x6400  }
0x147: {  	[tilespmem:s28], [sflag:$0x1] =	stream.indirect_vreg.gather [hbm4b:s9+s2], $0x80, v3, vm0, $0xb8;
	[tilespmem:$0x11200] =	vst v63  }
0x148: {  	s23 =	sadd.s32 s4, s23  }
0x149: {  	[tilespmem:s29], [sflag:$0x1] =	stream.linear.gather [hbm4b:s23+s2], $0x300, $0x38;
	[tilespmem:$0x11200] =	vst v63  }
.LBB2_8:
0x14a: {  	_ =	swait.ge [sflag:s19], $0x2000  }
0x14b: {  	[sflag:s19] =	ssyncset.done $0x0  }
0x14c: {  	[sflag:s19] =	ssyncadd.s32 $0xFFFFE000  }
0x14d: {  	_ =	swait.ge [sflag:s19], $0x2000  }
0x14e: {  	[sflag:s19] =	ssyncset.done $0x0  }
0x14f: {  	[sflag:s19] =	ssyncadd.s32 $0xFFFFE000  }
0x150: {  	_ =	swait.ge [sflag:s19], $0x2000  }
0x151: {  	[sflag:s19] =	ssyncset.done $0x0  }
0x152: {  	[sflag:s19] =	ssyncadd.s32 $0xFFFFE000  }
0x153: {  	_ =	swait.ge [sflag:s19], $0x300  }
0x154: {  	p0 =	slt.u32 s22, $0x2;
	[sflag:s19] =	ssyncset.done $0x0  }
0x155: {  	s23 =	simm.s32 @!p0 $0x4;
	[sflag:s19] =	ssyncadd.s32 $0xFFFFFD00  }
0x156: {  	_ =	swait.ge @!p0 [sflag:s23], $0x2000  }
0x157: {  	s24 =	simm.s32 $0xEF20;
	[sflag:s23] =	ssyncset.done @!p0 $0x0  }
0x158: {  	s25 =	simm.s32 $0x0;
	[sflag:s23] =	ssyncadd.s32 @!p0 $0xFFFFE000;
	s23 =	simm.s32 $0x0  }
.LBB2_9:
0x159: {  	v5 =	vld [tilespmem:s24+$0xFFFFFFE0]  }
0x15a: {  	v4 =	vld [tilespmem:s24+$0xFFFFFFF0];
	s26 =	sand.u32 $0x1000, s25;
	s28 =	sand.u32 $0x380, s23  }
0x15b: {  	v3 =	vld [tilespmem:s24+$0x0];
	s26 =	sor.u32 s28, s26  }
0x15c: {  	v6 =	vld [tilespmem:s26+$0x8F00]  }
0x15d: {  	v7 =	vld [tilespmem:s26+$0xAF00]  }
0x15e: {  	v8 =	vld [tilespmem:s26+$0xCF00]  }
0x15f: {  	v9 =	vld [tilespmem:s26+$0x8F10]  }
0x160: {  	v10 =	vld [tilespmem:s26+$0xAF10]  }
0x161: {  	v11 =	vld [tilespmem:s26+$0xCF10]  }
0x162: {  	v12 =	vld [tilespmem:s26+$0x8F20]  }
0x163: {  	v13 =	vld [tilespmem:s26+$0xAF20]  }
0x164: {  	v14 =	vld [tilespmem:s26+$0xCF20]  }
0x165: {  	v15 =	vld [tilespmem:s26+$0x8F30]  }
0x166: {  	v16 =	vld [tilespmem:s26+$0xAF30]  }
0x167: {  	v17 =	vld [tilespmem:s26+$0xCF30]  }
0x168: {  	v18 =	vld [tilespmem:s26+$0x8F40]  }
0x169: {  	v19 =	vld [tilespmem:s26+$0xAF40]  }
0x16a: {  	v20 =	vld [tilespmem:s26+$0xCF40]  }
0x16b: {  	v21 =	vld [tilespmem:s26+$0x8F50]  }
0x16c: {  	v22 =	vld [tilespmem:s26+$0xAF50]  }
0x16d: {  	v23 =	vld [tilespmem:s26+$0xCF50]  }
0x16e: {  	v24 =	vld [tilespmem:s26+$0x8F60]  }
0x16f: {  	v25 =	vld [tilespmem:s26+$0xAF60]  }
0x170: {  	v26 =	vld [tilespmem:s26+$0xCF60]  }
0x171: {  	v27 =	vld [tilespmem:s26+$0x8F70]  }
0x172: {  	v28 =	vld [tilespmem:s26+$0xAF70]  }
0x173: {  	v29 =	vld [tilespmem:s26+$0xCF70]  }
0x174: {  	v30 =	vld [tilespmem:s26+$0x9300]  }
0x175: {  	v31 =	vld [tilespmem:s26+$0xB300]  }
0x176: {  	v32 =	vld [tilespmem:s26+$0xD300]  }
0x177: {  	v33 =	vld [tilespmem:s26+$0x9310]  }
0x178: {  	v34 =	vld [tilespmem:s26+$0xB310]  }
0x179: {  	v35 =	vld [tilespmem:s26+$0xD310]  }
0x17a: {  	v36 =	vld [tilespmem:s26+$0x9320]  }
0x17b: {  	v37 =	vld [tilespmem:s26+$0xB320]  }
0x17c: {  	v38 =	vld [tilespmem:s26+$0xD320]  }
0x17d: {  	v39 =	vld [tilespmem:s26+$0x9330]  }
0x17e: {  	v40 =	vld [tilespmem:s26+$0xB330]  }
0x17f: {  	v41 =	vld [tilespmem:s26+$0xD330]  }
0x180: {  	v42 =	vld [tilespmem:s26+$0x9340]  }
0x181: {  	v43 =	vld [tilespmem:s26+$0xB340]  }
0x182: {  	v44 =	vld [tilespmem:s26+$0xD340]  }
0x183: {  	v45 =	vld [tilespmem:s26+$0x9350]  }
0x184: {  	v46 =	vld [tilespmem:s26+$0xB350]  }
0x185: {  	v47 =	vld [tilespmem:s26+$0xD350]  }
0x186: {  	v48 =	vld [tilespmem:s26+$0x9360]  }
0x187: {  	v49 =	vld [tilespmem:s26+$0xB360]  }
0x188: {  	v50 =	vld [tilespmem:s26+$0xD360]  }
0x189: {  	v51 =	vld [tilespmem:s26+$0x9370];
	v6 =	vmul.f32 v6, v5  }
0x18a: {  	v52 =	vld [tilespmem:s26+$0xB370];
	v7 =	vmul.f32 v7, v4;
	v9 =	vmul.f32 v9, v5  }
0x18b: {  	v53 =	vld [tilespmem:s26+$0xD370];
	v10 =	vmul.f32 v10, v4;
	v56 =	vmul.f32 v8, v3  }
0x18c: {  	v54 =	vld [tilespmem:s26+$0x9700];
	v57 =	vmul.f32 v11, v3;
	v58 =	vmul.f32 v12, v5  }
0x18d: {  	v8 =	vld [tilespmem:s26+$0xB700];
	v59 =	vmul.f32 v13, v4;
	v60 =	vmul.f32 v15, v5  }
0x18e: {  	v11 =	vld [tilespmem:s26+$0xD700];
	v61 =	vmul.f32 v16, v4;
	v62 =	vmul.f32 v14, v3  }
0x18f: {  	v13 =	vld [tilespmem:s26+$0x9710];
	v63 =	vmul.f32 v17, v3;
	v55 =	vmul.f32 v18, v5  }
0x190: {  	v16 =	vld [tilespmem:s26+$0xB710];
	v45 =	vmul.f32 v45, v5;
	v46 =	vmul.f32 v46, v4;
	v6 =	vadd.f32 v7, v6  }
0x191: {  	v17 =	vld [tilespmem:s26+$0xD710];
	v54 =	vmul.f32 v54, v5;
	v9 =	vadd.f32 v10, v9;
	v7 =	vadd.f32 v59, v58  }
0x192: {  	v10 =	vadd.f32 v61, v60;
	v58 =	vmul.f32 v21, v5;
	v21 =	vld [tilespmem:s26+$0xB720];
	v59 =	vmul.f32 v22, v4  }
0x193: {  	v60 =	vmul.f32 v23, v3;
	v23 =	vld [tilespmem:s26+$0xD720];
	v61 =	vmul.f32 v24, v5;
	v6 =	vadd.f32 v56, v6  }
0x194: {  	v24 =	vld [tilespmem:s26+$0xD730];
	v9 =	vadd.f32 v57, v9;
	v56 =	vmul.f32 v19, v4;
	v7 =	vadd.f32 v62, v7  }
0x195: {  	v19 =	vld [tilespmem:s26+$0x9720];
	v57 =	vmul.f32 v20, v3;
	v10 =	vadd.f32 v63, v10;
	v62 =	vmul.f32 v25, v4  }
0x196: {  	v25 =	vld [tilespmem:s26+$0x9730];
	v14 =	vadd.f32 v59, v58;
	v63 =	vmul.f32 v27, v5;
	v58 =	vmul.f32 v29, v3  }
0x197: {  	v59 =	vmul.f32 v30, v5;
	v29 =	vld [tilespmem:s26+$0xB740];
	v8 =	vmul.f32 v8, v4;
	v15 =	vadd.f32 v56, v55  }
0x198: {  	v55 =	vmul.f32 v28, v4;
	v28 =	vld [tilespmem:s26+$0xB730];
	v14 =	vadd.f32 v60, v14;
	v60 =	vmul.f32 v31, v4  }
0x199: {  	v56 =	vadd.f32 v62, v61;
	v61 =	vmul.f32 v33, v5;
	v62 =	vmul.f32 v34, v4;
	v31 =	vld [tilespmem:s26+$0xD740]  }
0x19a: {  	v33 =	vld [tilespmem:s26+$0x9750];
	v23 =	vmul.f32 v23, v3;
	v24 =	vmul.f32 v24, v3;
	v12 =	vadd.f32 v57, v15  }
0x19b: {  	v57 =	vmul.f32 v26, v3;
	v20 =	vadd.f32 v55, v63;
	v26 =	vld [tilespmem:s26+$0x9740];
	v63 =	vmul.f32 v32, v3  }
0x19c: {  	v18 =	vadd.f32 v60, v59;
	v55 =	vmul.f32 v35, v3;
	v35 =	vld [tilespmem:s26+$0xB750];
	v59 =	vmul.f32 v39, v5  }
0x19d: {  	v22 =	vadd.f32 v62, v61;
	v60 =	vmul.f32 v40, v4;
	v61 =	vmul.f32 v41, v3;
	v39 =	vld [tilespmem:s26+$0x9760]  }
0x19e: {  	v62 =	vmul.f32 v42, v5;
	v41 =	vld [tilespmem:s26+$0xB760];
	v29 =	vmul.f32 v29, v4;
	v15 =	vadd.f32 v57, v56  }
0x19f: {  	v40 =	vld [tilespmem:s26+$0x9770];
	v20 =	vadd.f32 v58, v20;
	v56 =	vmul.f32 v36, v5;
	v57 =	vmul.f32 v37, v4  }
0x1a0: {  	v42 =	vld [tilespmem:s26+$0xB770];
	v18 =	vadd.f32 v63, v18;
	v58 =	vmul.f32 v38, v3;
	v22 =	vadd.f32 v55, v22  }
0x1a1: {  	v37 =	vld [tilespmem:s26+$0xD750];
	v63 =	vmul.f32 v43, v4;
	v32 =	vadd.f32 v60, v59;
	v59 =	vmul.f32 v49, v4  }
0x1a2: {  	v43 =	vld [tilespmem:s26+$0xD760];
	v36 =	vadd.f32 v46, v45;
	v60 =	vmul.f32 v51, v5;
	v34 =	vmul.f32 v33, v5  }
0x1a3: {  	v45 =	vld [tilespmem:s26+$0xD770];
	v38 =	vmul.f32 v31, v3;
	v30 =	vadd.f32 v57, v56;
	v56 =	vmul.f32 v44, v3  }
0x1a4: {  	v46 =	vld [tilespmem:s26+$0xDB00];
	v32 =	vadd.f32 v61, v32;
	v57 =	vmul.f32 v47, v3;
	v61 =	vmul.f32 v52, v4  }
0x1a5: {  	[tilespmem:s26+$0xF200] =	vst v6;
	v49 =	vld [tilespmem:s26+$0xDB30];
	v55 =	vadd.f32 v63, v62;
	v63 =	vmul.f32 v50, v3;
	v52 =	vmul.f32 v53, v3  }
0x1a6: {  	[tilespmem:s26+$0xF210] =	vst v9;
	v47 =	vld [tilespmem:s26+$0x9B00];
	v35 =	vmul.f32 v35, v4;
	v50 =	vmul.f32 v39, v5  }
0x1a7: {  	v8 =	vadd.f32 v8, v54;
	[tilespmem:s26+$0xF260] =	vst v15;
	v15 =	vld [tilespmem:s26+$0xBB20];
	v51 =	vmul.f32 v41, v4;
	v54 =	vmul.f32 v40, v5  }
0x1a8: {  	[tilespmem:s26+$0xF610] =	vst v22;
	v22 =	vld [tilespmem:s26+$0xBB30];
	v27 =	vadd.f32 v58, v30;
	v30 =	vadd.f32 v56, v55;
	v58 =	vmul.f32 v48, v5  }
0x1a9: {  	[tilespmem:s26+$0xF220] =	vst v7;
	v36 =	vadd.f32 v57, v36;
	v48 =	vld [tilespmem:s26+$0xBB00];
	v55 =	vmul.f32 v11, v3;
	v56 =	vmul.f32 v13, v5  }
0x1aa: {  	[tilespmem:s26+$0xF230] =	vst v10;
	v53 =	vadd.f32 v61, v60;
	v13 =	vld [tilespmem:s26+$0x9B10];
	v57 =	vmul.f32 v16, v4;
	v60 =	vmul.f32 v21, v4  }
0x1ab: {  	[tilespmem:s26+$0xF250] =	vst v14;
	v21 =	vld [tilespmem:s26+$0xDB10];
	v61 =	vmul.f32 v25, v5;
	v44 =	vmul.f32 v37, v3  }
0x1ac: {  	[tilespmem:s26+$0xF240] =	vst v12;
	v25 =	vld [tilespmem:s26+$0x9B20];
	v14 =	vadd.f32 v35, v34;
	v34 =	vmul.f32 v46, v3;
	v62 =	vadd.f32 v59, v58  }
0x1ad: {  	[tilespmem:s26+$0xF270] =	vst v20;
	v16 =	vld [tilespmem:s26+$0xDB20];
	v9 =	vadd.f32 v52, v53;
	v58 =	vmul.f32 v17, v3;
	v59 =	vmul.f32 v19, v5  }
0x1ae: {  	[tilespmem:s26+$0xF600] =	vst v18;
	v35 =	vld [tilespmem:s26+$0xDB50];
	v10 =	vadd.f32 v57, v56;
	v53 =	vmul.f32 v43, v3;
	v56 =	vmul.f32 v42, v4  }
0x1af: {  	[tilespmem:s26+$0xF630] =	vst v32;
	v46 =	vld [tilespmem:s26+$0xBB70];
	v7 =	vadd.f32 v55, v8;
	v57 =	vmul.f32 v45, v3;
	v45 =	vmul.f32 v49, v3  }
0x1b0: {  	v17 =	vld [tilespmem:s26+$0xBB10];
	[tilespmem:s26+$0xF620] =	vst v27;
	v14 =	vadd.f32 v44, v14;
	v15 =	vmul.f32 v15, v4;
	v42 =	vmul.f32 v22, v4  }
0x1b1: {  	v19 =	vld [tilespmem:s26+$0x9B30];
	[tilespmem:s26+$0xF640] =	vst v30;
	v6 =	vadd.f32 v63, v62;
	v62 =	vmul.f32 v28, v4;
	v63 =	vadd.f32 v60, v59  }
0x1b2: {  	v52 =	vld [tilespmem:s26+$0x9B40];
	[tilespmem:s26+$0xF650] =	vst v36;
	v10 =	vadd.f32 v58, v10;
	v28 =	vmul.f32 v26, v5;
	v60 =	vmul.f32 v47, v5  }
0x1b3: {  	v55 =	vld [tilespmem:s26+$0xBB40];
	v59 =	vadd.f32 v51, v50;
	[tilespmem:s26+$0xF670] =	vst v9;
	v13 =	vmul.f32 v13, v5;
	v37 =	vmul.f32 v21, v3  }
0x1b4: {  	v43 =	vld [tilespmem:s26+$0xBB60];
	[tilespmem:s26+$0xFA00] =	vst v7;
	v39 =	vmul.f32 v25, v5;
	v44 =	vmul.f32 v16, v3;
	v11 =	vadd.f32 v62, v61  }
0x1b5: {  	v58 =	vld [tilespmem:s26+$0xDB40];
	[tilespmem:s26+$0xFA50] =	vst v14;
	v8 =	vadd.f32 v23, v63;
	v12 =	vadd.f32 v29, v28;
	v61 =	vmul.f32 v48, v4  }
0x1b6: {  	[tilespmem:s26+$0xF660] =	vst v6;
	v62 =	vld [tilespmem:s26+$0x9B50];
	v63 =	vadd.f32 v56, v54;
	v6 =	vadd.f32 v53, v59;
	v59 =	vmul.f32 v35, v3  }
0x1b7: {  	v28 =	vld [tilespmem:s26+$0xBB50];
	[tilespmem:s26+$0xFA10] =	vst v10;
	v17 =	vmul.f32 v17, v4;
	v47 =	vmul.f32 v52, v5;
	v11 =	vadd.f32 v24, v11  }
0x1b8: {  	v48 =	vmul.f32 v55, v4;
	v12 =	vadd.f32 v38, v12;
	v33 =	vadd.f32 v61, v60;
	v38 =	vld [tilespmem:s26+$0x9B60];
	[tilespmem:s26+$0xFA20] =	vst v8  }
0x1b9: {  	v40 =	vld [tilespmem:s26+$0x9B70];
	v41 =	vmul.f32 v19, v5;
	v9 =	vadd.f32 v57, v63;
	v8 =	vadd.f32 v15, v39;
	[tilespmem:s26+$0xFA60] =	vst v6  }
0x1ba: {  	v49 =	vld [tilespmem:s26+$0xDB60];
	v36 =	vadd.f32 v17, v13;
	v56 =	vadd.f32 v48, v47;
	v57 =	vmul.f32 v58, v3;
	[tilespmem:s26+$0xFA30] =	vst v11  }
0x1bb: {  	v53 =	vld [tilespmem:s26+$0xDB70];
	v58 =	vmul.f32 v43, v4;
	v7 =	vadd.f32 v34, v33;
	[tilespmem:s26+$0xFA40] =	vst v12;
	v11 =	vadd.f32 v42, v41  }
0x1bc: {  	v50 =	vadd.f32 v44, v8;
	[tilespmem:s26+$0xFA70] =	vst v9;
	v51 =	vmul.f32 v62, v5;
	v55 =	vmul.f32 v28, v4  }
0x1bd: {  	v10 =	vadd.f32 v37, v36;
	v4 =	vmul.f32 v46, v4;
	[tilespmem:s26+$0xFE00] =	vst v7;
	v52 =	vmul.f32 v38, v5  }
0x1be: {  	v60 =	vadd.f32 v57, v56;
	[tilespmem:s26+$0xFE20] =	vst v50;
	v5 =	vmul.f32 v40, v5;
	v8 =	vadd.f32 v55, v51  }
0x1bf: {  	p0 =	sne.s32 s25, $0x1E00;
	v62 =	vmul.f32 v49, v3;
	v54 =	vadd.f32 v45, v11;
	[tilespmem:s26+$0xFE10] =	vst v10;
	v61 =	vadd.f32 v58, v52  }
.Ltmp8:
0x1c0: {  	v3 =	vmul.f32 v53, v3;
	[tilespmem:s26+$0xFE40] =	vst v60;
	v8 =	vadd.f32 v59, v8;
	v4 =	vadd.f32 v4, v5;
	(pc) =	sbr.rel @p0 .LBB2_9-.Ltmp8, $4  }
0x1c1: {  	[tilespmem:s26+$0xFE30] =	vst v54;
	v63 =	vadd.f32 v62, v61  }
0x1c2: {  	[tilespmem:s26+$0xFE50] =	vst v8;
	v3 =	vadd.f32 v3, v4  }
0x1c3: {  	[tilespmem:s26+$0xFE60] =	vst v63  }
0x1c4: {  	s23 =	sadd.s32 $0x80, s23;
	s24 =	sadd.s32 $0x30, s24;
	s25 =	sadd.s32 $0x200, s25;
	[tilespmem:s26+$0xFE70] =	vst v3  }
.Ltmp9:
0x1c5: {  	_ = 	snop;
	(pc) =	sbr.rel .LBB2_10-.Ltmp9, $1  }
0x1c6: {  	_ =	sdelay $0x3  }
.LBB2_13:
0x1c7: {  	_ =	sfence.sel $0x180000  }
0x1c8: {  	[bflag:$0x0] =	sbarrier.arrive $0xFFFF  }
0x1c9: {  	_ =	strace $0x90000047  }
0x1ca: {  	s0 =	stileid.u32;
	[bflag:$0x2] =	sbarrier.arrive $0xFFFF  }
0x1cb: {  	p0 =	sne.s32 s0, $0x0;
	s0 =	rddreg [dreg:$0x1]  }
0x1cc: {  	s0 =	sadd.s32 @!p0 $0x100000, s0  }
0x1cd: {  	[sflag:s0] =	ssyncadd.tile.s32 @!p0 $0x1;
	_ =	shalt  }
.Lfunc_end2:
_tile_overlayer_lowered:
.L_overlay_start_2:
0x1ce: {  	(tag) =	ssettag $0x2  }
0x1cf: {  	s0 =	rddreg [dreg:$0x0];
	s2 =	stileid.u32  }
0x1d0: {  	s1 =	rddreg [dreg:$0x1];
	p0 =	sne.s32 s2, $0x0  }
0x1d1: {  	s3 =	rddreg [dreg:$0x2];
	[bflag:$0x3] =	sbarrier.arrive $0xFFFF;
	s2 =	simm.s32 @!p0 $0x1C05  }
0x1d2: {  	[timem:s3], [sflag:s2] =	dma.local @!p0 [hbm:s0], s1  }
0x1d3: {  	s0 =	simm.s32 @!p0 $0x5  }
0x1d4: {  	_ =	swait.ge @!p0 [sflag:s0], s1  }
0x1d5: {  	s1 =	ssub.s32 @!p0 $0x0, s1;
	[sflag:s0] =	ssyncset.done @!p0 $0x0  }
0x1d6: {  	[sflag:s0] =	ssyncadd.s32 @!p0 s1  }
0x1d7: {  	[bflag:$0x3] =	sbarrier.arrive $0xFFFF  }
0x1d8: {  	_ =	shalt  }

// kernel: kernel.15.cloned.1.call-start
scs
__scs_entry_jumppad:
0x0: {  	(pc) =	sbr.rel $0x88, $3  }
0x1: {  	(tag) =	ssettag $0x0;
	lr =	simm.s32 $0x1  }
0x2: {  	[smem:$0x3F95] =	sst lr;
	_ =	strace $0xD0000000  }
0x3: {  	_ = 	snop  }
0x4: {  	_ = 	snop  }
0x5: {  	_ = 	snop  }
0x6: {  	_ = 	snop  }
0x7: {  	_ = 	snop  }
__scs_overlays_trampoline_lowered:
0x8: {  	[smem:$0x3FA4] =	sst s0  }
0x9: {  	[smem:$0x3FA5] =	sst s1  }
0xa: {  	[smem:$0x3FA6] =	sst s2  }
0xb: {  	[smem:$0x3FA7] =	sst s3  }
0xc: {  	[smem:$0x3FA8] =	sst s4  }
0xd: {  	[smem:$0x3FA9] =	sst s5  }
0xe: {  	[smem:$0x3FAA] =	sst s6  }
0xf: {  	[smem:$0x3FAB] =	sst s7  }
0x10: {  	[smem:$0x3FAC] =	sst s8  }
0x11: {  	[smem:$0x3FAD] =	sst s9;
	s0 =	simm.s32 @!p0 $0x0  }
0x12: {  	s1 =	sld [smem:$0x3F93];
	s0 =	simm.s32 @p0 $0x1  }
0x13: {  	[smem:$0x3FAE] =	sst s0;
	s0 =	simm.s32 @!p1 $0x0  }
0x14: {  	s2 =	sld [smem:$0x3F92];
	s0 =	simm.s32 @p1 $0x1  }
0x15: {  	[smem:$0x3FAF] =	sst s0;
	s0 =	simm.s32 @!p2 $0x0  }
0x16: {  	s3 =	sld [smem:$0x3FDB];
	s0 =	simm.s32 @p2 $0x1  }
0x17: {  	s4 =	simm.s32 $0x1BF5;
	[smem:$0x3FB1] =	sst s0  }
0x18: {  	s0 =	sld [smem:$0x3F94];
	_ =	swait.ge [sflag:s4], $0x0  }
0x19: {  	s7 =	sld [smem:$0x3F95]  }
0x1a: {  	s8 =	sadd.s32 $0xFFFFE003, lr  }
0x1b: {  	s9 =	sadd.s32 $0xFFFFFEF7, lr;
	s5 =	simm.s32 $0xFFFFFFFF;
	p2 =	slt.u32 s8, $0xFFFFF086  }
0x1c: {  	p1 =	slt.u32 s9, $0xF7A;
	s5 =	simm.s32 @!p2 $0x0  }
0x1d: {  	s5 =	simm.s32 @p1 $0x1;
	p0 =	seq.s32 s7, s2  }
0x1e: {  	s7 =	smul.u32 @!p0 $0xF7A, s2;
	p2 =	seq.s32 @!p0 s5, $0x0  }
0x1f: {  	s9 =	smul.u32 $0xF7A, s1;
	s8 =	simm.s32 @!p0 $0x1BF5;
	p2 =	por !p2, p0  }
0x20: {  	[sflag:s8] =	ssyncset.s32 @!p0 $0xFFFFF086;
	s6 =	sadd.s32 @!p0 s3, s7;
	s7 =	simm.s32 @!p0 $0x108  }
0x21: {  	s3 =	sadd.s32 s3, s9;
	s6 =	sadd.s32 @!p0 $0x88, s6;
	s7 =	simm.s32 @p2 $0x1082  }
0x22: {  	[simem:s7], [sflag:s8] =	dma.local @!p0 [hbm:s6], $0xF7A  }
0x23: {  	s9 =	sor.u32 $0xD0000000, s2;
	s6 =	simm.s32 $0x108;
	_ =	swait.ge @!p0 [sflag:s8], $0x0  }
0x24: {  	s3 =	sadd.s32 $0x88, s3;
	s6 =	simm.s32 @!p1 $0x1082;
	[sflag:s4] =	ssyncset.s32 $0xFFFFF086  }
0x25: {  	[simem:s6], [sflag:s4] =	dma.local [hbm:s3], $0xF7A  }
0x26: {  	[smem:$0x3F95] =	sst s1;
	(tag) =	ssettag s2;
	_ =	strace s9  }
0x27: {  	s1 =	sld [smem:$0x3FA5]  }
0x28: {  	s2 =	sld [smem:$0x3FA6]  }
0x29: {  	s4 =	sld [smem:$0x3FA8]  }
0x2a: {  	p0 =	seq.s32 s5, $0x0;
	s5 =	sld [smem:$0x3FA9]  }
0x2b: {  	s6 =	sld [smem:$0x3FAA]  }
0x2c: {  	s7 =	sld [smem:$0x3FAB]  }
0x2d: {  	s3 =	simm.s32 $0x108;
	s8 =	sld [smem:$0x3FAC]  }
0x2e: {  	s3 =	simm.s32 @!p0 $0x1082;
	s9 =	sld [smem:$0x3FAD]  }
0x2f: {  	lr =	sadd.s32 s0, s3;
	s0 =	sld [smem:$0x3FA4]  }
0x30: {  	s3 =	sld [smem:$0x3FA7]  }
0x31: {  	[smem:$0x3FB0] =	sst s10  }
0x32: {  	s10 =	sld [smem:$0x3FAE];
	_ =	sdelay $0x3  }
0x33: {  	p0 =	seq.s32 s10, $0x1;
	s10 =	sld [smem:$0x3FB0];
	_ =	sdelay $0x3  }
0x34: {  	[smem:$0x3FB0] =	sst s10  }
0x35: {  	s10 =	sld [smem:$0x3FAF];
	_ =	sdelay $0x3  }
0x36: {  	p1 =	seq.s32 s10, $0x1;
	s10 =	sld [smem:$0x3FB0];
	_ =	sdelay $0x3  }
0x37: {  	[smem:$0x3FB0] =	sst s10  }
0x38: {  	s10 =	sld [smem:$0x3FB1]  }
0x39: {  	_ = 	snop;
	(pc) =	sbr.ind lr, $3  }
0x3a: {  	_ = 	snop  }
0x3b: {  	_ = 	snop  }
0x3c: {  	p2 =	seq.s32 s10, $0x1;
	s10 =	sld [smem:$0x3FB0]  }
0x3d: {  	_ =	shalt  }
0x3e: {  	_ =	shalt  }
0x3f: {  	_ =	shalt  }
0x40: {  	_ =	shalt  }
0x41: {  	_ =	shalt  }
0x42: {  	_ =	shalt  }
0x43: {  	_ =	shalt  }
0x44: {  	_ =	shalt  }
0x45: {  	_ =	shalt  }
0x46: {  	_ =	shalt  }
0x47: {  	_ =	shalt  }
0x48: {  	_ =	shalt  }
0x49: {  	_ =	shalt  }
0x4a: {  	_ =	shalt  }
0x4b: {  	_ =	shalt  }
0x4c: {  	_ =	shalt  }
0x4d: {  	_ =	shalt  }
0x4e: {  	_ =	shalt  }
0x4f: {  	_ =	shalt  }
0x50: {  	_ =	shalt  }
0x51: {  	_ =	shalt  }
0x52: {  	_ =	shalt  }
0x53: {  	_ =	shalt  }
0x54: {  	_ =	shalt  }
0x55: {  	_ =	shalt  }
0x56: {  	_ =	shalt  }
0x57: {  	_ =	shalt  }
0x58: {  	_ =	shalt  }
0x59: {  	_ =	shalt  }
0x5a: {  	_ =	shalt  }
0x5b: {  	_ =	shalt  }
0x5c: {  	_ =	shalt  }
0x5d: {  	_ =	shalt  }
0x5e: {  	_ =	shalt  }
0x5f: {  	_ =	shalt  }
0x60: {  	_ =	shalt  }
0x61: {  	_ =	shalt  }
0x62: {  	_ =	shalt  }
0x63: {  	_ =	shalt  }
0x64: {  	_ =	shalt  }
0x65: {  	_ =	shalt  }
0x66: {  	_ =	shalt  }
0x67: {  	_ =	shalt  }
0x68: {  	_ =	shalt  }
0x69: {  	_ =	shalt  }
0x6a: {  	_ =	shalt  }
0x6b: {  	_ =	shalt  }
0x6c: {  	_ =	shalt  }
0x6d: {  	_ =	shalt  }
0x6e: {  	_ =	shalt  }
0x6f: {  	_ =	shalt  }
0x70: {  	_ =	shalt  }
0x71: {  	_ =	shalt  }
0x72: {  	_ =	shalt  }
0x73: {  	_ =	shalt  }
0x74: {  	_ =	shalt  }
0x75: {  	_ =	shalt  }
0x76: {  	_ =	shalt  }
0x77: {  	_ =	shalt  }
0x78: {  	_ =	shalt  }
0x79: {  	_ =	shalt  }
0x7a: {  	_ =	shalt  }
0x7b: {  	_ =	shalt  }
0x7c: {  	_ =	shalt  }
0x7d: {  	_ =	shalt  }
0x7e: {  	_ =	shalt  }
0x7f: {  	_ =	shalt  }
0x80: {  	_ =	shalt  }
0x81: {  	_ =	shalt  }
0x82: {  	_ =	shalt  }
0x83: {  	_ =	shalt  }
0x84: {  	_ =	shalt  }
0x85: {  	_ =	shalt  }
0x86: {  	_ =	shalt  }
0x87: {  	_ =	shalt  }
.Lfunc_end0:
.L_simem_size_0:
called_computation.1_lowered:
.L_overlay_start_0:
0x88: {  	s2 =	sld [smem:$0x3FD9]  }
0x89: {  	s3 =	sld [smem:$0x3FFE];
	_ =	sdelay $0x1  }
0x8a: {  	s1 =	srdreg.scid  }
0x8b: {  	s0 =	sand.u32 $0x1, s1  }
0x8c: {  	s17 =	sshll.u32 s0, $0xA;
	s2 =	sadd.s32 s3, s2  }
0x8d: {  	s2 =	sadd.s32 s2, s17  }
0x8e: {  	[smem:$0x3FBC] =	sst s2  }
0x8f: {  	_ = 	snop  }
0x90: {  	s18 =	sld [smem:$0x3FD0];
	(tm) =	ssettm $0x1  }
0x91: {  	s19 =	sld [smem:$0x3FFB];
	_ =	sdelay $0x3  }
0x92: {  	_ =	strace s19  }
0x93: {  	s2 =	sld [smem:$0x3FFC];
	_ =	sdelay $0x3  }
0x94: {  	_ =	strace s2  }
0x95: {  	s2 =	sld [smem:$0x3FFD];
	_ =	sdelay $0x3  }
0x96: {  	_ =	strace s2  }
0x97: {  	_ =	strace $0x8FFFFFFF  }
0x98: {  	s20 =	sld [smem:$0x3FDB];
	_ =	sdelay $0x1  }
0x99: {  	s4 =	simm.s32 $_scs_section_size  }
0x9a: {  	s5 =	simm.s32 $_size__tile_overlayer_lowered;
	s6 =	simm.s32 $_tile_overlayer_lowered  }
0x9b: {  	s7 =	simm.s32 $0x1BFF;
	s21 =	sshll.u32 s6, $0x1;
	s4 =	sadd.s32 s4, s20  }
0x9c: {  	s22 =	simm.s32 $0x0;
	s5 =	sshll.u32 s5, $0x1;
	s6 =	sadd.s32 s21, s4  }
0x9d: {  	[timem:s22], [sflag:s7] =	dma.local [hbm:s6], s5  }
0x9e: {  	_ =	swait.ge [sflag:s7], s5  }
0x9f: {  	s5 =	ssub.s32 $0x0, s5;
	[sflag:s7] =	ssyncset.done $0x0  }
0xa0: {  	[sflag:s7] =	ssyncadd.s32 s5;
	_ =	sdelay $0x1  }
0xa1: {  	s23 =	simm.s32 $0x1B8B  }
0xa2: {  	_ =	swait.ge [sflag:s23], $0x1  }
0xa3: {  	[sflag:s23] =	ssyncset.done $0x0  }
0xa4: {  	[sflag:s23] =	ssyncadd.s32 $0xFFFFFFFF  }
0xa5: {  	s5 =	sld [smem:$0x0]  }
0xa6: {  	s6 =	sand.u32 $0xFFFFFFFE, s1  }
0xa7: {  	p0 =	sne.s32 s1, s6  }
0xa8: {  	s6 =	sshll.u32 @p0 s6, $0xE  }
0xa9: {  	s6 =	sadd.s32 @p0 $0x11B8D, s6;
	s7 =	sshll.u32 @p0 s5, $0x11  }
0xaa: {  	s6 =	sor.u32 @p0 s7, s6  }
0xab: {  	[sflag:s6] =	ssyncadd.remote.s32 @p0 $0x1;
	_ =	sdelay $0x1  }
0xac: {  	s6 =	simm.s32 @p0 $0x1B8D  }
0xad: {  	_ =	swait.eq @p0 [sflag:s6], $0x1  }
0xae: {  	[sflag:s6] =	ssyncadd.s32 @p0 $0xFFFFFFFF  }
0xaf: {  	s7 =	sshll.u32 @!p0 s1, $0xE  }
0xb0: {  	s7 =	sor.u32 @!p0 $0x4000, s7;
	s6 =	simm.s32 @!p0 $0x1B8D  }
0xb1: {  	s5 =	sshll.u32 @!p0 s5, $0x11;
	s7 =	sadd.s32 @!p0 $0x11B8D, s7;
	_ =	swait.eq @!p0 [sflag:s6], $0x1  }
0xb2: {  	s5 =	sor.u32 @!p0 s5, s7;
	[sflag:s6] =	ssyncadd.s32 @!p0 $0xFFFFFFFF  }
0xb3: {  	s25 =	simm.s32 $0x1B8E;
	s24 =	sld [smem:$0x3FFE];
	[sflag:s5] =	ssyncadd.remote.s32 @!p0 $0x1  }
0xb4: {  	s26 =	simm.s32 $execute0_lowered;
	[smem:$0x3FD2] =	sst s25  }
0xb5: {  	s6 =	sshll.u32 s26, $0x1;
	_ =	strace $0x80000049;
	[dreg:$0x1] =	wrdreg $0xFFFFFFFF  }
0xb6: {  	s28 =	simm.s32 $_size_execute0_lowered;
	s4 =	sadd.s32 s4, s6;
	[dreg:$0x0] =	wrdreg $0x0  }
0xb7: {  	s6 =	sshll.u32 s28, $0x1;
	[dreg:$0x2] =	wrdreg s4  }
0xb8: {  	[dreg:$0x3] =	wrdreg s6  }
0xb9: {  	[dreg:$0x4] =	wrdreg $0xC0  }
0xba: {  	_ =	task [dreg:s22], $0x5FFFF  }
0xbb: {  	[dreg:$0x1] =	wrdreg $0xFFFFFFFF  }
0xbc: {  	[dreg:$0x0] =	wrdreg $0x60  }
0xbd: {  	[dreg:$0x2] =	wrdreg s24  }
0xbe: {  	[dreg:$0x3] =	wrdreg s18  }
0xbf: {  	[dreg:$0x4] =	wrdreg $0xA  }
0xc0: {  	_ =	task.clear_ibuf [dreg:s22], $0x5FFFF;
	_ =	strace $0x90000049  }
0xc1: {  	s29 =	simm.s32 $0xA;
	_ =	strace $0x8000004B  }
0xc2: {  	_ =	swait.ge [sflag:s29], $0x1  }
0xc3: {  	[sflag:s29] =	ssyncadd.s32 $0xFFFFFFFF  }
0xc4: {  	_ =	strace $0x9000004B  }
0xc5: {  	_ =	sfence  }
0xc6: {  	s30 =	sld [smem:$0x0];
	_ =	sdelay $0x2  }
0xc7: {  	s31 =	sshll.u32 s1, $0xD;
	s1 =	sshrl.u32 s1, $0x2  }
0xc8: {  	s4 =	sand.u32 $0x4000, s31;
	s1 =	sadd.s32 s1, s30  }
0xc9: {  	s0 =	sor.u32 s4, s0;
	s1 =	sshll.u32 s1, $0x11  }
0xca: {  	s0 =	sor.u32 s1, s0  }
0xcb: {  	s0 =	sadd.s32 $0x8F2B, s0  }
0xcc: {  	[sflag:s0] =	ssyncadd.remote.s32 $0x1  }
0xcd: {  	_ =	sfence.sel $0xFFFF  }
0xce: {  	[dreg:$0x0] =	wrdreg $0xFFFFFFFF;
	(pc) =	sbr.abs _section_cstart, $3  }
0xcf: {  	[dreg:$0x1] =	wrdreg $0xFFFFFFFF  }
0xd0: {  	_ =	task.clear_ibuf [dreg:s22], $0x2FFFF;
	_ =	strace $0x9FFFFFFF  }
0xd1: {  	(tm) =	ssettm $0x7FFFFFFF  }
tec
execute0_lowered:
.L_overlay_start_1:
0x0: {  	(tag) =	ssettag $0x1  }
0x1: {  	s0 =	rddreg [dreg:$0x0]  }
0x2: {  	s1 =	rddreg [dreg:$0x1]  }
0x3: {  	s3 =	srdreg.scid;
	s4 =	stileid.u32  }
0x4: {  	s2 =	simm.s32 $0x0;
	s29 =	simm.s32 $0x6C00;
	s30 =	simm.s32 $0x8F00  }
0x5: {  	s31 =	simm.s32 $0x9700;
	s14 =	simm.s32 $0xAF00;
	s15 =	simm.s32 $0xB700  }
0x6: {  	s12 =	simm.s32 $0xDF00;
	s13 =	simm.s32 $0xE700;
	s16 =	simm.s32 $0xEF00  }
0x7: {  	s17 =	simm.s32 $0x1;
	s18 =	simm.s32 $0x6F00;
	s19 =	simm.s32 $0x2  }
0x8: {  	s20 =	simm.s32 $0xF200;
	s3 =	sand.u32 $0x1, s3;
	s4 =	sshll.u32 s4, $0x1  }
0x9: {  	s21 =	simm.s32 $0x0;
	[smem:$0x7FF] =	sst s2;
	s5 =	sor.u32 s3, s4  }
0xa: {  	_ =	strace $0x8000004A;
	s6 =	ssub.s32 $0x2, s3;
	s3 =	sadd.s32 $0x504200, s0  }
0xb: {  	s4 =	sshll.u32 s5, $0x7;
	s8 =	sshrl.u32 s6, $0x1;
	s10 =	smul.u32 $0x1800, s5  }
0xc: {  	s25 =	sshll.u32 s5, $0x10;
	s7 =	sadd.s32 s4, s0;
	s4 =	sadd.s32 $0x138200, s0  }
0xd: {  	s8 =	ssub.s32 s6, s8;
	s6 =	sshll.u32 s5, $0xA;
	s11 =	sadd.s32 s1, s25  }
0xe: {  	s1 =	simm.s32 $0xA700;
	s5 =	simm.s32 $0xBF00;
	s24 =	sadd.s32 $0x135200, s7  }
.Ltmp0:
0xf: {  	s9 =	sadd.s32 $0x136200, s7;
	[dreg:$0x3] =	wrdreg s24;
	(pc) =	sbr.rel .LBB2_1-.Ltmp0, $4  }
0x10: {  	s7 =	sadd.s32 $0x137200, s7;
	s26 =	sadd.s32 s4, s10;
	[dreg:$0x4] =	wrdreg s9  }
0x11: {  	v2 =	vlaneseq.u32;
	s28 =	smax.u32 s8, $0x1;
	s8 =	simm.s32 $0xCF00;
	[dreg:$0x5] =	wrdreg s7  }
0x12: {  	vm0 =	vmmov $0xffff;
	v1 =	vshrl.u32 v2, $0x3;
	s10 =	simm.s32 $0xD700;
	s9 =	sadd.s32 $0x504300, s0;
	[dreg:$0x6] =	wrdreg s26  }
0x13: {  	v0 =	vand.u32 $0x7, v2;
	v2 =	vor.u32 $0x8, v2;
	v1 =	vmul.u32 $0x8, v1;
	[dreg:$0x7] =	wrdreg s28;
	s0 =	simm.s32 $0x9F00;
	s7 =	simm.s32 $0xC700  }
.LBB2_12:
0x14: {  	s22 =	simm.s32 $0x3  }
0x15: {  	_ =	swait.ge [sflag:s22], $0x2000  }
0x16: {  	[sflag:s22] =	ssyncset.done $0x0  }
0x17: {  	s23 =	simm.s32 $0x4;
	[sflag:s22] =	ssyncadd.s32 $0xFFFFE000  }
0x18: {  	_ =	swait.ge [sflag:s23], $0x2000  }
0x19: {  	s21 =	sadd.s32 $0x1, s21;
	s28 =	rddreg [dreg:$0x7]  }
0x1a: {  	p0 =	sne.s32 s21, s28  }
.Ltmp1:
0x1b: {  	_ = 	snop;
	(pc) =	sbr.rel @!p0 .LBB2_13-.Ltmp1, $3  }
0x1c: {  	_ =	sdelay $0x1  }
0x1d: {  	[sflag:s23] =	ssyncset.done $0x0  }
0x1e: {  	[sflag:s23] =	ssyncadd.s32 $0xFFFFE000  }
.LBB2_1:
0x1f: {  	s22 =	rddreg [dreg:$0x3];
	s23 =	simm.s32 $0x5  }
0x20: {  	[tilespmem:s2], [sflag:$0x5] =	stream.linear.gather [hbm4b:s22+s2], $0x400, $0x38;
	[tilespmem:$0x11200] =	vst v63  }
0x21: {  	_ =	swait.ge [sflag:s23], $0x400  }
0x22: {  	[sflag:s23] =	ssyncset.done $0x0  }
0x23: {  	s24 =	simm.s32 $0x400;
	s25 =	rddreg [dreg:$0x4];
	[sflag:s23] =	ssyncadd.s32 $0xFFFFFC00  }
0x24: {  	[tilespmem:s24], [sflag:$0x5] =	stream.linear.gather [hbm4b:s25+s2], $0x400, $0x38;
	[tilespmem:$0x11200] =	vst v63  }
0x25: {  	_ =	swait.ge [sflag:s23], $0x400  }
0x26: {  	[sflag:s23] =	ssyncset.done $0x0  }
0x27: {  	s28 =	simm.s32 $0x800;
	s26 =	rddreg [dreg:$0x5];
	[sflag:s23] =	ssyncadd.s32 $0xFFFFFC00  }
0x28: {  	[tilespmem:s28], [sflag:$0x5] =	stream.linear.gather [hbm4b:s26+s2], $0x400, $0x38;
	[tilespmem:$0x11200] =	vst v63  }
0x29: {  	_ =	swait.ge [sflag:s23], $0x400  }
0x2a: {  	[sflag:s23] =	ssyncset.done $0x0  }
0x2b: {  	[sflag:s23] =	ssyncadd.s32 $0xFFFFFC00  }
0x2c: {  	v3 =	vld [tilespmem:$0x0];
	_ =	sdelay $0x4  }
0x2d: {  	v4 =	vshll.u32 v3, $0x2  }
0x2e: {  	v3 =	vand.u32 $0x7, v3;
	v4 =	vand.u32 $0xFFFFFFE0, v4  }
0x2f: {  	v3 =	vor.u32 v3, v4  }
0x30: {  	v4 =	vperm.xlane v3, v0;
	_ =	sdelay $0x1  }
0x31: {  	v4 =	vadd.s32 v1, v4;
	_ =	sdelay $0x1  }
0x32: {  	v3 =	vperm.xlane v3, v2;
	_ =	sdelay $0x1  }
0x33: {  	s25 =	simm.s32 $0xC00;
	v3 =	vadd.s32 v1, v3  }
0x34: {  	[tilespmem:s25], [sflag:$0x1] =	stream.indirect_vreg.gather [hbm4b:s3+s2], $0x80, v4, vm0, $0xb8;
	[tilespmem:$0x11200] =	vst v63  }
0x35: {  	s26 =	simm.s32 $0x1400  }
0x36: {  	[tilespmem:s26], [sflag:$0x1] =	stream.indirect_vreg.gather [hbm4b:s9+s2], $0x80, v4, vm0, $0xb8;
	[tilespmem:$0x11200] =	vst v63  }
0x37: {  	s28 =	simm.s32 $0x1C00  }
0x38: {  	[tilespmem:s28], [sflag:$0x1] =	stream.indirect_vreg.gather [hbm4b:s3+s2], $0x80, v3, vm0, $0xb8;
	[tilespmem:$0x11200] =	vst v63  }
0x39: {  	s23 =	simm.s32 $0x2400  }
0x3a: {  	[tilespmem:s23], [sflag:$0x1] =	stream.indirect_vreg.gather [hbm4b:s9+s2], $0x80, v3, vm0, $0xb8;
	[tilespmem:$0x11200] =	vst v63  }
0x3b: {  	v3 =	vld [tilespmem:$0x400];
	_ =	sdelay $0x4  }
0x3c: {  	v62 =	vshll.u32 v3, $0x2  }
0x3d: {  	v3 =	vand.u32 $0x7, v3;
	v4 =	vand.u32 $0xFFFFFFE0, v62  }
0x3e: {  	v3 =	vor.u32 v3, v4  }
0x3f: {  	v4 =	vperm.xlane v3, v0;
	_ =	sdelay $0x1  }
0x40: {  	v4 =	vadd.s32 v1, v4;
	_ =	sdelay $0x1  }
0x41: {  	v3 =	vperm.xlane v3, v2;
	_ =	sdelay $0x1  }
0x42: {  	s24 =	simm.s32 $0x2C00;
	v3 =	vadd.s32 v1, v3  }
0x43: {  	[tilespmem:s24], [sflag:$0x1] =	stream.indirect_vreg.gather [hbm4b:s3+s2], $0x80, v4, vm0, $0xb8;
	[tilespmem:$0x11200] =	vst v63  }
0x44: {  	s25 =	simm.s32 $0x3400  }
0x45: {  	[tilespmem:s25], [sflag:$0x1] =	stream.indirect_vreg.gather [hbm4b:s9+s2], $0x80, v4, vm0, $0xb8;
	[tilespmem:$0x11200] =	vst v63  }
0x46: {  	s26 =	simm.s32 $0x3C00  }
0x47: {  	[tilespmem:s26], [sflag:$0x1] =	stream.indirect_vreg.gather [hbm4b:s3+s2], $0x80, v3, vm0, $0xb8;
	[tilespmem:$0x11200] =	vst v63  }
0x48: {  	s28 =	simm.s32 $0x4400  }
0x49: {  	[tilespmem:s28], [sflag:$0x1] =	stream.indirect_vreg.gather [hbm4b:s9+s2], $0x80, v3, vm0, $0xb8;
	[tilespmem:$0x11200] =	vst v63  }
0x4a: {  	v3 =	vld [tilespmem:$0x800];
	_ =	sdelay $0x4  }
0x4b: {  	v63 =	vshll.u32 v3, $0x2  }
0x4c: {  	v3 =	vand.u32 $0x7, v3;
	v4 =	vand.u32 $0xFFFFFFE0, v63  }
0x4d: {  	v3 =	vor.u32 v3, v4  }
0x4e: {  	v4 =	vperm.xlane v3, v0;
	_ =	sdelay $0x1  }
0x4f: {  	v4 =	vadd.s32 v1, v4;
	_ =	sdelay $0x1  }
0x50: {  	v3 =	vperm.xlane v3, v2;
	_ =	sdelay $0x1  }
0x51: {  	s23 =	simm.s32 $0x4C00;
	v3 =	vadd.s32 v1, v3  }
0x52: {  	[tilespmem:s23], [sflag:$0x1] =	stream.indirect_vreg.gather [hbm4b:s3+s2], $0x80, v4, vm0, $0xb8;
	[tilespmem:$0x11200] =	vst v63  }
0x53: {  	s24 =	simm.s32 $0x5400  }
0x54: {  	[tilespmem:s24], [sflag:$0x1] =	stream.indirect_vreg.gather [hbm4b:s9+s2], $0x80, v4, vm0, $0xb8;
	[tilespmem:$0x11200] =	vst v63  }
0x55: {  	s25 =	simm.s32 $0x5C00  }
0x56: {  	[tilespmem:s25], [sflag:$0x1] =	stream.indirect_vreg.gather [hbm4b:s3+s2], $0x80, v3, vm0, $0xb8;
	[tilespmem:$0x11200] =	vst v63  }
.Ltmp2:
0x57: {  	_ = 	snop;
	(pc) =	sbr.rel .LBB2_2-.Ltmp2, $4  }
0x58: {  	s26 =	simm.s32 $0x6400  }
0x59: {  	[tilespmem:s26], [sflag:$0x1] =	stream.indirect_vreg.gather [hbm4b:s9+s2], $0x80, v3, vm0, $0xb8;
	[tilespmem:$0x11200] =	vst v63  }
0x5a: {  	s22 =	simm.s32 $0x0;
	s28 =	rddreg [dreg:$0x6]  }
0x5b: {  	[tilespmem:s29], [sflag:$0x1] =	stream.linear.gather [hbm4b:s28+s2], $0x300, $0x38;
	[tilespmem:$0x11200] =	vst v63  }
.LBB2_10:
0x5c: {  	s23 =	sshll.u32 s22, $0xA  }
0x5d: {  	s23 =	sadd.s32 s23, s11  }
0x5e: {  	[hbm4b:s23+s2] =	stream.linear.scatter [tilespmem:s20], [sflag:$0x4], $0x2000, $0x38;
	[tilespmem:$0x11200] =	vst v63  }
.LBB2_11:
0x5f: {  	s22 =	sadd.s32 $0x1, s22  }
0x60: {  	p0 =	sne.s32 s22, $0x40  }
.Ltmp3:
0x61: {  	_ = 	snop;
	(pc) =	sbr.rel @!p0 .LBB2_12-.Ltmp3, $1  }
0x62: {  	_ =	sdelay $0x3  }
.LBB2_2:
0x63: {  	s23 =	sand.u32 $0x1, s22  }
0x64: {  	p0 =	seq.s32 s23, $0x1  }
.Ltmp4:
0x65: {  	_ = 	snop;
	(pc) =	sbr.rel @p0 .LBB2_6-.Ltmp4, $1  }
0x66: {  	_ =	sdelay $0x3  }
0x67: {  	s23 =	sshll.u32 s22, $0x4  }
0x68: {  	s24 =	sor.u32 $0x10, s23  }
0x69: {  	v3 =	vld [tilespmem:s24+$0x0];
	_ =	sdelay $0x4  }
0x6a: {  	v4 =	vshll.u32 v3, $0x2  }
0x6b: {  	v3 =	vand.u32 $0x7, v3;
	v4 =	vand.u32 $0xFFFFFFE0, v4  }
0x6c: {  	v3 =	vor.u32 v3, v4  }
0x6d: {  	v4 =	vperm.xlane v3, v0;
	_ =	sdelay $0x1  }
0x6e: {  	v4 =	vadd.s32 v1, v4;
	_ =	sdelay $0x1  }
0x6f: {  	v3 =	vperm.xlane v3, v2;
	_ =	sdelay $0x1  }
0x70: {  	v3 =	vadd.s32 v1, v3  }
0x71: {  	[tilespmem:s30], [sflag:$0x2] =	stream.indirect_vreg.gather [hbm4b:s3+s2], $0x80, v4, vm0, $0xb8;
	[tilespmem:$0x11200] =	vst v63  }
0x72: {  	_ = 	snop  }
0x73: {  	[tilespmem:s31], [sflag:$0x2] =	stream.indirect_vreg.gather [hbm4b:s9+s2], $0x80, v4, vm0, $0xb8;
	[tilespmem:$0x11200] =	vst v63  }
0x74: {  	_ = 	snop  }
0x75: {  	[tilespmem:s0], [sflag:$0x2] =	stream.indirect_vreg.gather [hbm4b:s3+s2], $0x80, v3, vm0, $0xb8;
	[tilespmem:$0x11200] =	vst v63  }
0x76: {  	_ = 	snop  }
0x77: {  	[tilespmem:s1], [sflag:$0x2] =	stream.indirect_vreg.gather [hbm4b:s9+s2], $0x80, v3, vm0, $0xb8;
	[tilespmem:$0x11200] =	vst v63  }
0x78: {  	v3 =	vld [tilespmem:s23+$0x410];
	_ =	sdelay $0x4  }
0x79: {  	v62 =	vshll.u32 v3, $0x2  }
0x7a: {  	v3 =	vand.u32 $0x7, v3;
	v4 =	vand.u32 $0xFFFFFFE0, v62  }
0x7b: {  	v3 =	vor.u32 v3, v4  }
0x7c: {  	v4 =	vperm.xlane v3, v0;
	_ =	sdelay $0x1  }
0x7d: {  	v4 =	vadd.s32 v1, v4;
	_ =	sdelay $0x1  }
0x7e: {  	v3 =	vperm.xlane v3, v2;
	_ =	sdelay $0x1  }
0x7f: {  	v3 =	vadd.s32 v1, v3  }
0x80: {  	[tilespmem:s14], [sflag:$0x2] =	stream.indirect_vreg.gather [hbm4b:s3+s2], $0x80, v4, vm0, $0xb8;
	[tilespmem:$0x11200] =	vst v63  }
0x81: {  	_ = 	snop  }
0x82: {  	[tilespmem:s15], [sflag:$0x2] =	stream.indirect_vreg.gather [hbm4b:s9+s2], $0x80, v4, vm0, $0xb8;
	[tilespmem:$0x11200] =	vst v63  }
0x83: {  	_ = 	snop  }
0x84: {  	[tilespmem:s5], [sflag:$0x2] =	stream.indirect_vreg.gather [hbm4b:s3+s2], $0x80, v3, vm0, $0xb8;
	[tilespmem:$0x11200] =	vst v63  }
0x85: {  	_ = 	snop  }
0x86: {  	[tilespmem:s7], [sflag:$0x2] =	stream.indirect_vreg.gather [hbm4b:s9+s2], $0x80, v3, vm0, $0xb8;
	[tilespmem:$0x11200] =	vst v63  }
0x87: {  	v3 =	vld [tilespmem:s23+$0x810];
	_ =	sdelay $0x4  }
0x88: {  	v63 =	vshll.u32 v3, $0x2  }
0x89: {  	v3 =	vand.u32 $0x7, v3;
	v4 =	vand.u32 $0xFFFFFFE0, v63  }
0x8a: {  	v3 =	vor.u32 v3, v4  }
0x8b: {  	v4 =	vperm.xlane v3, v0;
	_ =	sdelay $0x1  }
0x8c: {  	v4 =	vadd.s32 v1, v4;
	_ =	sdelay $0x1  }
0x8d: {  	v3 =	vperm.xlane v3, v2;
	_ =	sdelay $0x1  }
0x8e: {  	v3 =	vadd.s32 v1, v3  }
0x8f: {  	[tilespmem:s8], [sflag:$0x2] =	stream.indirect_vreg.gather [hbm4b:s3+s2], $0x80, v4, vm0, $0xb8;
	[tilespmem:$0x11200] =	vst v63  }
0x90: {  	_ = 	snop  }
0x91: {  	[tilespmem:s10], [sflag:$0x2] =	stream.indirect_vreg.gather [hbm4b:s9+s2], $0x80, v4, vm0, $0xb8;
	[tilespmem:$0x11200] =	vst v63  }
0x92: {  	s28 =	sadd.s32 s6, s24  }
0x93: {  	[tilespmem:s12], [sflag:$0x2] =	stream.indirect_vreg.gather [hbm4b:s3+s2], $0x80, v3, vm0, $0xb8;
	[tilespmem:$0x11200] =	vst v63  }
0x94: {  	s23 =	smul.u32 $0x6, s28  }
0x95: {  	[tilespmem:s13], [sflag:$0x2] =	stream.indirect_vreg.gather [hbm4b:s9+s2], $0x80, v3, vm0, $0xb8;
	[tilespmem:$0x11200] =	vst v63  }
0x96: {  	s23 =	sadd.s32 s4, s23  }
0x97: {  	[tilespmem:s16], [sflag:$0x2] =	stream.linear.gather [hbm4b:s23+s2], $0x300, $0x38;
	[tilespmem:$0x11200] =	vst v63  }
0x98: {  	_ =	swait.ge [sflag:s17], $0x2000  }
0x99: {  	[sflag:s17] =	ssyncset.done $0x0  }
0x9a: {  	[sflag:s17] =	ssyncadd.s32 $0xFFFFE000  }
0x9b: {  	_ =	swait.ge [sflag:s17], $0x2000  }
0x9c: {  	[sflag:s17] =	ssyncset.done $0x0  }
0x9d: {  	[sflag:s17] =	ssyncadd.s32 $0xFFFFE000  }
0x9e: {  	_ =	swait.ge [sflag:s17], $0x2000  }
0x9f: {  	[sflag:s17] =	ssyncset.done $0x0  }
0xa0: {  	[sflag:s17] =	ssyncadd.s32 $0xFFFFE000  }
0xa1: {  	_ =	swait.ge [sflag:s17], $0x300  }
0xa2: {  	p0 =	slt.u32 s22, $0x2;
	[sflag:s17] =	ssyncset.done $0x0  }
0xa3: {  	s23 =	simm.s32 @!p0 $0x3;
	[sflag:s17] =	ssyncadd.s32 $0xFFFFFD00  }
0xa4: {  	_ =	swait.ge @!p0 [sflag:s23], $0x2000  }
0xa5: {  	s25 =	simm.s32 $0x0;
	[sflag:s23] =	ssyncset.done @!p0 $0x0  }
0xa6: {  	s24 =	simm.s32 $0x6C20;
	[sflag:s23] =	ssyncadd.s32 @!p0 $0xFFFFE000;
	s23 =	simm.s32 $0x0  }
.LBB2_4:
0xa7: {  	v5 =	vld [tilespmem:s24+$0xFFFFFFE0]  }
0xa8: {  	v4 =	vld [tilespmem:s24+$0xFFFFFFF0];
	s26 =	sand.u32 $0x1000, s25;
	s28 =	sand.u32 $0x380, s23  }
0xa9: {  	v3 =	vld [tilespmem:s24+$0x0];
	s26 =	sor.u32 s28, s26  }
0xaa: {  	v6 =	vld [tilespmem:s26+$0xC00]  }
0xab: {  	v7 =	vld [tilespmem:s26+$0x2C00]  }
0xac: {  	v8 =	vld [tilespmem:s26+$0x4C00]  }
0xad: {  	v9 =	vld [tilespmem:s26+$0xC10]  }
0xae: {  	v10 =	vld [tilespmem:s26+$0x2C10]  }
0xaf: {  	v11 =	vld [tilespmem:s26+$0x4C10]  }
0xb0: {  	v12 =	vld [tilespmem:s26+$0xC20]  }
0xb1: {  	v13 =	vld [tilespmem:s26+$0x2C20]  }
0xb2: {  	v14 =	vld [tilespmem:s26+$0x4C20]  }
0xb3: {  	v15 =	vld [tilespmem:s26+$0xC30]  }
0xb4: {  	v16 =	vld [tilespmem:s26+$0x2C30]  }
0xb5: {  	v17 =	vld [tilespmem:s26+$0x4C30]  }
0xb6: {  	v18 =	vld [tilespmem:s26+$0xC40]  }
0xb7: {  	v19 =	vld [tilespmem:s26+$0x2C40]  }
0xb8: {  	v20 =	vld [tilespmem:s26+$0x4C40]  }
0xb9: {  	v21 =	vld [tilespmem:s26+$0xC50]  }
0xba: {  	v22 =	vld [tilespmem:s26+$0x2C50]  }
0xbb: {  	v23 =	vld [tilespmem:s26+$0x4C50]  }
0xbc: {  	v24 =	vld [tilespmem:s26+$0xC60]  }
0xbd: {  	v25 =	vld [tilespmem:s26+$0x2C60]  }
0xbe: {  	v26 =	vld [tilespmem:s26+$0x4C60]  }
0xbf: {  	v27 =	vld [tilespmem:s26+$0xC70]  }
0xc0: {  	v28 =	vld [tilespmem:s26+$0x2C70]  }
0xc1: {  	v29 =	vld [tilespmem:s26+$0x4C70]  }
0xc2: {  	v30 =	vld [tilespmem:s26+$0x1000]  }
0xc3: {  	v31 =	vld [tilespmem:s26+$0x3000]  }
0xc4: {  	v32 =	vld [tilespmem:s26+$0x5000]  }
0xc5: {  	v33 =	vld [tilespmem:s26+$0x1010]  }
0xc6: {  	v34 =	vld [tilespmem:s26+$0x3010]  }
0xc7: {  	v35 =	vld [tilespmem:s26+$0x5010]  }
0xc8: {  	v36 =	vld [tilespmem:s26+$0x1020]  }
0xc9: {  	v37 =	vld [tilespmem:s26+$0x3020]  }
0xca: {  	v38 =	vld [tilespmem:s26+$0x5020]  }
0xcb: {  	v39 =	vld [tilespmem:s26+$0x1030]  }
0xcc: {  	v40 =	vld [tilespmem:s26+$0x3030]  }
0xcd: {  	v41 =	vld [tilespmem:s26+$0x5030]  }
0xce: {  	v42 =	vld [tilespmem:s26+$0x1040]  }
0xcf: {  	v43 =	vld [tilespmem:s26+$0x3040]  }
0xd0: {  	v44 =	vld [tilespmem:s26+$0x5040]  }
0xd1: {  	v45 =	vld [tilespmem:s26+$0x1050]  }
0xd2: {  	v46 =	vld [tilespmem:s26+$0x3050]  }
0xd3: {  	v47 =	vld [tilespmem:s26+$0x5050]  }
0xd4: {  	v48 =	vld [tilespmem:s26+$0x1060]  }
0xd5: {  	v49 =	vld [tilespmem:s26+$0x3060]  }
0xd6: {  	v50 =	vld [tilespmem:s26+$0x5060]  }
0xd7: {  	v51 =	vld [tilespmem:s26+$0x1070];
	v6 =	vmul.f32 v6, v5  }
0xd8: {  	v52 =	vld [tilespmem:s26+$0x3070];
	v7 =	vmul.f32 v7, v4;
	v9 =	vmul.f32 v9, v5  }
0xd9: {  	v53 =	vld [tilespmem:s26+$0x5070];
	v10 =	vmul.f32 v10, v4;
	v56 =	vmul.f32 v8, v3  }
0xda: {  	v54 =	vld [tilespmem:s26+$0x1400];
	v57 =	vmul.f32 v11, v3;
	v58 =	vmul.f32 v12, v5  }
0xdb: {  	v8 =	vld [tilespmem:s26+$0x3400];
	v59 =	vmul.f32 v13, v4;
	v60 =	vmul.f32 v15, v5  }
0xdc: {  	v11 =	vld [tilespmem:s26+$0x5400];
	v61 =	vmul.f32 v16, v4;
	v62 =	vmul.f32 v14, v3  }
0xdd: {  	v13 =	vld [tilespmem:s26+$0x1410];
	v63 =	vmul.f32 v17, v3;
	v55 =	vmul.f32 v18, v5  }
0xde: {  	v16 =	vld [tilespmem:s26+$0x3410];
	v45 =	vmul.f32 v45, v5;
	v46 =	vmul.f32 v46, v4;
	v6 =	vadd.f32 v7, v6  }
0xdf: {  	v17 =	vld [tilespmem:s26+$0x5410];
	v54 =	vmul.f32 v54, v5;
	v9 =	vadd.f32 v10, v9;
	v7 =	vadd.f32 v59, v58  }
0xe0: {  	v10 =	vadd.f32 v61, v60;
	v58 =	vmul.f32 v21, v5;
	v21 =	vld [tilespmem:s26+$0x3420];
	v59 =	vmul.f32 v22, v4  }
0xe1: {  	v60 =	vmul.f32 v23, v3;
	v23 =	vld [tilespmem:s26+$0x5420];
	v61 =	vmul.f32 v24, v5;
	v6 =	vadd.f32 v56, v6  }
0xe2: {  	v24 =	vld [tilespmem:s26+$0x5430];
	v9 =	vadd.f32 v57, v9;
	v56 =	vmul.f32 v19, v4;
	v7 =	vadd.f32 v62, v7  }
0xe3: {  	v19 =	vld [tilespmem:s26+$0x1420];
	v57 =	vmul.f32 v20, v3;
	v10 =	vadd.f32 v63, v10;
	v62 =	vmul.f32 v25, v4  }
0xe4: {  	v25 =	vld [tilespmem:s26+$0x1430];
	v14 =	vadd.f32 v59, v58;
	v63 =	vmul.f32 v27, v5;
	v58 =	vmul.f32 v29, v3  }
0xe5: {  	v59 =	vmul.f32 v30, v5;
	v29 =	vld [tilespmem:s26+$0x3440];
	v8 =	vmul.f32 v8, v4;
	v15 =	vadd.f32 v56, v55  }
0xe6: {  	v55 =	vmul.f32 v28, v4;
	v28 =	vld [tilespmem:s26+$0x3430];
	v14 =	vadd.f32 v60, v14;
	v60 =	vmul.f32 v31, v4  }
0xe7: {  	v56 =	vadd.f32 v62, v61;
	v61 =	vmul.f32 v33, v5;
	v62 =	vmul.f32 v34, v4;
	v31 =	vld [tilespmem:s26+$0x5440]  }
0xe8: {  	v33 =	vld [tilespmem:s26+$0x1450];
	v23 =	vmul.f32 v23, v3;
	v24 =	vmul.f32 v24, v3;
	v12 =	vadd.f32 v57, v15  }
0xe9: {  	v57 =	vmul.f32 v26, v3;
	v20 =	vadd.f32 v55, v63;
	v26 =	vld [tilespmem:s26+$0x1440];
	v63 =	vmul.f32 v32, v3  }
0xea: {  	v18 =	vadd.f32 v60, v59;
	v55 =	vmul.f32 v35, v3;
	v35 =	vld [tilespmem:s26+$0x3450];
	v59 =	vmul.f32 v39, v5  }
0xeb: {  	v22 =	vadd.f32 v62, v61;
	v60 =	vmul.f32 v40, v4;
	v61 =	vmul.f32 v41, v3;
	v39 =	vld [tilespmem:s26+$0x1460]  }
0xec: {  	v62 =	vmul.f32 v42, v5;
	v41 =	vld [tilespmem:s26+$0x3460];
	v29 =	vmul.f32 v29, v4;
	v15 =	vadd.f32 v57, v56  }
0xed: {  	v40 =	vld [tilespmem:s26+$0x1470];
	v20 =	vadd.f32 v58, v20;
	v56 =	vmul.f32 v36, v5;
	v57 =	vmul.f32 v37, v4  }
0xee: {  	v42 =	vld [tilespmem:s26+$0x3470];
	v18 =	vadd.f32 v63, v18;
	v58 =	vmul.f32 v38, v3;
	v22 =	vadd.f32 v55, v22  }
0xef: {  	v37 =	vld [tilespmem:s26+$0x5450];
	v63 =	vmul.f32 v43, v4;
	v32 =	vadd.f32 v60, v59;
	v59 =	vmul.f32 v49, v4  }
0xf0: {  	v43 =	vld [tilespmem:s26+$0x5460];
	v36 =	vadd.f32 v46, v45;
	v60 =	vmul.f32 v51, v5;
	v34 =	vmul.f32 v33, v5  }
0xf1: {  	v45 =	vld [tilespmem:s26+$0x5470];
	v38 =	vmul.f32 v31, v3;
	v30 =	vadd.f32 v57, v56;
	v56 =	vmul.f32 v44, v3  }
0xf2: {  	v46 =	vld [tilespmem:s26+$0x5800];
	v32 =	vadd.f32 v61, v32;
	v57 =	vmul.f32 v47, v3;
	v61 =	vmul.f32 v52, v4  }
0xf3: {  	[tilespmem:s26+$0x6F00] =	vst v6;
	v49 =	vld [tilespmem:s26+$0x5830];
	v55 =	vadd.f32 v63, v62;
	v63 =	vmul.f32 v50, v3;
	v52 =	vmul.f32 v53, v3  }
0xf4: {  	[tilespmem:s26+$0x6F10] =	vst v9;
	v47 =	vld [tilespmem:s26+$0x1800];
	v35 =	vmul.f32 v35, v4;
	v50 =	vmul.f32 v39, v5  }
0xf5: {  	v8 =	vadd.f32 v8, v54;
	[tilespmem:s26+$0x6F60] =	vst v15;
	v15 =	vld [tilespmem:s26+$0x3820];
	v51 =	vmul.f32 v41, v4;
	v54 =	vmul.f32 v40, v5  }
0xf6: {  	[tilespmem:s26+$0x7310] =	vst v22;
	v22 =	vld [tilespmem:s26+$0x3830];
	v27 =	vadd.f32 v58, v30;
	v30 =	vadd.f32 v56, v55;
	v58 =	vmul.f32 v48, v5  }
0xf7: {  	[tilespmem:s26+$0x6F20] =	vst v7;
	v36 =	vadd.f32 v57, v36;
	v48 =	vld [tilespmem:s26+$0x3800];
	v55 =	vmul.f32 v11, v3;
	v56 =	vmul.f32 v13, v5  }
0xf8: {  	[tilespmem:s26+$0x6F30] =	vst v10;
	v53 =	vadd.f32 v61, v60;
	v13 =	vld [tilespmem:s26+$0x1810];
	v57 =	vmul.f32 v16, v4;
	v60 =	vmul.f32 v21, v4  }
0xf9: {  	[tilespmem:s26+$0x6F50] =	vst v14;
	v21 =	vld [tilespmem:s26+$0x5810];
	v61 =	vmul.f32 v25, v5;
	v44 =	vmul.f32 v37, v3  }
0xfa: {  	[tilespmem:s26+$0x6F40] =	vst v12;
	v25 =	vld [tilespmem:s26+$0x1820];
	v14 =	vadd.f32 v35, v34;
	v34 =	vmul.f32 v46, v3;
	v62 =	vadd.f32 v59, v58  }
0xfb: {  	[tilespmem:s26+$0x6F70] =	vst v20;
	v16 =	vld [tilespmem:s26+$0x5820];
	v9 =	vadd.f32 v52, v53;
	v58 =	vmul.f32 v17, v3;
	v59 =	vmul.f32 v19, v5  }
0xfc: {  	[tilespmem:s26+$0x7300] =	vst v18;
	v35 =	vld [tilespmem:s26+$0x5850];
	v10 =	vadd.f32 v57, v56;
	v53 =	vmul.f32 v43, v3;
	v56 =	vmul.f32 v42, v4  }
0xfd: {  	[tilespmem:s26+$0x7330] =	vst v32;
	v46 =	vld [tilespmem:s26+$0x3870];
	v7 =	vadd.f32 v55, v8;
	v57 =	vmul.f32 v45, v3;
	v45 =	vmul.f32 v49, v3  }
0xfe: {  	v17 =	vld [tilespmem:s26+$0x3810];
	[tilespmem:s26+$0x7320] =	vst v27;
	v14 =	vadd.f32 v44, v14;
	v15 =	vmul.f32 v15, v4;
	v42 =	vmul.f32 v22, v4  }
0xff: {  	v19 =	vld [tilespmem:s26+$0x1830];
	[tilespmem:s26+$0x7340] =	vst v30;
	v6 =	vadd.f32 v63, v62;
	v62 =	vmul.f32 v28, v4;
	v63 =	vadd.f32 v60, v59  }
0x100: {  	v52 =	vld [tilespmem:s26+$0x1840];
	[tilespmem:s26+$0x7350] =	vst v36;
	v10 =	vadd.f32 v58, v10;
	v28 =	vmul.f32 v26, v5;
	v60 =	vmul.f32 v47, v5  }
0x101: {  	v55 =	vld [tilespmem:s26+$0x3840];
	v59 =	vadd.f32 v51, v50;
	[tilespmem:s26+$0x7370] =	vst v9;
	v13 =	vmul.f32 v13, v5;
	v37 =	vmul.f32 v21, v3  }
0x102: {  	v43 =	vld [tilespmem:s26+$0x3860];
	[tilespmem:s26+$0x7700] =	vst v7;
	v39 =	vmul.f32 v25, v5;
	v44 =	vmul.f32 v16, v3;
	v11 =	vadd.f32 v62, v61  }
0x103: {  	v58 =	vld [tilespmem:s26+$0x5840];
	[tilespmem:s26+$0x7750] =	vst v14;
	v8 =	vadd.f32 v23, v63;
	v12 =	vadd.f32 v29, v28;
	v61 =	vmul.f32 v48, v4  }
0x104: {  	[tilespmem:s26+$0x7360] =	vst v6;
	v62 =	vld [tilespmem:s26+$0x1850];
	v63 =	vadd.f32 v56, v54;
	v6 =	vadd.f32 v53, v59;
	v59 =	vmul.f32 v35, v3  }
0x105: {  	v28 =	vld [tilespmem:s26+$0x3850];
	[tilespmem:s26+$0x7710] =	vst v10;
	v17 =	vmul.f32 v17, v4;
	v47 =	vmul.f32 v52, v5;
	v11 =	vadd.f32 v24, v11  }
0x106: {  	v48 =	vmul.f32 v55, v4;
	v12 =	vadd.f32 v38, v12;
	v33 =	vadd.f32 v61, v60;
	v38 =	vld [tilespmem:s26+$0x1860];
	[tilespmem:s26+$0x7720] =	vst v8  }
0x107: {  	v40 =	vld [tilespmem:s26+$0x1870];
	v41 =	vmul.f32 v19, v5;
	v9 =	vadd.f32 v57, v63;
	v8 =	vadd.f32 v15, v39;
	[tilespmem:s26+$0x7760] =	vst v6  }
0x108: {  	v49 =	vld [tilespmem:s26+$0x5860];
	v36 =	vadd.f32 v17, v13;
	v56 =	vadd.f32 v48, v47;
	v57 =	vmul.f32 v58, v3;
	[tilespmem:s26+$0x7730] =	vst v11  }
0x109: {  	v53 =	vld [tilespmem:s26+$0x5870];
	v58 =	vmul.f32 v43, v4;
	v7 =	vadd.f32 v34, v33;
	[tilespmem:s26+$0x7740] =	vst v12;
	v11 =	vadd.f32 v42, v41  }
0x10a: {  	v50 =	vadd.f32 v44, v8;
	[tilespmem:s26+$0x7770] =	vst v9;
	v51 =	vmul.f32 v62, v5;
	v55 =	vmul.f32 v28, v4  }
0x10b: {  	v10 =	vadd.f32 v37, v36;
	v4 =	vmul.f32 v46, v4;
	[tilespmem:s26+$0x7B00] =	vst v7;
	v52 =	vmul.f32 v38, v5  }
0x10c: {  	v60 =	vadd.f32 v57, v56;
	[tilespmem:s26+$0x7B20] =	vst v50;
	v5 =	vmul.f32 v40, v5;
	v8 =	vadd.f32 v55, v51  }
0x10d: {  	p0 =	sne.s32 s25, $0x1E00;
	v62 =	vmul.f32 v49, v3;
	v54 =	vadd.f32 v45, v11;
	[tilespmem:s26+$0x7B10] =	vst v10;
	v61 =	vadd.f32 v58, v52  }
.Ltmp5:
0x10e: {  	v3 =	vmul.f32 v53, v3;
	[tilespmem:s26+$0x7B40] =	vst v60;
	v8 =	vadd.f32 v59, v8;
	v4 =	vadd.f32 v4, v5;
	(pc) =	sbr.rel @p0 .LBB2_4-.Ltmp5, $4  }
0x10f: {  	[tilespmem:s26+$0x7B30] =	vst v54;
	v63 =	vadd.f32 v62, v61  }
0x110: {  	[tilespmem:s26+$0x7B50] =	vst v8;
	v3 =	vadd.f32 v3, v4  }
0x111: {  	[tilespmem:s26+$0x7B60] =	vst v63  }
0x112: {  	s23 =	sadd.s32 $0x80, s23;
	s24 =	sadd.s32 $0x30, s24;
	s25 =	sadd.s32 $0x200, s25;
	[tilespmem:s26+$0x7B70] =	vst v3  }
.Ltmp6:
0x113: {  	(pc) =	sbr.rel .LBB2_11-.Ltmp6, $4  }
0x114: {  	_ = 	snop  }
0x115: {  	s23 =	sshll.u32 s22, $0xA  }
0x116: {  	s23 =	sadd.s32 s23, s11  }
0x117: {  	[hbm4b:s23+s2] =	stream.linear.scatter [tilespmem:s18], [sflag:$0x3], $0x2000, $0x38;
	[tilespmem:$0x11200] =	vst v63  }
.LBB2_6:
0x118: {  	p0 =	seq.s32 s22, $0x3F  }
.Ltmp7:
0x119: {  	_ = 	snop;
	(pc) =	sbr.rel @p0 .LBB2_8-.Ltmp7, $1  }
0x11a: {  	_ =	sdelay $0x3  }
0x11b: {  	s23 =	sshll.u32 s22, $0x4  }
0x11c: {  	v3 =	vld [tilespmem:s23+$0x10];
	_ =	sdelay $0x4  }
0x11d: {  	v4 =	vshll.u32 v3, $0x2  }
0x11e: {  	v3 =	vand.u32 $0x7, v3;
	v4 =	vand.u32 $0xFFFFFFE0, v4  }
0x11f: {  	v3 =	vor.u32 v3, v4  }
0x120: {  	v4 =	vperm.xlane v3, v0;
	_ =	sdelay $0x1  }
0x121: {  	v4 =	vadd.s32 v1, v4;
	_ =	sdelay $0x1  }
0x122: {  	v3 =	vperm.xlane v3, v2;
	_ =	sdelay $0x1  }
0x123: {  	s24 =	simm.s32 $0xC00;
	v3 =	vadd.s32 v1, v3  }
0x124: {  	[tilespmem:s24], [sflag:$0x1] =	stream.indirect_vreg.gather [hbm4b:s3+s2], $0x80, v4, vm0, $0xb8;
	[tilespmem:$0x11200] =	vst v63  }
0x125: {  	s26 =	simm.s32 $0x1400  }
0x126: {  	[tilespmem:s26], [sflag:$0x1] =	stream.indirect_vreg.gather [hbm4b:s9+s2], $0x80, v4, vm0, $0xb8;
	[tilespmem:$0x11200] =	vst v63  }
0x127: {  	s28 =	simm.s32 $0x1C00  }
0x128: {  	[tilespmem:s28], [sflag:$0x1] =	stream.indirect_vreg.gather [hbm4b:s3+s2], $0x80, v3, vm0, $0xb8;
	[tilespmem:$0x11200] =	vst v63  }
0x129: {  	s25 =	simm.s32 $0x2400  }
0x12a: {  	[tilespmem:s25], [sflag:$0x1] =	stream.indirect_vreg.gather [hbm4b:s9+s2], $0x80, v3, vm0, $0xb8;
	[tilespmem:$0x11200] =	vst v63  }
0x12b: {  	v3 =	vld [tilespmem:s23+$0x410];
	_ =	sdelay $0x4  }
0x12c: {  	v62 =	vshll.u32 v3, $0x2  }
0x12d: {  	v3 =	vand.u32 $0x7, v3;
	v4 =	vand.u32 $0xFFFFFFE0, v62  }
0x12e: {  	v3 =	vor.u32 v3, v4  }
0x12f: {  	v4 =	vperm.xlane v3, v0;
	_ =	sdelay $0x1  }
0x130: {  	v4 =	vadd.s32 v1, v4;
	_ =	sdelay $0x1  }
0x131: {  	v3 =	vperm.xlane v3, v2;
	_ =	sdelay $0x1  }
0x132: {  	s26 =	simm.s32 $0x2C00;
	v3 =	vadd.s32 v1, v3  }
0x133: {  	[tilespmem:s26], [sflag:$0x1] =	stream.indirect_vreg.gather [hbm4b:s3+s2], $0x80, v4, vm0, $0xb8;
	[tilespmem:$0x11200] =	vst v63  }
0x134: {  	s28 =	simm.s32 $0x3400  }
0x135: {  	[tilespmem:s28], [sflag:$0x1] =	stream.indirect_vreg.gather [hbm4b:s9+s2], $0x80, v4, vm0, $0xb8;
	[tilespmem:$0x11200] =	vst v63  }
0x136: {  	s25 =	simm.s32 $0x3C00  }
0x137: {  	[tilespmem:s25], [sflag:$0x1] =	stream.indirect_vreg.gather [hbm4b:s3+s2], $0x80, v3, vm0, $0xb8;
	[tilespmem:$0x11200] =	vst v63  }
0x138: {  	s26 =	simm.s32 $0x4400  }
0x139: {  	[tilespmem:s26], [sflag:$0x1] =	stream.indirect_vreg.gather [hbm4b:s9+s2], $0x80, v3, vm0, $0xb8;
	[tilespmem:$0x11200] =	vst v63  }
0x13a: {  	v3 =	vld [tilespmem:s23+$0x810];
	_ =	sdelay $0x4  }
0x13b: {  	v63 =	vshll.u32 v3, $0x2  }
0x13c: {  	v3 =	vand.u32 $0x7, v3;
	v4 =	vand.u32 $0xFFFFFFE0, v63  }
0x13d: {  	v3 =	vor.u32 v3, v4  }
0x13e: {  	v4 =	vperm.xlane v3, v0;
	_ =	sdelay $0x1  }
0x13f: {  	v4 =	vadd.s32 v1, v4;
	_ =	sdelay $0x1  }
0x140: {  	v3 =	vperm.xlane v3, v2;
	_ =	sdelay $0x1  }
0x141: {  	s28 =	simm.s32 $0x4C00;
	v3 =	vadd.s32 v1, v3  }
0x142: {  	[tilespmem:s28], [sflag:$0x1] =	stream.indirect_vreg.gather [hbm4b:s3+s2], $0x80, v4, vm0, $0xb8;
	[tilespmem:$0x11200] =	vst v63  }
0x143: {  	s25 =	simm.s32 $0x5400;
	s23 =	sadd.s32 $0x10, s23  }
0x144: {  	[tilespmem:s25], [sflag:$0x1] =	stream.indirect_vreg.gather [hbm4b:s9+s2], $0x80, v4, vm0, $0xb8;
	[tilespmem:$0x11200] =	vst v63  }
0x145: {  	s26 =	simm.s32 $0x5C00;
	s23 =	sadd.s32 s6, s23  }
0x146: {  	[tilespmem:s26], [sflag:$0x1] =	stream.indirect_vreg.gather [hbm4b:s3+s2], $0x80, v3, vm0, $0xb8;
	[tilespmem:$0x11200] =	vst v63  }
0x147: {  	s23 =	smul.u32 $0x6, s23;
	s28 =	simm.s32 $0x6400  }
0x148: {  	[tilespmem:s28], [sflag:$0x1] =	stream.indirect_vreg.gather [hbm4b:s9+s2], $0x80, v3, vm0, $0xb8;
	[tilespmem:$0x11200] =	vst v63  }
0x149: {  	s23 =	sadd.s32 s4, s23  }
0x14a: {  	[tilespmem:s29], [sflag:$0x1] =	stream.linear.gather [hbm4b:s23+s2], $0x300, $0x38;
	[tilespmem:$0x11200] =	vst v63  }
.LBB2_8:
0x14b: {  	_ =	swait.ge [sflag:s19], $0x2000  }
0x14c: {  	[sflag:s19] =	ssyncset.done $0x0  }
0x14d: {  	[sflag:s19] =	ssyncadd.s32 $0xFFFFE000  }
0x14e: {  	_ =	swait.ge [sflag:s19], $0x2000  }
0x14f: {  	[sflag:s19] =	ssyncset.done $0x0  }
0x150: {  	[sflag:s19] =	ssyncadd.s32 $0xFFFFE000  }
0x151: {  	_ =	swait.ge [sflag:s19], $0x2000  }
0x152: {  	[sflag:s19] =	ssyncset.done $0x0  }
0x153: {  	[sflag:s19] =	ssyncadd.s32 $0xFFFFE000  }
0x154: {  	_ =	swait.ge [sflag:s19], $0x300  }
0x155: {  	p0 =	slt.u32 s22, $0x2;
	[sflag:s19] =	ssyncset.done $0x0  }
0x156: {  	s23 =	simm.s32 @!p0 $0x4;
	[sflag:s19] =	ssyncadd.s32 $0xFFFFFD00  }
0x157: {  	_ =	swait.ge @!p0 [sflag:s23], $0x2000  }
0x158: {  	s24 =	simm.s32 $0xEF20;
	[sflag:s23] =	ssyncset.done @!p0 $0x0  }
0x159: {  	s25 =	simm.s32 $0x0;
	[sflag:s23] =	ssyncadd.s32 @!p0 $0xFFFFE000;
	s23 =	simm.s32 $0x0  }
.LBB2_9:
0x15a: {  	v5 =	vld [tilespmem:s24+$0xFFFFFFE0]  }
0x15b: {  	v4 =	vld [tilespmem:s24+$0xFFFFFFF0];
	s26 =	sand.u32 $0x1000, s25;
	s28 =	sand.u32 $0x380, s23  }
0x15c: {  	v3 =	vld [tilespmem:s24+$0x0];
	s26 =	sor.u32 s28, s26  }
0x15d: {  	v6 =	vld [tilespmem:s26+$0x8F00]  }
0x15e: {  	v7 =	vld [tilespmem:s26+$0xAF00]  }
0x15f: {  	v8 =	vld [tilespmem:s26+$0xCF00]  }
0x160: {  	v9 =	vld [tilespmem:s26+$0x8F10]  }
0x161: {  	v10 =	vld [tilespmem:s26+$0xAF10]  }
0x162: {  	v11 =	vld [tilespmem:s26+$0xCF10]  }
0x163: {  	v12 =	vld [tilespmem:s26+$0x8F20]  }
0x164: {  	v13 =	vld [tilespmem:s26+$0xAF20]  }
0x165: {  	v14 =	vld [tilespmem:s26+$0xCF20]  }
0x166: {  	v15 =	vld [tilespmem:s26+$0x8F30]  }
0x167: {  	v16 =	vld [tilespmem:s26+$0xAF30]  }
0x168: {  	v17 =	vld [tilespmem:s26+$0xCF30]  }
0x169: {  	v18 =	vld [tilespmem:s26+$0x8F40]  }
0x16a: {  	v19 =	vld [tilespmem:s26+$0xAF40]  }
0x16b: {  	v20 =	vld [tilespmem:s26+$0xCF40]  }
0x16c: {  	v21 =	vld [tilespmem:s26+$0x8F50]  }
0x16d: {  	v22 =	vld [tilespmem:s26+$0xAF50]  }
0x16e: {  	v23 =	vld [tilespmem:s26+$0xCF50]  }
0x16f: {  	v24 =	vld [tilespmem:s26+$0x8F60]  }
0x170: {  	v25 =	vld [tilespmem:s26+$0xAF60]  }
0x171: {  	v26 =	vld [tilespmem:s26+$0xCF60]  }
0x172: {  	v27 =	vld [tilespmem:s26+$0x8F70]  }
0x173: {  	v28 =	vld [tilespmem:s26+$0xAF70]  }
0x174: {  	v29 =	vld [tilespmem:s26+$0xCF70]  }
0x175: {  	v30 =	vld [tilespmem:s26+$0x9300]  }
0x176: {  	v31 =	vld [tilespmem:s26+$0xB300]  }
0x177: {  	v32 =	vld [tilespmem:s26+$0xD300]  }
0x178: {  	v33 =	vld [tilespmem:s26+$0x9310]  }
0x179: {  	v34 =	vld [tilespmem:s26+$0xB310]  }
0x17a: {  	v35 =	vld [tilespmem:s26+$0xD310]  }
0x17b: {  	v36 =	vld [tilespmem:s26+$0x9320]  }
0x17c: {  	v37 =	vld [tilespmem:s26+$0xB320]  }
0x17d: {  	v38 =	vld [tilespmem:s26+$0xD320]  }
0x17e: {  	v39 =	vld [tilespmem:s26+$0x9330]  }
0x17f: {  	v40 =	vld [tilespmem:s26+$0xB330]  }
0x180: {  	v41 =	vld [tilespmem:s26+$0xD330]  }
0x181: {  	v42 =	vld [tilespmem:s26+$0x9340]  }
0x182: {  	v43 =	vld [tilespmem:s26+$0xB340]  }
0x183: {  	v44 =	vld [tilespmem:s26+$0xD340]  }
0x184: {  	v45 =	vld [tilespmem:s26+$0x9350]  }
0x185: {  	v46 =	vld [tilespmem:s26+$0xB350]  }
0x186: {  	v47 =	vld [tilespmem:s26+$0xD350]  }
0x187: {  	v48 =	vld [tilespmem:s26+$0x9360]  }
0x188: {  	v49 =	vld [tilespmem:s26+$0xB360]  }
0x189: {  	v50 =	vld [tilespmem:s26+$0xD360]  }
0x18a: {  	v51 =	vld [tilespmem:s26+$0x9370];
	v6 =	vmul.f32 v6, v5  }
0x18b: {  	v52 =	vld [tilespmem:s26+$0xB370];
	v7 =	vmul.f32 v7, v4;
	v9 =	vmul.f32 v9, v5  }
0x18c: {  	v53 =	vld [tilespmem:s26+$0xD370];
	v10 =	vmul.f32 v10, v4;
	v56 =	vmul.f32 v8, v3  }
0x18d: {  	v54 =	vld [tilespmem:s26+$0x9700];
	v57 =	vmul.f32 v11, v3;
	v58 =	vmul.f32 v12, v5  }
0x18e: {  	v8 =	vld [tilespmem:s26+$0xB700];
	v59 =	vmul.f32 v13, v4;
	v60 =	vmul.f32 v15, v5  }
0x18f: {  	v11 =	vld [tilespmem:s26+$0xD700];
	v61 =	vmul.f32 v16, v4;
	v62 =	vmul.f32 v14, v3  }
0x190: {  	v13 =	vld [tilespmem:s26+$0x9710];
	v63 =	vmul.f32 v17, v3;
	v55 =	vmul.f32 v18, v5  }
0x191: {  	v16 =	vld [tilespmem:s26+$0xB710];
	v45 =	vmul.f32 v45, v5;
	v46 =	vmul.f32 v46, v4;
	v6 =	vadd.f32 v7, v6  }
0x192: {  	v17 =	vld [tilespmem:s26+$0xD710];
	v54 =	vmul.f32 v54, v5;
	v9 =	vadd.f32 v10, v9;
	v7 =	vadd.f32 v59, v58  }
0x193: {  	v10 =	vadd.f32 v61, v60;
	v58 =	vmul.f32 v21, v5;
	v21 =	vld [tilespmem:s26+$0xB720];
	v59 =	vmul.f32 v22, v4  }
0x194: {  	v60 =	vmul.f32 v23, v3;
	v23 =	vld [tilespmem:s26+$0xD720];
	v61 =	vmul.f32 v24, v5;
	v6 =	vadd.f32 v56, v6  }
0x195: {  	v24 =	vld [tilespmem:s26+$0xD730];
	v9 =	vadd.f32 v57, v9;
	v56 =	vmul.f32 v19, v4;
	v7 =	vadd.f32 v62, v7  }
0x196: {  	v19 =	vld [tilespmem:s26+$0x9720];
	v57 =	vmul.f32 v20, v3;
	v10 =	vadd.f32 v63, v10;
	v62 =	vmul.f32 v25, v4  }
0x197: {  	v25 =	vld [tilespmem:s26+$0x9730];
	v14 =	vadd.f32 v59, v58;
	v63 =	vmul.f32 v27, v5;
	v58 =	vmul.f32 v29, v3  }
0x198: {  	v59 =	vmul.f32 v30, v5;
	v29 =	vld [tilespmem:s26+$0xB740];
	v8 =	vmul.f32 v8, v4;
	v15 =	vadd.f32 v56, v55  }
0x199: {  	v55 =	vmul.f32 v28, v4;
	v28 =	vld [tilespmem:s26+$0xB730];
	v14 =	vadd.f32 v60, v14;
	v60 =	vmul.f32 v31, v4  }
0x19a: {  	v56 =	vadd.f32 v62, v61;
	v61 =	vmul.f32 v33, v5;
	v62 =	vmul.f32 v34, v4;
	v31 =	vld [tilespmem:s26+$0xD740]  }
0x19b: {  	v33 =	vld [tilespmem:s26+$0x9750];
	v23 =	vmul.f32 v23, v3;
	v24 =	vmul.f32 v24, v3;
	v12 =	vadd.f32 v57, v15  }
0x19c: {  	v57 =	vmul.f32 v26, v3;
	v20 =	vadd.f32 v55, v63;
	v26 =	vld [tilespmem:s26+$0x9740];
	v63 =	vmul.f32 v32, v3  }
0x19d: {  	v18 =	vadd.f32 v60, v59;
	v55 =	vmul.f32 v35, v3;
	v35 =	vld [tilespmem:s26+$0xB750];
	v59 =	vmul.f32 v39, v5  }
0x19e: {  	v22 =	vadd.f32 v62, v61;
	v60 =	vmul.f32 v40, v4;
	v61 =	vmul.f32 v41, v3;
	v39 =	vld [tilespmem:s26+$0x9760]  }
0x19f: {  	v62 =	vmul.f32 v42, v5;
	v41 =	vld [tilespmem:s26+$0xB760];
	v29 =	vmul.f32 v29, v4;
	v15 =	vadd.f32 v57, v56  }
0x1a0: {  	v40 =	vld [tilespmem:s26+$0x9770];
	v20 =	vadd.f32 v58, v20;
	v56 =	vmul.f32 v36, v5;
	v57 =	vmul.f32 v37, v4  }
0x1a1: {  	v42 =	vld [tilespmem:s26+$0xB770];
	v18 =	vadd.f32 v63, v18;
	v58 =	vmul.f32 v38, v3;
	v22 =	vadd.f32 v55, v22  }
0x1a2: {  	v37 =	vld [tilespmem:s26+$0xD750];
	v63 =	vmul.f32 v43, v4;
	v32 =	vadd.f32 v60, v59;
	v59 =	vmul.f32 v49, v4  }
0x1a3: {  	v43 =	vld [tilespmem:s26+$0xD760];
	v36 =	vadd.f32 v46, v45;
	v60 =	vmul.f32 v51, v5;
	v34 =	vmul.f32 v33, v5  }
0x1a4: {  	v45 =	vld [tilespmem:s26+$0xD770];
	v38 =	vmul.f32 v31, v3;
	v30 =	vadd.f32 v57, v56;
	v56 =	vmul.f32 v44, v3  }
0x1a5: {  	v46 =	vld [tilespmem:s26+$0xDB00];
	v32 =	vadd.f32 v61, v32;
	v57 =	vmul.f32 v47, v3;
	v61 =	vmul.f32 v52, v4  }
0x1a6: {  	[tilespmem:s26+$0xF200] =	vst v6;
	v49 =	vld [tilespmem:s26+$0xDB30];
	v55 =	vadd.f32 v63, v62;
	v63 =	vmul.f32 v50, v3;
	v52 =	vmul.f32 v53, v3  }
0x1a7: {  	[tilespmem:s26+$0xF210] =	vst v9;
	v47 =	vld [tilespmem:s26+$0x9B00];
	v35 =	vmul.f32 v35, v4;
	v50 =	vmul.f32 v39, v5  }
0x1a8: {  	v8 =	vadd.f32 v8, v54;
	[tilespmem:s26+$0xF260] =	vst v15;
	v15 =	vld [tilespmem:s26+$0xBB20];
	v51 =	vmul.f32 v41, v4;
	v54 =	vmul.f32 v40, v5  }
0x1a9: {  	[tilespmem:s26+$0xF610] =	vst v22;
	v22 =	vld [tilespmem:s26+$0xBB30];
	v27 =	vadd.f32 v58, v30;
	v30 =	vadd.f32 v56, v55;
	v58 =	vmul.f32 v48, v5  }
0x1aa: {  	[tilespmem:s26+$0xF220] =	vst v7;
	v36 =	vadd.f32 v57, v36;
	v48 =	vld [tilespmem:s26+$0xBB00];
	v55 =	vmul.f32 v11, v3;
	v56 =	vmul.f32 v13, v5  }
0x1ab: {  	[tilespmem:s26+$0xF230] =	vst v10;
	v53 =	vadd.f32 v61, v60;
	v13 =	vld [tilespmem:s26+$0x9B10];
	v57 =	vmul.f32 v16, v4;
	v60 =	vmul.f32 v21, v4  }
0x1ac: {  	[tilespmem:s26+$0xF250] =	vst v14;
	v21 =	vld [tilespmem:s26+$0xDB10];
	v61 =	vmul.f32 v25, v5;
	v44 =	vmul.f32 v37, v3  }
0x1ad: {  	[tilespmem:s26+$0xF240] =	vst v12;
	v25 =	vld [tilespmem:s26+$0x9B20];
	v14 =	vadd.f32 v35, v34;
	v34 =	vmul.f32 v46, v3;
	v62 =	vadd.f32 v59, v58  }
0x1ae: {  	[tilespmem:s26+$0xF270] =	vst v20;
	v16 =	vld [tilespmem:s26+$0xDB20];
	v9 =	vadd.f32 v52, v53;
	v58 =	vmul.f32 v17, v3;
	v59 =	vmul.f32 v19, v5  }
0x1af: {  	[tilespmem:s26+$0xF600] =	vst v18;
	v35 =	vld [tilespmem:s26+$0xDB50];
	v10 =	vadd.f32 v57, v56;
	v53 =	vmul.f32 v43, v3;
	v56 =	vmul.f32 v42, v4  }
0x1b0: {  	[tilespmem:s26+$0xF630] =	vst v32;
	v46 =	vld [tilespmem:s26+$0xBB70];
	v7 =	vadd.f32 v55, v8;
	v57 =	vmul.f32 v45, v3;
	v45 =	vmul.f32 v49, v3  }
0x1b1: {  	v17 =	vld [tilespmem:s26+$0xBB10];
	[tilespmem:s26+$0xF620] =	vst v27;
	v14 =	vadd.f32 v44, v14;
	v15 =	vmul.f32 v15, v4;
	v42 =	vmul.f32 v22, v4  }
0x1b2: {  	v19 =	vld [tilespmem:s26+$0x9B30];
	[tilespmem:s26+$0xF640] =	vst v30;
	v6 =	vadd.f32 v63, v62;
	v62 =	vmul.f32 v28, v4;
	v63 =	vadd.f32 v60, v59  }
0x1b3: {  	v52 =	vld [tilespmem:s26+$0x9B40];
	[tilespmem:s26+$0xF650] =	vst v36;
	v10 =	vadd.f32 v58, v10;
	v28 =	vmul.f32 v26, v5;
	v60 =	vmul.f32 v47, v5  }
0x1b4: {  	v55 =	vld [tilespmem:s26+$0xBB40];
	v59 =	vadd.f32 v51, v50;
	[tilespmem:s26+$0xF670] =	vst v9;
	v13 =	vmul.f32 v13, v5;
	v37 =	vmul.f32 v21, v3  }
0x1b5: {  	v43 =	vld [tilespmem:s26+$0xBB60];
	[tilespmem:s26+$0xFA00] =	vst v7;
	v39 =	vmul.f32 v25, v5;
	v44 =	vmul.f32 v16, v3;
	v11 =	vadd.f32 v62, v61  }
0x1b6: {  	v58 =	vld [tilespmem:s26+$0xDB40];
	[tilespmem:s26+$0xFA50] =	vst v14;
	v8 =	vadd.f32 v23, v63;
	v12 =	vadd.f32 v29, v28;
	v61 =	vmul.f32 v48, v4  }
0x1b7: {  	[tilespmem:s26+$0xF660] =	vst v6;
	v62 =	vld [tilespmem:s26+$0x9B50];
	v63 =	vadd.f32 v56, v54;
	v6 =	vadd.f32 v53, v59;
	v59 =	vmul.f32 v35, v3  }
0x1b8: {  	v28 =	vld [tilespmem:s26+$0xBB50];
	[tilespmem:s26+$0xFA10] =	vst v10;
	v17 =	vmul.f32 v17, v4;
	v47 =	vmul.f32 v52, v5;
	v11 =	vadd.f32 v24, v11  }
0x1b9: {  	v48 =	vmul.f32 v55, v4;
	v12 =	vadd.f32 v38, v12;
	v33 =	vadd.f32 v61, v60;
	v38 =	vld [tilespmem:s26+$0x9B60];
	[tilespmem:s26+$0xFA20] =	vst v8  }
0x1ba: {  	v40 =	vld [tilespmem:s26+$0x9B70];
	v41 =	vmul.f32 v19, v5;
	v9 =	vadd.f32 v57, v63;
	v8 =	vadd.f32 v15, v39;
	[tilespmem:s26+$0xFA60] =	vst v6  }
0x1bb: {  	v49 =	vld [tilespmem:s26+$0xDB60];
	v36 =	vadd.f32 v17, v13;
	v56 =	vadd.f32 v48, v47;
	v57 =	vmul.f32 v58, v3;
	[tilespmem:s26+$0xFA30] =	vst v11  }
0x1bc: {  	v53 =	vld [tilespmem:s26+$0xDB70];
	v58 =	vmul.f32 v43, v4;
	v7 =	vadd.f32 v34, v33;
	[tilespmem:s26+$0xFA40] =	vst v12;
	v11 =	vadd.f32 v42, v41  }
0x1bd: {  	v50 =	vadd.f32 v44, v8;
	[tilespmem:s26+$0xFA70] =	vst v9;
	v51 =	vmul.f32 v62, v5;
	v55 =	vmul.f32 v28, v4  }
0x1be: {  	v10 =	vadd.f32 v37, v36;
	v4 =	vmul.f32 v46, v4;
	[tilespmem:s26+$0xFE00] =	vst v7;
	v52 =	vmul.f32 v38, v5  }
0x1bf: {  	v60 =	vadd.f32 v57, v56;
	[tilespmem:s26+$0xFE20] =	vst v50;
	v5 =	vmul.f32 v40, v5;
	v8 =	vadd.f32 v55, v51  }
0x1c0: {  	p0 =	sne.s32 s25, $0x1E00;
	v62 =	vmul.f32 v49, v3;
	v54 =	vadd.f32 v45, v11;
	[tilespmem:s26+$0xFE10] =	vst v10;
	v61 =	vadd.f32 v58, v52  }
.Ltmp8:
0x1c1: {  	v3 =	vmul.f32 v53, v3;
	[tilespmem:s26+$0xFE40] =	vst v60;
	v8 =	vadd.f32 v59, v8;
	v4 =	vadd.f32 v4, v5;
	(pc) =	sbr.rel @p0 .LBB2_9-.Ltmp8, $4  }
0x1c2: {  	[tilespmem:s26+$0xFE30] =	vst v54;
	v63 =	vadd.f32 v62, v61  }
0x1c3: {  	[tilespmem:s26+$0xFE50] =	vst v8;
	v3 =	vadd.f32 v3, v4  }
0x1c4: {  	[tilespmem:s26+$0xFE60] =	vst v63  }
0x1c5: {  	s23 =	sadd.s32 $0x80, s23;
	s24 =	sadd.s32 $0x30, s24;
	s25 =	sadd.s32 $0x200, s25;
	[tilespmem:s26+$0xFE70] =	vst v3  }
.Ltmp9:
0x1c6: {  	_ = 	snop;
	(pc) =	sbr.rel .LBB2_10-.Ltmp9, $1  }
0x1c7: {  	_ =	sdelay $0x3  }
.LBB2_13:
0x1c8: {  	_ =	sfence.sel $0x180000  }
0x1c9: {  	[bflag:$0x0] =	sbarrier.arrive $0xFFFF  }
0x1ca: {  	_ =	strace $0x9000004A  }
0x1cb: {  	s0 =	stileid.u32;
	[bflag:$0x2] =	sbarrier.arrive $0xFFFF  }
0x1cc: {  	p0 =	sne.s32 s0, $0x0;
	s0 =	rddreg [dreg:$0x2]  }
0x1cd: {  	s0 =	sadd.s32 @!p0 $0x100000, s0  }
0x1ce: {  	[sflag:s0] =	ssyncadd.tile.s32 @!p0 $0x1;
	_ =	shalt  }
.Lfunc_end2:
_tile_overlayer_lowered:
.L_overlay_start_2:
0x1cf: {  	(tag) =	ssettag $0x2  }
0x1d0: {  	s0 =	rddreg [dreg:$0x0];
	s2 =	stileid.u32  }
0x1d1: {  	s1 =	rddreg [dreg:$0x1];
	p0 =	sne.s32 s2, $0x0  }
0x1d2: {  	s3 =	rddreg [dreg:$0x2];
	[bflag:$0x3] =	sbarrier.arrive $0xFFFF;
	s2 =	simm.s32 @!p0 $0x1C05  }
0x1d3: {  	[timem:s3], [sflag:s2] =	dma.local @!p0 [hbm:s0], s1  }
0x1d4: {  	s0 =	simm.s32 @!p0 $0x5  }
0x1d5: {  	_ =	swait.ge @!p0 [sflag:s0], s1  }
0x1d6: {  	s1 =	ssub.s32 @!p0 $0x0, s1;
	[sflag:s0] =	ssyncset.done @!p0 $0x0  }
0x1d7: {  	[sflag:s0] =	ssyncadd.s32 @!p0 s1  }
0x1d8: {  	[bflag:$0x3] =	sbarrier.arrive $0xFFFF  }
0x1d9: {  	_ =	shalt  }

</sc_bundles>
